<compile_context>
chip_gen: v7x
topology: tpu7x:2x2x1
jax: 0.10.2.dev20260603
libtpu: 0.0.44.dev20260713+nightly
codegen_flags: <defaults>
</compile_context>

<pallas_src>
import functools

import jax
import jax.numpy as jnp
from jax import lax
from jax.experimental import pallas as pl
from jax.experimental.pallas import tpu as pltpu
from jax.experimental.pallas import tpu_sc as plsc

_N, _D, _H, _K, _CD, _E = 10000, 256, 256, 512, 256, 160000
_COMMIT = 0.25
_HALF = 128
_CHUNK = 50
_EPT = _E // 16
_NCHUNK = _EPT // _CHUNK
_NBLK = _NCHUNK // 8
_DEPT = _E // 32
_ACCN = 10240
_ZROWS = _ACCN // 16
_HROWS = _ACCN // _HALF

_HIGH = jax.lax.Precision.DEFAULT


def _dot(a, b, dims):
    return lax.dot_general(a, b, (dims, ((), ())),
                           preferred_element_type=jnp.float32,
                           precision=_HIGH)



@functools.cache
def _make_sc_agg():
    mesh = plsc.VectorSubcoreMesh(core_axis_name="c", subcore_axis_name="s")
    return functools.partial(
        pl.kernel,
        mesh=mesh,
        compiler_params=pltpu.CompilerParams(needs_layout_passes=False),
        out_type=[jax.ShapeDtypeStruct((_ACCN, _HALF), jnp.float32),
                  jax.ShapeDtypeStruct((_ACCN, _HALF), jnp.float32),
                  jax.ShapeDtypeStruct((_HROWS, _HALF), jnp.float32),
                  jax.ShapeDtypeStruct((_HROWS, _HALF), jnp.float32)],
        scratch_types=[
            pltpu.VMEM((16, _CHUNK), jnp.int32),
            pltpu.VMEM((16, _CHUNK), jnp.int32),
            pltpu.VMEM((512,), jnp.int32),
            pltpu.VMEM((_HROWS, _HALF), jnp.float32),
            pltpu.VMEM((_HROWS,), jnp.int32),
            pltpu.VMEM((_CHUNK, _HALF), jnp.float32),
            pltpu.VMEM((_CHUNK, _HALF), jnp.float32),
            pltpu.VMEM((_CHUNK, _HALF), jnp.float32),
            pltpu.VMEM((_CHUNK, _HALF), jnp.float32),
            pltpu.VMEM_SHARED((_ACCN, _HALF), jnp.float32),
            pltpu.SemaphoreType.DMA,
            pltpu.SemaphoreType.DMA,
            pltpu.SemaphoreType.DMA,
            pltpu.SemaphoreType.DMA,
        ],
    )(_sc_agg_body)


def _sc_agg_body(x, src2d, dst2d, dstf, zrows, iota80,
                 out0, out1, degp0, degp1,
                 sib, dib, degb, hist, rowix,
                 ba0, ba1, bb0, bb1, acc,
                 gsemA, ssemA, gsemB, ssemB):
    i32 = jnp.int32
    cid = lax.axis_index("c").astype(i32)
    sid = lax.axis_index("s").astype(i32)
    zslice = pl.ds(sid * i32(_ZROWS), _ZROWS)
    col = pl.multiple_of(cid * i32(_HALF), _HALF)
    bufA, bufB = [ba0, ba1], [bb0, bb1]

    pltpu.sync_copy(zrows, acc.at[zslice])
    pltpu.sync_copy(zrows.at[pl.ds(i32(0), _HROWS)], hist)
    pltpu.sync_copy(iota80, rowix)
    tid = cid * i32(16) + sid
    lanes = lax.broadcasted_iota(jnp.int32, (16,), 0)

    def drain_g(buf, gsem):
        pltpu.make_async_copy(x.at[sib.at[i32(0)], pl.ds(col, _HALF)],
                              buf, gsem).wait()

    def drain_s(buf, ssem):
        pltpu.make_async_copy(buf, acc.at[dib.at[i32(0)]], ssem).wait()

    def load_idx_block(base2d, b, h):
        pltpu.sync_copy(src2d.at[pl.ds(base2d + b * i32(8), 8)],
                        sib.at[pl.ds(h, 8)])
        pltpu.sync_copy(dst2d.at[pl.ds(base2d + b * i32(8), 8)],
                        dib.at[pl.ds(h, 8)])

    def g_fire(r0, bank, gsem):
        for s in range(2):
            pltpu.make_async_copy(
                x.at[sib.at[r0 + i32(s)], pl.ds(col, _HALF)],
                bank[s], gsem).start()

    def s_fire(r0, bank, ssem):
        for s in range(2):
            pltpu.make_async_copy(
                bank[s], acc.at[dib.at[r0 + i32(s)]], ssem).start(add=True)

    fbase = sid * i32(_NCHUNK)

    load_idx_block(fbase, i32(0), i32(0))
    plsc.subcore_barrier()
    g_fire(i32(0), bufA, gsemA)
    g_fire(i32(2), bufB, gsemB)

    def step(cur, nxt, bank, gsem, ssem, refill):
        for s in range(2):
            drain_g(bank[s], gsem)
        s_fire(cur, bank, ssem)
        for s in range(2):
            drain_s(bank[s], ssem)
        if refill is None:
            g_fire(nxt, bank, gsem)
        else:
            @pl.when(refill)
            def _():
                g_fire(nxt, bank, gsem)

    def body(b, carry):
        h = pl.multiple_of((b % i32(2)) * i32(8), 8)
        hn = pl.multiple_of(i32(8) - h, 8)
        more = b + i32(1) < i32(_NBLK)

        @pl.when(more)
        def _():
            load_idx_block(fbase, b + i32(1), hn)

        step(h + i32(0), h + i32(4), bufA, gsemA, ssemA, None)
        step(h + i32(2), h + i32(6), bufB, gsemB, ssemB, None)
        step(h + i32(4), hn + i32(0), bufA, gsemA, ssemA, more)
        step(h + i32(6), hn + i32(2), bufB, gsemB, ssemB, more)
        return carry

    lax.fori_loop(i32(0), i32(_NBLK), body, i32(0))

    plsc.subcore_barrier()

    @pl.when(cid == i32(0))
    def _wb0():
        pltpu.sync_copy(acc.at[zslice], out0.at[zslice])

    @pl.when(cid == i32(1))
    def _wb1():
        pltpu.sync_copy(acc.at[zslice], out1.at[zslice])

    @pl.when(cid == i32(0))
    def _zh0():
        @pl.when(sid == i32(0))
        def _():
            pltpu.sync_copy(zrows.at[pl.ds(i32(0), _HROWS)],
                            acc.at[pl.ds(i32(0), _HROWS)])

    @pl.when(cid == i32(1))
    def _zh1():
        @pl.when(sid == i32(0))
        def _():
            pltpu.sync_copy(zrows.at[pl.ds(i32(0), _HROWS)],
                            acc.at[pl.ds(i32(0), _HROWS)])

    def hbody(j, base):
        v = degb[pl.ds(base, 16)]
        cnt, last = plsc.scan_count(v)
        row = v // i32(_HALF)
        colv = v % i32(_HALF)
        plsc.addupdate_scatter(hist, [row, colv], cnt.astype(jnp.float32),
                               mask=last)
        return base + i32(16)

    def hblock(p, carry):
        @pl.when(p < i32(9))
        def _():
            pltpu.sync_copy(
                dstf.at[pl.ds(tid * i32(_DEPT) + p * i32(512), 512)], degb)

        @pl.when(p == i32(9))
        def _():
            pltpu.sync_copy(
                dstf.at[pl.ds(tid * i32(_DEPT) + i32(4608), 392)],
                degb.at[pl.ds(i32(0), 392)])
            tail = degb[pl.ds(i32(384), 16)]
            degb[pl.ds(i32(384), 16)] = jnp.where(
                lanes < i32(8), tail, i32(_ACCN - 1))

        nv = jnp.where(p < i32(9), i32(32), i32(25))
        lax.fori_loop(i32(0), nv, hbody, i32(0))
        return carry

    lax.fori_loop(i32(0), i32(10), hblock, i32(0))
    plsc.subcore_barrier()

    pltpu.sync_copy(hist, acc.at[rowix], add=True)
    plsc.subcore_barrier()

    @pl.when(cid == i32(0))
    def _wbd0():
        @pl.when(sid == i32(0))
        def _():
            pltpu.sync_copy(acc.at[pl.ds(i32(0), _HROWS)], degp0)

    @pl.when(cid == i32(1))
    def _wbd1():
        @pl.when(sid == i32(0))
        def _():
            pltpu.sync_copy(acc.at[pl.ds(i32(0), _HROWS)], degp1)



_BLK = 2000
_GRID = _N // _BLK


def _tc_body(x_ref, agg0_ref, agg1_ref, degp0_ref, degp1_ref,
             w1_ref, b1_ref, w2_ref, b2_ref, cb_ref,
             wd1_ref, bd1_ref, wd2_ref, bd2_ref,
             xrec_ref, idx_ref, loss_ref, dec_ref):
    i = pl.program_id(0)

    @pl.when(i == 0)
    def _init():
        hd = jnp.maximum(
            _dot(cb_ref[...], wd1_ref[...], ((1,), (0,))) + bd1_ref[...], 0.0)
        dec_ref[...] = _dot(hd, wd2_ref[...], ((1,), (0,))) + bd2_ref[...]
        loss_ref[0, 0] = 0.0

    deg = degp0_ref[...] + degp1_ref[...] + 1.0
    hin = jnp.concatenate([agg0_ref[...], agg1_ref[...]], axis=1)
    hin = (hin + x_ref[...]) / deg
    h = jnp.maximum(_dot(hin, w1_ref[...], ((1,), (0,))) + b1_ref[...], 0.0)
    z = _dot(h, w2_ref[...], ((1,), (0,))) + b2_ref[...]

    cb = cb_ref[...]
    zn = jnp.sum(z * z, axis=1, keepdims=True)
    cn = jnp.sum(cb * cb, axis=1)[None, :]
    scores = zn - 2.0 * _dot(z, cb, ((1,), (1,))) + cn

    m = jnp.min(scores, axis=1, keepdims=True)
    iota = lax.broadcasted_iota(jnp.int32, (_BLK, _K), 1)
    idxv = jnp.min(jnp.where(scores == m, iota, _K), axis=1, keepdims=True)

    loss_ref[0, 0] += jnp.sum(m) * ((1.0 + _COMMIT) / (_N * _CD))

    onehot = (iota == idxv).astype(jnp.float32)
    xrec_ref[...] = lax.dot_general(
        onehot, dec_ref[...], ((((1,), (0,))), ((), ())),
        preferred_element_type=jnp.float32)
    idx_ref[...] = idxv


def _row_map(i):
    return (i, jnp.int32(0))


def _const_map(i):
    return (jnp.int32(0), jnp.int32(0))


_tc_fused = pl.pallas_call(
    _tc_body,
    grid=(_GRID,),
    in_specs=[
        pl.BlockSpec((_BLK, _D), _row_map),
        pl.BlockSpec((_BLK, _HALF), _row_map),
        pl.BlockSpec((_BLK, _HALF), _row_map),
        pl.BlockSpec((_BLK, 1), _row_map),
        pl.BlockSpec((_BLK, 1), _row_map),
        pl.BlockSpec((_D, _H), _const_map),
        pl.BlockSpec((1, _H), _const_map),
        pl.BlockSpec((_H, _CD), _const_map),
        pl.BlockSpec((1, _CD), _const_map),
        pl.BlockSpec((_K, _CD), _const_map),
        pl.BlockSpec((_CD, _H), _const_map),
        pl.BlockSpec((1, _H), _const_map),
        pl.BlockSpec((_H, _D), _const_map),
        pl.BlockSpec((1, _D), _const_map),
    ],
    out_specs=[
        pl.BlockSpec((_BLK, _D), _row_map),
        pl.BlockSpec((_BLK, 1), _row_map),
        pl.BlockSpec((1, 1), _const_map, memory_space=pltpu.SMEM),
    ],
    out_shape=[
        jax.ShapeDtypeStruct((_N, _D), jnp.float32),
        jax.ShapeDtypeStruct((_N, 1), jnp.int32),
        jax.ShapeDtypeStruct((1, 1), jnp.float32),
    ],
    scratch_shapes=[pltpu.VMEM((_K, _D), jnp.float32)],
    compiler_params=pltpu.CompilerParams(
        dimension_semantics=("arbitrary",)),
)


def kernel(x, edge_index, W_enc1, b_enc1, W_enc2, b_enc2, codebook,
           W_dec1, b_dec1, W_dec2, b_dec2):
    f32 = jnp.float32
    x = x.astype(f32)
    src = edge_index[0].astype(jnp.int32)
    dst = edge_index[1].astype(jnp.int32)

    src2d = src.reshape(_E // _CHUNK, _CHUNK)
    dst2d = dst.reshape(_E // _CHUNK, _CHUNK)
    zrows = jnp.zeros((_ZROWS, _HALF), f32)
    iota80 = jnp.arange(_HROWS, dtype=jnp.int32)

    agg0, agg1, degp0, degp1 = _make_sc_agg()(
        x, src2d, dst2d, dst, zrows, iota80)

    xrec, idx2d, loss2d = _tc_fused(
        x, agg0, agg1,
        degp0.reshape(_ACCN, 1), degp1.reshape(_ACCN, 1),
        W_enc1.astype(f32), b_enc1.astype(f32).reshape(1, _H),
        W_enc2.astype(f32), b_enc2.astype(f32).reshape(1, _CD),
        codebook.astype(f32),
        W_dec1.astype(f32), b_dec1.astype(f32).reshape(1, _H),
        W_dec2.astype(f32), b_dec2.astype(f32).reshape(1, _D))

    return xrec, loss2d[0, 0], idx2d[:, 0].astype(jnp.int64)

# --- scband reference (transcript-rebuilt; emitter-appended) ---
"""Pipeline reference for scband-g-vqvae-13211319403262 (READ-ONLY COPY).

The authoritative reference and input builder live on the scoring server;
editing this copy changes nothing except your own understanding.
"""

import jax
jax.config.update("jax_enable_x64", True)
import jax.numpy as jnp
import numpy as np

N, D, H, K, CD, E = 10000, 256, 256, 512, 256, 160000
COMMITMENT_COST = 0.25


def setup_inputs(seed: int = 0) -> dict:
    key = jax.random.key(seed)
    ks = jax.random.split(key, 12)
    x = jax.random.normal(ks[0], (N, D), dtype=jnp.float32)
    edge_index = jax.random.randint(ks[1], (2, E), 0, N, dtype=jnp.int64)
    s = 0.02
    W_enc1 = jax.random.normal(ks[2], (D, H), dtype=jnp.float32) * s
    b_enc1 = jnp.zeros((H,), dtype=jnp.float32)
    W_enc2 = jax.random.normal(ks[3], (H, CD), dtype=jnp.float32) * s
    b_enc2 = jnp.zeros((CD,), dtype=jnp.float32)
    codebook = jax.random.normal(ks[4], (K, CD), dtype=jnp.float32)
    W_dec1 = jax.random.normal(ks[5], (CD, H), dtype=jnp.float32) * s
    b_dec1 = jnp.zeros((H,), dtype=jnp.float32)
    W_dec2 = jax.random.normal(ks[6], (H, D), dtype=jnp.float32) * s
    b_dec2 = jnp.zeros((D,), dtype=jnp.float32)
    return {"x": x, "edge_index": edge_index, "W_enc1": W_enc1, "b_enc1": b_enc1,
            "W_enc2": W_enc2, "b_enc2": b_enc2, "codebook": codebook,
            "W_dec1": W_dec1, "b_dec1": b_dec1, "W_dec2": W_dec2, "b_dec2": b_dec2}


def reference(x, edge_index, W_enc1, b_enc1, W_enc2, b_enc2, codebook,
              W_dec1, b_dec1, W_dec2, b_dec2):
    src = edge_index[0]
    dst = edge_index[1]
    # --- GraphEncoder: GCN-style mean aggregation (with self loop) + MLP ---
    deg = jax.ops.segment_sum(jnp.ones((E,), dtype=jnp.float32), dst, num_segments=N) + 1.0
    agg = jax.ops.segment_sum(jnp.take(x, src, axis=0), dst, num_segments=N)
    h = (agg + x) / deg[:, None]
    h = jax.nn.relu(h @ W_enc1 + b_enc1)
    z = h @ W_enc2 + b_enc2
    # --- GraphVectorQuantizer: nearest-codebook lookup + VQ losses ---
    d2 = (jnp.sum(z * z, axis=1, keepdims=True)
          - 2.0 * (z @ codebook.T)
          + jnp.sum(codebook * codebook, axis=1)[None, :])
    indices = jnp.argmin(d2, axis=1)
    z_q = jnp.take(codebook, indices, axis=0)
    codebook_loss = jnp.mean((z_q - jax.lax.stop_gradient(z)) ** 2)
    commitment_loss = jnp.mean((z - jax.lax.stop_gradient(z_q)) ** 2)
    loss = codebook_loss + COMMITMENT_COST * commitment_loss
    # straight-through estimator
    z_q_st = z + jax.lax.stop_gradient(z_q - z)
    # --- GraphDecoder: MLP back to node feature space ---
    h2 = jax.nn.relu(z_q_st @ W_dec1 + b_dec1)
    x_rec = h2 @ W_dec2 + b_dec2
    return x_rec, loss, indices

if __name__ == "__main__":
    import jax
    _d = setup_inputs()
    print(jax.jit(kernel)(*tuple(_d.values())))

</pallas_src>

<mosaic_0001>
#map = affine_map<(d0, d1) -> (0, 0)>
#map1 = affine_map<(d0, d1) -> (0)>
module attributes {stable_mosaic.version = 14 : i64} {
  func.func @_sc_agg_body(%arg0: i32, %arg1: i32, %arg2: memref<10000x256xf32, #tpu.memory_space<hbm>>, %arg3: memref<3200x50xi32, #tpu.memory_space<hbm>>, %arg4: memref<3200x50xi32, #tpu.memory_space<hbm>>, %arg5: memref<160000xi32, #tpu.memory_space<hbm>>, %arg6: memref<640x128xf32, #tpu.memory_space<hbm>>, %arg7: memref<80xi32, #tpu.memory_space<hbm>>, %arg8: memref<10240x128xf32, #tpu.memory_space<hbm>>, %arg9: memref<10240x128xf32, #tpu.memory_space<hbm>>, %arg10: memref<80x128xf32, #tpu.memory_space<hbm>>, %arg11: memref<80x128xf32, #tpu.memory_space<hbm>>, %arg12: memref<16x50xi32, #tpu.memory_space<vmem>>, %arg13: memref<16x50xi32, #tpu.memory_space<vmem>>, %arg14: memref<512xi32, #tpu.memory_space<vmem>>, %arg15: memref<80x128xf32, #tpu.memory_space<vmem>>, %arg16: memref<80xi32, #tpu.memory_space<vmem>>, %arg17: memref<50x128xf32, #tpu.memory_space<vmem>>, %arg18: memref<50x128xf32, #tpu.memory_space<vmem>>, %arg19: memref<50x128xf32, #tpu.memory_space<vmem>>, %arg20: memref<50x128xf32, #tpu.memory_space<vmem>>, %arg21: memref<10240x128xf32, #tpu.memory_space<vmem_shared>>, %arg22: memref<!tpu.dma_semaphore, #tpu.memory_space<semaphore_mem>>, %arg23: memref<!tpu.dma_semaphore, #tpu.memory_space<semaphore_mem>>, %arg24: memref<!tpu.dma_semaphore, #tpu.memory_space<semaphore_mem>>, %arg25: memref<!tpu.dma_semaphore, #tpu.memory_space<semaphore_mem>>) attributes {dimension_semantics = [#tpu.dimension_semantics<core_parallel>, #tpu.dimension_semantics<subcore_parallel>], iteration_bounds = array<i64: 2, 16>, scalar_prefetch = 0 : i64, scratch_operands = 14 : i64, tpu.core_type = #tpu.core_type<sc_vector_subcore>, window_params = [{transform_indices = #map}, {transform_indices = #map}, {transform_indices = #map}, {transform_indices = #map1}, {transform_indices = #map}, {transform_indices = #map1}, {transform_indices = #map}, {transform_indices = #map}, {transform_indices = #map}, {transform_indices = #map}]} {
    %mul3A = arith.constant 640 : i32
    %mul3A_0 = arith.muli %arg1, %mul3A : i32
    %mul3A_1 = arith.constant 128 : i32
    %mul3A_2 = arith.muli %arg0, %mul3A_1 : i32
    %multiple_of3A = tpu.assume_multiple %mul3A_2, 128 : i32
    "tpu.region"() ({
      %run_scoped3A_99 = tpu.sem_alloc : memref<!tpu.dma_semaphore, #tpu.memory_space<semaphore_mem>>
      %dma_start3A_100 = arith.constant 0 : i32
      %dma_start3A_101 = tpu.memref_slice %arg21[%mul3A_0, %dma_start3A_100] : memref<10240x128xf32, #tpu.memory_space<vmem_shared>> -> memref<640x128xf32, #tpu.memory_space<vmem_shared>>
      tpu.enqueue_dma source(%arg6 : memref<640x128xf32, #tpu.memory_space<hbm>>) target(%dma_start3A_101 : memref<640x128xf32, #tpu.memory_space<vmem_shared>>) target_semaphore(%run_scoped3A_99 : memref<!tpu.dma_semaphore, #tpu.memory_space<semaphore_mem>>)
      %dma_wait3A = arith.constant 0 : i32
      %dma_wait3A_102 = tpu.memref_slice %arg21[%mul3A_0, %dma_wait3A] : memref<10240x128xf32, #tpu.memory_space<vmem_shared>> -> memref<640x128xf32, #tpu.memory_space<vmem_shared>>
      tpu.wait_dma2 semaphore(%run_scoped3A_99 : memref<!tpu.dma_semaphore, #tpu.memory_space<semaphore_mem>>) src(%arg6 : memref<640x128xf32, #tpu.memory_space<hbm>>) dst(%dma_wait3A_102 : memref<640x128xf32, #tpu.memory_space<vmem_shared>>)
      tpu.yield
    }) : () -> ()
    %run_scoped3A = arith.constant 0 : i32
    "tpu.region"() ({
      %run_scoped3A_99 = tpu.sem_alloc : memref<!tpu.dma_semaphore, #tpu.memory_space<semaphore_mem>>
      %dma_start3A_100 = arith.constant 0 : i32
      %dma_start3A_101 = tpu.memref_slice %arg6[%run_scoped3A, %dma_start3A_100] : memref<640x128xf32, #tpu.memory_space<hbm>> -> memref<80x128xf32, #tpu.memory_space<hbm>>
      %dma_start3A_102 = arith.constant 0 : i32
      %dma_start3A_103 = tpu.memref_slice %arg6[%run_scoped3A, %dma_start3A_102] : memref<640x128xf32, #tpu.memory_space<hbm>> -> memref<80x128xf32, #tpu.memory_space<hbm>>
      tpu.enqueue_dma source(%dma_start3A_103 : memref<80x128xf32, #tpu.memory_space<hbm>>) target(%arg15 : memref<80x128xf32, #tpu.memory_space<vmem>>) target_semaphore(%run_scoped3A_99 : memref<!tpu.dma_semaphore, #tpu.memory_space<semaphore_mem>>)
      %dma_wait3A = arith.constant 0 : i32
      %dma_wait3A_104 = tpu.memref_slice %arg6[%run_scoped3A, %dma_wait3A] : memref<640x128xf32, #tpu.memory_space<hbm>> -> memref<80x128xf32, #tpu.memory_space<hbm>>
      %dma_wait3A_105 = arith.constant 0 : i32
      %dma_wait3A_106 = tpu.memref_slice %arg6[%run_scoped3A, %dma_wait3A_105] : memref<640x128xf32, #tpu.memory_space<hbm>> -> memref<80x128xf32, #tpu.memory_space<hbm>>
      tpu.wait_dma2 semaphore(%run_scoped3A_99 : memref<!tpu.dma_semaphore, #tpu.memory_space<semaphore_mem>>) src(%dma_wait3A_106 : memref<80x128xf32, #tpu.memory_space<hbm>>) dst(%arg15 : memref<80x128xf32, #tpu.memory_space<vmem>>)
      tpu.yield
    }) : () -> ()
    "tpu.region"() ({
      %run_scoped3A_99 = tpu.sem_alloc : memref<!tpu.dma_semaphore, #tpu.memory_space<semaphore_mem>>
      tpu.enqueue_dma source(%arg7 : memref<80xi32, #tpu.memory_space<hbm>>) target(%arg16 : memref<80xi32, #tpu.memory_space<vmem>>) target_semaphore(%run_scoped3A_99 : memref<!tpu.dma_semaphore, #tpu.memory_space<semaphore_mem>>)
      tpu.wait_dma2 semaphore(%run_scoped3A_99 : memref<!tpu.dma_semaphore, #tpu.memory_space<semaphore_mem>>) src(%arg7 : memref<80xi32, #tpu.memory_space<hbm>>) dst(%arg16 : memref<80xi32, #tpu.memory_space<vmem>>)
      tpu.yield
    }) : () -> ()
    %mul3A_3 = arith.constant 16 : i32
    %mul3A_4 = arith.muli %arg0, %mul3A_3 : i32
    %add3A = arith.addi %mul3A_4, %arg1 : i32
    %iota3A = tpu.iota {dimensions = array<i32: 0>} : vector<16xi32>
    %mul3A_5 = arith.constant 200 : i32
    %mul3A_6 = arith.muli %arg1, %mul3A_5 : i32
    %mul3A_7 = arith.constant 0 : i32
    %mul3A_8 = arith.constant 8 : i32
    %mul3A_9 = arith.muli %mul3A_7, %mul3A_8 : i32
    %add3A_10 = arith.addi %mul3A_6, %mul3A_9 : i32
    %run_scoped3A_11 = arith.constant 0 : i32
    "tpu.region"() ({
      %run_scoped3A_99 = tpu.sem_alloc : memref<!tpu.dma_semaphore, #tpu.memory_space<semaphore_mem>>
      %dma_start3A_100 = arith.constant 0 : i32
      %dma_start3A_101 = tpu.memref_slice %arg12[%run_scoped3A_11, %dma_start3A_100] : memref<16x50xi32, #tpu.memory_space<vmem>> -> memref<8x50xi32, #tpu.memory_space<vmem>>
      %dma_start3A_102 = arith.constant 0 : i32
      %dma_start3A_103 = tpu.memref_slice %arg3[%add3A_10, %dma_start3A_102] : memref<3200x50xi32, #tpu.memory_space<hbm>> -> memref<8x50xi32, #tpu.memory_space<hbm>>
      %dma_start3A_104 = arith.constant 0 : i32
      %dma_start3A_105 = tpu.memref_slice %arg12[%run_scoped3A_11, %dma_start3A_104] : memref<16x50xi32, #tpu.memory_space<vmem>> -> memref<8x50xi32, #tpu.memory_space<vmem>>
      %dma_start3A_106 = arith.constant 0 : i32
      %dma_start3A_107 = tpu.memref_slice %arg3[%add3A_10, %dma_start3A_106] : memref<3200x50xi32, #tpu.memory_space<hbm>> -> memref<8x50xi32, #tpu.memory_space<hbm>>
      tpu.enqueue_dma source(%dma_start3A_107 : memref<8x50xi32, #tpu.memory_space<hbm>>) target(%dma_start3A_105 : memref<8x50xi32, #tpu.memory_space<vmem>>) target_semaphore(%run_scoped3A_99 : memref<!tpu.dma_semaphore, #tpu.memory_space<semaphore_mem>>)
      %dma_wait3A = arith.constant 0 : i32
      %dma_wait3A_108 = tpu.memref_slice %arg12[%run_scoped3A_11, %dma_wait3A] : memref<16x50xi32, #tpu.memory_space<vmem>> -> memref<8x50xi32, #tpu.memory_space<vmem>>
      %dma_wait3A_109 = arith.constant 0 : i32
      %dma_wait3A_110 = tpu.memref_slice %arg3[%add3A_10, %dma_wait3A_109] : memref<3200x50xi32, #tpu.memory_space<hbm>> -> memref<8x50xi32, #tpu.memory_space<hbm>>
      %dma_wait3A_111 = arith.constant 0 : i32
      %dma_wait3A_112 = tpu.memref_slice %arg12[%run_scoped3A_11, %dma_wait3A_111] : memref<16x50xi32, #tpu.memory_space<vmem>> -> memref<8x50xi32, #tpu.memory_space<vmem>>
      %dma_wait3A_113 = arith.constant 0 : i32
      %dma_wait3A_114 = tpu.memref_slice %arg3[%add3A_10, %dma_wait3A_113] : memref<3200x50xi32, #tpu.memory_space<hbm>> -> memref<8x50xi32, #tpu.memory_space<hbm>>
      tpu.wait_dma2 semaphore(%run_scoped3A_99 : memref<!tpu.dma_semaphore, #tpu.memory_space<semaphore_mem>>) src(%dma_wait3A_114 : memref<8x50xi32, #tpu.memory_space<hbm>>) dst(%dma_wait3A_112 : memref<8x50xi32, #tpu.memory_space<vmem>>)
      tpu.yield
    }) : () -> ()
    %mul3A_12 = arith.constant 0 : i32
    %mul3A_13 = arith.constant 8 : i32
    %mul3A_14 = arith.muli %mul3A_12, %mul3A_13 : i32
    %add3A_15 = arith.addi %mul3A_6, %mul3A_14 : i32
    %run_scoped3A_16 = arith.constant 0 : i32
    "tpu.region"() ({
      %run_scoped3A_99 = tpu.sem_alloc : memref<!tpu.dma_semaphore, #tpu.memory_space<semaphore_mem>>
      %dma_start3A_100 = arith.constant 0 : i32
      %dma_start3A_101 = tpu.memref_slice %arg13[%run_scoped3A_16, %dma_start3A_100] : memref<16x50xi32, #tpu.memory_space<vmem>> -> memref<8x50xi32, #tpu.memory_space<vmem>>
      %dma_start3A_102 = arith.constant 0 : i32
      %dma_start3A_103 = tpu.memref_slice %arg4[%add3A_15, %dma_start3A_102] : memref<3200x50xi32, #tpu.memory_space<hbm>> -> memref<8x50xi32, #tpu.memory_space<hbm>>
      %dma_start3A_104 = arith.constant 0 : i32
      %dma_start3A_105 = tpu.memref_slice %arg13[%run_scoped3A_16, %dma_start3A_104] : memref<16x50xi32, #tpu.memory_space<vmem>> -> memref<8x50xi32, #tpu.memory_space<vmem>>
      %dma_start3A_106 = arith.constant 0 : i32
      %dma_start3A_107 = tpu.memref_slice %arg4[%add3A_15, %dma_start3A_106] : memref<3200x50xi32, #tpu.memory_space<hbm>> -> memref<8x50xi32, #tpu.memory_space<hbm>>
      tpu.enqueue_dma source(%dma_start3A_107 : memref<8x50xi32, #tpu.memory_space<hbm>>) target(%dma_start3A_105 : memref<8x50xi32, #tpu.memory_space<vmem>>) target_semaphore(%run_scoped3A_99 : memref<!tpu.dma_semaphore, #tpu.memory_space<semaphore_mem>>)
      %dma_wait3A = arith.constant 0 : i32
      %dma_wait3A_108 = tpu.memref_slice %arg13[%run_scoped3A_16, %dma_wait3A] : memref<16x50xi32, #tpu.memory_space<vmem>> -> memref<8x50xi32, #tpu.memory_space<vmem>>
      %dma_wait3A_109 = arith.constant 0 : i32
      %dma_wait3A_110 = tpu.memref_slice %arg4[%add3A_15, %dma_wait3A_109] : memref<3200x50xi32, #tpu.memory_space<hbm>> -> memref<8x50xi32, #tpu.memory_space<hbm>>
      %dma_wait3A_111 = arith.constant 0 : i32
      %dma_wait3A_112 = tpu.memref_slice %arg13[%run_scoped3A_16, %dma_wait3A_111] : memref<16x50xi32, #tpu.memory_space<vmem>> -> memref<8x50xi32, #tpu.memory_space<vmem>>
      %dma_wait3A_113 = arith.constant 0 : i32
      %dma_wait3A_114 = tpu.memref_slice %arg4[%add3A_15, %dma_wait3A_113] : memref<3200x50xi32, #tpu.memory_space<hbm>> -> memref<8x50xi32, #tpu.memory_space<hbm>>
      tpu.wait_dma2 semaphore(%run_scoped3A_99 : memref<!tpu.dma_semaphore, #tpu.memory_space<semaphore_mem>>) src(%dma_wait3A_114 : memref<8x50xi32, #tpu.memory_space<hbm>>) dst(%dma_wait3A_112 : memref<8x50xi32, #tpu.memory_space<vmem>>)
      tpu.yield
    }) : () -> ()
    %barrier3A = arith.constant 0 : index
    tpu.barrier barrier_id(%barrier3A)
    %add3A_17 = arith.constant 0 : i32
    %add3A_18 = arith.constant 0 : i32
    %add3A_19 = arith.addi %add3A_17, %add3A_18 : i32
    %dma_start3A = arith.constant 0 : i32
    %dma_start3A_20 = tpu.memref_slice %arg12[%add3A_19, %dma_start3A] : memref<16x50xi32, #tpu.memory_space<vmem>> -> memref<1x50xi32, #tpu.memory_space<vmem>>
    %dma_start3A_21 = tpu.memref_squeeze %dma_start3A_20 : memref<1x50xi32, #tpu.memory_space<vmem>> -> memref<50xi32, #tpu.memory_space<vmem>>
    %dma_start3A_22 = arith.constant 0 : i32
    %dma_start3A_23 = tpu.memref_slice %arg2[%dma_start3A_22, %multiple_of3A] : memref<10000x256xf32, #tpu.memory_space<hbm>> -> memref<10000x128xf32, #tpu.memory_space<hbm>>
    tpu.enqueue_indirect_dma source(%dma_start3A_23 : memref<10000x128xf32, #tpu.memory_space<hbm>>) target(%arg17 : memref<50x128xf32, #tpu.memory_space<vmem>>) offsets(%dma_start3A_21 : memref<50xi32, #tpu.memory_space<vmem>>) semaphore(%arg22 : memref<!tpu.dma_semaphore, #tpu.memory_space<semaphore_mem>>)
    %add3A_24 = arith.constant 0 : i32
    %add3A_25 = arith.constant 1 : i32
    %add3A_26 = arith.addi %add3A_24, %add3A_25 : i32
    %dma_start3A_27 = arith.constant 0 : i32
    %dma_start3A_28 = tpu.memref_slice %arg12[%add3A_26, %dma_start3A_27] : memref<16x50xi32, #tpu.memory_space<vmem>> -> memref<1x50xi32, #tpu.memory_space<vmem>>
    %dma_start3A_29 = tpu.memref_squeeze %dma_start3A_28 : memref<1x50xi32, #tpu.memory_space<vmem>> -> memref<50xi32, #tpu.memory_space<vmem>>
    %dma_start3A_30 = arith.constant 0 : i32
    %dma_start3A_31 = tpu.memref_slice %arg2[%dma_start3A_30, %multiple_of3A] : memref<10000x256xf32, #tpu.memory_space<hbm>> -> memref<10000x128xf32, #tpu.memory_space<hbm>>
    tpu.enqueue_indirect_dma source(%dma_start3A_31 : memref<10000x128xf32, #tpu.memory_space<hbm>>) target(%arg18 : memref<50x128xf32, #tpu.memory_space<vmem>>) offsets(%dma_start3A_29 : memref<50xi32, #tpu.memory_space<vmem>>) semaphore(%arg22 : memref<!tpu.dma_semaphore, #tpu.memory_space<semaphore_mem>>)
    %add3A_32 = arith.constant 2 : i32
    %add3A_33 = arith.constant 0 : i32
    %add3A_34 = arith.addi %add3A_32, %add3A_33 : i32
    %dma_start3A_35 = arith.constant 0 : i32
    %dma_start3A_36 = tpu.memref_slice %arg12[%add3A_34, %dma_start3A_35] : memref<16x50xi32, #tpu.memory_space<vmem>> -> memref<1x50xi32, #tpu.memory_space<vmem>>
    %dma_start3A_37 = tpu.memref_squeeze %dma_start3A_36 : memref<1x50xi32, #tpu.memory_space<vmem>> -> memref<50xi32, #tpu.memory_space<vmem>>
    %dma_start3A_38 = arith.constant 0 : i32
    %dma_start3A_39 = tpu.memref_slice %arg2[%dma_start3A_38, %multiple_of3A] : memref<10000x256xf32, #tpu.memory_space<hbm>> -> memref<10000x128xf32, #tpu.memory_space<hbm>>
    tpu.enqueue_indirect_dma source(%dma_start3A_39 : memref<10000x128xf32, #tpu.memory_space<hbm>>) target(%arg19 : memref<50x128xf32, #tpu.memory_space<vmem>>) offsets(%dma_start3A_37 : memref<50xi32, #tpu.memory_space<vmem>>) semaphore(%arg24 : memref<!tpu.dma_semaphore, #tpu.memory_space<semaphore_mem>>)
    %add3A_40 = arith.constant 2 : i32
    %add3A_41 = arith.constant 1 : i32
    %add3A_42 = arith.addi %add3A_40, %add3A_41 : i32
    %dma_start3A_43 = arith.constant 0 : i32
    %dma_start3A_44 = tpu.memref_slice %arg12[%add3A_42, %dma_start3A_43] : memref<16x50xi32, #tpu.memory_space<vmem>> -> memref<1x50xi32, #tpu.memory_space<vmem>>
    %dma_start3A_45 = tpu.memref_squeeze %dma_start3A_44 : memref<1x50xi32, #tpu.memory_space<vmem>> -> memref<50xi32, #tpu.memory_space<vmem>>
    %dma_start3A_46 = arith.constant 0 : i32
    %dma_start3A_47 = tpu.memref_slice %arg2[%dma_start3A_46, %multiple_of3A] : memref<10000x256xf32, #tpu.memory_space<hbm>> -> memref<10000x128xf32, #tpu.memory_space<hbm>>
    tpu.enqueue_indirect_dma source(%dma_start3A_47 : memref<10000x128xf32, #tpu.memory_space<hbm>>) target(%arg20 : memref<50x128xf32, #tpu.memory_space<vmem>>) offsets(%dma_start3A_45 : memref<50xi32, #tpu.memory_space<vmem>>) semaphore(%arg24 : memref<!tpu.dma_semaphore, #tpu.memory_space<semaphore_mem>>)
    %while3A = arith.constant 0 : i32
    %while3A_48 = arith.constant 0 : i32
    %while3A_49 = arith.constant 25 : i32
    %while3A_50 = arith.subi %while3A_49, %while3A_48 : i32
    %while3A_51 = arith.addi %while3A_48, %while3A_50 : i32
    %while3A_52 = arith.constant 1 : i32
    %while3A_53 = arith.divsi %while3A_50, %while3A_52 : i32
    %while3A_54 = arith.muli %while3A_53, %while3A_52 : i32
    %while3A_55 = arith.addi %while3A_48, %while3A_54 : i32
    %while3A_56 = arith.constant 1 : i32
    scf.for %while3A_99 = %while3A_48 to %while3A_55 step %while3A_56  : i32 {
      %jit3A = arith.constant 2 : i32
      %eq3A_100 = arith.constant 0 : i32
      %eq3A_101 = arith.cmpi eq, %jit3A, %eq3A_100 : i32
      %jit3A_102 = arith.constant 1 : i32
      %select_n3A = arith.select %eq3A_101, %jit3A_102, %jit3A : i32
      %rem3A = arith.remsi %while3A_99, %select_n3A : i32
      %ne3A = arith.constant 0 : i32
      %ne3A_103 = arith.cmpi ne, %rem3A, %ne3A : i32
      %lt3A = arith.constant 0 : i32
      %lt3A_104 = arith.cmpi slt, %rem3A, %lt3A : i32
      %lt3A_105 = arith.constant 0 : i32
      %lt3A_106 = arith.cmpi slt, %select_n3A, %lt3A_105 : i32
      %ne3A_107 = arith.xori %lt3A_104, %lt3A_106 : i1
      %and3A = arith.andi %ne3A_107, %ne3A_103 : i1
      %add3A_108 = arith.addi %rem3A, %select_n3A : i32
      %select_n3A_109 = arith.select %and3A, %add3A_108, %rem3A : i32
      %mul3A_110 = arith.constant 8 : i32
      %mul3A_111 = arith.muli %select_n3A_109, %mul3A_110 : i32
      %multiple_of3A_112 = tpu.assume_multiple %mul3A_111, 8 : i32
      %sub3A = arith.constant 8 : i32
      %sub3A_113 = arith.subi %sub3A, %multiple_of3A_112 : i32
      %multiple_of3A_114 = tpu.assume_multiple %sub3A_113, 8 : i32
      %add3A_115 = arith.constant 1 : i32
      %add3A_116 = arith.addi %while3A_99, %add3A_115 : i32
      %lt3A_117 = arith.constant 25 : i32
      %lt3A_118 = arith.cmpi slt, %add3A_116, %lt3A_117 : i32
      %convert_element_type3A_119 = arith.extui %lt3A_118 : i1 to i32
      %cond3A_120 = arith.constant 0 : i32
      %cond3A_121 = arith.cmpi ne, %convert_element_type3A_119, %cond3A_120 : i32
      scf.if %cond3A_121 {
        %add3A_339 = arith.constant 1 : i32
        %add3A_340 = arith.addi %while3A_99, %add3A_339 : i32
        %mul3A_341 = arith.constant 8 : i32
        %mul3A_342 = arith.muli %add3A_340, %mul3A_341 : i32
        %add3A_343 = arith.addi %mul3A_6, %mul3A_342 : i32
        "tpu.region"() ({
          %run_scoped3A_347 = tpu.sem_alloc : memref<!tpu.dma_semaphore, #tpu.memory_space<semaphore_mem>>
          %dma_start3A_348 = arith.constant 0 : i32
          %dma_start3A_349 = tpu.memref_slice %arg12[%multiple_of3A_114, %dma_start3A_348] : memref<16x50xi32, #tpu.memory_space<vmem>> -> memref<8x50xi32, #tpu.memory_space<vmem>>
          %dma_start3A_350 = arith.constant 0 : i32
          %dma_start3A_351 = tpu.memref_slice %arg3[%add3A_343, %dma_start3A_350] : memref<3200x50xi32, #tpu.memory_space<hbm>> -> memref<8x50xi32, #tpu.memory_space<hbm>>
          %dma_start3A_352 = arith.constant 0 : i32
          %dma_start3A_353 = tpu.memref_slice %arg12[%multiple_of3A_114, %dma_start3A_352] : memref<16x50xi32, #tpu.memory_space<vmem>> -> memref<8x50xi32, #tpu.memory_space<vmem>>
          %dma_start3A_354 = arith.constant 0 : i32
          %dma_start3A_355 = tpu.memref_slice %arg3[%add3A_343, %dma_start3A_354] : memref<3200x50xi32, #tpu.memory_space<hbm>> -> memref<8x50xi32, #tpu.memory_space<hbm>>
          tpu.enqueue_dma source(%dma_start3A_355 : memref<8x50xi32, #tpu.memory_space<hbm>>) target(%dma_start3A_353 : memref<8x50xi32, #tpu.memory_space<vmem>>) target_semaphore(%run_scoped3A_347 : memref<!tpu.dma_semaphore, #tpu.memory_space<semaphore_mem>>)
          %dma_wait3A_356 = arith.constant 0 : i32
          %dma_wait3A_357 = tpu.memref_slice %arg12[%multiple_of3A_114, %dma_wait3A_356] : memref<16x50xi32, #tpu.memory_space<vmem>> -> memref<8x50xi32, #tpu.memory_space<vmem>>
          %dma_wait3A_358 = arith.constant 0 : i32
          %dma_wait3A_359 = tpu.memref_slice %arg3[%add3A_343, %dma_wait3A_358] : memref<3200x50xi32, #tpu.memory_space<hbm>> -> memref<8x50xi32, #tpu.memory_space<hbm>>
          %dma_wait3A_360 = arith.constant 0 : i32
          %dma_wait3A_361 = tpu.memref_slice %arg12[%multiple_of3A_114, %dma_wait3A_360] : memref<16x50xi32, #tpu.memory_space<vmem>> -> memref<8x50xi32, #tpu.memory_space<vmem>>
          %dma_wait3A_362 = arith.constant 0 : i32
          %dma_wait3A_363 = tpu.memref_slice %arg3[%add3A_343, %dma_wait3A_362] : memref<3200x50xi32, #tpu.memory_space<hbm>> -> memref<8x50xi32, #tpu.memory_space<hbm>>
          tpu.wait_dma2 semaphore(%run_scoped3A_347 : memref<!tpu.dma_semaphore, #tpu.memory_space<semaphore_mem>>) src(%dma_wait3A_363 : memref<8x50xi32, #tpu.memory_space<hbm>>) dst(%dma_wait3A_361 : memref<8x50xi32, #tpu.memory_space<vmem>>)
          tpu.yield
        }) : () -> ()
        %mul3A_344 = arith.constant 8 : i32
        %mul3A_345 = arith.muli %add3A_340, %mul3A_344 : i32
        %add3A_346 = arith.addi %mul3A_6, %mul3A_345 : i32
        "tpu.region"() ({
          %run_scoped3A_347 = tpu.sem_alloc : memref<!tpu.dma_semaphore, #tpu.memory_space<semaphore_mem>>
          %dma_start3A_348 = arith.constant 0 : i32
          %dma_start3A_349 = tpu.memref_slice %arg13[%multiple_of3A_114, %dma_start3A_348] : memref<16x50xi32, #tpu.memory_space<vmem>> -> memref<8x50xi32, #tpu.memory_space<vmem>>
          %dma_start3A_350 = arith.constant 0 : i32
          %dma_start3A_351 = tpu.memref_slice %arg4[%add3A_346, %dma_start3A_350] : memref<3200x50xi32, #tpu.memory_space<hbm>> -> memref<8x50xi32, #tpu.memory_space<hbm>>
          %dma_start3A_352 = arith.constant 0 : i32
          %dma_start3A_353 = tpu.memref_slice %arg13[%multiple_of3A_114, %dma_start3A_352] : memref<16x50xi32, #tpu.memory_space<vmem>> -> memref<8x50xi32, #tpu.memory_space<vmem>>
          %dma_start3A_354 = arith.constant 0 : i32
          %dma_start3A_355 = tpu.memref_slice %arg4[%add3A_346, %dma_start3A_354] : memref<3200x50xi32, #tpu.memory_space<hbm>> -> memref<8x50xi32, #tpu.memory_space<hbm>>
          tpu.enqueue_dma source(%dma_start3A_355 : memref<8x50xi32, #tpu.memory_space<hbm>>) target(%dma_start3A_353 : memref<8x50xi32, #tpu.memory_space<vmem>>) target_semaphore(%run_scoped3A_347 : memref<!tpu.dma_semaphore, #tpu.memory_space<semaphore_mem>>)
          %dma_wait3A_356 = arith.constant 0 : i32
          %dma_wait3A_357 = tpu.memref_slice %arg13[%multiple_of3A_114, %dma_wait3A_356] : memref<16x50xi32, #tpu.memory_space<vmem>> -> memref<8x50xi32, #tpu.memory_space<vmem>>
          %dma_wait3A_358 = arith.constant 0 : i32
          %dma_wait3A_359 = tpu.memref_slice %arg4[%add3A_346, %dma_wait3A_358] : memref<3200x50xi32, #tpu.memory_space<hbm>> -> memref<8x50xi32, #tpu.memory_space<hbm>>
          %dma_wait3A_360 = arith.constant 0 : i32
          %dma_wait3A_361 = tpu.memref_slice %arg13[%multiple_of3A_114, %dma_wait3A_360] : memref<16x50xi32, #tpu.memory_space<vmem>> -> memref<8x50xi32, #tpu.memory_space<vmem>>
          %dma_wait3A_362 = arith.constant 0 : i32
          %dma_wait3A_363 = tpu.memref_slice %arg4[%add3A_346, %dma_wait3A_362] : memref<3200x50xi32, #tpu.memory_space<hbm>> -> memref<8x50xi32, #tpu.memory_space<hbm>>
          tpu.wait_dma2 semaphore(%run_scoped3A_347 : memref<!tpu.dma_semaphore, #tpu.memory_space<semaphore_mem>>) src(%dma_wait3A_363 : memref<8x50xi32, #tpu.memory_space<hbm>>) dst(%dma_wait3A_361 : memref<8x50xi32, #tpu.memory_space<vmem>>)
          tpu.yield
        }) : () -> ()
      } else {
      }
      %add3A_122 = arith.constant 0 : i32
      %add3A_123 = arith.addi %multiple_of3A_112, %add3A_122 : i32
      %add3A_124 = arith.constant 4 : i32
      %add3A_125 = arith.addi %multiple_of3A_112, %add3A_124 : i32
      %dma_wait3A = arith.constant 0 : i32
      %dma_wait3A_126 = arith.constant 0 : i32
      %dma_wait3A_127 = tpu.memref_slice %arg12[%dma_wait3A, %dma_wait3A_126] : memref<16x50xi32, #tpu.memory_space<vmem>> -> memref<1x50xi32, #tpu.memory_space<vmem>>
      %dma_wait3A_128 = tpu.memref_squeeze %dma_wait3A_127 : memref<1x50xi32, #tpu.memory_space<vmem>> -> memref<50xi32, #tpu.memory_space<vmem>>
      %dma_wait3A_129 = arith.constant 0 : i32
      %dma_wait3A_130 = tpu.memref_slice %arg2[%dma_wait3A_129, %multiple_of3A] : memref<10000x256xf32, #tpu.memory_space<hbm>> -> memref<10000x128xf32, #tpu.memory_space<hbm>>
      tpu.wait_indirect_dma semaphore(%arg22 : memref<!tpu.dma_semaphore, #tpu.memory_space<semaphore_mem>>) src(%dma_wait3A_130 : memref<10000x128xf32, #tpu.memory_space<hbm>>) dst(%arg17 : memref<50x128xf32, #tpu.memory_space<vmem>>)
      %dma_wait3A_131 = arith.constant 0 : i32
      %dma_wait3A_132 = arith.constant 0 : i32
      %dma_wait3A_133 = tpu.memref_slice %arg12[%dma_wait3A_131, %dma_wait3A_132] : memref<16x50xi32, #tpu.memory_space<vmem>> -> memref<1x50xi32, #tpu.memory_space<vmem>>
      %dma_wait3A_134 = tpu.memref_squeeze %dma_wait3A_133 : memref<1x50xi32, #tpu.memory_space<vmem>> -> memref<50xi32, #tpu.memory_space<vmem>>
      %dma_wait3A_135 = arith.constant 0 : i32
      %dma_wait3A_136 = tpu.memref_slice %arg2[%dma_wait3A_135, %multiple_of3A] : memref<10000x256xf32, #tpu.memory_space<hbm>> -> memref<10000x128xf32, #tpu.memory_space<hbm>>
      tpu.wait_indirect_dma semaphore(%arg22 : memref<!tpu.dma_semaphore, #tpu.memory_space<semaphore_mem>>) src(%dma_wait3A_136 : memref<10000x128xf32, #tpu.memory_space<hbm>>) dst(%arg18 : memref<50x128xf32, #tpu.memory_space<vmem>>)
      %add3A_137 = arith.constant 0 : i32
      %add3A_138 = arith.addi %add3A_123, %add3A_137 : i32
      %dma_start3A_139 = arith.constant 0 : i32
      %dma_start3A_140 = tpu.memref_slice %arg13[%add3A_138, %dma_start3A_139] : memref<16x50xi32, #tpu.memory_space<vmem>> -> memref<1x50xi32, #tpu.memory_space<vmem>>
      %dma_start3A_141 = tpu.memref_squeeze %dma_start3A_140 : memref<1x50xi32, #tpu.memory_space<vmem>> -> memref<50xi32, #tpu.memory_space<vmem>>
      %dma_start3A_142 = arith.constant 0 : i32
      %dma_start3A_143 = arith.constant 0 : i32
      %dma_start3A_144 = tpu.memref_slice %arg21[%dma_start3A_142, %dma_start3A_143] : memref<10240x128xf32, #tpu.memory_space<vmem_shared>> -> memref<10240x128xf32, #tpu.memory_space<vmem_shared>>
      tpu.enqueue_indirect_dma source(%arg17 : memref<50x128xf32, #tpu.memory_space<vmem>>) target(%dma_start3A_144 : memref<10240x128xf32, #tpu.memory_space<vmem_shared>>) offsets(%dma_start3A_141 : memref<50xi32, #tpu.memory_space<vmem>>) semaphore(%arg23 : memref<!tpu.dma_semaphore, #tpu.memory_space<semaphore_mem>>) {add = true}
      %add3A_145 = arith.constant 1 : i32
      %add3A_146 = arith.addi %add3A_123, %add3A_145 : i32
      %dma_start3A_147 = arith.constant 0 : i32
      %dma_start3A_148 = tpu.memref_slice %arg13[%add3A_146, %dma_start3A_147] : memref<16x50xi32, #tpu.memory_space<vmem>> -> memref<1x50xi32, #tpu.memory_space<vmem>>
      %dma_start3A_149 = tpu.memref_squeeze %dma_start3A_148 : memref<1x50xi32, #tpu.memory_space<vmem>> -> memref<50xi32, #tpu.memory_space<vmem>>
      %dma_start3A_150 = arith.constant 0 : i32
      %dma_start3A_151 = arith.constant 0 : i32
      %dma_start3A_152 = tpu.memref_slice %arg21[%dma_start3A_150, %dma_start3A_151] : memref<10240x128xf32, #tpu.memory_space<vmem_shared>> -> memref<10240x128xf32, #tpu.memory_space<vmem_shared>>
      tpu.enqueue_indirect_dma source(%arg18 : memref<50x128xf32, #tpu.memory_space<vmem>>) target(%dma_start3A_152 : memref<10240x128xf32, #tpu.memory_space<vmem_shared>>) offsets(%dma_start3A_149 : memref<50xi32, #tpu.memory_space<vmem>>) semaphore(%arg23 : memref<!tpu.dma_semaphore, #tpu.memory_space<semaphore_mem>>) {add = true}
      %dma_wait3A_153 = arith.constant 0 : i32
      %dma_wait3A_154 = arith.constant 0 : i32
      %dma_wait3A_155 = tpu.memref_slice %arg13[%dma_wait3A_153, %dma_wait3A_154] : memref<16x50xi32, #tpu.memory_space<vmem>> -> memref<1x50xi32, #tpu.memory_space<vmem>>
      %dma_wait3A_156 = tpu.memref_squeeze %dma_wait3A_155 : memref<1x50xi32, #tpu.memory_space<vmem>> -> memref<50xi32, #tpu.memory_space<vmem>>
      %dma_wait3A_157 = arith.constant 0 : i32
      %dma_wait3A_158 = arith.constant 0 : i32
      %dma_wait3A_159 = tpu.memref_slice %arg21[%dma_wait3A_157, %dma_wait3A_158] : memref<10240x128xf32, #tpu.memory_space<vmem_shared>> -> memref<10240x128xf32, #tpu.memory_space<vmem_shared>>
      tpu.wait_indirect_dma semaphore(%arg23 : memref<!tpu.dma_semaphore, #tpu.memory_space<semaphore_mem>>) src(%arg17 : memref<50x128xf32, #tpu.memory_space<vmem>>) dst(%dma_wait3A_159 : memref<10240x128xf32, #tpu.memory_space<vmem_shared>>)
      %dma_wait3A_160 = arith.constant 0 : i32
      %dma_wait3A_161 = arith.constant 0 : i32
      %dma_wait3A_162 = tpu.memref_slice %arg13[%dma_wait3A_160, %dma_wait3A_161] : memref<16x50xi32, #tpu.memory_space<vmem>> -> memref<1x50xi32, #tpu.memory_space<vmem>>
      %dma_wait3A_163 = tpu.memref_squeeze %dma_wait3A_162 : memref<1x50xi32, #tpu.memory_space<vmem>> -> memref<50xi32, #tpu.memory_space<vmem>>
      %dma_wait3A_164 = arith.constant 0 : i32
      %dma_wait3A_165 = arith.constant 0 : i32
      %dma_wait3A_166 = tpu.memref_slice %arg21[%dma_wait3A_164, %dma_wait3A_165] : memref<10240x128xf32, #tpu.memory_space<vmem_shared>> -> memref<10240x128xf32, #tpu.memory_space<vmem_shared>>
      tpu.wait_indirect_dma semaphore(%arg23 : memref<!tpu.dma_semaphore, #tpu.memory_space<semaphore_mem>>) src(%arg18 : memref<50x128xf32, #tpu.memory_space<vmem>>) dst(%dma_wait3A_166 : memref<10240x128xf32, #tpu.memory_space<vmem_shared>>)
      %add3A_167 = arith.constant 0 : i32
      %add3A_168 = arith.addi %add3A_125, %add3A_167 : i32
      %dma_start3A_169 = arith.constant 0 : i32
      %dma_start3A_170 = tpu.memref_slice %arg12[%add3A_168, %dma_start3A_169] : memref<16x50xi32, #tpu.memory_space<vmem>> -> memref<1x50xi32, #tpu.memory_space<vmem>>
      %dma_start3A_171 = tpu.memref_squeeze %dma_start3A_170 : memref<1x50xi32, #tpu.memory_space<vmem>> -> memref<50xi32, #tpu.memory_space<vmem>>
      %dma_start3A_172 = arith.constant 0 : i32
      %dma_start3A_173 = tpu.memref_slice %arg2[%dma_start3A_172, %multiple_of3A] : memref<10000x256xf32, #tpu.memory_space<hbm>> -> memref<10000x128xf32, #tpu.memory_space<hbm>>
      tpu.enqueue_indirect_dma source(%dma_start3A_173 : memref<10000x128xf32, #tpu.memory_space<hbm>>) target(%arg17 : memref<50x128xf32, #tpu.memory_space<vmem>>) offsets(%dma_start3A_171 : memref<50xi32, #tpu.memory_space<vmem>>) semaphore(%arg22 : memref<!tpu.dma_semaphore, #tpu.memory_space<semaphore_mem>>)
      %add3A_174 = arith.constant 1 : i32
      %add3A_175 = arith.addi %add3A_125, %add3A_174 : i32
      %dma_start3A_176 = arith.constant 0 : i32
      %dma_start3A_177 = tpu.memref_slice %arg12[%add3A_175, %dma_start3A_176] : memref<16x50xi32, #tpu.memory_space<vmem>> -> memref<1x50xi32, #tpu.memory_space<vmem>>
      %dma_start3A_178 = tpu.memref_squeeze %dma_start3A_177 : memref<1x50xi32, #tpu.memory_space<vmem>> -> memref<50xi32, #tpu.memory_space<vmem>>
      %dma_start3A_179 = arith.constant 0 : i32
      %dma_start3A_180 = tpu.memref_slice %arg2[%dma_start3A_179, %multiple_of3A] : memref<10000x256xf32, #tpu.memory_space<hbm>> -> memref<10000x128xf32, #tpu.memory_space<hbm>>
      tpu.enqueue_indirect_dma source(%dma_start3A_180 : memref<10000x128xf32, #tpu.memory_space<hbm>>) target(%arg18 : memref<50x128xf32, #tpu.memory_space<vmem>>) offsets(%dma_start3A_178 : memref<50xi32, #tpu.memory_space<vmem>>) semaphore(%arg22 : memref<!tpu.dma_semaphore, #tpu.memory_space<semaphore_mem>>)
      %add3A_181 = arith.constant 2 : i32
      %add3A_182 = arith.addi %multiple_of3A_112, %add3A_181 : i32
      %add3A_183 = arith.constant 6 : i32
      %add3A_184 = arith.addi %multiple_of3A_112, %add3A_183 : i32
      %dma_wait3A_185 = arith.constant 0 : i32
      %dma_wait3A_186 = arith.constant 0 : i32
      %dma_wait3A_187 = tpu.memref_slice %arg12[%dma_wait3A_185, %dma_wait3A_186] : memref<16x50xi32, #tpu.memory_space<vmem>> -> memref<1x50xi32, #tpu.memory_space<vmem>>
      %dma_wait3A_188 = tpu.memref_squeeze %dma_wait3A_187 : memref<1x50xi32, #tpu.memory_space<vmem>> -> memref<50xi32, #tpu.memory_space<vmem>>
      %dma_wait3A_189 = arith.constant 0 : i32
      %dma_wait3A_190 = tpu.memref_slice %arg2[%dma_wait3A_189, %multiple_of3A] : memref<10000x256xf32, #tpu.memory_space<hbm>> -> memref<10000x128xf32, #tpu.memory_space<hbm>>
      tpu.wait_indirect_dma semaphore(%arg24 : memref<!tpu.dma_semaphore, #tpu.memory_space<semaphore_mem>>) src(%dma_wait3A_190 : memref<10000x128xf32, #tpu.memory_space<hbm>>) dst(%arg19 : memref<50x128xf32, #tpu.memory_space<vmem>>)
      %dma_wait3A_191 = arith.constant 0 : i32
      %dma_wait3A_192 = arith.constant 0 : i32
      %dma_wait3A_193 = tpu.memref_slice %arg12[%dma_wait3A_191, %dma_wait3A_192] : memref<16x50xi32, #tpu.memory_space<vmem>> -> memref<1x50xi32, #tpu.memory_space<vmem>>
      %dma_wait3A_194 = tpu.memref_squeeze %dma_wait3A_193 : memref<1x50xi32, #tpu.memory_space<vmem>> -> memref<50xi32, #tpu.memory_space<vmem>>
      %dma_wait3A_195 = arith.constant 0 : i32
      %dma_wait3A_196 = tpu.memref_slice %arg2[%dma_wait3A_195, %multiple_of3A] : memref<10000x256xf32, #tpu.memory_space<hbm>> -> memref<10000x128xf32, #tpu.memory_space<hbm>>
      tpu.wait_indirect_dma semaphore(%arg24 : memref<!tpu.dma_semaphore, #tpu.memory_space<semaphore_mem>>) src(%dma_wait3A_196 : memref<10000x128xf32, #tpu.memory_space<hbm>>) dst(%arg20 : memref<50x128xf32, #tpu.memory_space<vmem>>)
      %add3A_197 = arith.constant 0 : i32
      %add3A_198 = arith.addi %add3A_182, %add3A_197 : i32
      %dma_start3A_199 = arith.constant 0 : i32
      %dma_start3A_200 = tpu.memref_slice %arg13[%add3A_198, %dma_start3A_199] : memref<16x50xi32, #tpu.memory_space<vmem>> -> memref<1x50xi32, #tpu.memory_space<vmem>>
      %dma_start3A_201 = tpu.memref_squeeze %dma_start3A_200 : memref<1x50xi32, #tpu.memory_space<vmem>> -> memref<50xi32, #tpu.memory_space<vmem>>
      %dma_start3A_202 = arith.constant 0 : i32
      %dma_start3A_203 = arith.constant 0 : i32
      %dma_start3A_204 = tpu.memref_slice %arg21[%dma_start3A_202, %dma_start3A_203] : memref<10240x128xf32, #tpu.memory_space<vmem_shared>> -> memref<10240x128xf32, #tpu.memory_space<vmem_shared>>
      tpu.enqueue_indirect_dma source(%arg19 : memref<50x128xf32, #tpu.memory_space<vmem>>) target(%dma_start3A_204 : memref<10240x128xf32, #tpu.memory_space<vmem_shared>>) offsets(%dma_start3A_201 : memref<50xi32, #tpu.memory_space<vmem>>) semaphore(%arg25 : memref<!tpu.dma_semaphore, #tpu.memory_space<semaphore_mem>>) {add = true}
      %add3A_205 = arith.constant 1 : i32
      %add3A_206 = arith.addi %add3A_182, %add3A_205 : i32
      %dma_start3A_207 = arith.constant 0 : i32
      %dma_start3A_208 = tpu.memref_slice %arg13[%add3A_206, %dma_start3A_207] : memref<16x50xi32, #tpu.memory_space<vmem>> -> memref<1x50xi32, #tpu.memory_space<vmem>>
      %dma_start3A_209 = tpu.memref_squeeze %dma_start3A_208 : memref<1x50xi32, #tpu.memory_space<vmem>> -> memref<50xi32, #tpu.memory_space<vmem>>
      %dma_start3A_210 = arith.constant 0 : i32
      %dma_start3A_211 = arith.constant 0 : i32
      %dma_start3A_212 = tpu.memref_slice %arg21[%dma_start3A_210, %dma_start3A_211] : memref<10240x128xf32, #tpu.memory_space<vmem_shared>> -> memref<10240x128xf32, #tpu.memory_space<vmem_shared>>
      tpu.enqueue_indirect_dma source(%arg20 : memref<50x128xf32, #tpu.memory_space<vmem>>) target(%dma_start3A_212 : memref<10240x128xf32, #tpu.memory_space<vmem_shared>>) offsets(%dma_start3A_209 : memref<50xi32, #tpu.memory_space<vmem>>) semaphore(%arg25 : memref<!tpu.dma_semaphore, #tpu.memory_space<semaphore_mem>>) {add = true}
      %dma_wait3A_213 = arith.constant 0 : i32
      %dma_wait3A_214 = arith.constant 0 : i32
      %dma_wait3A_215 = tpu.memref_slice %arg13[%dma_wait3A_213, %dma_wait3A_214] : memref<16x50xi32, #tpu.memory_space<vmem>> -> memref<1x50xi32, #tpu.memory_space<vmem>>
      %dma_wait3A_216 = tpu.memref_squeeze %dma_wait3A_215 : memref<1x50xi32, #tpu.memory_space<vmem>> -> memref<50xi32, #tpu.memory_space<vmem>>
      %dma_wait3A_217 = arith.constant 0 : i32
      %dma_wait3A_218 = arith.constant 0 : i32
      %dma_wait3A_219 = tpu.memref_slice %arg21[%dma_wait3A_217, %dma_wait3A_218] : memref<10240x128xf32, #tpu.memory_space<vmem_shared>> -> memref<10240x128xf32, #tpu.memory_space<vmem_shared>>
      tpu.wait_indirect_dma semaphore(%arg25 : memref<!tpu.dma_semaphore, #tpu.memory_space<semaphore_mem>>) src(%arg19 : memref<50x128xf32, #tpu.memory_space<vmem>>) dst(%dma_wait3A_219 : memref<10240x128xf32, #tpu.memory_space<vmem_shared>>)
      %dma_wait3A_220 = arith.constant 0 : i32
      %dma_wait3A_221 = arith.constant 0 : i32
      %dma_wait3A_222 = tpu.memref_slice %arg13[%dma_wait3A_220, %dma_wait3A_221] : memref<16x50xi32, #tpu.memory_space<vmem>> -> memref<1x50xi32, #tpu.memory_space<vmem>>
      %dma_wait3A_223 = tpu.memref_squeeze %dma_wait3A_222 : memref<1x50xi32, #tpu.memory_space<vmem>> -> memref<50xi32, #tpu.memory_space<vmem>>
      %dma_wait3A_224 = arith.constant 0 : i32
      %dma_wait3A_225 = arith.constant 0 : i32
      %dma_wait3A_226 = tpu.memref_slice %arg21[%dma_wait3A_224, %dma_wait3A_225] : memref<10240x128xf32, #tpu.memory_space<vmem_shared>> -> memref<10240x128xf32, #tpu.memory_space<vmem_shared>>
      tpu.wait_indirect_dma semaphore(%arg25 : memref<!tpu.dma_semaphore, #tpu.memory_space<semaphore_mem>>) src(%arg20 : memref<50x128xf32, #tpu.memory_space<vmem>>) dst(%dma_wait3A_226 : memref<10240x128xf32, #tpu.memory_space<vmem_shared>>)
      %add3A_227 = arith.constant 0 : i32
      %add3A_228 = arith.addi %add3A_184, %add3A_227 : i32
      %dma_start3A_229 = arith.constant 0 : i32
      %dma_start3A_230 = tpu.memref_slice %arg12[%add3A_228, %dma_start3A_229] : memref<16x50xi32, #tpu.memory_space<vmem>> -> memref<1x50xi32, #tpu.memory_space<vmem>>
      %dma_start3A_231 = tpu.memref_squeeze %dma_start3A_230 : memref<1x50xi32, #tpu.memory_space<vmem>> -> memref<50xi32, #tpu.memory_space<vmem>>
      %dma_start3A_232 = arith.constant 0 : i32
      %dma_start3A_233 = tpu.memref_slice %arg2[%dma_start3A_232, %multiple_of3A] : memref<10000x256xf32, #tpu.memory_space<hbm>> -> memref<10000x128xf32, #tpu.memory_space<hbm>>
      tpu.enqueue_indirect_dma source(%dma_start3A_233 : memref<10000x128xf32, #tpu.memory_space<hbm>>) target(%arg19 : memref<50x128xf32, #tpu.memory_space<vmem>>) offsets(%dma_start3A_231 : memref<50xi32, #tpu.memory_space<vmem>>) semaphore(%arg24 : memref<!tpu.dma_semaphore, #tpu.memory_space<semaphore_mem>>)
      %add3A_234 = arith.constant 1 : i32
      %add3A_235 = arith.addi %add3A_184, %add3A_234 : i32
      %dma_start3A_236 = arith.constant 0 : i32
      %dma_start3A_237 = tpu.memref_slice %arg12[%add3A_235, %dma_start3A_236] : memref<16x50xi32, #tpu.memory_space<vmem>> -> memref<1x50xi32, #tpu.memory_space<vmem>>
      %dma_start3A_238 = tpu.memref_squeeze %dma_start3A_237 : memref<1x50xi32, #tpu.memory_space<vmem>> -> memref<50xi32, #tpu.memory_space<vmem>>
      %dma_start3A_239 = arith.constant 0 : i32
      %dma_start3A_240 = tpu.memref_slice %arg2[%dma_start3A_239, %multiple_of3A] : memref<10000x256xf32, #tpu.memory_space<hbm>> -> memref<10000x128xf32, #tpu.memory_space<hbm>>
      tpu.enqueue_indirect_dma source(%dma_start3A_240 : memref<10000x128xf32, #tpu.memory_space<hbm>>) target(%arg20 : memref<50x128xf32, #tpu.memory_space<vmem>>) offsets(%dma_start3A_238 : memref<50xi32, #tpu.memory_space<vmem>>) semaphore(%arg24 : memref<!tpu.dma_semaphore, #tpu.memory_space<semaphore_mem>>)
      %add3A_241 = arith.constant 4 : i32
      %add3A_242 = arith.addi %multiple_of3A_112, %add3A_241 : i32
      %add3A_243 = arith.constant 0 : i32
      %add3A_244 = arith.addi %multiple_of3A_114, %add3A_243 : i32
      %dma_wait3A_245 = arith.constant 0 : i32
      %dma_wait3A_246 = arith.constant 0 : i32
      %dma_wait3A_247 = tpu.memref_slice %arg12[%dma_wait3A_245, %dma_wait3A_246] : memref<16x50xi32, #tpu.memory_space<vmem>> -> memref<1x50xi32, #tpu.memory_space<vmem>>
      %dma_wait3A_248 = tpu.memref_squeeze %dma_wait3A_247 : memref<1x50xi32, #tpu.memory_space<vmem>> -> memref<50xi32, #tpu.memory_space<vmem>>
      %dma_wait3A_249 = arith.constant 0 : i32
      %dma_wait3A_250 = tpu.memref_slice %arg2[%dma_wait3A_249, %multiple_of3A] : memref<10000x256xf32, #tpu.memory_space<hbm>> -> memref<10000x128xf32, #tpu.memory_space<hbm>>
      tpu.wait_indirect_dma semaphore(%arg22 : memref<!tpu.dma_semaphore, #tpu.memory_space<semaphore_mem>>) src(%dma_wait3A_250 : memref<10000x128xf32, #tpu.memory_space<hbm>>) dst(%arg17 : memref<50x128xf32, #tpu.memory_space<vmem>>)
      %dma_wait3A_251 = arith.constant 0 : i32
      %dma_wait3A_252 = arith.constant 0 : i32
      %dma_wait3A_253 = tpu.memref_slice %arg12[%dma_wait3A_251, %dma_wait3A_252] : memref<16x50xi32, #tpu.memory_space<vmem>> -> memref<1x50xi32, #tpu.memory_space<vmem>>
      %dma_wait3A_254 = tpu.memref_squeeze %dma_wait3A_253 : memref<1x50xi32, #tpu.memory_space<vmem>> -> memref<50xi32, #tpu.memory_space<vmem>>
      %dma_wait3A_255 = arith.constant 0 : i32
      %dma_wait3A_256 = tpu.memref_slice %arg2[%dma_wait3A_255, %multiple_of3A] : memref<10000x256xf32, #tpu.memory_space<hbm>> -> memref<10000x128xf32, #tpu.memory_space<hbm>>
      tpu.wait_indirect_dma semaphore(%arg22 : memref<!tpu.dma_semaphore, #tpu.memory_space<semaphore_mem>>) src(%dma_wait3A_256 : memref<10000x128xf32, #tpu.memory_space<hbm>>) dst(%arg18 : memref<50x128xf32, #tpu.memory_space<vmem>>)
      %add3A_257 = arith.constant 0 : i32
      %add3A_258 = arith.addi %add3A_242, %add3A_257 : i32
      %dma_start3A_259 = arith.constant 0 : i32
      %dma_start3A_260 = tpu.memref_slice %arg13[%add3A_258, %dma_start3A_259] : memref<16x50xi32, #tpu.memory_space<vmem>> -> memref<1x50xi32, #tpu.memory_space<vmem>>
      %dma_start3A_261 = tpu.memref_squeeze %dma_start3A_260 : memref<1x50xi32, #tpu.memory_space<vmem>> -> memref<50xi32, #tpu.memory_space<vmem>>
      %dma_start3A_262 = arith.constant 0 : i32
      %dma_start3A_263 = arith.constant 0 : i32
      %dma_start3A_264 = tpu.memref_slice %arg21[%dma_start3A_262, %dma_start3A_263] : memref<10240x128xf32, #tpu.memory_space<vmem_shared>> -> memref<10240x128xf32, #tpu.memory_space<vmem_shared>>
      tpu.enqueue_indirect_dma source(%arg17 : memref<50x128xf32, #tpu.memory_space<vmem>>) target(%dma_start3A_264 : memref<10240x128xf32, #tpu.memory_space<vmem_shared>>) offsets(%dma_start3A_261 : memref<50xi32, #tpu.memory_space<vmem>>) semaphore(%arg23 : memref<!tpu.dma_semaphore, #tpu.memory_space<semaphore_mem>>) {add = true}
      %add3A_265 = arith.constant 1 : i32
      %add3A_266 = arith.addi %add3A_242, %add3A_265 : i32
      %dma_start3A_267 = arith.constant 0 : i32
      %dma_start3A_268 = tpu.memref_slice %arg13[%add3A_266, %dma_start3A_267] : memref<16x50xi32, #tpu.memory_space<vmem>> -> memref<1x50xi32, #tpu.memory_space<vmem>>
      %dma_start3A_269 = tpu.memref_squeeze %dma_start3A_268 : memref<1x50xi32, #tpu.memory_space<vmem>> -> memref<50xi32, #tpu.memory_space<vmem>>
      %dma_start3A_270 = arith.constant 0 : i32
      %dma_start3A_271 = arith.constant 0 : i32
      %dma_start3A_272 = tpu.memref_slice %arg21[%dma_start3A_270, %dma_start3A_271] : memref<10240x128xf32, #tpu.memory_space<vmem_shared>> -> memref<10240x128xf32, #tpu.memory_space<vmem_shared>>
      tpu.enqueue_indirect_dma source(%arg18 : memref<50x128xf32, #tpu.memory_space<vmem>>) target(%dma_start3A_272 : memref<10240x128xf32, #tpu.memory_space<vmem_shared>>) offsets(%dma_start3A_269 : memref<50xi32, #tpu.memory_space<vmem>>) semaphore(%arg23 : memref<!tpu.dma_semaphore, #tpu.memory_space<semaphore_mem>>) {add = true}
      %dma_wait3A_273 = arith.constant 0 : i32
      %dma_wait3A_274 = arith.constant 0 : i32
      %dma_wait3A_275 = tpu.memref_slice %arg13[%dma_wait3A_273, %dma_wait3A_274] : memref<16x50xi32, #tpu.memory_space<vmem>> -> memref<1x50xi32, #tpu.memory_space<vmem>>
      %dma_wait3A_276 = tpu.memref_squeeze %dma_wait3A_275 : memref<1x50xi32, #tpu.memory_space<vmem>> -> memref<50xi32, #tpu.memory_space<vmem>>
      %dma_wait3A_277 = arith.constant 0 : i32
      %dma_wait3A_278 = arith.constant 0 : i32
      %dma_wait3A_279 = tpu.memref_slice %arg21[%dma_wait3A_277, %dma_wait3A_278] : memref<10240x128xf32, #tpu.memory_space<vmem_shared>> -> memref<10240x128xf32, #tpu.memory_space<vmem_shared>>
      tpu.wait_indirect_dma semaphore(%arg23 : memref<!tpu.dma_semaphore, #tpu.memory_space<semaphore_mem>>) src(%arg17 : memref<50x128xf32, #tpu.memory_space<vmem>>) dst(%dma_wait3A_279 : memref<10240x128xf32, #tpu.memory_space<vmem_shared>>)
      %dma_wait3A_280 = arith.constant 0 : i32
      %dma_wait3A_281 = arith.constant 0 : i32
      %dma_wait3A_282 = tpu.memref_slice %arg13[%dma_wait3A_280, %dma_wait3A_281] : memref<16x50xi32, #tpu.memory_space<vmem>> -> memref<1x50xi32, #tpu.memory_space<vmem>>
      %dma_wait3A_283 = tpu.memref_squeeze %dma_wait3A_282 : memref<1x50xi32, #tpu.memory_space<vmem>> -> memref<50xi32, #tpu.memory_space<vmem>>
      %dma_wait3A_284 = arith.constant 0 : i32
      %dma_wait3A_285 = arith.constant 0 : i32
      %dma_wait3A_286 = tpu.memref_slice %arg21[%dma_wait3A_284, %dma_wait3A_285] : memref<10240x128xf32, #tpu.memory_space<vmem_shared>> -> memref<10240x128xf32, #tpu.memory_space<vmem_shared>>
      tpu.wait_indirect_dma semaphore(%arg23 : memref<!tpu.dma_semaphore, #tpu.memory_space<semaphore_mem>>) src(%arg18 : memref<50x128xf32, #tpu.memory_space<vmem>>) dst(%dma_wait3A_286 : memref<10240x128xf32, #tpu.memory_space<vmem_shared>>)
      %convert_element_type3A_287 = arith.extui %lt3A_118 : i1 to i32
      %cond3A_288 = arith.constant 0 : i32
      %cond3A_289 = arith.cmpi ne, %convert_element_type3A_287, %cond3A_288 : i32
      scf.if %cond3A_289 {
        %add3A_339 = arith.constant 0 : i32
        %add3A_340 = arith.addi %add3A_244, %add3A_339 : i32
        %dma_start3A_341 = arith.constant 0 : i32
        %dma_start3A_342 = tpu.memref_slice %arg12[%add3A_340, %dma_start3A_341] : memref<16x50xi32, #tpu.memory_space<vmem>> -> memref<1x50xi32, #tpu.memory_space<vmem>>
        %dma_start3A_343 = tpu.memref_squeeze %dma_start3A_342 : memref<1x50xi32, #tpu.memory_space<vmem>> -> memref<50xi32, #tpu.memory_space<vmem>>
        %dma_start3A_344 = arith.constant 0 : i32
        %dma_start3A_345 = tpu.memref_slice %arg2[%dma_start3A_344, %multiple_of3A] : memref<10000x256xf32, #tpu.memory_space<hbm>> -> memref<10000x128xf32, #tpu.memory_space<hbm>>
        tpu.enqueue_indirect_dma source(%dma_start3A_345 : memref<10000x128xf32, #tpu.memory_space<hbm>>) target(%arg17 : memref<50x128xf32, #tpu.memory_space<vmem>>) offsets(%dma_start3A_343 : memref<50xi32, #tpu.memory_space<vmem>>) semaphore(%arg22 : memref<!tpu.dma_semaphore, #tpu.memory_space<semaphore_mem>>)
        %add3A_346 = arith.constant 1 : i32
        %add3A_347 = arith.addi %add3A_244, %add3A_346 : i32
        %dma_start3A_348 = arith.constant 0 : i32
        %dma_start3A_349 = tpu.memref_slice %arg12[%add3A_347, %dma_start3A_348] : memref<16x50xi32, #tpu.memory_space<vmem>> -> memref<1x50xi32, #tpu.memory_space<vmem>>
        %dma_start3A_350 = tpu.memref_squeeze %dma_start3A_349 : memref<1x50xi32, #tpu.memory_space<vmem>> -> memref<50xi32, #tpu.memory_space<vmem>>
        %dma_start3A_351 = arith.constant 0 : i32
        %dma_start3A_352 = tpu.memref_slice %arg2[%dma_start3A_351, %multiple_of3A] : memref<10000x256xf32, #tpu.memory_space<hbm>> -> memref<10000x128xf32, #tpu.memory_space<hbm>>
        tpu.enqueue_indirect_dma source(%dma_start3A_352 : memref<10000x128xf32, #tpu.memory_space<hbm>>) target(%arg18 : memref<50x128xf32, #tpu.memory_space<vmem>>) offsets(%dma_start3A_350 : memref<50xi32, #tpu.memory_space<vmem>>) semaphore(%arg22 : memref<!tpu.dma_semaphore, #tpu.memory_space<semaphore_mem>>)
      } else {
      }
      %add3A_290 = arith.constant 6 : i32
      %add3A_291 = arith.addi %multiple_of3A_112, %add3A_290 : i32
      %add3A_292 = arith.constant 2 : i32
      %add3A_293 = arith.addi %multiple_of3A_114, %add3A_292 : i32
      %dma_wait3A_294 = arith.constant 0 : i32
      %dma_wait3A_295 = arith.constant 0 : i32
      %dma_wait3A_296 = tpu.memref_slice %arg12[%dma_wait3A_294, %dma_wait3A_295] : memref<16x50xi32, #tpu.memory_space<vmem>> -> memref<1x50xi32, #tpu.memory_space<vmem>>
      %dma_wait3A_297 = tpu.memref_squeeze %dma_wait3A_296 : memref<1x50xi32, #tpu.memory_space<vmem>> -> memref<50xi32, #tpu.memory_space<vmem>>
      %dma_wait3A_298 = arith.constant 0 : i32
      %dma_wait3A_299 = tpu.memref_slice %arg2[%dma_wait3A_298, %multiple_of3A] : memref<10000x256xf32, #tpu.memory_space<hbm>> -> memref<10000x128xf32, #tpu.memory_space<hbm>>
      tpu.wait_indirect_dma semaphore(%arg24 : memref<!tpu.dma_semaphore, #tpu.memory_space<semaphore_mem>>) src(%dma_wait3A_299 : memref<10000x128xf32, #tpu.memory_space<hbm>>) dst(%arg19 : memref<50x128xf32, #tpu.memory_space<vmem>>)
      %dma_wait3A_300 = arith.constant 0 : i32
      %dma_wait3A_301 = arith.constant 0 : i32
      %dma_wait3A_302 = tpu.memref_slice %arg12[%dma_wait3A_300, %dma_wait3A_301] : memref<16x50xi32, #tpu.memory_space<vmem>> -> memref<1x50xi32, #tpu.memory_space<vmem>>
      %dma_wait3A_303 = tpu.memref_squeeze %dma_wait3A_302 : memref<1x50xi32, #tpu.memory_space<vmem>> -> memref<50xi32, #tpu.memory_space<vmem>>
      %dma_wait3A_304 = arith.constant 0 : i32
      %dma_wait3A_305 = tpu.memref_slice %arg2[%dma_wait3A_304, %multiple_of3A] : memref<10000x256xf32, #tpu.memory_space<hbm>> -> memref<10000x128xf32, #tpu.memory_space<hbm>>
      tpu.wait_indirect_dma semaphore(%arg24 : memref<!tpu.dma_semaphore, #tpu.memory_space<semaphore_mem>>) src(%dma_wait3A_305 : memref<10000x128xf32, #tpu.memory_space<hbm>>) dst(%arg20 : memref<50x128xf32, #tpu.memory_space<vmem>>)
      %add3A_306 = arith.constant 0 : i32
      %add3A_307 = arith.addi %add3A_291, %add3A_306 : i32
      %dma_start3A_308 = arith.constant 0 : i32
      %dma_start3A_309 = tpu.memref_slice %arg13[%add3A_307, %dma_start3A_308] : memref<16x50xi32, #tpu.memory_space<vmem>> -> memref<1x50xi32, #tpu.memory_space<vmem>>
      %dma_start3A_310 = tpu.memref_squeeze %dma_start3A_309 : memref<1x50xi32, #tpu.memory_space<vmem>> -> memref<50xi32, #tpu.memory_space<vmem>>
      %dma_start3A_311 = arith.constant 0 : i32
      %dma_start3A_312 = arith.constant 0 : i32
      %dma_start3A_313 = tpu.memref_slice %arg21[%dma_start3A_311, %dma_start3A_312] : memref<10240x128xf32, #tpu.memory_space<vmem_shared>> -> memref<10240x128xf32, #tpu.memory_space<vmem_shared>>
      tpu.enqueue_indirect_dma source(%arg19 : memref<50x128xf32, #tpu.memory_space<vmem>>) target(%dma_start3A_313 : memref<10240x128xf32, #tpu.memory_space<vmem_shared>>) offsets(%dma_start3A_310 : memref<50xi32, #tpu.memory_space<vmem>>) semaphore(%arg25 : memref<!tpu.dma_semaphore, #tpu.memory_space<semaphore_mem>>) {add = true}
      %add3A_314 = arith.constant 1 : i32
      %add3A_315 = arith.addi %add3A_291, %add3A_314 : i32
      %dma_start3A_316 = arith.constant 0 : i32
      %dma_start3A_317 = tpu.memref_slice %arg13[%add3A_315, %dma_start3A_316] : memref<16x50xi32, #tpu.memory_space<vmem>> -> memref<1x50xi32, #tpu.memory_space<vmem>>
      %dma_start3A_318 = tpu.memref_squeeze %dma_start3A_317 : memref<1x50xi32, #tpu.memory_space<vmem>> -> memref<50xi32, #tpu.memory_space<vmem>>
      %dma_start3A_319 = arith.constant 0 : i32
      %dma_start3A_320 = arith.constant 0 : i32
      %dma_start3A_321 = tpu.memref_slice %arg21[%dma_start3A_319, %dma_start3A_320] : memref<10240x128xf32, #tpu.memory_space<vmem_shared>> -> memref<10240x128xf32, #tpu.memory_space<vmem_shared>>
      tpu.enqueue_indirect_dma source(%arg20 : memref<50x128xf32, #tpu.memory_space<vmem>>) target(%dma_start3A_321 : memref<10240x128xf32, #tpu.memory_space<vmem_shared>>) offsets(%dma_start3A_318 : memref<50xi32, #tpu.memory_space<vmem>>) semaphore(%arg25 : memref<!tpu.dma_semaphore, #tpu.memory_space<semaphore_mem>>) {add = true}
      %dma_wait3A_322 = arith.constant 0 : i32
      %dma_wait3A_323 = arith.constant 0 : i32
      %dma_wait3A_324 = tpu.memref_slice %arg13[%dma_wait3A_322, %dma_wait3A_323] : memref<16x50xi32, #tpu.memory_space<vmem>> -> memref<1x50xi32, #tpu.memory_space<vmem>>
      %dma_wait3A_325 = tpu.memref_squeeze %dma_wait3A_324 : memref<1x50xi32, #tpu.memory_space<vmem>> -> memref<50xi32, #tpu.memory_space<vmem>>
      %dma_wait3A_326 = arith.constant 0 : i32
      %dma_wait3A_327 = arith.constant 0 : i32
      %dma_wait3A_328 = tpu.memref_slice %arg21[%dma_wait3A_326, %dma_wait3A_327] : memref<10240x128xf32, #tpu.memory_space<vmem_shared>> -> memref<10240x128xf32, #tpu.memory_space<vmem_shared>>
      tpu.wait_indirect_dma semaphore(%arg25 : memref<!tpu.dma_semaphore, #tpu.memory_space<semaphore_mem>>) src(%arg19 : memref<50x128xf32, #tpu.memory_space<vmem>>) dst(%dma_wait3A_328 : memref<10240x128xf32, #tpu.memory_space<vmem_shared>>)
      %dma_wait3A_329 = arith.constant 0 : i32
      %dma_wait3A_330 = arith.constant 0 : i32
      %dma_wait3A_331 = tpu.memref_slice %arg13[%dma_wait3A_329, %dma_wait3A_330] : memref<16x50xi32, #tpu.memory_space<vmem>> -> memref<1x50xi32, #tpu.memory_space<vmem>>
      %dma_wait3A_332 = tpu.memref_squeeze %dma_wait3A_331 : memref<1x50xi32, #tpu.memory_space<vmem>> -> memref<50xi32, #tpu.memory_space<vmem>>
      %dma_wait3A_333 = arith.constant 0 : i32
      %dma_wait3A_334 = arith.constant 0 : i32
      %dma_wait3A_335 = tpu.memref_slice %arg21[%dma_wait3A_333, %dma_wait3A_334] : memref<10240x128xf32, #tpu.memory_space<vmem_shared>> -> memref<10240x128xf32, #tpu.memory_space<vmem_shared>>
      tpu.wait_indirect_dma semaphore(%arg25 : memref<!tpu.dma_semaphore, #tpu.memory_space<semaphore_mem>>) src(%arg20 : memref<50x128xf32, #tpu.memory_space<vmem>>) dst(%dma_wait3A_335 : memref<10240x128xf32, #tpu.memory_space<vmem_shared>>)
      %convert_element_type3A_336 = arith.extui %lt3A_118 : i1 to i32
      %cond3A_337 = arith.constant 0 : i32
      %cond3A_338 = arith.cmpi ne, %convert_element_type3A_336, %cond3A_337 : i32
      scf.if %cond3A_338 {
        %add3A_339 = arith.constant 0 : i32
        %add3A_340 = arith.addi %add3A_293, %add3A_339 : i32
        %dma_start3A_341 = arith.constant 0 : i32
        %dma_start3A_342 = tpu.memref_slice %arg12[%add3A_340, %dma_start3A_341] : memref<16x50xi32, #tpu.memory_space<vmem>> -> memref<1x50xi32, #tpu.memory_space<vmem>>
        %dma_start3A_343 = tpu.memref_squeeze %dma_start3A_342 : memref<1x50xi32, #tpu.memory_space<vmem>> -> memref<50xi32, #tpu.memory_space<vmem>>
        %dma_start3A_344 = arith.constant 0 : i32
        %dma_start3A_345 = tpu.memref_slice %arg2[%dma_start3A_344, %multiple_of3A] : memref<10000x256xf32, #tpu.memory_space<hbm>> -> memref<10000x128xf32, #tpu.memory_space<hbm>>
        tpu.enqueue_indirect_dma source(%dma_start3A_345 : memref<10000x128xf32, #tpu.memory_space<hbm>>) target(%arg19 : memref<50x128xf32, #tpu.memory_space<vmem>>) offsets(%dma_start3A_343 : memref<50xi32, #tpu.memory_space<vmem>>) semaphore(%arg24 : memref<!tpu.dma_semaphore, #tpu.memory_space<semaphore_mem>>)
        %add3A_346 = arith.constant 1 : i32
        %add3A_347 = arith.addi %add3A_293, %add3A_346 : i32
        %dma_start3A_348 = arith.constant 0 : i32
        %dma_start3A_349 = tpu.memref_slice %arg12[%add3A_347, %dma_start3A_348] : memref<16x50xi32, #tpu.memory_space<vmem>> -> memref<1x50xi32, #tpu.memory_space<vmem>>
        %dma_start3A_350 = tpu.memref_squeeze %dma_start3A_349 : memref<1x50xi32, #tpu.memory_space<vmem>> -> memref<50xi32, #tpu.memory_space<vmem>>
        %dma_start3A_351 = arith.constant 0 : i32
        %dma_start3A_352 = tpu.memref_slice %arg2[%dma_start3A_351, %multiple_of3A] : memref<10000x256xf32, #tpu.memory_space<hbm>> -> memref<10000x128xf32, #tpu.memory_space<hbm>>
        tpu.enqueue_indirect_dma source(%dma_start3A_352 : memref<10000x128xf32, #tpu.memory_space<hbm>>) target(%arg20 : memref<50x128xf32, #tpu.memory_space<vmem>>) offsets(%dma_start3A_350 : memref<50xi32, #tpu.memory_space<vmem>>) semaphore(%arg24 : memref<!tpu.dma_semaphore, #tpu.memory_space<semaphore_mem>>)
      } else {
      }
    }
    %while3A_57 = arith.constant 1 : i32
    scf.for %while3A_99 = %while3A_55 to %while3A_51 step %while3A_57  : i32 {
      %jit3A = arith.constant 2 : i32
      %eq3A_100 = arith.constant 0 : i32
      %eq3A_101 = arith.cmpi eq, %jit3A, %eq3A_100 : i32
      %jit3A_102 = arith.constant 1 : i32
      %select_n3A = arith.select %eq3A_101, %jit3A_102, %jit3A : i32
      %rem3A = arith.remsi %while3A_99, %select_n3A : i32
      %ne3A = arith.constant 0 : i32
      %ne3A_103 = arith.cmpi ne, %rem3A, %ne3A : i32
      %lt3A = arith.constant 0 : i32
      %lt3A_104 = arith.cmpi slt, %rem3A, %lt3A : i32
      %lt3A_105 = arith.constant 0 : i32
      %lt3A_106 = arith.cmpi slt, %select_n3A, %lt3A_105 : i32
      %ne3A_107 = arith.xori %lt3A_104, %lt3A_106 : i1
      %and3A = arith.andi %ne3A_107, %ne3A_103 : i1
      %add3A_108 = arith.addi %rem3A, %select_n3A : i32
      %select_n3A_109 = arith.select %and3A, %add3A_108, %rem3A : i32
      %mul3A_110 = arith.constant 8 : i32
      %mul3A_111 = arith.muli %select_n3A_109, %mul3A_110 : i32
      %multiple_of3A_112 = tpu.assume_multiple %mul3A_111, 8 : i32
      %sub3A = arith.constant 8 : i32
      %sub3A_113 = arith.subi %sub3A, %multiple_of3A_112 : i32
      %multiple_of3A_114 = tpu.assume_multiple %sub3A_113, 8 : i32
      %add3A_115 = arith.constant 1 : i32
      %add3A_116 = arith.addi %while3A_99, %add3A_115 : i32
      %lt3A_117 = arith.constant 25 : i32
      %lt3A_118 = arith.cmpi slt, %add3A_116, %lt3A_117 : i32
      %convert_element_type3A_119 = arith.extui %lt3A_118 : i1 to i32
      %cond3A_120 = arith.constant 0 : i32
      %cond3A_121 = arith.cmpi ne, %convert_element_type3A_119, %cond3A_120 : i32
      scf.if %cond3A_121 {
        %add3A_339 = arith.constant 1 : i32
        %add3A_340 = arith.addi %while3A_99, %add3A_339 : i32
        %mul3A_341 = arith.constant 8 : i32
        %mul3A_342 = arith.muli %add3A_340, %mul3A_341 : i32
        %add3A_343 = arith.addi %mul3A_6, %mul3A_342 : i32
        "tpu.region"() ({
          %run_scoped3A_347 = tpu.sem_alloc : memref<!tpu.dma_semaphore, #tpu.memory_space<semaphore_mem>>
          %dma_start3A_348 = arith.constant 0 : i32
          %dma_start3A_349 = tpu.memref_slice %arg12[%multiple_of3A_114, %dma_start3A_348] : memref<16x50xi32, #tpu.memory_space<vmem>> -> memref<8x50xi32, #tpu.memory_space<vmem>>
          %dma_start3A_350 = arith.constant 0 : i32
          %dma_start3A_351 = tpu.memref_slice %arg3[%add3A_343, %dma_start3A_350] : memref<3200x50xi32, #tpu.memory_space<hbm>> -> memref<8x50xi32, #tpu.memory_space<hbm>>
          %dma_start3A_352 = arith.constant 0 : i32
          %dma_start3A_353 = tpu.memref_slice %arg12[%multiple_of3A_114, %dma_start3A_352] : memref<16x50xi32, #tpu.memory_space<vmem>> -> memref<8x50xi32, #tpu.memory_space<vmem>>
          %dma_start3A_354 = arith.constant 0 : i32
          %dma_start3A_355 = tpu.memref_slice %arg3[%add3A_343, %dma_start3A_354] : memref<3200x50xi32, #tpu.memory_space<hbm>> -> memref<8x50xi32, #tpu.memory_space<hbm>>
          tpu.enqueue_dma source(%dma_start3A_355 : memref<8x50xi32, #tpu.memory_space<hbm>>) target(%dma_start3A_353 : memref<8x50xi32, #tpu.memory_space<vmem>>) target_semaphore(%run_scoped3A_347 : memref<!tpu.dma_semaphore, #tpu.memory_space<semaphore_mem>>)
          %dma_wait3A_356 = arith.constant 0 : i32
          %dma_wait3A_357 = tpu.memref_slice %arg12[%multiple_of3A_114, %dma_wait3A_356] : memref<16x50xi32, #tpu.memory_space<vmem>> -> memref<8x50xi32, #tpu.memory_space<vmem>>
          %dma_wait3A_358 = arith.constant 0 : i32
          %dma_wait3A_359 = tpu.memref_slice %arg3[%add3A_343, %dma_wait3A_358] : memref<3200x50xi32, #tpu.memory_space<hbm>> -> memref<8x50xi32, #tpu.memory_space<hbm>>
          %dma_wait3A_360 = arith.constant 0 : i32
          %dma_wait3A_361 = tpu.memref_slice %arg12[%multiple_of3A_114, %dma_wait3A_360] : memref<16x50xi32, #tpu.memory_space<vmem>> -> memref<8x50xi32, #tpu.memory_space<vmem>>
          %dma_wait3A_362 = arith.constant 0 : i32
          %dma_wait3A_363 = tpu.memref_slice %arg3[%add3A_343, %dma_wait3A_362] : memref<3200x50xi32, #tpu.memory_space<hbm>> -> memref<8x50xi32, #tpu.memory_space<hbm>>
          tpu.wait_dma2 semaphore(%run_scoped3A_347 : memref<!tpu.dma_semaphore, #tpu.memory_space<semaphore_mem>>) src(%dma_wait3A_363 : memref<8x50xi32, #tpu.memory_space<hbm>>) dst(%dma_wait3A_361 : memref<8x50xi32, #tpu.memory_space<vmem>>)
          tpu.yield
        }) : () -> ()
        %mul3A_344 = arith.constant 8 : i32
        %mul3A_345 = arith.muli %add3A_340, %mul3A_344 : i32
        %add3A_346 = arith.addi %mul3A_6, %mul3A_345 : i32
        "tpu.region"() ({
          %run_scoped3A_347 = tpu.sem_alloc : memref<!tpu.dma_semaphore, #tpu.memory_space<semaphore_mem>>
          %dma_start3A_348 = arith.constant 0 : i32
          %dma_start3A_349 = tpu.memref_slice %arg13[%multiple_of3A_114, %dma_start3A_348] : memref<16x50xi32, #tpu.memory_space<vmem>> -> memref<8x50xi32, #tpu.memory_space<vmem>>
          %dma_start3A_350 = arith.constant 0 : i32
          %dma_start3A_351 = tpu.memref_slice %arg4[%add3A_346, %dma_start3A_350] : memref<3200x50xi32, #tpu.memory_space<hbm>> -> memref<8x50xi32, #tpu.memory_space<hbm>>
          %dma_start3A_352 = arith.constant 0 : i32
          %dma_start3A_353 = tpu.memref_slice %arg13[%multiple_of3A_114, %dma_start3A_352] : memref<16x50xi32, #tpu.memory_space<vmem>> -> memref<8x50xi32, #tpu.memory_space<vmem>>
          %dma_start3A_354 = arith.constant 0 : i32
          %dma_start3A_355 = tpu.memref_slice %arg4[%add3A_346, %dma_start3A_354] : memref<3200x50xi32, #tpu.memory_space<hbm>> -> memref<8x50xi32, #tpu.memory_space<hbm>>
          tpu.enqueue_dma source(%dma_start3A_355 : memref<8x50xi32, #tpu.memory_space<hbm>>) target(%dma_start3A_353 : memref<8x50xi32, #tpu.memory_space<vmem>>) target_semaphore(%run_scoped3A_347 : memref<!tpu.dma_semaphore, #tpu.memory_space<semaphore_mem>>)
          %dma_wait3A_356 = arith.constant 0 : i32
          %dma_wait3A_357 = tpu.memref_slice %arg13[%multiple_of3A_114, %dma_wait3A_356] : memref<16x50xi32, #tpu.memory_space<vmem>> -> memref<8x50xi32, #tpu.memory_space<vmem>>
          %dma_wait3A_358 = arith.constant 0 : i32
          %dma_wait3A_359 = tpu.memref_slice %arg4[%add3A_346, %dma_wait3A_358] : memref<3200x50xi32, #tpu.memory_space<hbm>> -> memref<8x50xi32, #tpu.memory_space<hbm>>
          %dma_wait3A_360 = arith.constant 0 : i32
          %dma_wait3A_361 = tpu.memref_slice %arg13[%multiple_of3A_114, %dma_wait3A_360] : memref<16x50xi32, #tpu.memory_space<vmem>> -> memref<8x50xi32, #tpu.memory_space<vmem>>
          %dma_wait3A_362 = arith.constant 0 : i32
          %dma_wait3A_363 = tpu.memref_slice %arg4[%add3A_346, %dma_wait3A_362] : memref<3200x50xi32, #tpu.memory_space<hbm>> -> memref<8x50xi32, #tpu.memory_space<hbm>>
          tpu.wait_dma2 semaphore(%run_scoped3A_347 : memref<!tpu.dma_semaphore, #tpu.memory_space<semaphore_mem>>) src(%dma_wait3A_363 : memref<8x50xi32, #tpu.memory_space<hbm>>) dst(%dma_wait3A_361 : memref<8x50xi32, #tpu.memory_space<vmem>>)
          tpu.yield
        }) : () -> ()
      } else {
      }
      %add3A_122 = arith.constant 0 : i32
      %add3A_123 = arith.addi %multiple_of3A_112, %add3A_122 : i32
      %add3A_124 = arith.constant 4 : i32
      %add3A_125 = arith.addi %multiple_of3A_112, %add3A_124 : i32
      %dma_wait3A = arith.constant 0 : i32
      %dma_wait3A_126 = arith.constant 0 : i32
      %dma_wait3A_127 = tpu.memref_slice %arg12[%dma_wait3A, %dma_wait3A_126] : memref<16x50xi32, #tpu.memory_space<vmem>> -> memref<1x50xi32, #tpu.memory_space<vmem>>
      %dma_wait3A_128 = tpu.memref_squeeze %dma_wait3A_127 : memref<1x50xi32, #tpu.memory_space<vmem>> -> memref<50xi32, #tpu.memory_space<vmem>>
      %dma_wait3A_129 = arith.constant 0 : i32
      %dma_wait3A_130 = tpu.memref_slice %arg2[%dma_wait3A_129, %multiple_of3A] : memref<10000x256xf32, #tpu.memory_space<hbm>> -> memref<10000x128xf32, #tpu.memory_space<hbm>>
      tpu.wait_indirect_dma semaphore(%arg22 : memref<!tpu.dma_semaphore, #tpu.memory_space<semaphore_mem>>) src(%dma_wait3A_130 : memref<10000x128xf32, #tpu.memory_space<hbm>>) dst(%arg17 : memref<50x128xf32, #tpu.memory_space<vmem>>)
      %dma_wait3A_131 = arith.constant 0 : i32
      %dma_wait3A_132 = arith.constant 0 : i32
      %dma_wait3A_133 = tpu.memref_slice %arg12[%dma_wait3A_131, %dma_wait3A_132] : memref<16x50xi32, #tpu.memory_space<vmem>> -> memref<1x50xi32, #tpu.memory_space<vmem>>
      %dma_wait3A_134 = tpu.memref_squeeze %dma_wait3A_133 : memref<1x50xi32, #tpu.memory_space<vmem>> -> memref<50xi32, #tpu.memory_space<vmem>>
      %dma_wait3A_135 = arith.constant 0 : i32
      %dma_wait3A_136 = tpu.memref_slice %arg2[%dma_wait3A_135, %multiple_of3A] : memref<10000x256xf32, #tpu.memory_space<hbm>> -> memref<10000x128xf32, #tpu.memory_space<hbm>>
      tpu.wait_indirect_dma semaphore(%arg22 : memref<!tpu.dma_semaphore, #tpu.memory_space<semaphore_mem>>) src(%dma_wait3A_136 : memref<10000x128xf32, #tpu.memory_space<hbm>>) dst(%arg18 : memref<50x128xf32, #tpu.memory_space<vmem>>)
      %add3A_137 = arith.constant 0 : i32
      %add3A_138 = arith.addi %add3A_123, %add3A_137 : i32
      %dma_start3A_139 = arith.constant 0 : i32
      %dma_start3A_140 = tpu.memref_slice %arg13[%add3A_138, %dma_start3A_139] : memref<16x50xi32, #tpu.memory_space<vmem>> -> memref<1x50xi32, #tpu.memory_space<vmem>>
      %dma_start3A_141 = tpu.memref_squeeze %dma_start3A_140 : memref<1x50xi32, #tpu.memory_space<vmem>> -> memref<50xi32, #tpu.memory_space<vmem>>
      %dma_start3A_142 = arith.constant 0 : i32
      %dma_start3A_143 = arith.constant 0 : i32
      %dma_start3A_144 = tpu.memref_slice %arg21[%dma_start3A_142, %dma_start3A_143] : memref<10240x128xf32, #tpu.memory_space<vmem_shared>> -> memref<10240x128xf32, #tpu.memory_space<vmem_shared>>
      tpu.enqueue_indirect_dma source(%arg17 : memref<50x128xf32, #tpu.memory_space<vmem>>) target(%dma_start3A_144 : memref<10240x128xf32, #tpu.memory_space<vmem_shared>>) offsets(%dma_start3A_141 : memref<50xi32, #tpu.memory_space<vmem>>) semaphore(%arg23 : memref<!tpu.dma_semaphore, #tpu.memory_space<semaphore_mem>>) {add = true}
      %add3A_145 = arith.constant 1 : i32
      %add3A_146 = arith.addi %add3A_123, %add3A_145 : i32
      %dma_start3A_147 = arith.constant 0 : i32
      %dma_start3A_148 = tpu.memref_slice %arg13[%add3A_146, %dma_start3A_147] : memref<16x50xi32, #tpu.memory_space<vmem>> -> memref<1x50xi32, #tpu.memory_space<vmem>>
      %dma_start3A_149 = tpu.memref_squeeze %dma_start3A_148 : memref<1x50xi32, #tpu.memory_space<vmem>> -> memref<50xi32, #tpu.memory_space<vmem>>
      %dma_start3A_150 = arith.constant 0 : i32
      %dma_start3A_151 = arith.constant 0 : i32
      %dma_start3A_152 = tpu.memref_slice %arg21[%dma_start3A_150, %dma_start3A_151] : memref<10240x128xf32, #tpu.memory_space<vmem_shared>> -> memref<10240x128xf32, #tpu.memory_space<vmem_shared>>
      tpu.enqueue_indirect_dma source(%arg18 : memref<50x128xf32, #tpu.memory_space<vmem>>) target(%dma_start3A_152 : memref<10240x128xf32, #tpu.memory_space<vmem_shared>>) offsets(%dma_start3A_149 : memref<50xi32, #tpu.memory_space<vmem>>) semaphore(%arg23 : memref<!tpu.dma_semaphore, #tpu.memory_space<semaphore_mem>>) {add = true}
      %dma_wait3A_153 = arith.constant 0 : i32
      %dma_wait3A_154 = arith.constant 0 : i32
      %dma_wait3A_155 = tpu.memref_slice %arg13[%dma_wait3A_153, %dma_wait3A_154] : memref<16x50xi32, #tpu.memory_space<vmem>> -> memref<1x50xi32, #tpu.memory_space<vmem>>
      %dma_wait3A_156 = tpu.memref_squeeze %dma_wait3A_155 : memref<1x50xi32, #tpu.memory_space<vmem>> -> memref<50xi32, #tpu.memory_space<vmem>>
      %dma_wait3A_157 = arith.constant 0 : i32
      %dma_wait3A_158 = arith.constant 0 : i32
      %dma_wait3A_159 = tpu.memref_slice %arg21[%dma_wait3A_157, %dma_wait3A_158] : memref<10240x128xf32, #tpu.memory_space<vmem_shared>> -> memref<10240x128xf32, #tpu.memory_space<vmem_shared>>
      tpu.wait_indirect_dma semaphore(%arg23 : memref<!tpu.dma_semaphore, #tpu.memory_space<semaphore_mem>>) src(%arg17 : memref<50x128xf32, #tpu.memory_space<vmem>>) dst(%dma_wait3A_159 : memref<10240x128xf32, #tpu.memory_space<vmem_shared>>)
      %dma_wait3A_160 = arith.constant 0 : i32
      %dma_wait3A_161 = arith.constant 0 : i32
      %dma_wait3A_162 = tpu.memref_slice %arg13[%dma_wait3A_160, %dma_wait3A_161] : memref<16x50xi32, #tpu.memory_space<vmem>> -> memref<1x50xi32, #tpu.memory_space<vmem>>
      %dma_wait3A_163 = tpu.memref_squeeze %dma_wait3A_162 : memref<1x50xi32, #tpu.memory_space<vmem>> -> memref<50xi32, #tpu.memory_space<vmem>>
      %dma_wait3A_164 = arith.constant 0 : i32
      %dma_wait3A_165 = arith.constant 0 : i32
      %dma_wait3A_166 = tpu.memref_slice %arg21[%dma_wait3A_164, %dma_wait3A_165] : memref<10240x128xf32, #tpu.memory_space<vmem_shared>> -> memref<10240x128xf32, #tpu.memory_space<vmem_shared>>
      tpu.wait_indirect_dma semaphore(%arg23 : memref<!tpu.dma_semaphore, #tpu.memory_space<semaphore_mem>>) src(%arg18 : memref<50x128xf32, #tpu.memory_space<vmem>>) dst(%dma_wait3A_166 : memref<10240x128xf32, #tpu.memory_space<vmem_shared>>)
      %add3A_167 = arith.constant 0 : i32
      %add3A_168 = arith.addi %add3A_125, %add3A_167 : i32
      %dma_start3A_169 = arith.constant 0 : i32
      %dma_start3A_170 = tpu.memref_slice %arg12[%add3A_168, %dma_start3A_169] : memref<16x50xi32, #tpu.memory_space<vmem>> -> memref<1x50xi32, #tpu.memory_space<vmem>>
      %dma_start3A_171 = tpu.memref_squeeze %dma_start3A_170 : memref<1x50xi32, #tpu.memory_space<vmem>> -> memref<50xi32, #tpu.memory_space<vmem>>
      %dma_start3A_172 = arith.constant 0 : i32
      %dma_start3A_173 = tpu.memref_slice %arg2[%dma_start3A_172, %multiple_of3A] : memref<10000x256xf32, #tpu.memory_space<hbm>> -> memref<10000x128xf32, #tpu.memory_space<hbm>>
      tpu.enqueue_indirect_dma source(%dma_start3A_173 : memref<10000x128xf32, #tpu.memory_space<hbm>>) target(%arg17 : memref<50x128xf32, #tpu.memory_space<vmem>>) offsets(%dma_start3A_171 : memref<50xi32, #tpu.memory_space<vmem>>) semaphore(%arg22 : memref<!tpu.dma_semaphore, #tpu.memory_space<semaphore_mem>>)
      %add3A_174 = arith.constant 1 : i32
      %add3A_175 = arith.addi %add3A_125, %add3A_174 : i32
      %dma_start3A_176 = arith.constant 0 : i32
      %dma_start3A_177 = tpu.memref_slice %arg12[%add3A_175, %dma_start3A_176] : memref<16x50xi32, #tpu.memory_space<vmem>> -> memref<1x50xi32, #tpu.memory_space<vmem>>
      %dma_start3A_178 = tpu.memref_squeeze %dma_start3A_177 : memref<1x50xi32, #tpu.memory_space<vmem>> -> memref<50xi32, #tpu.memory_space<vmem>>
      %dma_start3A_179 = arith.constant 0 : i32
      %dma_start3A_180 = tpu.memref_slice %arg2[%dma_start3A_179, %multiple_of3A] : memref<10000x256xf32, #tpu.memory_space<hbm>> -> memref<10000x128xf32, #tpu.memory_space<hbm>>
      tpu.enqueue_indirect_dma source(%dma_start3A_180 : memref<10000x128xf32, #tpu.memory_space<hbm>>) target(%arg18 : memref<50x128xf32, #tpu.memory_space<vmem>>) offsets(%dma_start3A_178 : memref<50xi32, #tpu.memory_space<vmem>>) semaphore(%arg22 : memref<!tpu.dma_semaphore, #tpu.memory_space<semaphore_mem>>)
      %add3A_181 = arith.constant 2 : i32
      %add3A_182 = arith.addi %multiple_of3A_112, %add3A_181 : i32
      %add3A_183 = arith.constant 6 : i32
      %add3A_184 = arith.addi %multiple_of3A_112, %add3A_183 : i32
      %dma_wait3A_185 = arith.constant 0 : i32
      %dma_wait3A_186 = arith.constant 0 : i32
      %dma_wait3A_187 = tpu.memref_slice %arg12[%dma_wait3A_185, %dma_wait3A_186] : memref<16x50xi32, #tpu.memory_space<vmem>> -> memref<1x50xi32, #tpu.memory_space<vmem>>
      %dma_wait3A_188 = tpu.memref_squeeze %dma_wait3A_187 : memref<1x50xi32, #tpu.memory_space<vmem>> -> memref<50xi32, #tpu.memory_space<vmem>>
      %dma_wait3A_189 = arith.constant 0 : i32
      %dma_wait3A_190 = tpu.memref_slice %arg2[%dma_wait3A_189, %multiple_of3A] : memref<10000x256xf32, #tpu.memory_space<hbm>> -> memref<10000x128xf32, #tpu.memory_space<hbm>>
      tpu.wait_indirect_dma semaphore(%arg24 : memref<!tpu.dma_semaphore, #tpu.memory_space<semaphore_mem>>) src(%dma_wait3A_190 : memref<10000x128xf32, #tpu.memory_space<hbm>>) dst(%arg19 : memref<50x128xf32, #tpu.memory_space<vmem>>)
      %dma_wait3A_191 = arith.constant 0 : i32
      %dma_wait3A_192 = arith.constant 0 : i32
      %dma_wait3A_193 = tpu.memref_slice %arg12[%dma_wait3A_191, %dma_wait3A_192] : memref<16x50xi32, #tpu.memory_space<vmem>> -> memref<1x50xi32, #tpu.memory_space<vmem>>
      %dma_wait3A_194 = tpu.memref_squeeze %dma_wait3A_193 : memref<1x50xi32, #tpu.memory_space<vmem>> -> memref<50xi32, #tpu.memory_space<vmem>>
      %dma_wait3A_195 = arith.constant 0 : i32
      %dma_wait3A_196 = tpu.memref_slice %arg2[%dma_wait3A_195, %multiple_of3A] : memref<10000x256xf32, #tpu.memory_space<hbm>> -> memref<10000x128xf32, #tpu.memory_space<hbm>>
      tpu.wait_indirect_dma semaphore(%arg24 : memref<!tpu.dma_semaphore, #tpu.memory_space<semaphore_mem>>) src(%dma_wait3A_196 : memref<10000x128xf32, #tpu.memory_space<hbm>>) dst(%arg20 : memref<50x128xf32, #tpu.memory_space<vmem>>)
      %add3A_197 = arith.constant 0 : i32
      %add3A_198 = arith.addi %add3A_182, %add3A_197 : i32
      %dma_start3A_199 = arith.constant 0 : i32
      %dma_start3A_200 = tpu.memref_slice %arg13[%add3A_198, %dma_start3A_199] : memref<16x50xi32, #tpu.memory_space<vmem>> -> memref<1x50xi32, #tpu.memory_space<vmem>>
      %dma_start3A_201 = tpu.memref_squeeze %dma_start3A_200 : memref<1x50xi32, #tpu.memory_space<vmem>> -> memref<50xi32, #tpu.memory_space<vmem>>
      %dma_start3A_202 = arith.constant 0 : i32
      %dma_start3A_203 = arith.constant 0 : i32
      %dma_start3A_204 = tpu.memref_slice %arg21[%dma_start3A_202, %dma_start3A_203] : memref<10240x128xf32, #tpu.memory_space<vmem_shared>> -> memref<10240x128xf32, #tpu.memory_space<vmem_shared>>
      tpu.enqueue_indirect_dma source(%arg19 : memref<50x128xf32, #tpu.memory_space<vmem>>) target(%dma_start3A_204 : memref<10240x128xf32, #tpu.memory_space<vmem_shared>>) offsets(%dma_start3A_201 : memref<50xi32, #tpu.memory_space<vmem>>) semaphore(%arg25 : memref<!tpu.dma_semaphore, #tpu.memory_space<semaphore_mem>>) {add = true}
      %add3A_205 = arith.constant 1 : i32
      %add3A_206 = arith.addi %add3A_182, %add3A_205 : i32
      %dma_start3A_207 = arith.constant 0 : i32
      %dma_start3A_208 = tpu.memref_slice %arg13[%add3A_206, %dma_start3A_207] : memref<16x50xi32, #tpu.memory_space<vmem>> -> memref<1x50xi32, #tpu.memory_space<vmem>>
      %dma_start3A_209 = tpu.memref_squeeze %dma_start3A_208 : memref<1x50xi32, #tpu.memory_space<vmem>> -> memref<50xi32, #tpu.memory_space<vmem>>
      %dma_start3A_210 = arith.constant 0 : i32
      %dma_start3A_211 = arith.constant 0 : i32
      %dma_start3A_212 = tpu.memref_slice %arg21[%dma_start3A_210, %dma_start3A_211] : memref<10240x128xf32, #tpu.memory_space<vmem_shared>> -> memref<10240x128xf32, #tpu.memory_space<vmem_shared>>
      tpu.enqueue_indirect_dma source(%arg20 : memref<50x128xf32, #tpu.memory_space<vmem>>) target(%dma_start3A_212 : memref<10240x128xf32, #tpu.memory_space<vmem_shared>>) offsets(%dma_start3A_209 : memref<50xi32, #tpu.memory_space<vmem>>) semaphore(%arg25 : memref<!tpu.dma_semaphore, #tpu.memory_space<semaphore_mem>>) {add = true}
      %dma_wait3A_213 = arith.constant 0 : i32
      %dma_wait3A_214 = arith.constant 0 : i32
      %dma_wait3A_215 = tpu.memref_slice %arg13[%dma_wait3A_213, %dma_wait3A_214] : memref<16x50xi32, #tpu.memory_space<vmem>> -> memref<1x50xi32, #tpu.memory_space<vmem>>
      %dma_wait3A_216 = tpu.memref_squeeze %dma_wait3A_215 : memref<1x50xi32, #tpu.memory_space<vmem>> -> memref<50xi32, #tpu.memory_space<vmem>>
      %dma_wait3A_217 = arith.constant 0 : i32
      %dma_wait3A_218 = arith.constant 0 : i32
      %dma_wait3A_219 = tpu.memref_slice %arg21[%dma_wait3A_217, %dma_wait3A_218] : memref<10240x128xf32, #tpu.memory_space<vmem_shared>> -> memref<10240x128xf32, #tpu.memory_space<vmem_shared>>
      tpu.wait_indirect_dma semaphore(%arg25 : memref<!tpu.dma_semaphore, #tpu.memory_space<semaphore_mem>>) src(%arg19 : memref<50x128xf32, #tpu.memory_space<vmem>>) dst(%dma_wait3A_219 : memref<10240x128xf32, #tpu.memory_space<vmem_shared>>)
      %dma_wait3A_220 = arith.constant 0 : i32
      %dma_wait3A_221 = arith.constant 0 : i32
      %dma_wait3A_222 = tpu.memref_slice %arg13[%dma_wait3A_220, %dma_wait3A_221] : memref<16x50xi32, #tpu.memory_space<vmem>> -> memref<1x50xi32, #tpu.memory_space<vmem>>
      %dma_wait3A_223 = tpu.memref_squeeze %dma_wait3A_222 : memref<1x50xi32, #tpu.memory_space<vmem>> -> memref<50xi32, #tpu.memory_space<vmem>>
      %dma_wait3A_224 = arith.constant 0 : i32
      %dma_wait3A_225 = arith.constant 0 : i32
      %dma_wait3A_226 = tpu.memref_slice %arg21[%dma_wait3A_224, %dma_wait3A_225] : memref<10240x128xf32, #tpu.memory_space<vmem_shared>> -> memref<10240x128xf32, #tpu.memory_space<vmem_shared>>
      tpu.wait_indirect_dma semaphore(%arg25 : memref<!tpu.dma_semaphore, #tpu.memory_space<semaphore_mem>>) src(%arg20 : memref<50x128xf32, #tpu.memory_space<vmem>>) dst(%dma_wait3A_226 : memref<10240x128xf32, #tpu.memory_space<vmem_shared>>)
      %add3A_227 = arith.constant 0 : i32
      %add3A_228 = arith.addi %add3A_184, %add3A_227 : i32
      %dma_start3A_229 = arith.constant 0 : i32
      %dma_start3A_230 = tpu.memref_slice %arg12[%add3A_228, %dma_start3A_229] : memref<16x50xi32, #tpu.memory_space<vmem>> -> memref<1x50xi32, #tpu.memory_space<vmem>>
      %dma_start3A_231 = tpu.memref_squeeze %dma_start3A_230 : memref<1x50xi32, #tpu.memory_space<vmem>> -> memref<50xi32, #tpu.memory_space<vmem>>
      %dma_start3A_232 = arith.constant 0 : i32
      %dma_start3A_233 = tpu.memref_slice %arg2[%dma_start3A_232, %multiple_of3A] : memref<10000x256xf32, #tpu.memory_space<hbm>> -> memref<10000x128xf32, #tpu.memory_space<hbm>>
      tpu.enqueue_indirect_dma source(%dma_start3A_233 : memref<10000x128xf32, #tpu.memory_space<hbm>>) target(%arg19 : memref<50x128xf32, #tpu.memory_space<vmem>>) offsets(%dma_start3A_231 : memref<50xi32, #tpu.memory_space<vmem>>) semaphore(%arg24 : memref<!tpu.dma_semaphore, #tpu.memory_space<semaphore_mem>>)
      %add3A_234 = arith.constant 1 : i32
      %add3A_235 = arith.addi %add3A_184, %add3A_234 : i32
      %dma_start3A_236 = arith.constant 0 : i32
      %dma_start3A_237 = tpu.memref_slice %arg12[%add3A_235, %dma_start3A_236] : memref<16x50xi32, #tpu.memory_space<vmem>> -> memref<1x50xi32, #tpu.memory_space<vmem>>
      %dma_start3A_238 = tpu.memref_squeeze %dma_start3A_237 : memref<1x50xi32, #tpu.memory_space<vmem>> -> memref<50xi32, #tpu.memory_space<vmem>>
      %dma_start3A_239 = arith.constant 0 : i32
      %dma_start3A_240 = tpu.memref_slice %arg2[%dma_start3A_239, %multiple_of3A] : memref<10000x256xf32, #tpu.memory_space<hbm>> -> memref<10000x128xf32, #tpu.memory_space<hbm>>
      tpu.enqueue_indirect_dma source(%dma_start3A_240 : memref<10000x128xf32, #tpu.memory_space<hbm>>) target(%arg20 : memref<50x128xf32, #tpu.memory_space<vmem>>) offsets(%dma_start3A_238 : memref<50xi32, #tpu.memory_space<vmem>>) semaphore(%arg24 : memref<!tpu.dma_semaphore, #tpu.memory_space<semaphore_mem>>)
      %add3A_241 = arith.constant 4 : i32
      %add3A_242 = arith.addi %multiple_of3A_112, %add3A_241 : i32
      %add3A_243 = arith.constant 0 : i32
      %add3A_244 = arith.addi %multiple_of3A_114, %add3A_243 : i32
      %dma_wait3A_245 = arith.constant 0 : i32
      %dma_wait3A_246 = arith.constant 0 : i32
      %dma_wait3A_247 = tpu.memref_slice %arg12[%dma_wait3A_245, %dma_wait3A_246] : memref<16x50xi32, #tpu.memory_space<vmem>> -> memref<1x50xi32, #tpu.memory_space<vmem>>
      %dma_wait3A_248 = tpu.memref_squeeze %dma_wait3A_247 : memref<1x50xi32, #tpu.memory_space<vmem>> -> memref<50xi32, #tpu.memory_space<vmem>>
      %dma_wait3A_249 = arith.constant 0 : i32
      %dma_wait3A_250 = tpu.memref_slice %arg2[%dma_wait3A_249, %multiple_of3A] : memref<10000x256xf32, #tpu.memory_space<hbm>> -> memref<10000x128xf32, #tpu.memory_space<hbm>>
      tpu.wait_indirect_dma semaphore(%arg22 : memref<!tpu.dma_semaphore, #tpu.memory_space<semaphore_mem>>) src(%dma_wait3A_250 : memref<10000x128xf32, #tpu.memory_space<hbm>>) dst(%arg17 : memref<50x128xf32, #tpu.memory_space<vmem>>)
      %dma_wait3A_251 = arith.constant 0 : i32
      %dma_wait3A_252 = arith.constant 0 : i32
      %dma_wait3A_253 = tpu.memref_slice %arg12[%dma_wait3A_251, %dma_wait3A_252] : memref<16x50xi32, #tpu.memory_space<vmem>> -> memref<1x50xi32, #tpu.memory_space<vmem>>
      %dma_wait3A_254 = tpu.memref_squeeze %dma_wait3A_253 : memref<1x50xi32, #tpu.memory_space<vmem>> -> memref<50xi32, #tpu.memory_space<vmem>>
      %dma_wait3A_255 = arith.constant 0 : i32
      %dma_wait3A_256 = tpu.memref_slice %arg2[%dma_wait3A_255, %multiple_of3A] : memref<10000x256xf32, #tpu.memory_space<hbm>> -> memref<10000x128xf32, #tpu.memory_space<hbm>>
      tpu.wait_indirect_dma semaphore(%arg22 : memref<!tpu.dma_semaphore, #tpu.memory_space<semaphore_mem>>) src(%dma_wait3A_256 : memref<10000x128xf32, #tpu.memory_space<hbm>>) dst(%arg18 : memref<50x128xf32, #tpu.memory_space<vmem>>)
      %add3A_257 = arith.constant 0 : i32
      %add3A_258 = arith.addi %add3A_242, %add3A_257 : i32
      %dma_start3A_259 = arith.constant 0 : i32
      %dma_start3A_260 = tpu.memref_slice %arg13[%add3A_258, %dma_start3A_259] : memref<16x50xi32, #tpu.memory_space<vmem>> -> memref<1x50xi32, #tpu.memory_space<vmem>>
      %dma_start3A_261 = tpu.memref_squeeze %dma_start3A_260 : memref<1x50xi32, #tpu.memory_space<vmem>> -> memref<50xi32, #tpu.memory_space<vmem>>
      %dma_start3A_262 = arith.constant 0 : i32
      %dma_start3A_263 = arith.constant 0 : i32
      %dma_start3A_264 = tpu.memref_slice %arg21[%dma_start3A_262, %dma_start3A_263] : memref<10240x128xf32, #tpu.memory_space<vmem_shared>> -> memref<10240x128xf32, #tpu.memory_space<vmem_shared>>
      tpu.enqueue_indirect_dma source(%arg17 : memref<50x128xf32, #tpu.memory_space<vmem>>) target(%dma_start3A_264 : memref<10240x128xf32, #tpu.memory_space<vmem_shared>>) offsets(%dma_start3A_261 : memref<50xi32, #tpu.memory_space<vmem>>) semaphore(%arg23 : memref<!tpu.dma_semaphore, #tpu.memory_space<semaphore_mem>>) {add = true}
      %add3A_265 = arith.constant 1 : i32
      %add3A_266 = arith.addi %add3A_242, %add3A_265 : i32
      %dma_start3A_267 = arith.constant 0 : i32
      %dma_start3A_268 = tpu.memref_slice %arg13[%add3A_266, %dma_start3A_267] : memref<16x50xi32, #tpu.memory_space<vmem>> -> memref<1x50xi32, #tpu.memory_space<vmem>>
      %dma_start3A_269 = tpu.memref_squeeze %dma_start3A_268 : memref<1x50xi32, #tpu.memory_space<vmem>> -> memref<50xi32, #tpu.memory_space<vmem>>
      %dma_start3A_270 = arith.constant 0 : i32
      %dma_start3A_271 = arith.constant 0 : i32
      %dma_start3A_272 = tpu.memref_slice %arg21[%dma_start3A_270, %dma_start3A_271] : memref<10240x128xf32, #tpu.memory_space<vmem_shared>> -> memref<10240x128xf32, #tpu.memory_space<vmem_shared>>
      tpu.enqueue_indirect_dma source(%arg18 : memref<50x128xf32, #tpu.memory_space<vmem>>) target(%dma_start3A_272 : memref<10240x128xf32, #tpu.memory_space<vmem_shared>>) offsets(%dma_start3A_269 : memref<50xi32, #tpu.memory_space<vmem>>) semaphore(%arg23 : memref<!tpu.dma_semaphore, #tpu.memory_space<semaphore_mem>>) {add = true}
      %dma_wait3A_273 = arith.constant 0 : i32
      %dma_wait3A_274 = arith.constant 0 : i32
      %dma_wait3A_275 = tpu.memref_slice %arg13[%dma_wait3A_273, %dma_wait3A_274] : memref<16x50xi32, #tpu.memory_space<vmem>> -> memref<1x50xi32, #tpu.memory_space<vmem>>
      %dma_wait3A_276 = tpu.memref_squeeze %dma_wait3A_275 : memref<1x50xi32, #tpu.memory_space<vmem>> -> memref<50xi32, #tpu.memory_space<vmem>>
      %dma_wait3A_277 = arith.constant 0 : i32
      %dma_wait3A_278 = arith.constant 0 : i32
      %dma_wait3A_279 = tpu.memref_slice %arg21[%dma_wait3A_277, %dma_wait3A_278] : memref<10240x128xf32, #tpu.memory_space<vmem_shared>> -> memref<10240x128xf32, #tpu.memory_space<vmem_shared>>
      tpu.wait_indirect_dma semaphore(%arg23 : memref<!tpu.dma_semaphore, #tpu.memory_space<semaphore_mem>>) src(%arg17 : memref<50x128xf32, #tpu.memory_space<vmem>>) dst(%dma_wait3A_279 : memref<10240x128xf32, #tpu.memory_space<vmem_shared>>)
      %dma_wait3A_280 = arith.constant 0 : i32
      %dma_wait3A_281 = arith.constant 0 : i32
      %dma_wait3A_282 = tpu.memref_slice %arg13[%dma_wait3A_280, %dma_wait3A_281] : memref<16x50xi32, #tpu.memory_space<vmem>> -> memref<1x50xi32, #tpu.memory_space<vmem>>
      %dma_wait3A_283 = tpu.memref_squeeze %dma_wait3A_282 : memref<1x50xi32, #tpu.memory_space<vmem>> -> memref<50xi32, #tpu.memory_space<vmem>>
      %dma_wait3A_284 = arith.constant 0 : i32
      %dma_wait3A_285 = arith.constant 0 : i32
      %dma_wait3A_286 = tpu.memref_slice %arg21[%dma_wait3A_284, %dma_wait3A_285] : memref<10240x128xf32, #tpu.memory_space<vmem_shared>> -> memref<10240x128xf32, #tpu.memory_space<vmem_shared>>
      tpu.wait_indirect_dma semaphore(%arg23 : memref<!tpu.dma_semaphore, #tpu.memory_space<semaphore_mem>>) src(%arg18 : memref<50x128xf32, #tpu.memory_space<vmem>>) dst(%dma_wait3A_286 : memref<10240x128xf32, #tpu.memory_space<vmem_shared>>)
      %convert_element_type3A_287 = arith.extui %lt3A_118 : i1 to i32
      %cond3A_288 = arith.constant 0 : i32
      %cond3A_289 = arith.cmpi ne, %convert_element_type3A_287, %cond3A_288 : i32
      scf.if %cond3A_289 {
        %add3A_339 = arith.constant 0 : i32
        %add3A_340 = arith.addi %add3A_244, %add3A_339 : i32
        %dma_start3A_341 = arith.constant 0 : i32
        %dma_start3A_342 = tpu.memref_slice %arg12[%add3A_340, %dma_start3A_341] : memref<16x50xi32, #tpu.memory_space<vmem>> -> memref<1x50xi32, #tpu.memory_space<vmem>>
        %dma_start3A_343 = tpu.memref_squeeze %dma_start3A_342 : memref<1x50xi32, #tpu.memory_space<vmem>> -> memref<50xi32, #tpu.memory_space<vmem>>
        %dma_start3A_344 = arith.constant 0 : i32
        %dma_start3A_345 = tpu.memref_slice %arg2[%dma_start3A_344, %multiple_of3A] : memref<10000x256xf32, #tpu.memory_space<hbm>> -> memref<10000x128xf32, #tpu.memory_space<hbm>>
        tpu.enqueue_indirect_dma source(%dma_start3A_345 : memref<10000x128xf32, #tpu.memory_space<hbm>>) target(%arg17 : memref<50x128xf32, #tpu.memory_space<vmem>>) offsets(%dma_start3A_343 : memref<50xi32, #tpu.memory_space<vmem>>) semaphore(%arg22 : memref<!tpu.dma_semaphore, #tpu.memory_space<semaphore_mem>>)
        %add3A_346 = arith.constant 1 : i32
        %add3A_347 = arith.addi %add3A_244, %add3A_346 : i32
        %dma_start3A_348 = arith.constant 0 : i32
        %dma_start3A_349 = tpu.memref_slice %arg12[%add3A_347, %dma_start3A_348] : memref<16x50xi32, #tpu.memory_space<vmem>> -> memref<1x50xi32, #tpu.memory_space<vmem>>
        %dma_start3A_350 = tpu.memref_squeeze %dma_start3A_349 : memref<1x50xi32, #tpu.memory_space<vmem>> -> memref<50xi32, #tpu.memory_space<vmem>>
        %dma_start3A_351 = arith.constant 0 : i32
        %dma_start3A_352 = tpu.memref_slice %arg2[%dma_start3A_351, %multiple_of3A] : memref<10000x256xf32, #tpu.memory_space<hbm>> -> memref<10000x128xf32, #tpu.memory_space<hbm>>
        tpu.enqueue_indirect_dma source(%dma_start3A_352 : memref<10000x128xf32, #tpu.memory_space<hbm>>) target(%arg18 : memref<50x128xf32, #tpu.memory_space<vmem>>) offsets(%dma_start3A_350 : memref<50xi32, #tpu.memory_space<vmem>>) semaphore(%arg22 : memref<!tpu.dma_semaphore, #tpu.memory_space<semaphore_mem>>)
      } else {
      }
      %add3A_290 = arith.constant 6 : i32
      %add3A_291 = arith.addi %multiple_of3A_112, %add3A_290 : i32
      %add3A_292 = arith.constant 2 : i32
      %add3A_293 = arith.addi %multiple_of3A_114, %add3A_292 : i32
      %dma_wait3A_294 = arith.constant 0 : i32
      %dma_wait3A_295 = arith.constant 0 : i32
      %dma_wait3A_296 = tpu.memref_slice %arg12[%dma_wait3A_294, %dma_wait3A_295] : memref<16x50xi32, #tpu.memory_space<vmem>> -> memref<1x50xi32, #tpu.memory_space<vmem>>
      %dma_wait3A_297 = tpu.memref_squeeze %dma_wait3A_296 : memref<1x50xi32, #tpu.memory_space<vmem>> -> memref<50xi32, #tpu.memory_space<vmem>>
      %dma_wait3A_298 = arith.constant 0 : i32
      %dma_wait3A_299 = tpu.memref_slice %arg2[%dma_wait3A_298, %multiple_of3A] : memref<10000x256xf32, #tpu.memory_space<hbm>> -> memref<10000x128xf32, #tpu.memory_space<hbm>>
      tpu.wait_indirect_dma semaphore(%arg24 : memref<!tpu.dma_semaphore, #tpu.memory_space<semaphore_mem>>) src(%dma_wait3A_299 : memref<10000x128xf32, #tpu.memory_space<hbm>>) dst(%arg19 : memref<50x128xf32, #tpu.memory_space<vmem>>)
      %dma_wait3A_300 = arith.constant 0 : i32
      %dma_wait3A_301 = arith.constant 0 : i32
      %dma_wait3A_302 = tpu.memref_slice %arg12[%dma_wait3A_300, %dma_wait3A_301] : memref<16x50xi32, #tpu.memory_space<vmem>> -> memref<1x50xi32, #tpu.memory_space<vmem>>
      %dma_wait3A_303 = tpu.memref_squeeze %dma_wait3A_302 : memref<1x50xi32, #tpu.memory_space<vmem>> -> memref<50xi32, #tpu.memory_space<vmem>>
      %dma_wait3A_304 = arith.constant 0 : i32
      %dma_wait3A_305 = tpu.memref_slice %arg2[%dma_wait3A_304, %multiple_of3A] : memref<10000x256xf32, #tpu.memory_space<hbm>> -> memref<10000x128xf32, #tpu.memory_space<hbm>>
      tpu.wait_indirect_dma semaphore(%arg24 : memref<!tpu.dma_semaphore, #tpu.memory_space<semaphore_mem>>) src(%dma_wait3A_305 : memref<10000x128xf32, #tpu.memory_space<hbm>>) dst(%arg20 : memref<50x128xf32, #tpu.memory_space<vmem>>)
      %add3A_306 = arith.constant 0 : i32
      %add3A_307 = arith.addi %add3A_291, %add3A_306 : i32
      %dma_start3A_308 = arith.constant 0 : i32
      %dma_start3A_309 = tpu.memref_slice %arg13[%add3A_307, %dma_start3A_308] : memref<16x50xi32, #tpu.memory_space<vmem>> -> memref<1x50xi32, #tpu.memory_space<vmem>>
      %dma_start3A_310 = tpu.memref_squeeze %dma_start3A_309 : memref<1x50xi32, #tpu.memory_space<vmem>> -> memref<50xi32, #tpu.memory_space<vmem>>
      %dma_start3A_311 = arith.constant 0 : i32
      %dma_start3A_312 = arith.constant 0 : i32
      %dma_start3A_313 = tpu.memref_slice %arg21[%dma_start3A_311, %dma_start3A_312] : memref<10240x128xf32, #tpu.memory_space<vmem_shared>> -> memref<10240x128xf32, #tpu.memory_space<vmem_shared>>
      tpu.enqueue_indirect_dma source(%arg19 : memref<50x128xf32, #tpu.memory_space<vmem>>) target(%dma_start3A_313 : memref<10240x128xf32, #tpu.memory_space<vmem_shared>>) offsets(%dma_start3A_310 : memref<50xi32, #tpu.memory_space<vmem>>) semaphore(%arg25 : memref<!tpu.dma_semaphore, #tpu.memory_space<semaphore_mem>>) {add = true}
      %add3A_314 = arith.constant 1 : i32
      %add3A_315 = arith.addi %add3A_291, %add3A_314 : i32
      %dma_start3A_316 = arith.constant 0 : i32
      %dma_start3A_317 = tpu.memref_slice %arg13[%add3A_315, %dma_start3A_316] : memref<16x50xi32, #tpu.memory_space<vmem>> -> memref<1x50xi32, #tpu.memory_space<vmem>>
      %dma_start3A_318 = tpu.memref_squeeze %dma_start3A_317 : memref<1x50xi32, #tpu.memory_space<vmem>> -> memref<50xi32, #tpu.memory_space<vmem>>
      %dma_start3A_319 = arith.constant 0 : i32
      %dma_start3A_320 = arith.constant 0 : i32
      %dma_start3A_321 = tpu.memref_slice %arg21[%dma_start3A_319, %dma_start3A_320] : memref<10240x128xf32, #tpu.memory_space<vmem_shared>> -> memref<10240x128xf32, #tpu.memory_space<vmem_shared>>
      tpu.enqueue_indirect_dma source(%arg20 : memref<50x128xf32, #tpu.memory_space<vmem>>) target(%dma_start3A_321 : memref<10240x128xf32, #tpu.memory_space<vmem_shared>>) offsets(%dma_start3A_318 : memref<50xi32, #tpu.memory_space<vmem>>) semaphore(%arg25 : memref<!tpu.dma_semaphore, #tpu.memory_space<semaphore_mem>>) {add = true}
      %dma_wait3A_322 = arith.constant 0 : i32
      %dma_wait3A_323 = arith.constant 0 : i32
      %dma_wait3A_324 = tpu.memref_slice %arg13[%dma_wait3A_322, %dma_wait3A_323] : memref<16x50xi32, #tpu.memory_space<vmem>> -> memref<1x50xi32, #tpu.memory_space<vmem>>
      %dma_wait3A_325 = tpu.memref_squeeze %dma_wait3A_324 : memref<1x50xi32, #tpu.memory_space<vmem>> -> memref<50xi32, #tpu.memory_space<vmem>>
      %dma_wait3A_326 = arith.constant 0 : i32
      %dma_wait3A_327 = arith.constant 0 : i32
      %dma_wait3A_328 = tpu.memref_slice %arg21[%dma_wait3A_326, %dma_wait3A_327] : memref<10240x128xf32, #tpu.memory_space<vmem_shared>> -> memref<10240x128xf32, #tpu.memory_space<vmem_shared>>
      tpu.wait_indirect_dma semaphore(%arg25 : memref<!tpu.dma_semaphore, #tpu.memory_space<semaphore_mem>>) src(%arg19 : memref<50x128xf32, #tpu.memory_space<vmem>>) dst(%dma_wait3A_328 : memref<10240x128xf32, #tpu.memory_space<vmem_shared>>)
      %dma_wait3A_329 = arith.constant 0 : i32
      %dma_wait3A_330 = arith.constant 0 : i32
      %dma_wait3A_331 = tpu.memref_slice %arg13[%dma_wait3A_329, %dma_wait3A_330] : memref<16x50xi32, #tpu.memory_space<vmem>> -> memref<1x50xi32, #tpu.memory_space<vmem>>
      %dma_wait3A_332 = tpu.memref_squeeze %dma_wait3A_331 : memref<1x50xi32, #tpu.memory_space<vmem>> -> memref<50xi32, #tpu.memory_space<vmem>>
      %dma_wait3A_333 = arith.constant 0 : i32
      %dma_wait3A_334 = arith.constant 0 : i32
      %dma_wait3A_335 = tpu.memref_slice %arg21[%dma_wait3A_333, %dma_wait3A_334] : memref<10240x128xf32, #tpu.memory_space<vmem_shared>> -> memref<10240x128xf32, #tpu.memory_space<vmem_shared>>
      tpu.wait_indirect_dma semaphore(%arg25 : memref<!tpu.dma_semaphore, #tpu.memory_space<semaphore_mem>>) src(%arg20 : memref<50x128xf32, #tpu.memory_space<vmem>>) dst(%dma_wait3A_335 : memref<10240x128xf32, #tpu.memory_space<vmem_shared>>)
      %convert_element_type3A_336 = arith.extui %lt3A_118 : i1 to i32
      %cond3A_337 = arith.constant 0 : i32
      %cond3A_338 = arith.cmpi ne, %convert_element_type3A_336, %cond3A_337 : i32
      scf.if %cond3A_338 {
        %add3A_339 = arith.constant 0 : i32
        %add3A_340 = arith.addi %add3A_293, %add3A_339 : i32
        %dma_start3A_341 = arith.constant 0 : i32
        %dma_start3A_342 = tpu.memref_slice %arg12[%add3A_340, %dma_start3A_341] : memref<16x50xi32, #tpu.memory_space<vmem>> -> memref<1x50xi32, #tpu.memory_space<vmem>>
        %dma_start3A_343 = tpu.memref_squeeze %dma_start3A_342 : memref<1x50xi32, #tpu.memory_space<vmem>> -> memref<50xi32, #tpu.memory_space<vmem>>
        %dma_start3A_344 = arith.constant 0 : i32
        %dma_start3A_345 = tpu.memref_slice %arg2[%dma_start3A_344, %multiple_of3A] : memref<10000x256xf32, #tpu.memory_space<hbm>> -> memref<10000x128xf32, #tpu.memory_space<hbm>>
        tpu.enqueue_indirect_dma source(%dma_start3A_345 : memref<10000x128xf32, #tpu.memory_space<hbm>>) target(%arg19 : memref<50x128xf32, #tpu.memory_space<vmem>>) offsets(%dma_start3A_343 : memref<50xi32, #tpu.memory_space<vmem>>) semaphore(%arg24 : memref<!tpu.dma_semaphore, #tpu.memory_space<semaphore_mem>>)
        %add3A_346 = arith.constant 1 : i32
        %add3A_347 = arith.addi %add3A_293, %add3A_346 : i32
        %dma_start3A_348 = arith.constant 0 : i32
        %dma_start3A_349 = tpu.memref_slice %arg12[%add3A_347, %dma_start3A_348] : memref<16x50xi32, #tpu.memory_space<vmem>> -> memref<1x50xi32, #tpu.memory_space<vmem>>
        %dma_start3A_350 = tpu.memref_squeeze %dma_start3A_349 : memref<1x50xi32, #tpu.memory_space<vmem>> -> memref<50xi32, #tpu.memory_space<vmem>>
        %dma_start3A_351 = arith.constant 0 : i32
        %dma_start3A_352 = tpu.memref_slice %arg2[%dma_start3A_351, %multiple_of3A] : memref<10000x256xf32, #tpu.memory_space<hbm>> -> memref<10000x128xf32, #tpu.memory_space<hbm>>
        tpu.enqueue_indirect_dma source(%dma_start3A_352 : memref<10000x128xf32, #tpu.memory_space<hbm>>) target(%arg20 : memref<50x128xf32, #tpu.memory_space<vmem>>) offsets(%dma_start3A_350 : memref<50xi32, #tpu.memory_space<vmem>>) semaphore(%arg24 : memref<!tpu.dma_semaphore, #tpu.memory_space<semaphore_mem>>)
      } else {
      }
    }
    %barrier3A_58 = arith.constant 0 : index
    tpu.barrier barrier_id(%barrier3A_58)
    %eq3A = arith.constant 0 : i32
    %eq3A_59 = arith.cmpi eq, %arg0, %eq3A : i32
    %convert_element_type3A = arith.extui %eq3A_59 : i1 to i32
    %cond3A = arith.constant 0 : i32
    %cond3A_60 = arith.cmpi ne, %convert_element_type3A, %cond3A : i32
    scf.if %cond3A_60 {
      "tpu.region"() ({
        %run_scoped3A_99 = tpu.sem_alloc : memref<!tpu.dma_semaphore, #tpu.memory_space<semaphore_mem>>
        %dma_start3A_100 = arith.constant 0 : i32
        %dma_start3A_101 = tpu.memref_slice %arg8[%mul3A_0, %dma_start3A_100] : memref<10240x128xf32, #tpu.memory_space<hbm>> -> memref<640x128xf32, #tpu.memory_space<hbm>>
        %dma_start3A_102 = arith.constant 0 : i32
        %dma_start3A_103 = tpu.memref_slice %arg21[%mul3A_0, %dma_start3A_102] : memref<10240x128xf32, #tpu.memory_space<vmem_shared>> -> memref<640x128xf32, #tpu.memory_space<vmem_shared>>
        tpu.enqueue_dma source(%dma_start3A_103 : memref<640x128xf32, #tpu.memory_space<vmem_shared>>) target(%dma_start3A_101 : memref<640x128xf32, #tpu.memory_space<hbm>>) target_semaphore(%run_scoped3A_99 : memref<!tpu.dma_semaphore, #tpu.memory_space<semaphore_mem>>)
        %dma_wait3A = arith.constant 0 : i32
        %dma_wait3A_104 = tpu.memref_slice %arg8[%mul3A_0, %dma_wait3A] : memref<10240x128xf32, #tpu.memory_space<hbm>> -> memref<640x128xf32, #tpu.memory_space<hbm>>
        %dma_wait3A_105 = arith.constant 0 : i32
        %dma_wait3A_106 = tpu.memref_slice %arg21[%mul3A_0, %dma_wait3A_105] : memref<10240x128xf32, #tpu.memory_space<vmem_shared>> -> memref<640x128xf32, #tpu.memory_space<vmem_shared>>
        tpu.wait_dma2 semaphore(%run_scoped3A_99 : memref<!tpu.dma_semaphore, #tpu.memory_space<semaphore_mem>>) src(%dma_wait3A_106 : memref<640x128xf32, #tpu.memory_space<vmem_shared>>) dst(%dma_wait3A_104 : memref<640x128xf32, #tpu.memory_space<hbm>>)
        tpu.yield
      }) : () -> ()
    } else {
    }
    %eq3A_61 = arith.constant 1 : i32
    %eq3A_62 = arith.cmpi eq, %arg0, %eq3A_61 : i32
    %convert_element_type3A_63 = arith.extui %eq3A_62 : i1 to i32
    %cond3A_64 = arith.constant 0 : i32
    %cond3A_65 = arith.cmpi ne, %convert_element_type3A_63, %cond3A_64 : i32
    scf.if %cond3A_65 {
      "tpu.region"() ({
        %run_scoped3A_99 = tpu.sem_alloc : memref<!tpu.dma_semaphore, #tpu.memory_space<semaphore_mem>>
        %dma_start3A_100 = arith.constant 0 : i32
        %dma_start3A_101 = tpu.memref_slice %arg9[%mul3A_0, %dma_start3A_100] : memref<10240x128xf32, #tpu.memory_space<hbm>> -> memref<640x128xf32, #tpu.memory_space<hbm>>
        %dma_start3A_102 = arith.constant 0 : i32
        %dma_start3A_103 = tpu.memref_slice %arg21[%mul3A_0, %dma_start3A_102] : memref<10240x128xf32, #tpu.memory_space<vmem_shared>> -> memref<640x128xf32, #tpu.memory_space<vmem_shared>>
        tpu.enqueue_dma source(%dma_start3A_103 : memref<640x128xf32, #tpu.memory_space<vmem_shared>>) target(%dma_start3A_101 : memref<640x128xf32, #tpu.memory_space<hbm>>) target_semaphore(%run_scoped3A_99 : memref<!tpu.dma_semaphore, #tpu.memory_space<semaphore_mem>>)
        %dma_wait3A = arith.constant 0 : i32
        %dma_wait3A_104 = tpu.memref_slice %arg9[%mul3A_0, %dma_wait3A] : memref<10240x128xf32, #tpu.memory_space<hbm>> -> memref<640x128xf32, #tpu.memory_space<hbm>>
        %dma_wait3A_105 = arith.constant 0 : i32
        %dma_wait3A_106 = tpu.memref_slice %arg21[%mul3A_0, %dma_wait3A_105] : memref<10240x128xf32, #tpu.memory_space<vmem_shared>> -> memref<640x128xf32, #tpu.memory_space<vmem_shared>>
        tpu.wait_dma2 semaphore(%run_scoped3A_99 : memref<!tpu.dma_semaphore, #tpu.memory_space<semaphore_mem>>) src(%dma_wait3A_106 : memref<640x128xf32, #tpu.memory_space<vmem_shared>>) dst(%dma_wait3A_104 : memref<640x128xf32, #tpu.memory_space<hbm>>)
        tpu.yield
      }) : () -> ()
    } else {
    }
    %eq3A_66 = arith.constant 0 : i32
    %eq3A_67 = arith.cmpi eq, %arg0, %eq3A_66 : i32
    %convert_element_type3A_68 = arith.extui %eq3A_67 : i1 to i32
    %cond3A_69 = arith.constant 0 : i32
    %cond3A_70 = arith.cmpi ne, %convert_element_type3A_68, %cond3A_69 : i32
    scf.if %cond3A_70 {
      %eq3A_99 = arith.constant 0 : i32
      %eq3A_100 = arith.cmpi eq, %arg1, %eq3A_99 : i32
      %convert_element_type3A_101 = arith.extui %eq3A_100 : i1 to i32
      %cond3A_102 = arith.constant 0 : i32
      %cond3A_103 = arith.cmpi ne, %convert_element_type3A_101, %cond3A_102 : i32
      scf.if %cond3A_103 {
        %run_scoped3A_104 = arith.constant 0 : i32
        %run_scoped3A_105 = arith.constant 0 : i32
        "tpu.region"() ({
          %run_scoped3A_106 = tpu.sem_alloc : memref<!tpu.dma_semaphore, #tpu.memory_space<semaphore_mem>>
          %dma_start3A_107 = arith.constant 0 : i32
          %dma_start3A_108 = tpu.memref_slice %arg21[%run_scoped3A_105, %dma_start3A_107] : memref<10240x128xf32, #tpu.memory_space<vmem_shared>> -> memref<80x128xf32, #tpu.memory_space<vmem_shared>>
          %dma_start3A_109 = arith.constant 0 : i32
          %dma_start3A_110 = tpu.memref_slice %arg6[%run_scoped3A_104, %dma_start3A_109] : memref<640x128xf32, #tpu.memory_space<hbm>> -> memref<80x128xf32, #tpu.memory_space<hbm>>
          tpu.enqueue_dma source(%dma_start3A_110 : memref<80x128xf32, #tpu.memory_space<hbm>>) target(%dma_start3A_108 : memref<80x128xf32, #tpu.memory_space<vmem_shared>>) target_semaphore(%run_scoped3A_106 : memref<!tpu.dma_semaphore, #tpu.memory_space<semaphore_mem>>)
          %dma_wait3A = arith.constant 0 : i32
          %dma_wait3A_111 = tpu.memref_slice %arg21[%run_scoped3A_105, %dma_wait3A] : memref<10240x128xf32, #tpu.memory_space<vmem_shared>> -> memref<80x128xf32, #tpu.memory_space<vmem_shared>>
          %dma_wait3A_112 = arith.constant 0 : i32
          %dma_wait3A_113 = tpu.memref_slice %arg6[%run_scoped3A_104, %dma_wait3A_112] : memref<640x128xf32, #tpu.memory_space<hbm>> -> memref<80x128xf32, #tpu.memory_space<hbm>>
          tpu.wait_dma2 semaphore(%run_scoped3A_106 : memref<!tpu.dma_semaphore, #tpu.memory_space<semaphore_mem>>) src(%dma_wait3A_113 : memref<80x128xf32, #tpu.memory_space<hbm>>) dst(%dma_wait3A_111 : memref<80x128xf32, #tpu.memory_space<vmem_shared>>)
          tpu.yield
        }) : () -> ()
      } else {
      }
    } else {
    }
    %eq3A_71 = arith.constant 1 : i32
    %eq3A_72 = arith.cmpi eq, %arg0, %eq3A_71 : i32
    %convert_element_type3A_73 = arith.extui %eq3A_72 : i1 to i32
    %cond3A_74 = arith.constant 0 : i32
    %cond3A_75 = arith.cmpi ne, %convert_element_type3A_73, %cond3A_74 : i32
    scf.if %cond3A_75 {
      %eq3A_99 = arith.constant 0 : i32
      %eq3A_100 = arith.cmpi eq, %arg1, %eq3A_99 : i32
      %convert_element_type3A_101 = arith.extui %eq3A_100 : i1 to i32
      %cond3A_102 = arith.constant 0 : i32
      %cond3A_103 = arith.cmpi ne, %convert_element_type3A_101, %cond3A_102 : i32
      scf.if %cond3A_103 {
        %run_scoped3A_104 = arith.constant 0 : i32
        %run_scoped3A_105 = arith.constant 0 : i32
        "tpu.region"() ({
          %run_scoped3A_106 = tpu.sem_alloc : memref<!tpu.dma_semaphore, #tpu.memory_space<semaphore_mem>>
          %dma_start3A_107 = arith.constant 0 : i32
          %dma_start3A_108 = tpu.memref_slice %arg21[%run_scoped3A_105, %dma_start3A_107] : memref<10240x128xf32, #tpu.memory_space<vmem_shared>> -> memref<80x128xf32, #tpu.memory_space<vmem_shared>>
          %dma_start3A_109 = arith.constant 0 : i32
          %dma_start3A_110 = tpu.memref_slice %arg6[%run_scoped3A_104, %dma_start3A_109] : memref<640x128xf32, #tpu.memory_space<hbm>> -> memref<80x128xf32, #tpu.memory_space<hbm>>
          tpu.enqueue_dma source(%dma_start3A_110 : memref<80x128xf32, #tpu.memory_space<hbm>>) target(%dma_start3A_108 : memref<80x128xf32, #tpu.memory_space<vmem_shared>>) target_semaphore(%run_scoped3A_106 : memref<!tpu.dma_semaphore, #tpu.memory_space<semaphore_mem>>)
          %dma_wait3A = arith.constant 0 : i32
          %dma_wait3A_111 = tpu.memref_slice %arg21[%run_scoped3A_105, %dma_wait3A] : memref<10240x128xf32, #tpu.memory_space<vmem_shared>> -> memref<80x128xf32, #tpu.memory_space<vmem_shared>>
          %dma_wait3A_112 = arith.constant 0 : i32
          %dma_wait3A_113 = tpu.memref_slice %arg6[%run_scoped3A_104, %dma_wait3A_112] : memref<640x128xf32, #tpu.memory_space<hbm>> -> memref<80x128xf32, #tpu.memory_space<hbm>>
          tpu.wait_dma2 semaphore(%run_scoped3A_106 : memref<!tpu.dma_semaphore, #tpu.memory_space<semaphore_mem>>) src(%dma_wait3A_113 : memref<80x128xf32, #tpu.memory_space<hbm>>) dst(%dma_wait3A_111 : memref<80x128xf32, #tpu.memory_space<vmem_shared>>)
          tpu.yield
        }) : () -> ()
      } else {
      }
    } else {
    }
    %while3A_76 = arith.constant 0 : i32
    %while3A_77 = arith.constant 0 : i32
    %while3A_78 = arith.constant 10 : i32
    %while3A_79 = arith.subi %while3A_78, %while3A_77 : i32
    %while3A_80 = arith.addi %while3A_77, %while3A_79 : i32
    %while3A_81 = arith.constant 1 : i32
    %while3A_82 = arith.divsi %while3A_79, %while3A_81 : i32
    %while3A_83 = arith.muli %while3A_82, %while3A_81 : i32
    %while3A_84 = arith.addi %while3A_77, %while3A_83 : i32
    %while3A_85 = arith.constant 1 : i32
    scf.for %while3A_99 = %while3A_77 to %while3A_84 step %while3A_85  : i32 {
      %lt3A = arith.constant 9 : i32
      %lt3A_100 = arith.cmpi slt, %while3A_99, %lt3A : i32
      %convert_element_type3A_101 = arith.extui %lt3A_100 : i1 to i32
      %cond3A_102 = arith.constant 0 : i32
      %cond3A_103 = arith.cmpi ne, %convert_element_type3A_101, %cond3A_102 : i32
      scf.if %cond3A_103 {
        %mul3A_124 = arith.constant 5000 : i32
        %mul3A_125 = arith.muli %add3A, %mul3A_124 : i32
        %mul3A_126 = arith.constant 512 : i32
        %mul3A_127 = arith.muli %while3A_99, %mul3A_126 : i32
        %add3A_128 = arith.addi %mul3A_125, %mul3A_127 : i32
        "tpu.region"() ({
          %run_scoped3A_129 = tpu.sem_alloc : memref<!tpu.dma_semaphore, #tpu.memory_space<semaphore_mem>>
          %dma_start3A_130 = tpu.memref_slice %arg5[%add3A_128] : memref<160000xi32, #tpu.memory_space<hbm>> -> memref<512xi32, #tpu.memory_space<hbm>>
          %dma_start3A_131 = tpu.memref_slice %arg5[%add3A_128] : memref<160000xi32, #tpu.memory_space<hbm>> -> memref<512xi32, #tpu.memory_space<hbm>>
          tpu.enqueue_dma source(%dma_start3A_131 : memref<512xi32, #tpu.memory_space<hbm>>) target(%arg14 : memref<512xi32, #tpu.memory_space<vmem>>) target_semaphore(%run_scoped3A_129 : memref<!tpu.dma_semaphore, #tpu.memory_space<semaphore_mem>>)
          %dma_wait3A = tpu.memref_slice %arg5[%add3A_128] : memref<160000xi32, #tpu.memory_space<hbm>> -> memref<512xi32, #tpu.memory_space<hbm>>
          %dma_wait3A_132 = tpu.memref_slice %arg5[%add3A_128] : memref<160000xi32, #tpu.memory_space<hbm>> -> memref<512xi32, #tpu.memory_space<hbm>>
          tpu.wait_dma2 semaphore(%run_scoped3A_129 : memref<!tpu.dma_semaphore, #tpu.memory_space<semaphore_mem>>) src(%dma_wait3A_132 : memref<512xi32, #tpu.memory_space<hbm>>) dst(%arg14 : memref<512xi32, #tpu.memory_space<vmem>>)
          tpu.yield
        }) : () -> ()
      } else {
      }
      %eq3A_104 = arith.constant 9 : i32
      %eq3A_105 = arith.cmpi eq, %while3A_99, %eq3A_104 : i32
      %convert_element_type3A_106 = arith.extui %eq3A_105 : i1 to i32
      %cond3A_107 = arith.constant 0 : i32
      %cond3A_108 = arith.cmpi ne, %convert_element_type3A_106, %cond3A_107 : i32
      scf.if %cond3A_108 {
        %mul3A_124 = arith.constant 5000 : i32
        %mul3A_125 = arith.muli %add3A, %mul3A_124 : i32
        %add3A_126 = arith.constant 4608 : i32
        %add3A_127 = arith.addi %mul3A_125, %add3A_126 : i32
        %run_scoped3A_128 = arith.constant 0 : i32
        "tpu.region"() ({
          %run_scoped3A_138 = tpu.sem_alloc : memref<!tpu.dma_semaphore, #tpu.memory_space<semaphore_mem>>
          %dma_start3A_139 = tpu.memref_slice %arg14[%run_scoped3A_128] : memref<512xi32, #tpu.memory_space<vmem>> -> memref<392xi32, #tpu.memory_space<vmem>>
          %dma_start3A_140 = tpu.memref_slice %arg5[%add3A_127] : memref<160000xi32, #tpu.memory_space<hbm>> -> memref<392xi32, #tpu.memory_space<hbm>>
          %dma_start3A_141 = tpu.memref_slice %arg14[%run_scoped3A_128] : memref<512xi32, #tpu.memory_space<vmem>> -> memref<392xi32, #tpu.memory_space<vmem>>
          %dma_start3A_142 = tpu.memref_slice %arg5[%add3A_127] : memref<160000xi32, #tpu.memory_space<hbm>> -> memref<392xi32, #tpu.memory_space<hbm>>
          tpu.enqueue_dma source(%dma_start3A_142 : memref<392xi32, #tpu.memory_space<hbm>>) target(%dma_start3A_141 : memref<392xi32, #tpu.memory_space<vmem>>) target_semaphore(%run_scoped3A_138 : memref<!tpu.dma_semaphore, #tpu.memory_space<semaphore_mem>>)
          %dma_wait3A = tpu.memref_slice %arg14[%run_scoped3A_128] : memref<512xi32, #tpu.memory_space<vmem>> -> memref<392xi32, #tpu.memory_space<vmem>>
          %dma_wait3A_143 = tpu.memref_slice %arg5[%add3A_127] : memref<160000xi32, #tpu.memory_space<hbm>> -> memref<392xi32, #tpu.memory_space<hbm>>
          %dma_wait3A_144 = tpu.memref_slice %arg14[%run_scoped3A_128] : memref<512xi32, #tpu.memory_space<vmem>> -> memref<392xi32, #tpu.memory_space<vmem>>
          %dma_wait3A_145 = tpu.memref_slice %arg5[%add3A_127] : memref<160000xi32, #tpu.memory_space<hbm>> -> memref<392xi32, #tpu.memory_space<hbm>>
          tpu.wait_dma2 semaphore(%run_scoped3A_138 : memref<!tpu.dma_semaphore, #tpu.memory_space<semaphore_mem>>) src(%dma_wait3A_145 : memref<392xi32, #tpu.memory_space<hbm>>) dst(%dma_wait3A_144 : memref<392xi32, #tpu.memory_space<vmem>>)
          tpu.yield
        }) : () -> ()
        %get3A = arith.constant 384 : i32
        %get3A_129 = arith.index_cast %get3A : i32 to index
        %get3A_130 = tpu.vector_load %arg14[%get3A_129] {strides = array<i32>} : memref<512xi32, #tpu.memory_space<vmem>>, vector<16xi32>,
        %lt3A_131 = arith.constant 8 : i32
        %lt3A_132 = vector.broadcast %lt3A_131 : i32 to vector<16xi32>
        %lt3A_133 = arith.cmpi slt, %iota3A, %lt3A_132 : vector<16xi32>
        %jit3A_134 = arith.constant 10239 : i32
        %broadcast_in_dim3A = vector.broadcast %jit3A_134 : i32 to vector<16xi32>
        %select_n3A_135 = arith.select %lt3A_133, %get3A_130, %broadcast_in_dim3A : vector<16xi1>, vector<16xi32>
        %swap3A = arith.constant 384 : i32
        %swap3A_136 = arith.index_cast %swap3A : i32 to index
        %swap3A_137 = tpu.vector_load %arg14[%swap3A_136] {strides = array<i32>} : memref<512xi32, #tpu.memory_space<vmem>>, vector<16xi32>,
        tpu.vector_store %arg14[%swap3A_136], %select_n3A_135 {strides = array<i32>} : memref<512xi32, #tpu.memory_space<vmem>>, vector<16xi32>,
      } else {
      }
      %lt3A_109 = arith.constant 9 : i32
      %lt3A_110 = arith.cmpi slt, %while3A_99, %lt3A_109 : i32
      %jit3A = arith.constant 32 : i32
      %jit3A_111 = arith.constant 25 : i32
      %select_n3A = arith.select %lt3A_110, %jit3A, %jit3A_111 : i32
      %while3A_112 = arith.constant 0 : i32
      %while3A_113 = arith.constant 0 : i32
      %while3A_114 = arith.subi %select_n3A, %while3A_112 : i32
      %while3A_115 = arith.addi %while3A_112, %while3A_114 : i32
      %while3A_116 = arith.constant 1 : i32
      %while3A_117 = arith.divsi %while3A_114, %while3A_116 : i32
      %while3A_118 = arith.muli %while3A_117, %while3A_116 : i32
      %while3A_119 = arith.addi %while3A_112, %while3A_118 : i32
      %while3A_120 = arith.constant 1 : i32
      %while3A_121 = scf.for %while3A_124 = %while3A_112 to %while3A_119 step %while3A_120 iter_args(%while3A_125 = %while3A_113) -> (i32)  : i32 {
        %get3A = arith.index_cast %while3A_125 : i32 to index
        %get3A_126 = tpu.vector_load %arg14[%get3A] {strides = array<i32>} : memref<512xi32, #tpu.memory_space<vmem>>, vector<16xi32>,
        %broadcast_in_dim3A = arith.constant true
        %broadcast_in_dim3A_127 = vector.broadcast %broadcast_in_dim3A : i1 to vector<16xi1>
        %unique3A, %unique3A_128 = tpu.scan_count mask(%broadcast_in_dim3A_127 : vector<16xi1>) value(%get3A_126 : vector<16xi32>) : vector<16xi1>, vector<16xi32>
        %jit3A_129 = arith.constant 128 : i32
        %div3A = vector.broadcast %jit3A_129 : i32 to vector<16xi32>
        %div3A_130 = arith.divsi %get3A_126, %div3A : vector<16xi32>
        %sign3A = arith.constant 0 : i32
        %sign3A_131 = vector.broadcast %sign3A : i32 to vector<16xi32>
        %sign3A_132 = arith.cmpi sgt, %get3A_126, %sign3A_131 : vector<16xi32>
        %sign3A_133 = arith.extui %sign3A_132 : vector<16xi1> to vector<16xi32>
        %sign3A_134 = arith.constant 0 : i32
        %sign3A_135 = vector.broadcast %sign3A_134 : i32 to vector<16xi32>
        %sign3A_136 = arith.cmpi slt, %get3A_126, %sign3A_135 : vector<16xi32>
        %sign3A_137 = arith.extui %sign3A_136 : vector<16xi1> to vector<16xi32>
        %sign3A_138 = arith.subi %sign3A_133, %sign3A_137 : vector<16xi32>
        %sign3A_139 = arith.constant 0 : i32
        %sign3A_140 = arith.cmpi sgt, %jit3A_129, %sign3A_139 : i32
        %sign3A_141 = arith.extui %sign3A_140 : i1 to i32
        %sign3A_142 = arith.constant 0 : i32
        %sign3A_143 = arith.cmpi slt, %jit3A_129, %sign3A_142 : i32
        %sign3A_144 = arith.extui %sign3A_143 : i1 to i32
        %sign3A_145 = arith.subi %sign3A_141, %sign3A_144 : i32
        %ne3A = vector.broadcast %sign3A_145 : i32 to vector<16xi32>
        %ne3A_146 = arith.cmpi ne, %sign3A_138, %ne3A : vector<16xi32>
        %rem3A = vector.broadcast %jit3A_129 : i32 to vector<16xi32>
        %rem3A_147 = arith.remsi %get3A_126, %rem3A : vector<16xi32>
        %ne3A_148 = arith.constant 0 : i32
        %ne3A_149 = vector.broadcast %ne3A_148 : i32 to vector<16xi32>
        %ne3A_150 = arith.cmpi ne, %rem3A_147, %ne3A_149 : vector<16xi32>
        %and3A = arith.andi %ne3A_146, %ne3A_150 : vector<16xi1>
        %sub3A = arith.constant 1 : i32
        %sub3A_151 = vector.broadcast %sub3A : i32 to vector<16xi32>
        %sub3A_152 = arith.subi %div3A_130, %sub3A_151 : vector<16xi32>
        %select_n3A_153 = arith.select %and3A, %sub3A_152, %div3A_130 : vector<16xi1>, vector<16xi32>
        %jit3A_154 = arith.constant 128 : i32
        %eq3A_155 = arith.constant 0 : i32
        %eq3A_156 = arith.cmpi eq, %jit3A_154, %eq3A_155 : i32
        %jit3A_157 = arith.constant 1 : i32
        %select_n3A_158 = arith.select %eq3A_156, %jit3A_157, %jit3A_154 : i32
        %rem3A_159 = vector.broadcast %select_n3A_158 : i32 to vector<16xi32>
        %rem3A_160 = arith.remsi %get3A_126, %rem3A_159 : vector<16xi32>
        %ne3A_161 = arith.constant 0 : i32
        %ne3A_162 = vector.broadcast %ne3A_161 : i32 to vector<16xi32>
        %ne3A_163 = arith.cmpi ne, %rem3A_160, %ne3A_162 : vector<16xi32>
        %lt3A_164 = arith.constant 0 : i32
        %lt3A_165 = vector.broadcast %lt3A_164 : i32 to vector<16xi32>
        %lt3A_166 = arith.cmpi slt, %rem3A_160, %lt3A_165 : vector<16xi32>
        %lt3A_167 = arith.constant 0 : i32
        %lt3A_168 = arith.cmpi slt, %select_n3A_158, %lt3A_167 : i32
        %ne3A_169 = vector.broadcast %lt3A_168 : i1 to vector<16xi1>
        %ne3A_170 = vector.broadcast %ne3A_169 : vector<16xi1> to vector<16xi1>
        %ne3A_171 = arith.xori %lt3A_166, %ne3A_170 : vector<16xi1>
        %and3A_172 = arith.andi %ne3A_171, %ne3A_163 : vector<16xi1>
        %add3A_173 = vector.broadcast %select_n3A_158 : i32 to vector<16xi32>
        %add3A_174 = arith.addi %rem3A_160, %add3A_173 : vector<16xi32>
        %select_n3A_175 = arith.select %and3A_172, %add3A_174, %rem3A_160 : vector<16xi1>, vector<16xi32>
        %convert_element_type3A_176 = arith.sitofp %unique3A_128 : vector<16xi32> to vector<16xf32>
        tpu.vector_store_idx %arg15[%select_n3A_153, %select_n3A_175], %convert_element_type3A_176 masked %unique3A {add = true} : memref<80x128xf32, #tpu.memory_space<vmem>>[vector<16xi32>, vector<16xi32>], vector<16xf32>, vector<16xi1>
        %add3A_177 = arith.constant 16 : i32
        %add3A_178 = arith.addi %while3A_125, %add3A_177 : i32
        scf.yield %add3A_178 : i32
      }
      %while3A_122 = arith.constant 1 : i32
      %while3A_123 = scf.for %while3A_124 = %while3A_119 to %while3A_115 step %while3A_122 iter_args(%while3A_125 = %while3A_121) -> (i32)  : i32 {
        %get3A = arith.index_cast %while3A_125 : i32 to index
        %get3A_126 = tpu.vector_load %arg14[%get3A] {strides = array<i32>} : memref<512xi32, #tpu.memory_space<vmem>>, vector<16xi32>,
        %broadcast_in_dim3A = arith.constant true
        %broadcast_in_dim3A_127 = vector.broadcast %broadcast_in_dim3A : i1 to vector<16xi1>
        %unique3A, %unique3A_128 = tpu.scan_count mask(%broadcast_in_dim3A_127 : vector<16xi1>) value(%get3A_126 : vector<16xi32>) : vector<16xi1>, vector<16xi32>
        %jit3A_129 = arith.constant 128 : i32
        %div3A = vector.broadcast %jit3A_129 : i32 to vector<16xi32>
        %div3A_130 = arith.divsi %get3A_126, %div3A : vector<16xi32>
        %sign3A = arith.constant 0 : i32
        %sign3A_131 = vector.broadcast %sign3A : i32 to vector<16xi32>
        %sign3A_132 = arith.cmpi sgt, %get3A_126, %sign3A_131 : vector<16xi32>
        %sign3A_133 = arith.extui %sign3A_132 : vector<16xi1> to vector<16xi32>
        %sign3A_134 = arith.constant 0 : i32
        %sign3A_135 = vector.broadcast %sign3A_134 : i32 to vector<16xi32>
        %sign3A_136 = arith.cmpi slt, %get3A_126, %sign3A_135 : vector<16xi32>
        %sign3A_137 = arith.extui %sign3A_136 : vector<16xi1> to vector<16xi32>
        %sign3A_138 = arith.subi %sign3A_133, %sign3A_137 : vector<16xi32>
        %sign3A_139 = arith.constant 0 : i32
        %sign3A_140 = arith.cmpi sgt, %jit3A_129, %sign3A_139 : i32
        %sign3A_141 = arith.extui %sign3A_140 : i1 to i32
        %sign3A_142 = arith.constant 0 : i32
        %sign3A_143 = arith.cmpi slt, %jit3A_129, %sign3A_142 : i32
        %sign3A_144 = arith.extui %sign3A_143 : i1 to i32
        %sign3A_145 = arith.subi %sign3A_141, %sign3A_144 : i32
        %ne3A = vector.broadcast %sign3A_145 : i32 to vector<16xi32>
        %ne3A_146 = arith.cmpi ne, %sign3A_138, %ne3A : vector<16xi32>
        %rem3A = vector.broadcast %jit3A_129 : i32 to vector<16xi32>
        %rem3A_147 = arith.remsi %get3A_126, %rem3A : vector<16xi32>
        %ne3A_148 = arith.constant 0 : i32
        %ne3A_149 = vector.broadcast %ne3A_148 : i32 to vector<16xi32>
        %ne3A_150 = arith.cmpi ne, %rem3A_147, %ne3A_149 : vector<16xi32>
        %and3A = arith.andi %ne3A_146, %ne3A_150 : vector<16xi1>
        %sub3A = arith.constant 1 : i32
        %sub3A_151 = vector.broadcast %sub3A : i32 to vector<16xi32>
        %sub3A_152 = arith.subi %div3A_130, %sub3A_151 : vector<16xi32>
        %select_n3A_153 = arith.select %and3A, %sub3A_152, %div3A_130 : vector<16xi1>, vector<16xi32>
        %jit3A_154 = arith.constant 128 : i32
        %eq3A_155 = arith.constant 0 : i32
        %eq3A_156 = arith.cmpi eq, %jit3A_154, %eq3A_155 : i32
        %jit3A_157 = arith.constant 1 : i32
        %select_n3A_158 = arith.select %eq3A_156, %jit3A_157, %jit3A_154 : i32
        %rem3A_159 = vector.broadcast %select_n3A_158 : i32 to vector<16xi32>
        %rem3A_160 = arith.remsi %get3A_126, %rem3A_159 : vector<16xi32>
        %ne3A_161 = arith.constant 0 : i32
        %ne3A_162 = vector.broadcast %ne3A_161 : i32 to vector<16xi32>
        %ne3A_163 = arith.cmpi ne, %rem3A_160, %ne3A_162 : vector<16xi32>
        %lt3A_164 = arith.constant 0 : i32
        %lt3A_165 = vector.broadcast %lt3A_164 : i32 to vector<16xi32>
        %lt3A_166 = arith.cmpi slt, %rem3A_160, %lt3A_165 : vector<16xi32>
        %lt3A_167 = arith.constant 0 : i32
        %lt3A_168 = arith.cmpi slt, %select_n3A_158, %lt3A_167 : i32
        %ne3A_169 = vector.broadcast %lt3A_168 : i1 to vector<16xi1>
        %ne3A_170 = vector.broadcast %ne3A_169 : vector<16xi1> to vector<16xi1>
        %ne3A_171 = arith.xori %lt3A_166, %ne3A_170 : vector<16xi1>
        %and3A_172 = arith.andi %ne3A_171, %ne3A_163 : vector<16xi1>
        %add3A_173 = vector.broadcast %select_n3A_158 : i32 to vector<16xi32>
        %add3A_174 = arith.addi %rem3A_160, %add3A_173 : vector<16xi32>
        %select_n3A_175 = arith.select %and3A_172, %add3A_174, %rem3A_160 : vector<16xi1>, vector<16xi32>
        %convert_element_type3A_176 = arith.sitofp %unique3A_128 : vector<16xi32> to vector<16xf32>
        tpu.vector_store_idx %arg15[%select_n3A_153, %select_n3A_175], %convert_element_type3A_176 masked %unique3A {add = true} : memref<80x128xf32, #tpu.memory_space<vmem>>[vector<16xi32>, vector<16xi32>], vector<16xf32>, vector<16xi1>
        %add3A_177 = arith.constant 16 : i32
        %add3A_178 = arith.addi %while3A_125, %add3A_177 : i32
        scf.yield %add3A_178 : i32
      }
    }
    %while3A_86 = arith.constant 1 : i32
    scf.for %while3A_99 = %while3A_84 to %while3A_80 step %while3A_86  : i32 {
      %lt3A = arith.constant 9 : i32
      %lt3A_100 = arith.cmpi slt, %while3A_99, %lt3A : i32
      %convert_element_type3A_101 = arith.extui %lt3A_100 : i1 to i32
      %cond3A_102 = arith.constant 0 : i32
      %cond3A_103 = arith.cmpi ne, %convert_element_type3A_101, %cond3A_102 : i32
      scf.if %cond3A_103 {
        %mul3A_124 = arith.constant 5000 : i32
        %mul3A_125 = arith.muli %add3A, %mul3A_124 : i32
        %mul3A_126 = arith.constant 512 : i32
        %mul3A_127 = arith.muli %while3A_99, %mul3A_126 : i32
        %add3A_128 = arith.addi %mul3A_125, %mul3A_127 : i32
        "tpu.region"() ({
          %run_scoped3A_129 = tpu.sem_alloc : memref<!tpu.dma_semaphore, #tpu.memory_space<semaphore_mem>>
          %dma_start3A_130 = tpu.memref_slice %arg5[%add3A_128] : memref<160000xi32, #tpu.memory_space<hbm>> -> memref<512xi32, #tpu.memory_space<hbm>>
          %dma_start3A_131 = tpu.memref_slice %arg5[%add3A_128] : memref<160000xi32, #tpu.memory_space<hbm>> -> memref<512xi32, #tpu.memory_space<hbm>>
          tpu.enqueue_dma source(%dma_start3A_131 : memref<512xi32, #tpu.memory_space<hbm>>) target(%arg14 : memref<512xi32, #tpu.memory_space<vmem>>) target_semaphore(%run_scoped3A_129 : memref<!tpu.dma_semaphore, #tpu.memory_space<semaphore_mem>>)
          %dma_wait3A = tpu.memref_slice %arg5[%add3A_128] : memref<160000xi32, #tpu.memory_space<hbm>> -> memref<512xi32, #tpu.memory_space<hbm>>
          %dma_wait3A_132 = tpu.memref_slice %arg5[%add3A_128] : memref<160000xi32, #tpu.memory_space<hbm>> -> memref<512xi32, #tpu.memory_space<hbm>>
          tpu.wait_dma2 semaphore(%run_scoped3A_129 : memref<!tpu.dma_semaphore, #tpu.memory_space<semaphore_mem>>) src(%dma_wait3A_132 : memref<512xi32, #tpu.memory_space<hbm>>) dst(%arg14 : memref<512xi32, #tpu.memory_space<vmem>>)
          tpu.yield
        }) : () -> ()
      } else {
      }
      %eq3A_104 = arith.constant 9 : i32
      %eq3A_105 = arith.cmpi eq, %while3A_99, %eq3A_104 : i32
      %convert_element_type3A_106 = arith.extui %eq3A_105 : i1 to i32
      %cond3A_107 = arith.constant 0 : i32
      %cond3A_108 = arith.cmpi ne, %convert_element_type3A_106, %cond3A_107 : i32
      scf.if %cond3A_108 {
        %mul3A_124 = arith.constant 5000 : i32
        %mul3A_125 = arith.muli %add3A, %mul3A_124 : i32
        %add3A_126 = arith.constant 4608 : i32
        %add3A_127 = arith.addi %mul3A_125, %add3A_126 : i32
        %run_scoped3A_128 = arith.constant 0 : i32
        "tpu.region"() ({
          %run_scoped3A_138 = tpu.sem_alloc : memref<!tpu.dma_semaphore, #tpu.memory_space<semaphore_mem>>
          %dma_start3A_139 = tpu.memref_slice %arg14[%run_scoped3A_128] : memref<512xi32, #tpu.memory_space<vmem>> -> memref<392xi32, #tpu.memory_space<vmem>>
          %dma_start3A_140 = tpu.memref_slice %arg5[%add3A_127] : memref<160000xi32, #tpu.memory_space<hbm>> -> memref<392xi32, #tpu.memory_space<hbm>>
          %dma_start3A_141 = tpu.memref_slice %arg14[%run_scoped3A_128] : memref<512xi32, #tpu.memory_space<vmem>> -> memref<392xi32, #tpu.memory_space<vmem>>
          %dma_start3A_142 = tpu.memref_slice %arg5[%add3A_127] : memref<160000xi32, #tpu.memory_space<hbm>> -> memref<392xi32, #tpu.memory_space<hbm>>
          tpu.enqueue_dma source(%dma_start3A_142 : memref<392xi32, #tpu.memory_space<hbm>>) target(%dma_start3A_141 : memref<392xi32, #tpu.memory_space<vmem>>) target_semaphore(%run_scoped3A_138 : memref<!tpu.dma_semaphore, #tpu.memory_space<semaphore_mem>>)
          %dma_wait3A = tpu.memref_slice %arg14[%run_scoped3A_128] : memref<512xi32, #tpu.memory_space<vmem>> -> memref<392xi32, #tpu.memory_space<vmem>>
          %dma_wait3A_143 = tpu.memref_slice %arg5[%add3A_127] : memref<160000xi32, #tpu.memory_space<hbm>> -> memref<392xi32, #tpu.memory_space<hbm>>
          %dma_wait3A_144 = tpu.memref_slice %arg14[%run_scoped3A_128] : memref<512xi32, #tpu.memory_space<vmem>> -> memref<392xi32, #tpu.memory_space<vmem>>
          %dma_wait3A_145 = tpu.memref_slice %arg5[%add3A_127] : memref<160000xi32, #tpu.memory_space<hbm>> -> memref<392xi32, #tpu.memory_space<hbm>>
          tpu.wait_dma2 semaphore(%run_scoped3A_138 : memref<!tpu.dma_semaphore, #tpu.memory_space<semaphore_mem>>) src(%dma_wait3A_145 : memref<392xi32, #tpu.memory_space<hbm>>) dst(%dma_wait3A_144 : memref<392xi32, #tpu.memory_space<vmem>>)
          tpu.yield
        }) : () -> ()
        %get3A = arith.constant 384 : i32
        %get3A_129 = arith.index_cast %get3A : i32 to index
        %get3A_130 = tpu.vector_load %arg14[%get3A_129] {strides = array<i32>} : memref<512xi32, #tpu.memory_space<vmem>>, vector<16xi32>,
        %lt3A_131 = arith.constant 8 : i32
        %lt3A_132 = vector.broadcast %lt3A_131 : i32 to vector<16xi32>
        %lt3A_133 = arith.cmpi slt, %iota3A, %lt3A_132 : vector<16xi32>
        %jit3A_134 = arith.constant 10239 : i32
        %broadcast_in_dim3A = vector.broadcast %jit3A_134 : i32 to vector<16xi32>
        %select_n3A_135 = arith.select %lt3A_133, %get3A_130, %broadcast_in_dim3A : vector<16xi1>, vector<16xi32>
        %swap3A = arith.constant 384 : i32
        %swap3A_136 = arith.index_cast %swap3A : i32 to index
        %swap3A_137 = tpu.vector_load %arg14[%swap3A_136] {strides = array<i32>} : memref<512xi32, #tpu.memory_space<vmem>>, vector<16xi32>,
        tpu.vector_store %arg14[%swap3A_136], %select_n3A_135 {strides = array<i32>} : memref<512xi32, #tpu.memory_space<vmem>>, vector<16xi32>,
      } else {
      }
      %lt3A_109 = arith.constant 9 : i32
      %lt3A_110 = arith.cmpi slt, %while3A_99, %lt3A_109 : i32
      %jit3A = arith.constant 32 : i32
      %jit3A_111 = arith.constant 25 : i32
      %select_n3A = arith.select %lt3A_110, %jit3A, %jit3A_111 : i32
      %while3A_112 = arith.constant 0 : i32
      %while3A_113 = arith.constant 0 : i32
      %while3A_114 = arith.subi %select_n3A, %while3A_112 : i32
      %while3A_115 = arith.addi %while3A_112, %while3A_114 : i32
      %while3A_116 = arith.constant 1 : i32
      %while3A_117 = arith.divsi %while3A_114, %while3A_116 : i32
      %while3A_118 = arith.muli %while3A_117, %while3A_116 : i32
      %while3A_119 = arith.addi %while3A_112, %while3A_118 : i32
      %while3A_120 = arith.constant 1 : i32
      %while3A_121 = scf.for %while3A_124 = %while3A_112 to %while3A_119 step %while3A_120 iter_args(%while3A_125 = %while3A_113) -> (i32)  : i32 {
        %get3A = arith.index_cast %while3A_125 : i32 to index
        %get3A_126 = tpu.vector_load %arg14[%get3A] {strides = array<i32>} : memref<512xi32, #tpu.memory_space<vmem>>, vector<16xi32>,
        %broadcast_in_dim3A = arith.constant true
        %broadcast_in_dim3A_127 = vector.broadcast %broadcast_in_dim3A : i1 to vector<16xi1>
        %unique3A, %unique3A_128 = tpu.scan_count mask(%broadcast_in_dim3A_127 : vector<16xi1>) value(%get3A_126 : vector<16xi32>) : vector<16xi1>, vector<16xi32>
        %jit3A_129 = arith.constant 128 : i32
        %div3A = vector.broadcast %jit3A_129 : i32 to vector<16xi32>
        %div3A_130 = arith.divsi %get3A_126, %div3A : vector<16xi32>
        %sign3A = arith.constant 0 : i32
        %sign3A_131 = vector.broadcast %sign3A : i32 to vector<16xi32>
        %sign3A_132 = arith.cmpi sgt, %get3A_126, %sign3A_131 : vector<16xi32>
        %sign3A_133 = arith.extui %sign3A_132 : vector<16xi1> to vector<16xi32>
        %sign3A_134 = arith.constant 0 : i32
        %sign3A_135 = vector.broadcast %sign3A_134 : i32 to vector<16xi32>
        %sign3A_136 = arith.cmpi slt, %get3A_126, %sign3A_135 : vector<16xi32>
        %sign3A_137 = arith.extui %sign3A_136 : vector<16xi1> to vector<16xi32>
        %sign3A_138 = arith.subi %sign3A_133, %sign3A_137 : vector<16xi32>
        %sign3A_139 = arith.constant 0 : i32
        %sign3A_140 = arith.cmpi sgt, %jit3A_129, %sign3A_139 : i32
        %sign3A_141 = arith.extui %sign3A_140 : i1 to i32
        %sign3A_142 = arith.constant 0 : i32
        %sign3A_143 = arith.cmpi slt, %jit3A_129, %sign3A_142 : i32
        %sign3A_144 = arith.extui %sign3A_143 : i1 to i32
        %sign3A_145 = arith.subi %sign3A_141, %sign3A_144 : i32
        %ne3A = vector.broadcast %sign3A_145 : i32 to vector<16xi32>
        %ne3A_146 = arith.cmpi ne, %sign3A_138, %ne3A : vector<16xi32>
        %rem3A = vector.broadcast %jit3A_129 : i32 to vector<16xi32>
        %rem3A_147 = arith.remsi %get3A_126, %rem3A : vector<16xi32>
        %ne3A_148 = arith.constant 0 : i32
        %ne3A_149 = vector.broadcast %ne3A_148 : i32 to vector<16xi32>
        %ne3A_150 = arith.cmpi ne, %rem3A_147, %ne3A_149 : vector<16xi32>
        %and3A = arith.andi %ne3A_146, %ne3A_150 : vector<16xi1>
        %sub3A = arith.constant 1 : i32
        %sub3A_151 = vector.broadcast %sub3A : i32 to vector<16xi32>
        %sub3A_152 = arith.subi %div3A_130, %sub3A_151 : vector<16xi32>
        %select_n3A_153 = arith.select %and3A, %sub3A_152, %div3A_130 : vector<16xi1>, vector<16xi32>
        %jit3A_154 = arith.constant 128 : i32
        %eq3A_155 = arith.constant 0 : i32
        %eq3A_156 = arith.cmpi eq, %jit3A_154, %eq3A_155 : i32
        %jit3A_157 = arith.constant 1 : i32
        %select_n3A_158 = arith.select %eq3A_156, %jit3A_157, %jit3A_154 : i32
        %rem3A_159 = vector.broadcast %select_n3A_158 : i32 to vector<16xi32>
        %rem3A_160 = arith.remsi %get3A_126, %rem3A_159 : vector<16xi32>
        %ne3A_161 = arith.constant 0 : i32
        %ne3A_162 = vector.broadcast %ne3A_161 : i32 to vector<16xi32>
        %ne3A_163 = arith.cmpi ne, %rem3A_160, %ne3A_162 : vector<16xi32>
        %lt3A_164 = arith.constant 0 : i32
        %lt3A_165 = vector.broadcast %lt3A_164 : i32 to vector<16xi32>
        %lt3A_166 = arith.cmpi slt, %rem3A_160, %lt3A_165 : vector<16xi32>
        %lt3A_167 = arith.constant 0 : i32
        %lt3A_168 = arith.cmpi slt, %select_n3A_158, %lt3A_167 : i32
        %ne3A_169 = vector.broadcast %lt3A_168 : i1 to vector<16xi1>
        %ne3A_170 = vector.broadcast %ne3A_169 : vector<16xi1> to vector<16xi1>
        %ne3A_171 = arith.xori %lt3A_166, %ne3A_170 : vector<16xi1>
        %and3A_172 = arith.andi %ne3A_171, %ne3A_163 : vector<16xi1>
        %add3A_173 = vector.broadcast %select_n3A_158 : i32 to vector<16xi32>
        %add3A_174 = arith.addi %rem3A_160, %add3A_173 : vector<16xi32>
        %select_n3A_175 = arith.select %and3A_172, %add3A_174, %rem3A_160 : vector<16xi1>, vector<16xi32>
        %convert_element_type3A_176 = arith.sitofp %unique3A_128 : vector<16xi32> to vector<16xf32>
        tpu.vector_store_idx %arg15[%select_n3A_153, %select_n3A_175], %convert_element_type3A_176 masked %unique3A {add = true} : memref<80x128xf32, #tpu.memory_space<vmem>>[vector<16xi32>, vector<16xi32>], vector<16xf32>, vector<16xi1>
        %add3A_177 = arith.constant 16 : i32
        %add3A_178 = arith.addi %while3A_125, %add3A_177 : i32
        scf.yield %add3A_178 : i32
      }
      %while3A_122 = arith.constant 1 : i32
      %while3A_123 = scf.for %while3A_124 = %while3A_119 to %while3A_115 step %while3A_122 iter_args(%while3A_125 = %while3A_121) -> (i32)  : i32 {
        %get3A = arith.index_cast %while3A_125 : i32 to index
        %get3A_126 = tpu.vector_load %arg14[%get3A] {strides = array<i32>} : memref<512xi32, #tpu.memory_space<vmem>>, vector<16xi32>,
        %broadcast_in_dim3A = arith.constant true
        %broadcast_in_dim3A_127 = vector.broadcast %broadcast_in_dim3A : i1 to vector<16xi1>
        %unique3A, %unique3A_128 = tpu.scan_count mask(%broadcast_in_dim3A_127 : vector<16xi1>) value(%get3A_126 : vector<16xi32>) : vector<16xi1>, vector<16xi32>
        %jit3A_129 = arith.constant 128 : i32
        %div3A = vector.broadcast %jit3A_129 : i32 to vector<16xi32>
        %div3A_130 = arith.divsi %get3A_126, %div3A : vector<16xi32>
        %sign3A = arith.constant 0 : i32
        %sign3A_131 = vector.broadcast %sign3A : i32 to vector<16xi32>
        %sign3A_132 = arith.cmpi sgt, %get3A_126, %sign3A_131 : vector<16xi32>
        %sign3A_133 = arith.extui %sign3A_132 : vector<16xi1> to vector<16xi32>
        %sign3A_134 = arith.constant 0 : i32
        %sign3A_135 = vector.broadcast %sign3A_134 : i32 to vector<16xi32>
        %sign3A_136 = arith.cmpi slt, %get3A_126, %sign3A_135 : vector<16xi32>
        %sign3A_137 = arith.extui %sign3A_136 : vector<16xi1> to vector<16xi32>
        %sign3A_138 = arith.subi %sign3A_133, %sign3A_137 : vector<16xi32>
        %sign3A_139 = arith.constant 0 : i32
        %sign3A_140 = arith.cmpi sgt, %jit3A_129, %sign3A_139 : i32
        %sign3A_141 = arith.extui %sign3A_140 : i1 to i32
        %sign3A_142 = arith.constant 0 : i32
        %sign3A_143 = arith.cmpi slt, %jit3A_129, %sign3A_142 : i32
        %sign3A_144 = arith.extui %sign3A_143 : i1 to i32
        %sign3A_145 = arith.subi %sign3A_141, %sign3A_144 : i32
        %ne3A = vector.broadcast %sign3A_145 : i32 to vector<16xi32>
        %ne3A_146 = arith.cmpi ne, %sign3A_138, %ne3A : vector<16xi32>
        %rem3A = vector.broadcast %jit3A_129 : i32 to vector<16xi32>
        %rem3A_147 = arith.remsi %get3A_126, %rem3A : vector<16xi32>
        %ne3A_148 = arith.constant 0 : i32
        %ne3A_149 = vector.broadcast %ne3A_148 : i32 to vector<16xi32>
        %ne3A_150 = arith.cmpi ne, %rem3A_147, %ne3A_149 : vector<16xi32>
        %and3A = arith.andi %ne3A_146, %ne3A_150 : vector<16xi1>
        %sub3A = arith.constant 1 : i32
        %sub3A_151 = vector.broadcast %sub3A : i32 to vector<16xi32>
        %sub3A_152 = arith.subi %div3A_130, %sub3A_151 : vector<16xi32>
        %select_n3A_153 = arith.select %and3A, %sub3A_152, %div3A_130 : vector<16xi1>, vector<16xi32>
        %jit3A_154 = arith.constant 128 : i32
        %eq3A_155 = arith.constant 0 : i32
        %eq3A_156 = arith.cmpi eq, %jit3A_154, %eq3A_155 : i32
        %jit3A_157 = arith.constant 1 : i32
        %select_n3A_158 = arith.select %eq3A_156, %jit3A_157, %jit3A_154 : i32
        %rem3A_159 = vector.broadcast %select_n3A_158 : i32 to vector<16xi32>
        %rem3A_160 = arith.remsi %get3A_126, %rem3A_159 : vector<16xi32>
        %ne3A_161 = arith.constant 0 : i32
        %ne3A_162 = vector.broadcast %ne3A_161 : i32 to vector<16xi32>
        %ne3A_163 = arith.cmpi ne, %rem3A_160, %ne3A_162 : vector<16xi32>
        %lt3A_164 = arith.constant 0 : i32
        %lt3A_165 = vector.broadcast %lt3A_164 : i32 to vector<16xi32>
        %lt3A_166 = arith.cmpi slt, %rem3A_160, %lt3A_165 : vector<16xi32>
        %lt3A_167 = arith.constant 0 : i32
        %lt3A_168 = arith.cmpi slt, %select_n3A_158, %lt3A_167 : i32
        %ne3A_169 = vector.broadcast %lt3A_168 : i1 to vector<16xi1>
        %ne3A_170 = vector.broadcast %ne3A_169 : vector<16xi1> to vector<16xi1>
        %ne3A_171 = arith.xori %lt3A_166, %ne3A_170 : vector<16xi1>
        %and3A_172 = arith.andi %ne3A_171, %ne3A_163 : vector<16xi1>
        %add3A_173 = vector.broadcast %select_n3A_158 : i32 to vector<16xi32>
        %add3A_174 = arith.addi %rem3A_160, %add3A_173 : vector<16xi32>
        %select_n3A_175 = arith.select %and3A_172, %add3A_174, %rem3A_160 : vector<16xi1>, vector<16xi32>
        %convert_element_type3A_176 = arith.sitofp %unique3A_128 : vector<16xi32> to vector<16xf32>
        tpu.vector_store_idx %arg15[%select_n3A_153, %select_n3A_175], %convert_element_type3A_176 masked %unique3A {add = true} : memref<80x128xf32, #tpu.memory_space<vmem>>[vector<16xi32>, vector<16xi32>], vector<16xf32>, vector<16xi1>
        %add3A_177 = arith.constant 16 : i32
        %add3A_178 = arith.addi %while3A_125, %add3A_177 : i32
        scf.yield %add3A_178 : i32
      }
    }
    %barrier3A_87 = arith.constant 0 : index
    tpu.barrier barrier_id(%barrier3A_87)
    "tpu.region"() ({
      %run_scoped3A_99 = tpu.sem_alloc : memref<!tpu.dma_semaphore, #tpu.memory_space<semaphore_mem>>
      %dma_start3A_100 = arith.constant 0 : i32
      %dma_start3A_101 = arith.constant 0 : i32
      %dma_start3A_102 = tpu.memref_slice %arg21[%dma_start3A_100, %dma_start3A_101] : memref<10240x128xf32, #tpu.memory_space<vmem_shared>> -> memref<10240x128xf32, #tpu.memory_space<vmem_shared>>
      tpu.enqueue_indirect_dma source(%arg15 : memref<80x128xf32, #tpu.memory_space<vmem>>) target(%dma_start3A_102 : memref<10240x128xf32, #tpu.memory_space<vmem_shared>>) offsets(%arg16 : memref<80xi32, #tpu.memory_space<vmem>>) semaphore(%run_scoped3A_99 : memref<!tpu.dma_semaphore, #tpu.memory_space<semaphore_mem>>) {add = true}
      %dma_wait3A = arith.constant 0 : i32
      %dma_wait3A_103 = arith.constant 0 : i32
      %dma_wait3A_104 = tpu.memref_slice %arg21[%dma_wait3A, %dma_wait3A_103] : memref<10240x128xf32, #tpu.memory_space<vmem_shared>> -> memref<10240x128xf32, #tpu.memory_space<vmem_shared>>
      tpu.wait_indirect_dma semaphore(%run_scoped3A_99 : memref<!tpu.dma_semaphore, #tpu.memory_space<semaphore_mem>>) src(%arg15 : memref<80x128xf32, #tpu.memory_space<vmem>>) dst(%dma_wait3A_104 : memref<10240x128xf32, #tpu.memory_space<vmem_shared>>)
      tpu.yield
    }) : () -> ()
    %barrier3A_88 = arith.constant 0 : index
    tpu.barrier barrier_id(%barrier3A_88)
    %eq3A_89 = arith.constant 0 : i32
    %eq3A_90 = arith.cmpi eq, %arg0, %eq3A_89 : i32
    %convert_element_type3A_91 = arith.extui %eq3A_90 : i1 to i32
    %cond3A_92 = arith.constant 0 : i32
    %cond3A_93 = arith.cmpi ne, %convert_element_type3A_91, %cond3A_92 : i32
    scf.if %cond3A_93 {
      %eq3A_99 = arith.constant 0 : i32
      %eq3A_100 = arith.cmpi eq, %arg1, %eq3A_99 : i32
      %convert_element_type3A_101 = arith.extui %eq3A_100 : i1 to i32
      %cond3A_102 = arith.constant 0 : i32
      %cond3A_103 = arith.cmpi ne, %convert_element_type3A_101, %cond3A_102 : i32
      scf.if %cond3A_103 {
        %run_scoped3A_104 = arith.constant 0 : i32
        "tpu.region"() ({
          %run_scoped3A_105 = tpu.sem_alloc : memref<!tpu.dma_semaphore, #tpu.memory_space<semaphore_mem>>
          %dma_start3A_106 = arith.constant 0 : i32
          %dma_start3A_107 = tpu.memref_slice %arg21[%run_scoped3A_104, %dma_start3A_106] : memref<10240x128xf32, #tpu.memory_space<vmem_shared>> -> memref<80x128xf32, #tpu.memory_space<vmem_shared>>
          tpu.enqueue_dma source(%dma_start3A_107 : memref<80x128xf32, #tpu.memory_space<vmem_shared>>) target(%arg10 : memref<80x128xf32, #tpu.memory_space<hbm>>) target_semaphore(%run_scoped3A_105 : memref<!tpu.dma_semaphore, #tpu.memory_space<semaphore_mem>>)
          %dma_wait3A = arith.constant 0 : i32
          %dma_wait3A_108 = tpu.memref_slice %arg21[%run_scoped3A_104, %dma_wait3A] : memref<10240x128xf32, #tpu.memory_space<vmem_shared>> -> memref<80x128xf32, #tpu.memory_space<vmem_shared>>
          tpu.wait_dma2 semaphore(%run_scoped3A_105 : memref<!tpu.dma_semaphore, #tpu.memory_space<semaphore_mem>>) src(%dma_wait3A_108 : memref<80x128xf32, #tpu.memory_space<vmem_shared>>) dst(%arg10 : memref<80x128xf32, #tpu.memory_space<hbm>>)
          tpu.yield
        }) : () -> ()
      } else {
      }
    } else {
    }
    %eq3A_94 = arith.constant 1 : i32
    %eq3A_95 = arith.cmpi eq, %arg0, %eq3A_94 : i32
    %convert_element_type3A_96 = arith.extui %eq3A_95 : i1 to i32
    %cond3A_97 = arith.constant 0 : i32
    %cond3A_98 = arith.cmpi ne, %convert_element_type3A_96, %cond3A_97 : i32
    scf.if %cond3A_98 {
      %eq3A_99 = arith.constant 0 : i32
      %eq3A_100 = arith.cmpi eq, %arg1, %eq3A_99 : i32
      %convert_element_type3A_101 = arith.extui %eq3A_100 : i1 to i32
      %cond3A_102 = arith.constant 0 : i32
      %cond3A_103 = arith.cmpi ne, %convert_element_type3A_101, %cond3A_102 : i32
      scf.if %cond3A_103 {
        %run_scoped3A_104 = arith.constant 0 : i32
        "tpu.region"() ({
          %run_scoped3A_105 = tpu.sem_alloc : memref<!tpu.dma_semaphore, #tpu.memory_space<semaphore_mem>>
          %dma_start3A_106 = arith.constant 0 : i32
          %dma_start3A_107 = tpu.memref_slice %arg21[%run_scoped3A_104, %dma_start3A_106] : memref<10240x128xf32, #tpu.memory_space<vmem_shared>> -> memref<80x128xf32, #tpu.memory_space<vmem_shared>>
          tpu.enqueue_dma source(%dma_start3A_107 : memref<80x128xf32, #tpu.memory_space<vmem_shared>>) target(%arg11 : memref<80x128xf32, #tpu.memory_space<hbm>>) target_semaphore(%run_scoped3A_105 : memref<!tpu.dma_semaphore, #tpu.memory_space<semaphore_mem>>)
          %dma_wait3A = arith.constant 0 : i32
          %dma_wait3A_108 = tpu.memref_slice %arg21[%run_scoped3A_104, %dma_wait3A] : memref<10240x128xf32, #tpu.memory_space<vmem_shared>> -> memref<80x128xf32, #tpu.memory_space<vmem_shared>>
          tpu.wait_dma2 semaphore(%run_scoped3A_105 : memref<!tpu.dma_semaphore, #tpu.memory_space<semaphore_mem>>) src(%dma_wait3A_108 : memref<80x128xf32, #tpu.memory_space<vmem_shared>>) dst(%arg11 : memref<80x128xf32, #tpu.memory_space<hbm>>)
          tpu.yield
        }) : () -> ()
      } else {
      }
    } else {
    }
    return
  }
}

module attributes {stable_mosaic.version = 14 : i64} {
  func.func @_tc_body(%arg0: i32, %arg1: memref<2000x256xf32, #tpu.memory_space<vmem>>, %arg2: memref<2000x128xf32, #tpu.memory_space<vmem>>, %arg3: memref<2000x128xf32, #tpu.memory_space<vmem>>, %arg4: memref<2000x1xf32, #tpu.memory_space<vmem>>, %arg5: memref<2000x1xf32, #tpu.memory_space<vmem>>, %arg6: memref<256x256xf32, #tpu.memory_space<vmem>>, %arg7: memref<1x256xf32, #tpu.memory_space<vmem>>, %arg8: memref<256x256xf32, #tpu.memory_space<vmem>>, %arg9: memref<1x256xf32, #tpu.memory_space<vmem>>, %arg10: memref<512x256xf32, #tpu.memory_space<vmem>>, %arg11: memref<256x256xf32, #tpu.memory_space<vmem>>, %arg12: memref<1x256xf32, #tpu.memory_space<vmem>>, %arg13: memref<256x256xf32, #tpu.memory_space<vmem>>, %arg14: memref<1x256xf32, #tpu.memory_space<vmem>>, %arg15: memref<2000x256xf32, #tpu.memory_space<vmem>>, %arg16: memref<2000x1xi32, #tpu.memory_space<vmem>>, %arg17: memref<1x1xf32, #tpu.memory_space<smem>>, %arg18: memref<512x256xf32, #tpu.memory_space<vmem>>) attributes {dimension_semantics = [#tpu.dimension_semantics<arbitrary>], iteration_bounds = array<i64: 5>, scalar_prefetch = 0 : i64, scratch_operands = 1 : i64, tpu.core_type = #tpu.core_type<tc>, window_params = [{transform_indices = @transform_0, window_bounds = array<i64: 2000, 256>}, {transform_indices = @transform_1, window_bounds = array<i64: 2000, 128>}, {transform_indices = @transform_2, window_bounds = array<i64: 2000, 128>}, {transform_indices = @transform_3, window_bounds = array<i64: 2000, 1>}, {transform_indices = @transform_4, window_bounds = array<i64: 2000, 1>}, {pipeline_mode = #tpu.pipeline_mode<synchronous>, transform_indices = @transform_5, window_bounds = array<i64: 256, 256>}, {pipeline_mode = #tpu.pipeline_mode<synchronous>, transform_indices = @transform_6, window_bounds = array<i64: 1, 256>}, {pipeline_mode = #tpu.pipeline_mode<synchronous>, transform_indices = @transform_7, window_bounds = array<i64: 256, 256>}, {pipeline_mode = #tpu.pipeline_mode<synchronous>, transform_indices = @transform_8, window_bounds = array<i64: 1, 256>}, {pipeline_mode = #tpu.pipeline_mode<synchronous>, transform_indices = @transform_9, window_bounds = array<i64: 512, 256>}, {pipeline_mode = #tpu.pipeline_mode<synchronous>, transform_indices = @transform_10, window_bounds = array<i64: 256, 256>}, {pipeline_mode = #tpu.pipeline_mode<synchronous>, transform_indices = @transform_11, window_bounds = array<i64: 1, 256>}, {pipeline_mode = #tpu.pipeline_mode<synchronous>, transform_indices = @transform_12, window_bounds = array<i64: 256, 256>}, {pipeline_mode = #tpu.pipeline_mode<synchronous>, transform_indices = @transform_13, window_bounds = array<i64: 1, 256>}, {transform_indices = @transform_14, window_bounds = array<i64: 2000, 256>}, {transform_indices = @transform_15, window_bounds = array<i64: 2000, 1>}, {transform_indices = @transform_16, window_bounds = array<i64: 1, 1>}]} {
    %eq3A = arith.constant 0 : i32
    %eq3A_0 = arith.cmpi eq, %arg0, %eq3A : i32
    %convert_element_type3A = arith.extui %eq3A_0 : i1 to i32
    %cond3A = arith.constant 0 : i32
    %cond3A_1 = arith.cmpi ne, %convert_element_type3A, %cond3A : i32
    scf.if %cond3A_1 {
      %get3A_95 = arith.constant 0 : index
      %get3A_96 = arith.constant 0 : index
      %get3A_97 = vector.load %arg10[%get3A_95, %get3A_96] : memref<512x256xf32, #tpu.memory_space<vmem>>, vector<512x256xf32>
      %get3A_98 = arith.constant 0 : index
      %get3A_99 = arith.constant 0 : index
      %get3A_100 = vector.load %arg11[%get3A_98, %get3A_99] : memref<256x256xf32, #tpu.memory_space<vmem>>, vector<256x256xf32>
      %dot_general3A_101 = arith.constant dense<0.000000e+00> : vector<512x256xf32>
      %dot_general3A_102 = tpu.matmul %get3A_97, %get3A_100, %dot_general3A_101 {dimension_numbers = #tpu.dot_dimension_numbers<[1], [0], [0], [1], [0, 0, 1, 1], [], []>, transpose_lhs_hint = false} : vector<512x256xf32>, vector<256x256xf32>, vector<512x256xf32> -> vector<512x256xf32>
      %get3A_103 = arith.constant 0 : index
      %get3A_104 = arith.constant 0 : index
      %get3A_105 = vector.load %arg12[%get3A_103, %get3A_104] : memref<1x256xf32, #tpu.memory_space<vmem>>, vector<1x256xf32>
      %add3A_106 = vector.broadcast %get3A_105 : vector<1x256xf32> to vector<512x256xf32>
      %add3A_107 = arith.addf %dot_general3A_102, %add3A_106 : vector<512x256xf32>
      %max3A_108 = arith.constant 0.000000e+00 : f32
      %max3A_109 = vector.broadcast %max3A_108 : f32 to vector<512x256xf32>
      %max3A_110 = arith.maximumf %add3A_107, %max3A_109 : vector<512x256xf32>
      %get3A_111 = arith.constant 0 : index
      %get3A_112 = arith.constant 0 : index
      %get3A_113 = vector.load %arg13[%get3A_111, %get3A_112] : memref<256x256xf32, #tpu.memory_space<vmem>>, vector<256x256xf32>
      %dot_general3A_114 = arith.constant dense<0.000000e+00> : vector<512x256xf32>
      %dot_general3A_115 = tpu.matmul %max3A_110, %get3A_113, %dot_general3A_114 {dimension_numbers = #tpu.dot_dimension_numbers<[1], [0], [0], [1], [0, 0, 1, 1], [], []>, transpose_lhs_hint = false} : vector<512x256xf32>, vector<256x256xf32>, vector<512x256xf32> -> vector<512x256xf32>
      %get3A_116 = arith.constant 0 : index
      %get3A_117 = arith.constant 0 : index
      %get3A_118 = vector.load %arg14[%get3A_116, %get3A_117] : memref<1x256xf32, #tpu.memory_space<vmem>>, vector<1x256xf32>
      %add3A_119 = vector.broadcast %get3A_118 : vector<1x256xf32> to vector<512x256xf32>
      %add3A_120 = arith.addf %dot_general3A_115, %add3A_119 : vector<512x256xf32>
      %swap3A_121 = arith.constant 0 : index
      %swap3A_122 = arith.constant 0 : index
      %swap3A_123 = vector.load %arg18[%swap3A_121, %swap3A_122] : memref<512x256xf32, #tpu.memory_space<vmem>>, vector<512x256xf32>
      tpu.vector_store %arg18[%swap3A_121, %swap3A_122], %add3A_120 {strides = array<i32>} : memref<512x256xf32, #tpu.memory_space<vmem>>, vector<512x256xf32>,
      %swap3A_124 = arith.constant 0.000000e+00 : f32
      %swap3A_125 = arith.constant 0 : index
      %swap3A_126 = arith.constant 0 : index
      %swap3A_127 = memref.load %arg17[%swap3A_125, %swap3A_126] : memref<1x1xf32, #tpu.memory_space<smem>>
      memref.store %swap3A_124, %arg17[%swap3A_125, %swap3A_126] : memref<1x1xf32, #tpu.memory_space<smem>>
    } else {
    }
    %get3A = arith.constant 0 : index
    %get3A_2 = arith.constant 0 : index
    %get3A_3 = vector.load %arg4[%get3A, %get3A_2] : memref<2000x1xf32, #tpu.memory_space<vmem>>, vector<2000x1xf32>
    %get3A_4 = arith.constant 0 : index
    %get3A_5 = arith.constant 0 : index
    %get3A_6 = vector.load %arg5[%get3A_4, %get3A_5] : memref<2000x1xf32, #tpu.memory_space<vmem>>, vector<2000x1xf32>
    %add3A = arith.addf %get3A_3, %get3A_6 : vector<2000x1xf32>
    %add3A_7 = arith.constant 1.000000e+00 : f32
    %add3A_8 = vector.broadcast %add3A_7 : f32 to vector<2000x1xf32>
    %add3A_9 = arith.addf %add3A, %add3A_8 : vector<2000x1xf32>
    %get3A_10 = arith.constant 0 : index
    %get3A_11 = arith.constant 0 : index
    %get3A_12 = vector.load %arg2[%get3A_10, %get3A_11] : memref<2000x128xf32, #tpu.memory_space<vmem>>, vector<2000x128xf32>
    %get3A_13 = arith.constant 0 : index
    %get3A_14 = arith.constant 0 : index
    %get3A_15 = vector.load %arg3[%get3A_13, %get3A_14] : memref<2000x128xf32, #tpu.memory_space<vmem>>, vector<2000x128xf32>
    %concatenate3A = tpu.concatenate %get3A_12, %get3A_15 in 1 : vector<2000x128xf32>, vector<2000x128xf32> -> vector<2000x256xf32>
    %get3A_16 = arith.constant 0 : index
    %get3A_17 = arith.constant 0 : index
    %get3A_18 = vector.load %arg1[%get3A_16, %get3A_17] : memref<2000x256xf32, #tpu.memory_space<vmem>>, vector<2000x256xf32>
    %add3A_19 = arith.addf %concatenate3A, %get3A_18 : vector<2000x256xf32>
    %div3A = vector.broadcast %add3A_9 : vector<2000x1xf32> to vector<2000x256xf32>
    %div3A_20 = arith.divf %add3A_19, %div3A : vector<2000x256xf32>
    %get3A_21 = arith.constant 0 : index
    %get3A_22 = arith.constant 0 : index
    %get3A_23 = vector.load %arg6[%get3A_21, %get3A_22] : memref<256x256xf32, #tpu.memory_space<vmem>>, vector<256x256xf32>
    %dot_general3A = arith.constant dense<0.000000e+00> : vector<2000x256xf32>
    %dot_general3A_24 = tpu.matmul %div3A_20, %get3A_23, %dot_general3A {dimension_numbers = #tpu.dot_dimension_numbers<[1], [0], [0], [1], [0, 0, 1, 1], [], []>, transpose_lhs_hint = false} : vector<2000x256xf32>, vector<256x256xf32>, vector<2000x256xf32> -> vector<2000x256xf32>
    %get3A_25 = arith.constant 0 : index
    %get3A_26 = arith.constant 0 : index
    %get3A_27 = vector.load %arg7[%get3A_25, %get3A_26] : memref<1x256xf32, #tpu.memory_space<vmem>>, vector<1x256xf32>
    %add3A_28 = vector.broadcast %get3A_27 : vector<1x256xf32> to vector<2000x256xf32>
    %add3A_29 = arith.addf %dot_general3A_24, %add3A_28 : vector<2000x256xf32>
    %max3A = arith.constant 0.000000e+00 : f32
    %max3A_30 = vector.broadcast %max3A : f32 to vector<2000x256xf32>
    %max3A_31 = arith.maximumf %add3A_29, %max3A_30 : vector<2000x256xf32>
    %get3A_32 = arith.constant 0 : index
    %get3A_33 = arith.constant 0 : index
    %get3A_34 = vector.load %arg8[%get3A_32, %get3A_33] : memref<256x256xf32, #tpu.memory_space<vmem>>, vector<256x256xf32>
    %dot_general3A_35 = arith.constant dense<0.000000e+00> : vector<2000x256xf32>
    %dot_general3A_36 = tpu.matmul %max3A_31, %get3A_34, %dot_general3A_35 {dimension_numbers = #tpu.dot_dimension_numbers<[1], [0], [0], [1], [0, 0, 1, 1], [], []>, transpose_lhs_hint = false} : vector<2000x256xf32>, vector<256x256xf32>, vector<2000x256xf32> -> vector<2000x256xf32>
    %get3A_37 = arith.constant 0 : index
    %get3A_38 = arith.constant 0 : index
    %get3A_39 = vector.load %arg9[%get3A_37, %get3A_38] : memref<1x256xf32, #tpu.memory_space<vmem>>, vector<1x256xf32>
    %add3A_40 = vector.broadcast %get3A_39 : vector<1x256xf32> to vector<2000x256xf32>
    %add3A_41 = arith.addf %dot_general3A_36, %add3A_40 : vector<2000x256xf32>
    %get3A_42 = arith.constant 0 : index
    %get3A_43 = arith.constant 0 : index
    %get3A_44 = vector.load %arg10[%get3A_42, %get3A_43] : memref<512x256xf32, #tpu.memory_space<vmem>>, vector<512x256xf32>
    %mul3A = arith.mulf %add3A_41, %add3A_41 : vector<2000x256xf32>
    %reduce_sum3A = arith.constant dense<0.000000e+00> : vector<2000xf32>
    %reduce_sum3A_45 = vector.multi_reduction <add>, %mul3A, %reduce_sum3A [1] : vector<2000x256xf32> to vector<2000xf32>
    %broadcast_in_dim3A = vector.shape_cast %reduce_sum3A_45 : vector<2000xf32> to vector<2000x1xf32>
    %mul3A_46 = arith.mulf %get3A_44, %get3A_44 : vector<512x256xf32>
    %reduce_sum3A_47 = arith.constant dense<0.000000e+00> : vector<512xf32>
    %reduce_sum3A_48 = vector.multi_reduction <add>, %mul3A_46, %reduce_sum3A_47 [1] : vector<512x256xf32> to vector<512xf32>
    %broadcast_in_dim3A_49 = vector.shape_cast %reduce_sum3A_48 : vector<512xf32> to vector<1x512xf32>
    %dot_general3A_50 = arith.constant dense<0.000000e+00> : vector<2000x512xf32>
    %dot_general3A_51 = tpu.matmul %add3A_41, %get3A_44, %dot_general3A_50 {dimension_numbers = #tpu.dot_dimension_numbers<[1], [1], [0], [0], [0, 0, 1, 0], [], []>, transpose_lhs_hint = false} : vector<2000x256xf32>, vector<512x256xf32>, vector<2000x512xf32> -> vector<2000x512xf32>
    %mul3A_52 = arith.constant 2.000000e+00 : f32
    %mul3A_53 = vector.broadcast %mul3A_52 : f32 to vector<2000x512xf32>
    %mul3A_54 = arith.mulf %mul3A_53, %dot_general3A_51 : vector<2000x512xf32>
    %sub3A = vector.broadcast %broadcast_in_dim3A : vector<2000x1xf32> to vector<2000x512xf32>
    %sub3A_55 = arith.subf %sub3A, %mul3A_54 : vector<2000x512xf32>
    %add3A_56 = vector.broadcast %broadcast_in_dim3A_49 : vector<1x512xf32> to vector<2000x512xf32>
    %add3A_57 = arith.addf %sub3A_55, %add3A_56 : vector<2000x512xf32>
    %reduce_min3A = arith.constant dense<0x7F800000> : vector<2000xf32>
    %reduce_min3A_58 = vector.multi_reduction <minimumf>, %add3A_57, %reduce_min3A [1] : vector<2000x512xf32> to vector<2000xf32>
    %broadcast_in_dim3A_59 = vector.shape_cast %reduce_min3A_58 : vector<2000xf32> to vector<2000x1xf32>
    %iota3A = tpu.iota {dimensions = array<i32: 1>} : vector<2000x512xi32>
    %eq3A_60 = vector.broadcast %broadcast_in_dim3A_59 : vector<2000x1xf32> to vector<2000x512xf32>
    %eq3A_61 = arith.cmpf oeq, %add3A_57, %eq3A_60 : vector<2000x512xf32>
    %jit3A = arith.constant 512 : i64
    %convert_element_type3A_62 = arith.trunci %jit3A : i64 to i32
    %broadcast_in_dim3A_63 = vector.broadcast %convert_element_type3A_62 : i32 to vector<2000x512xi32>
    %select_n3A = arith.select %eq3A_61, %iota3A, %broadcast_in_dim3A_63 : vector<2000x512xi1>, vector<2000x512xi32>
    %reduce_min3A_64 = arith.constant dense<2147483647> : vector<2000xi32>
    %reduce_min3A_65 = vector.multi_reduction <minsi>, %select_n3A, %reduce_min3A_64 [1] : vector<2000x512xi32> to vector<2000xi32>
    %broadcast_in_dim3A_66 = vector.shape_cast %reduce_min3A_65 : vector<2000xi32> to vector<2000x1xi32>
    %get3A_67 = arith.constant 0 : index
    %get3A_68 = arith.constant 0 : index
    %get3A_69 = memref.load %arg17[%get3A_67, %get3A_68] : memref<1x1xf32, #tpu.memory_space<smem>>
    %reduce_sum3A_70 = vector.shape_cast %broadcast_in_dim3A_59 : vector<2000x1xf32> to vector<1x2000x1xf32>
    %reduce_sum3A_71 = arith.constant dense<0.000000e+00> : vector<1xf32>
    %reduce_sum3A_72 = vector.multi_reduction <add>, %reduce_sum3A_70, %reduce_sum3A_71 [1, 2] : vector<1x2000x1xf32> to vector<1xf32>
    %reduce_sum3A_73 = vector.shape_cast %reduce_sum3A_72 : vector<1xf32> to vector<1x1x1xf32>
    %reduce_sum3A_74 = vector.extract %reduce_sum3A_73[0, 0, 0] : f32 from vector<1x1x1xf32>
    %mul3A_75 = arith.constant 4.88281273E-7 : f32
    %mul3A_76 = arith.mulf %reduce_sum3A_74, %mul3A_75 : f32
    %add3A_77 = arith.addf %get3A_69, %mul3A_76 : f32
    %swap3A = arith.constant 0 : index
    %swap3A_78 = arith.constant 0 : index
    %swap3A_79 = memref.load %arg17[%swap3A, %swap3A_78] : memref<1x1xf32, #tpu.memory_space<smem>>
    memref.store %add3A_77, %arg17[%swap3A, %swap3A_78] : memref<1x1xf32, #tpu.memory_space<smem>>
    %eq3A_80 = vector.broadcast %broadcast_in_dim3A_66 : vector<2000x1xi32> to vector<2000x512xi32>
    %eq3A_81 = arith.cmpi eq, %iota3A, %eq3A_80 : vector<2000x512xi32>
    %convert_element_type3A_82 = arith.extui %eq3A_81 : vector<2000x512xi1> to vector<2000x512xi32>
    %convert_element_type3A_83 = arith.sitofp %convert_element_type3A_82 : vector<2000x512xi32> to vector<2000x512xf32>
    %get3A_84 = arith.constant 0 : index
    %get3A_85 = arith.constant 0 : index
    %get3A_86 = vector.load %arg18[%get3A_84, %get3A_85] : memref<512x256xf32, #tpu.memory_space<vmem>>, vector<512x256xf32>
    %dot_general3A_87 = arith.constant dense<0.000000e+00> : vector<2000x256xf32>
    %dot_general3A_88 = tpu.matmul %convert_element_type3A_83, %get3A_86, %dot_general3A_87 {dimension_numbers = #tpu.dot_dimension_numbers<[1], [0], [0], [1], [0, 0, 1, 1], [], []>, transpose_lhs_hint = false} : vector<2000x512xf32>, vector<512x256xf32>, vector<2000x256xf32> -> vector<2000x256xf32>
    %swap3A_89 = arith.constant 0 : index
    %swap3A_90 = arith.constant 0 : index
    %swap3A_91 = vector.load %arg15[%swap3A_89, %swap3A_90] : memref<2000x256xf32, #tpu.memory_space<vmem>>, vector<2000x256xf32>
    tpu.vector_store %arg15[%swap3A_89, %swap3A_90], %dot_general3A_88 {strides = array<i32>} : memref<2000x256xf32, #tpu.memory_space<vmem>>, vector<2000x256xf32>,
    %swap3A_92 = arith.constant 0 : index
    %swap3A_93 = arith.constant 0 : index
    %swap3A_94 = vector.load %arg16[%swap3A_92, %swap3A_93] : memref<2000x1xi32, #tpu.memory_space<vmem>>, vector<2000x1xi32>
    tpu.vector_store %arg16[%swap3A_92, %swap3A_93], %broadcast_in_dim3A_66 {strides = array<i32>} : memref<2000x1xi32, #tpu.memory_space<vmem>>, vector<2000x1xi32>,
    return
  }
  func.func @transform_0(%arg0: i32) -> (i32, i32) {
    %c0_i32 = arith.constant 0 : i32
    %c0_i32_0 = arith.constant 0 : i32
    return %arg0, %c0_i32 : i32, i32
  }
  func.func @transform_1(%arg0: i32) -> (i32, i32) {
    %c0_i32 = arith.constant 0 : i32
    %c0_i32_0 = arith.constant 0 : i32
    return %arg0, %c0_i32 : i32, i32
  }
  func.func @transform_2(%arg0: i32) -> (i32, i32) {
    %c0_i32 = arith.constant 0 : i32
    %c0_i32_0 = arith.constant 0 : i32
    return %arg0, %c0_i32 : i32, i32
  }
  func.func @transform_3(%arg0: i32) -> (i32, i32) {
    %c0_i32 = arith.constant 0 : i32
    %c0_i32_0 = arith.constant 0 : i32
    return %arg0, %c0_i32 : i32, i32
  }
  func.func @transform_4(%arg0: i32) -> (i32, i32) {
    %c0_i32 = arith.constant 0 : i32
    %c0_i32_0 = arith.constant 0 : i32
    return %arg0, %c0_i32 : i32, i32
  }
  func.func @transform_5(%arg0: i32) -> (i32, i32) {
    %c0_i32 = arith.constant 0 : i32
    %c0_i32_0 = arith.constant 0 : i32
    %c0_i32_1 = arith.constant 0 : i32
    return %c0_i32, %c0_i32_0 : i32, i32
  }
  func.func @transform_6(%arg0: i32) -> (i32, i32) {
    %c0_i32 = arith.constant 0 : i32
    %c0_i32_0 = arith.constant 0 : i32
    %c0_i32_1 = arith.constant 0 : i32
    return %c0_i32, %c0_i32_0 : i32, i32
  }
  func.func @transform_7(%arg0: i32) -> (i32, i32) {
    %c0_i32 = arith.constant 0 : i32
    %c0_i32_0 = arith.constant 0 : i32
    %c0_i32_1 = arith.constant 0 : i32
    return %c0_i32, %c0_i32_0 : i32, i32
  }
  func.func @transform_8(%arg0: i32) -> (i32, i32) {
    %c0_i32 = arith.constant 0 : i32
    %c0_i32_0 = arith.constant 0 : i32
    %c0_i32_1 = arith.constant 0 : i32
    return %c0_i32, %c0_i32_0 : i32, i32
  }
  func.func @transform_9(%arg0: i32) -> (i32, i32) {
    %c0_i32 = arith.constant 0 : i32
    %c0_i32_0 = arith.constant 0 : i32
    %c0_i32_1 = arith.constant 0 : i32
    return %c0_i32, %c0_i32_0 : i32, i32
  }
  func.func @transform_10(%arg0: i32) -> (i32, i32) {
    %c0_i32 = arith.constant 0 : i32
    %c0_i32_0 = arith.constant 0 : i32
    %c0_i32_1 = arith.constant 0 : i32
    return %c0_i32, %c0_i32_0 : i32, i32
  }
  func.func @transform_11(%arg0: i32) -> (i32, i32) {
    %c0_i32 = arith.constant 0 : i32
    %c0_i32_0 = arith.constant 0 : i32
    %c0_i32_1 = arith.constant 0 : i32
    return %c0_i32, %c0_i32_0 : i32, i32
  }
  func.func @transform_12(%arg0: i32) -> (i32, i32) {
    %c0_i32 = arith.constant 0 : i32
    %c0_i32_0 = arith.constant 0 : i32
    %c0_i32_1 = arith.constant 0 : i32
    return %c0_i32, %c0_i32_0 : i32, i32
  }
  func.func @transform_13(%arg0: i32) -> (i32, i32) {
    %c0_i32 = arith.constant 0 : i32
    %c0_i32_0 = arith.constant 0 : i32
    %c0_i32_1 = arith.constant 0 : i32
    return %c0_i32, %c0_i32_0 : i32, i32
  }
  func.func @transform_14(%arg0: i32) -> (i32, i32) {
    %c0_i32 = arith.constant 0 : i32
    %c0_i32_0 = arith.constant 0 : i32
    return %arg0, %c0_i32 : i32, i32
  }
  func.func @transform_15(%arg0: i32) -> (i32, i32) {
    %c0_i32 = arith.constant 0 : i32
    %c0_i32_0 = arith.constant 0 : i32
    return %arg0, %c0_i32 : i32, i32
  }
  func.func @transform_16(%arg0: i32) -> (i32, i32) {
    %c0_i32 = arith.constant 0 : i32
    %c0_i32_0 = arith.constant 0 : i32
    %c0_i32_1 = arith.constant 0 : i32
    return %c0_i32, %c0_i32_0 : i32, i32
  }
}

</mosaic_0001>

<sc_bundles>
// kernel: kernel.4.cloned.1.call-start
scs
__scs_entry_jumppad:
0x0: {  	(pc) =	sbr.rel $0x88, $3  }
0x1: {  	(tag) =	ssettag $0x0;
	lr =	simm.s32 $0x1  }
0x2: {  	[smem:$0x3F96] =	sst lr;
	_ =	strace $0xD0000000  }
0x3: {  	_ = 	snop  }
0x4: {  	_ = 	snop  }
0x5: {  	_ = 	snop  }
0x6: {  	_ = 	snop  }
0x7: {  	_ = 	snop  }
__scs_overlays_trampoline_lowered:
0x8: {  	[smem:$0x3FA5] =	sst s0  }
0x9: {  	[smem:$0x3FA6] =	sst s1  }
0xa: {  	[smem:$0x3FA7] =	sst s2  }
0xb: {  	[smem:$0x3FA8] =	sst s3  }
0xc: {  	[smem:$0x3FA9] =	sst s4  }
0xd: {  	[smem:$0x3FAA] =	sst s5  }
0xe: {  	[smem:$0x3FAB] =	sst s6  }
0xf: {  	[smem:$0x3FAC] =	sst s7  }
0x10: {  	[smem:$0x3FAD] =	sst s8  }
0x11: {  	[smem:$0x3FAE] =	sst s9;
	s0 =	simm.s32 @!p0 $0x0  }
0x12: {  	s1 =	sld [smem:$0x3F94];
	s0 =	simm.s32 @p0 $0x1  }
0x13: {  	[smem:$0x3FAF] =	sst s0;
	s0 =	simm.s32 @!p1 $0x0  }
0x14: {  	s2 =	sld [smem:$0x3F93];
	s0 =	simm.s32 @p1 $0x1  }
0x15: {  	[smem:$0x3FB0] =	sst s0;
	s0 =	simm.s32 @!p2 $0x0  }
0x16: {  	s3 =	sld [smem:$0x3FDB];
	s0 =	simm.s32 @p2 $0x1  }
0x17: {  	s4 =	simm.s32 $0x1BF5;
	[smem:$0x3FB2] =	sst s0  }
0x18: {  	s0 =	sld [smem:$0x3F95];
	_ =	swait.ge [sflag:s4], $0x0  }
0x19: {  	s7 =	sld [smem:$0x3F96]  }
0x1a: {  	s8 =	sadd.s32 $0xFFFFE003, lr  }
0x1b: {  	s9 =	sadd.s32 $0xFFFFFEF7, lr;
	s5 =	simm.s32 $0xFFFFFFFF;
	p2 =	slt.u32 s8, $0xFFFFF086  }
0x1c: {  	p1 =	slt.u32 s9, $0xF7A;
	s5 =	simm.s32 @!p2 $0x0  }
0x1d: {  	s5 =	simm.s32 @p1 $0x1;
	p0 =	seq.s32 s7, s2  }
0x1e: {  	s7 =	smul.u32 @!p0 $0xF7A, s2;
	p2 =	seq.s32 @!p0 s5, $0x0  }
0x1f: {  	s9 =	smul.u32 $0xF7A, s1;
	s8 =	simm.s32 @!p0 $0x1BF5;
	p2 =	por !p2, p0  }
0x20: {  	[sflag:s8] =	ssyncset.s32 @!p0 $0xFFFFF086;
	s6 =	sadd.s32 @!p0 s3, s7;
	s7 =	simm.s32 @!p0 $0x108  }
0x21: {  	s3 =	sadd.s32 s3, s9;
	s6 =	sadd.s32 @!p0 $0x88, s6;
	s7 =	simm.s32 @p2 $0x1082  }
0x22: {  	[simem:s7], [sflag:s8] =	dma.local @!p0 [hbm:s6], $0xF7A  }
0x23: {  	s9 =	sor.u32 $0xD0000000, s2;
	s6 =	simm.s32 $0x108;
	_ =	swait.ge @!p0 [sflag:s8], $0x0  }
0x24: {  	s3 =	sadd.s32 $0x88, s3;
	s6 =	simm.s32 @!p1 $0x1082;
	[sflag:s4] =	ssyncset.s32 $0xFFFFF086  }
0x25: {  	[simem:s6], [sflag:s4] =	dma.local [hbm:s3], $0xF7A  }
0x26: {  	[smem:$0x3F96] =	sst s1;
	(tag) =	ssettag s2;
	_ =	strace s9  }
0x27: {  	s1 =	sld [smem:$0x3FA6]  }
0x28: {  	s2 =	sld [smem:$0x3FA7]  }
0x29: {  	s4 =	sld [smem:$0x3FA9]  }
0x2a: {  	p0 =	seq.s32 s5, $0x0;
	s5 =	sld [smem:$0x3FAA]  }
0x2b: {  	s6 =	sld [smem:$0x3FAB]  }
0x2c: {  	s7 =	sld [smem:$0x3FAC]  }
0x2d: {  	s3 =	simm.s32 $0x108;
	s8 =	sld [smem:$0x3FAD]  }
0x2e: {  	s3 =	simm.s32 @!p0 $0x1082;
	s9 =	sld [smem:$0x3FAE]  }
0x2f: {  	lr =	sadd.s32 s0, s3;
	s0 =	sld [smem:$0x3FA5]  }
0x30: {  	s3 =	sld [smem:$0x3FA8]  }
0x31: {  	[smem:$0x3FB1] =	sst s10  }
0x32: {  	s10 =	sld [smem:$0x3FAF];
	_ =	sdelay $0x3  }
0x33: {  	p0 =	seq.s32 s10, $0x1;
	s10 =	sld [smem:$0x3FB1];
	_ =	sdelay $0x3  }
0x34: {  	[smem:$0x3FB1] =	sst s10  }
0x35: {  	s10 =	sld [smem:$0x3FB0];
	_ =	sdelay $0x3  }
0x36: {  	p1 =	seq.s32 s10, $0x1;
	s10 =	sld [smem:$0x3FB1];
	_ =	sdelay $0x3  }
0x37: {  	[smem:$0x3FB1] =	sst s10  }
0x38: {  	s10 =	sld [smem:$0x3FB2]  }
0x39: {  	_ = 	snop;
	(pc) =	sbr.ind lr, $3  }
0x3a: {  	_ = 	snop  }
0x3b: {  	_ = 	snop  }
0x3c: {  	p2 =	seq.s32 s10, $0x1;
	s10 =	sld [smem:$0x3FB1]  }
0x3d: {  	_ =	shalt  }
0x3e: {  	_ =	shalt  }
0x3f: {  	_ =	shalt  }
0x40: {  	_ =	shalt  }
0x41: {  	_ =	shalt  }
0x42: {  	_ =	shalt  }
0x43: {  	_ =	shalt  }
0x44: {  	_ =	shalt  }
0x45: {  	_ =	shalt  }
0x46: {  	_ =	shalt  }
0x47: {  	_ =	shalt  }
0x48: {  	_ =	shalt  }
0x49: {  	_ =	shalt  }
0x4a: {  	_ =	shalt  }
0x4b: {  	_ =	shalt  }
0x4c: {  	_ =	shalt  }
0x4d: {  	_ =	shalt  }
0x4e: {  	_ =	shalt  }
0x4f: {  	_ =	shalt  }
0x50: {  	_ =	shalt  }
0x51: {  	_ =	shalt  }
0x52: {  	_ =	shalt  }
0x53: {  	_ =	shalt  }
0x54: {  	_ =	shalt  }
0x55: {  	_ =	shalt  }
0x56: {  	_ =	shalt  }
0x57: {  	_ =	shalt  }
0x58: {  	_ =	shalt  }
0x59: {  	_ =	shalt  }
0x5a: {  	_ =	shalt  }
0x5b: {  	_ =	shalt  }
0x5c: {  	_ =	shalt  }
0x5d: {  	_ =	shalt  }
0x5e: {  	_ =	shalt  }
0x5f: {  	_ =	shalt  }
0x60: {  	_ =	shalt  }
0x61: {  	_ =	shalt  }
0x62: {  	_ =	shalt  }
0x63: {  	_ =	shalt  }
0x64: {  	_ =	shalt  }
0x65: {  	_ =	shalt  }
0x66: {  	_ =	shalt  }
0x67: {  	_ =	shalt  }
0x68: {  	_ =	shalt  }
0x69: {  	_ =	shalt  }
0x6a: {  	_ =	shalt  }
0x6b: {  	_ =	shalt  }
0x6c: {  	_ =	shalt  }
0x6d: {  	_ =	shalt  }
0x6e: {  	_ =	shalt  }
0x6f: {  	_ =	shalt  }
0x70: {  	_ =	shalt  }
0x71: {  	_ =	shalt  }
0x72: {  	_ =	shalt  }
0x73: {  	_ =	shalt  }
0x74: {  	_ =	shalt  }
0x75: {  	_ =	shalt  }
0x76: {  	_ =	shalt  }
0x77: {  	_ =	shalt  }
0x78: {  	_ =	shalt  }
0x79: {  	_ =	shalt  }
0x7a: {  	_ =	shalt  }
0x7b: {  	_ =	shalt  }
0x7c: {  	_ =	shalt  }
0x7d: {  	_ =	shalt  }
0x7e: {  	_ =	shalt  }
0x7f: {  	_ =	shalt  }
0x80: {  	_ =	shalt  }
0x81: {  	_ =	shalt  }
0x82: {  	_ =	shalt  }
0x83: {  	_ =	shalt  }
0x84: {  	_ =	shalt  }
0x85: {  	_ =	shalt  }
0x86: {  	_ =	shalt  }
0x87: {  	_ =	shalt  }
.Lfunc_end0:
.L_simem_size_0:
called_computation_lowered:
.L_overlay_start_0:
0x88: {  	s2 =	sld [smem:$0x3FD9]  }
0x89: {  	s3 =	sld [smem:$0x3FFE];
	_ =	sdelay $0x1  }
0x8a: {  	s1 =	srdreg.scid  }
0x8b: {  	s0 =	sand.u32 $0x1, s1  }
0x8c: {  	s14 =	sshll.u32 s0, $0xA;
	s2 =	sadd.s32 s3, s2  }
0x8d: {  	s2 =	sadd.s32 s2, s14  }
0x8e: {  	[smem:$0x3FBD] =	sst s2  }
0x8f: {  	_ = 	snop  }
0x90: {  	s2 =	sld [smem:$0x3FD0];
	_ =	sdelay $0x2  }
0x91: {  	s4 =	simm.s32 $0xA;
	s5 =	simm.s32 $0x10;
	s15 =	sld [smem:$0x3FC9]  }
0x92: {  	[smem:s5], [sflag:s4] =	dma.local [hbm:s2], $0x1  }
0x93: {  	_ =	swait.eq [sflag:s4], $0x1  }
0x94: {  	s16 =	sld [smem:$0x10];
	[sflag:s4] =	ssyncset.done $0x0  }
0x95: {  	s17 =	sld [smem:$0x11];
	[sflag:s4] =	ssyncadd.s32 $0xFFFFFFFF  }
0x96: {  	s18 =	sld [smem:$0x12];
	(tm) =	ssettm $0x1  }
0x97: {  	s6 =	sld [smem:$0x3FFB];
	_ =	sdelay $0x3  }
0x98: {  	_ =	strace s6  }
0x99: {  	s6 =	sld [smem:$0x3FFC];
	_ =	sdelay $0x3  }
0x9a: {  	_ =	strace s6  }
0x9b: {  	s6 =	sld [smem:$0x3FFD];
	_ =	sdelay $0x3  }
0x9c: {  	_ =	strace s6  }
0x9d: {  	_ =	strace $0x8FFFFFFF  }
0x9e: {  	s19 =	sld [smem:$0x3FDB];
	_ =	sdelay $0x1  }
0x9f: {  	s7 =	simm.s32 $_scs_section_size  }
0xa0: {  	s8 =	simm.s32 $_size__tile_overlayer_lowered;
	s9 =	simm.s32 $_tile_overlayer_lowered  }
0xa1: {  	s22 =	simm.s32 $0x1BFF;
	s21 =	sshll.u32 s9, $0x1;
	s6 =	sadd.s32 s7, s19  }
0xa2: {  	s10 =	simm.s32 $0x0;
	s20 =	sshll.u32 s8, $0x1;
	s8 =	sadd.s32 s21, s6  }
0xa3: {  	[timem:s10], [sflag:s22] =	dma.local [hbm:s8], s20  }
0xa4: {  	_ =	swait.ge [sflag:s22], s20  }
0xa5: {  	s7 =	ssub.s32 $0x0, s20;
	[sflag:s22] =	ssyncset.done $0x0  }
0xa6: {  	[sflag:s22] =	ssyncadd.s32 s7;
	_ =	sdelay $0x1  }
0xa7: {  	s23 =	simm.s32 $0x1B8B  }
0xa8: {  	_ =	swait.ge [sflag:s23], $0x1  }
0xa9: {  	[sflag:s23] =	ssyncset.done $0x0  }
0xaa: {  	s25 =	simm.s32 $0x1B8E;
	s24 =	sld [smem:$0x3FFE];
	[sflag:s23] =	ssyncadd.s32 $0xFFFFFFFF  }
0xab: {  	s26 =	simm.s32 $execute0_lowered;
	[smem:$0x3FD2] =	sst s25  }
0xac: {  	s8 =	sshll.u32 s26, $0x1;
	_ =	strace $0x80000046;
	[dreg:$0x1] =	wrdreg $0xFFFFFFFF  }
0xad: {  	s28 =	simm.s32 $_size_execute0_lowered;
	s6 =	sadd.s32 s6, s8;
	[dreg:$0x0] =	wrdreg $0x0  }
0xae: {  	s8 =	sshll.u32 s28, $0x1;
	[dreg:$0x2] =	wrdreg s6  }
0xaf: {  	[dreg:$0x3] =	wrdreg s8  }
0xb0: {  	[dreg:$0x4] =	wrdreg $0xC0  }
0xb1: {  	_ =	task [dreg:s10], $0x5FFFF  }
0xb2: {  	[dreg:$0x1] =	wrdreg $0xFFFFFFFF  }
0xb3: {  	[dreg:$0x0] =	wrdreg $0x60  }
0xb4: {  	[dreg:$0x2] =	wrdreg s15  }
0xb5: {  	[dreg:$0x3] =	wrdreg s24  }
0xb6: {  	[dreg:$0x4] =	wrdreg s17  }
0xb7: {  	[dreg:$0x5] =	wrdreg s16  }
0xb8: {  	[dreg:$0x6] =	wrdreg s18  }
0xb9: {  	[dreg:$0x7] =	wrdreg $0xAA800  }
0xba: {  	[dreg:$0x8] =	wrdreg $0x9  }
0xbb: {  	_ =	task.clear_ibuf [dreg:s10], $0x9FFFF;
	_ =	strace $0x90000046  }
0xbc: {  	s29 =	simm.s32 $0x9;
	_ =	strace $0x80000048  }
0xbd: {  	_ =	swait.ge [sflag:s29], $0x1  }
0xbe: {  	[sflag:s29] =	ssyncadd.s32 $0xFFFFFFFF  }
0xbf: {  	_ =	strace $0x90000048  }
0xc0: {  	_ =	sfence  }
0xc1: {  	s30 =	sld [smem:$0x0];
	_ =	sdelay $0x2  }
0xc2: {  	s31 =	sshll.u32 s1, $0xD;
	s1 =	sshrl.u32 s1, $0x2  }
0xc3: {  	s3 =	sand.u32 $0x4000, s31;
	s1 =	sadd.s32 s1, s30  }
0xc4: {  	s0 =	sor.u32 s3, s0;
	s1 =	sshll.u32 s1, $0x11  }
0xc5: {  	s0 =	sor.u32 s1, s0  }
0xc6: {  	s0 =	sadd.s32 $0x8F2B, s0  }
0xc7: {  	[sflag:s0] =	ssyncadd.remote.s32 $0x1  }
0xc8: {  	_ =	sfence.sel $0xFFFF  }
0xc9: {  	[dreg:$0x0] =	wrdreg $0xFFFFFFFF;
	(pc) =	sbr.abs _section_cstart, $3  }
0xca: {  	[dreg:$0x1] =	wrdreg $0xFFFFFFFF  }
0xcb: {  	_ =	task.clear_ibuf [dreg:s10], $0x2FFFF;
	_ =	strace $0x9FFFFFFF  }
0xcc: {  	(tm) =	ssettm $0x7FFFFFFF  }
0xcd: {  	_ =	shalt  }
tec
execute0_lowered:
.L_overlay_start_1:
0x0: {  	(tag) =	ssettag $0x1  }
0x1: {  	s0 =	rddreg [dreg:$0x0]  }
0x2: {  	s1 =	rddreg [dreg:$0x1]  }
0x3: {  	s2 =	rddreg [dreg:$0x3]  }
0x4: {  	s4 =	rddreg [dreg:$0x5]  }
0x5: {  	s5 =	simm.s32 $0x0;
	s15 =	stileid.u32;
	s6 =	srdreg.scid  }
0x6: {  	s28 =	simm.s32 $0x7580;
	s30 =	simm.s32 $0x7800;
	s3 =	smul.u32 $0xC80, s15  }
0x7: {  	s31 =	simm.s32 $0x7B00;
	[smem:$0x7FF] =	sst s5;
	s7 =	smul.u32 $0x2800, s15  }
0x8: {  	s8 =	sand.u32 $0x1, s6;
	s6 =	sadd.s32 $0x1200, s1;
	s10 =	smul.u32 $0x50000, s15  }
0x9: {  	s20 =	sadd.s32 $0x1F200, s1;
	s26 =	sshll.u32 s15, $0x6;
	p1 =	seq.s32 s15, $0x0  }
0xa: {  	_ =	strace $0x80000047;
	s9 =	ssub.s32 $0x2, s8;
	s29 =	sshll.u32 s8, $0x4  }
0xb: {  	s21 =	sadd.s32 $0x1C05, s26;
	s16 =	sshll.u32 s8, $0x7;
	s18 =	sor.u32 s15, s8  }
0xc: {  	p0 =	seq.s32 s8, $0x1;
	p3 =	sne.s32 s8, $0x0;
	[dreg:$0x7] =	wrdreg s20  }
0xd: {  	s8 =	simm.s32 $0x7A80;
	[dreg:$0x13] =	wrdreg s6;
	s3 =	sadd.s32 s3, s1  }
0xe: {  	s11 =	sadd.s32 s7, s1;
	s12 =	sshrl.u32 s9, $0x1;
	s1 =	sadd.s32 $0x21A00, s1  }
0xf: {  	s25 =	sshra.s32 s10, $0x2;
	s2 =	sadd.s32 s2, s7;
	p2 =	por !p0, !p1  }
0x10: {  	p1 =	seq.s32 s18, $0x0;
	s7 =	simm.s32 $0x7300;
	[dreg:$0xa] =	wrdreg s21  }
0x11: {  	s10 =	simm.s32 $0x7380;
	s18 =	simm.s32 $0x7480;
	[dreg:$0x8] =	wrdreg s1  }
0x12: {  	s24 =	ssub.s32 s9, s12;
	s12 =	sadd.s32 s25, s4;
	s4 =	sor.u32 s15, s29  }
0x13: {  	s13 =	sadd.s32 $0x6200, s3;
	s14 =	sadd.s32 $0x12A00, s3;
	[dreg:$0xd] =	wrdreg s2  }
0x14: {  	s22 =	sadd.s32 $0x22000, s11;
	p2 =	por !p2, !p2;
	[dreg:$0xb] =	wrdreg s13  }
0x15: {  	s25 =	sadd.s32 $0x6280, s3;
	s15 =	simm.s32 $0x5;
	[dreg:$0xc] =	wrdreg s14  }
0x16: {  	s1 =	simm.s32 $0x7B80;
	s17 =	smul.u32 $0x1388, s4;
	[dreg:$0xe] =	wrdreg s22  }
0x17: {  	s14 =	sadd.s32 s0, s16;
	s23 =	smax.u32 s24, $0x1;
	[dreg:$0x11] =	wrdreg s25  }
0x18: {  	s24 =	sadd.s32 $0x12A80, s3;
	[dreg:$0x9] =	wrdreg s12;
	s26 =	sshrl.u32 s12, $0x3  }
0x19: {  	v0 =	vimm.s32 $0x7;
	s16 =	simm.s32 $0x3A00;
	s12 =	simm.s32 $0x7400;
	s22 =	simm.s32 $0x7500  }
0x1a: {  	v1 =	vimm.s32 $0x1;
	v2 =	vimm.s32 $0x0;
	v3 =	vlaneseq.u32;
	s0 =	simm.s32 $0x7600;
	s4 =	simm.s32 $0x7880;
	[dreg:$0xf] =	wrdreg s23  }
0x1b: {  	vm0 =	vmmov $0x1;
	v4 =	vimm.s32 $0x2;
	v5 =	vimm.s32 $0x3;
	s3 =	simm.s32 $0x7900;
	s25 =	simm.s32 $0x7A00;
	[dreg:$0x10] =	wrdreg s24  }
0x1c: {  	v6 =	vimm.s32 $0x4;
	v7 =	vimm.s32 $0x5;
	v8 =	vimm.s32 $0x6;
	s13 =	simm.s32 $0x0;
	[dreg:$0x12] =	wrdreg s26;
	s19 =	sshrl.u32 s17, $0x3  }
0x1d: {  	v9 =	vimm.s32 $0x8;
	v10 =	vimm.s32 $0x9;
	v11 =	vimm.s32 $0xA;
	s23 =	simm.s32 $0x1200;
	s26 =	simm.s32 $0x7680;
	s2 =	sadd.s32 s6, s19  }
0x1e: {  	v12 =	vimm.s32 $0xB;
	v13 =	vimm.s32 $0xC;
	v14 =	vimm.s32 $0xD;
	s24 =	simm.s32 $0x7700;
	[dreg:$0x14] =	wrdreg s17;
	s29 =	sadd.s32 $0x240, s2  }
0x1f: {  	v15 =	vimm.s32 $0xE;
	v16 =	vimm.s32 $0xF;
	v3 =	vmul.u32 $0x8, v3;
	s19 =	simm.s32 $0x7780;
	s2 =	simm.s32 $0x7980;
	[dreg:$0x15] =	wrdreg s29  }
.LBB2_1:
0x20: {  	[dreg:$0x16] =	wrdreg s13  }
0x21: {  	s9 =	rddreg [dreg:$0x12]  }
0x22: {  	[spmem:s9], [sflag:s21] =	dma.local [hbm:s20], $0x2800  }
0x23: {  	_ =	swait.ge [sflag:s15], $0x2800  }
0x24: {  	[sflag:s15] =	ssyncset.done $0x0  }
0x25: {  	[sflag:s15] =	ssyncadd.s32 $0xFFFFD800  }
0x26: {  	[tilespmem:s23], [sflag:$0x5] =	stream.linear.gather [hbm4b:s20+s5], $0x2800, $0x38;
	[tilespmem:$0x1EA80] =	vst v63  }
0x27: {  	_ =	swait.ge [sflag:s15], $0x2800  }
0x28: {  	[sflag:s15] =	ssyncset.done $0x0  }
0x29: {  	[sflag:s15] =	ssyncadd.s32 $0xFFFFD800  }
0x2a: {  	s17 =	rddreg [dreg:$0x2]  }
0x2b: {  	[tilespmem:s16], [sflag:$0x5] =	stream.linear.gather [hbm4b:s17+s5], $0x80, $0x38;
	[tilespmem:$0x1EA80] =	vst v63  }
0x2c: {  	_ =	swait.ge [sflag:s15], $0x80  }
0x2d: {  	[sflag:s15] =	ssyncset.done $0x0  }
0x2e: {  	s20 =	rddreg [dreg:$0xb];
	[sflag:s15] =	ssyncadd.s32 $0xFFFFFF80  }
0x2f: {  	[tilespmem:s5], [sflag:$0x5] =	stream.linear.gather [hbm4b:s20+s5], $0x400, $0x38;
	[tilespmem:$0x1EA80] =	vst v63  }
0x30: {  	_ =	swait.ge [sflag:s15], $0x400  }
0x31: {  	[sflag:s15] =	ssyncset.done $0x0  }
0x32: {  	s11 =	simm.s32 $0x800;
	s21 =	rddreg [dreg:$0xc];
	[sflag:s15] =	ssyncadd.s32 $0xFFFFFC00  }
0x33: {  	[tilespmem:s11], [sflag:$0x5] =	stream.linear.gather [hbm4b:s21+s5], $0x400, $0x38;
	[tilespmem:$0x1EA80] =	vst v63  }
0x34: {  	_ =	swait.ge [sflag:s15], $0x400  }
0x35: {  	[sflag:s15] =	ssyncset.done $0x0  }
0x36: {  	[sflag:s15] =	ssyncadd.s32 $0xFFFFFC00  }
0x37: {  	[bflag:$0x0] =	sbarrier.arrive $0xFFFF  }
0x38: {  	v17 =	vld [tilespmem:$0x0];
	_ =	sdelay $0x4  }
0x39: {  	v18 =	vshll.u32 v17, $0x1  }
0x3a: {  	v17 =	vand.u32 $0x7, v17;
	v18 =	vand.u32 $0xFFFFFFF0, v18  }
0x3b: {  	v17 =	vor.u32 v17, v18  }
0x3c: {  	v18 =	vperm.xlane v17, v2;
	_ =	sdelay $0x1  }
0x3d: {  	v19 =	vperm.xlane v17, v1;
	v18 =	vadd.s32 v3, v18;
	_ =	sdelay $0x1  }
0x3e: {  	v20 =	vperm.xlane v17, v4;
	v19 =	vadd.s32 v3, v19;
	_ =	sdelay $0x1  }
0x3f: {  	s6 =	simm.s32 $0x3A80;
	v21 =	vperm.xlane v17, v5;
	v20 =	vadd.s32 v3, v20  }
0x40: {  	[tilespmem:s6], [sflag:$0x1] =	stream.indirect_vreg.gather [hbm4b:s14+s5], $0x80, v18, vm0, $0xb8;
	[tilespmem:$0x1EA80] =	vst v63  }
0x41: {  	v62 =	vperm.xlane v17, v6;
	v18 =	vadd.s32 v3, v21;
	s6 =	simm.s32 $0x3B00  }
0x42: {  	[tilespmem:s6], [sflag:$0x1] =	stream.indirect_vreg.gather [hbm4b:s14+s5], $0x80, v19, vm0, $0xb8;
	[tilespmem:$0x1EA80] =	vst v63  }
0x43: {  	s11 =	simm.s32 $0x3B80;
	v63 =	vperm.xlane v17, v7;
	v19 =	vadd.s32 v3, v62  }
0x44: {  	[tilespmem:s11], [sflag:$0x1] =	stream.indirect_vreg.gather [hbm4b:s14+s5], $0x80, v20, vm0, $0xb8;
	[tilespmem:$0x1EA80] =	vst v63  }
0x45: {  	s13 =	simm.s32 $0x3C00;
	v25 =	vperm.xlane v17, v8;
	v24 =	vadd.s32 v3, v63  }
0x46: {  	[tilespmem:s13], [sflag:$0x1] =	stream.indirect_vreg.gather [hbm4b:s14+s5], $0x80, v18, vm0, $0xb8;
	[tilespmem:$0x1EA80] =	vst v63  }
0x47: {  	s15 =	simm.s32 $0x3C80;
	v26 =	vperm.xlane v17, v0;
	v18 =	vadd.s32 v3, v25  }
0x48: {  	[tilespmem:s15], [sflag:$0x1] =	stream.indirect_vreg.gather [hbm4b:s14+s5], $0x80, v19, vm0, $0xb8;
	[tilespmem:$0x1EA80] =	vst v63  }
0x49: {  	s16 =	simm.s32 $0x3D00;
	v27 =	vperm.xlane v17, v9;
	v19 =	vadd.s32 v3, v26  }
0x4a: {  	[tilespmem:s16], [sflag:$0x1] =	stream.indirect_vreg.gather [hbm4b:s14+s5], $0x80, v24, vm0, $0xb8;
	[tilespmem:$0x1EA80] =	vst v63  }
0x4b: {  	s17 =	simm.s32 $0x3D80;
	v29 =	vperm.xlane v17, v10;
	v28 =	vadd.s32 v3, v27  }
0x4c: {  	[tilespmem:s17], [sflag:$0x1] =	stream.indirect_vreg.gather [hbm4b:s14+s5], $0x80, v18, vm0, $0xb8;
	[tilespmem:$0x1EA80] =	vst v63  }
0x4d: {  	s20 =	simm.s32 $0x3E00;
	v30 =	vperm.xlane v17, v11;
	v18 =	vadd.s32 v3, v29  }
0x4e: {  	[tilespmem:s20], [sflag:$0x1] =	stream.indirect_vreg.gather [hbm4b:s14+s5], $0x80, v19, vm0, $0xb8;
	[tilespmem:$0x1EA80] =	vst v63  }
0x4f: {  	s21 =	simm.s32 $0x3E80;
	v31 =	vperm.xlane v17, v12;
	v19 =	vadd.s32 v3, v30  }
0x50: {  	[tilespmem:s21], [sflag:$0x1] =	stream.indirect_vreg.gather [hbm4b:s14+s5], $0x80, v28, vm0, $0xb8;
	[tilespmem:$0x1EA80] =	vst v63  }
0x51: {  	v33 =	vperm.xlane v17, v13;
	v32 =	vadd.s32 v3, v31;
	s6 =	simm.s32 $0x3F00  }
0x52: {  	[tilespmem:s6], [sflag:$0x1] =	stream.indirect_vreg.gather [hbm4b:s14+s5], $0x80, v18, vm0, $0xb8;
	[tilespmem:$0x1EA80] =	vst v63  }
0x53: {  	v34 =	vperm.xlane v17, v14;
	s11 =	simm.s32 $0x3F80;
	v18 =	vadd.s32 v3, v33  }
0x54: {  	[tilespmem:s11], [sflag:$0x1] =	stream.indirect_vreg.gather [hbm4b:s14+s5], $0x80, v19, vm0, $0xb8;
	[tilespmem:$0x1EA80] =	vst v63  }
0x55: {  	v35 =	vperm.xlane v17, v15;
	s13 =	simm.s32 $0x4000;
	v19 =	vadd.s32 v3, v34  }
0x56: {  	[tilespmem:s13], [sflag:$0x1] =	stream.indirect_vreg.gather [hbm4b:s14+s5], $0x80, v32, vm0, $0xb8;
	[tilespmem:$0x1EA80] =	vst v63  }
0x57: {  	v17 =	vperm.xlane v17, v16;
	v36 =	vadd.s32 v3, v35;
	s15 =	simm.s32 $0x4080  }
0x58: {  	[tilespmem:s15], [sflag:$0x1] =	stream.indirect_vreg.gather [hbm4b:s14+s5], $0x80, v18, vm0, $0xb8;
	[tilespmem:$0x1EA80] =	vst v63  }
0x59: {  	v17 =	vadd.s32 v3, v17;
	s16 =	simm.s32 $0x4100  }
0x5a: {  	[tilespmem:s16], [sflag:$0x1] =	stream.indirect_vreg.gather [hbm4b:s14+s5], $0x80, v19, vm0, $0xb8;
	[tilespmem:$0x1EA80] =	vst v63  }
0x5b: {  	s17 =	simm.s32 $0x4180  }
0x5c: {  	[tilespmem:s17], [sflag:$0x1] =	stream.indirect_vreg.gather [hbm4b:s14+s5], $0x80, v36, vm0, $0xb8;
	[tilespmem:$0x1EA80] =	vst v63  }
0x5d: {  	s20 =	simm.s32 $0x4200  }
0x5e: {  	[tilespmem:s20], [sflag:$0x1] =	stream.indirect_vreg.gather [hbm4b:s14+s5], $0x80, v17, vm0, $0xb8;
	[tilespmem:$0x1EA80] =	vst v63  }
0x5f: {  	v17 =	vld [tilespmem:$0x10];
	_ =	sdelay $0x4  }
0x60: {  	v18 =	vshll.u32 v17, $0x1  }
0x61: {  	v17 =	vand.u32 $0x7, v17;
	v18 =	vand.u32 $0xFFFFFFF0, v18  }
0x62: {  	v17 =	vor.u32 v17, v18  }
0x63: {  	v18 =	vperm.xlane v17, v2;
	_ =	sdelay $0x1  }
0x64: {  	v19 =	vperm.xlane v17, v1;
	v18 =	vadd.s32 v3, v18;
	_ =	sdelay $0x1  }
0x65: {  	v37 =	vperm.xlane v17, v4;
	v19 =	vadd.s32 v3, v19;
	_ =	sdelay $0x1  }
0x66: {  	s21 =	simm.s32 $0x4280;
	v38 =	vperm.xlane v17, v5;
	v20 =	vadd.s32 v3, v37  }
0x67: {  	[tilespmem:s21], [sflag:$0x1] =	stream.indirect_vreg.gather [hbm4b:s14+s5], $0x80, v18, vm0, $0xb8;
	[tilespmem:$0x1EA80] =	vst v63  }
0x68: {  	s6 =	simm.s32 $0x4300;
	v39 =	vperm.xlane v17, v6;
	v18 =	vadd.s32 v3, v38  }
0x69: {  	[tilespmem:s6], [sflag:$0x1] =	stream.indirect_vreg.gather [hbm4b:s14+s5], $0x80, v19, vm0, $0xb8;
	[tilespmem:$0x1EA80] =	vst v63  }
0x6a: {  	s11 =	simm.s32 $0x4380;
	v40 =	vperm.xlane v17, v7;
	v19 =	vadd.s32 v3, v39  }
0x6b: {  	[tilespmem:s11], [sflag:$0x1] =	stream.indirect_vreg.gather [hbm4b:s14+s5], $0x80, v20, vm0, $0xb8;
	[tilespmem:$0x1EA80] =	vst v63  }
0x6c: {  	s13 =	simm.s32 $0x4400;
	v42 =	vperm.xlane v17, v8;
	v41 =	vadd.s32 v3, v40  }
0x6d: {  	[tilespmem:s13], [sflag:$0x1] =	stream.indirect_vreg.gather [hbm4b:s14+s5], $0x80, v18, vm0, $0xb8;
	[tilespmem:$0x1EA80] =	vst v63  }
0x6e: {  	s15 =	simm.s32 $0x4480;
	v43 =	vperm.xlane v17, v0;
	v18 =	vadd.s32 v3, v42  }
0x6f: {  	[tilespmem:s15], [sflag:$0x1] =	stream.indirect_vreg.gather [hbm4b:s14+s5], $0x80, v19, vm0, $0xb8;
	[tilespmem:$0x1EA80] =	vst v63  }
0x70: {  	s16 =	simm.s32 $0x4500;
	v44 =	vperm.xlane v17, v9;
	v19 =	vadd.s32 v3, v43  }
0x71: {  	[tilespmem:s16], [sflag:$0x1] =	stream.indirect_vreg.gather [hbm4b:s14+s5], $0x80, v41, vm0, $0xb8;
	[tilespmem:$0x1EA80] =	vst v63  }
0x72: {  	s17 =	simm.s32 $0x4580;
	v46 =	vperm.xlane v17, v10;
	v45 =	vadd.s32 v3, v44  }
0x73: {  	[tilespmem:s17], [sflag:$0x1] =	stream.indirect_vreg.gather [hbm4b:s14+s5], $0x80, v18, vm0, $0xb8;
	[tilespmem:$0x1EA80] =	vst v63  }
0x74: {  	s20 =	simm.s32 $0x4600;
	v47 =	vperm.xlane v17, v11;
	v18 =	vadd.s32 v3, v46  }
0x75: {  	[tilespmem:s20], [sflag:$0x1] =	stream.indirect_vreg.gather [hbm4b:s14+s5], $0x80, v19, vm0, $0xb8;
	[tilespmem:$0x1EA80] =	vst v63  }
0x76: {  	v48 =	vperm.xlane v17, v12;
	s21 =	simm.s32 $0x4680;
	v19 =	vadd.s32 v3, v47  }
0x77: {  	[tilespmem:s21], [sflag:$0x1] =	stream.indirect_vreg.gather [hbm4b:s14+s5], $0x80, v45, vm0, $0xb8;
	[tilespmem:$0x1EA80] =	vst v63  }
0x78: {  	v50 =	vperm.xlane v17, v13;
	v49 =	vadd.s32 v3, v48;
	s6 =	simm.s32 $0x4700  }
0x79: {  	[tilespmem:s6], [sflag:$0x1] =	stream.indirect_vreg.gather [hbm4b:s14+s5], $0x80, v18, vm0, $0xb8;
	[tilespmem:$0x1EA80] =	vst v63  }
0x7a: {  	v51 =	vperm.xlane v17, v14;
	s11 =	simm.s32 $0x4780;
	v18 =	vadd.s32 v3, v50  }
0x7b: {  	[tilespmem:s11], [sflag:$0x1] =	stream.indirect_vreg.gather [hbm4b:s14+s5], $0x80, v19, vm0, $0xb8;
	[tilespmem:$0x1EA80] =	vst v63  }
0x7c: {  	v52 =	vperm.xlane v17, v15;
	s13 =	simm.s32 $0x4800;
	v19 =	vadd.s32 v3, v51  }
0x7d: {  	[tilespmem:s13], [sflag:$0x1] =	stream.indirect_vreg.gather [hbm4b:s14+s5], $0x80, v49, vm0, $0xb8;
	[tilespmem:$0x1EA80] =	vst v63  }
0x7e: {  	v17 =	vperm.xlane v17, v16;
	v53 =	vadd.s32 v3, v52;
	s15 =	simm.s32 $0x4880  }
0x7f: {  	[tilespmem:s15], [sflag:$0x1] =	stream.indirect_vreg.gather [hbm4b:s14+s5], $0x80, v18, vm0, $0xb8;
	[tilespmem:$0x1EA80] =	vst v63  }
0x80: {  	v17 =	vadd.s32 v3, v17;
	s16 =	simm.s32 $0x4900  }
0x81: {  	[tilespmem:s16], [sflag:$0x1] =	stream.indirect_vreg.gather [hbm4b:s14+s5], $0x80, v19, vm0, $0xb8;
	[tilespmem:$0x1EA80] =	vst v63  }
0x82: {  	s17 =	simm.s32 $0x4980  }
0x83: {  	[tilespmem:s17], [sflag:$0x1] =	stream.indirect_vreg.gather [hbm4b:s14+s5], $0x80, v53, vm0, $0xb8;
	[tilespmem:$0x1EA80] =	vst v63  }
0x84: {  	s20 =	simm.s32 $0x4A00  }
0x85: {  	[tilespmem:s20], [sflag:$0x1] =	stream.indirect_vreg.gather [hbm4b:s14+s5], $0x80, v17, vm0, $0xb8;
	[tilespmem:$0x1EA80] =	vst v63  }
0x86: {  	v17 =	vld [tilespmem:$0x20];
	_ =	sdelay $0x4  }
0x87: {  	v18 =	vshll.u32 v17, $0x1  }
0x88: {  	v17 =	vand.u32 $0x7, v17;
	v18 =	vand.u32 $0xFFFFFFF0, v18  }
0x89: {  	v17 =	vor.u32 v17, v18  }
0x8a: {  	v18 =	vperm.xlane v17, v2;
	_ =	sdelay $0x1  }
0x8b: {  	v19 =	vperm.xlane v17, v1;
	v18 =	vadd.s32 v3, v18;
	_ =	sdelay $0x1  }
0x8c: {  	v54 =	vperm.xlane v17, v4;
	v19 =	vadd.s32 v3, v19;
	_ =	sdelay $0x1  }
0x8d: {  	s21 =	simm.s32 $0x4A80;
	v55 =	vperm.xlane v17, v5;
	v20 =	vadd.s32 v3, v54  }
0x8e: {  	[tilespmem:s21], [sflag:$0x1] =	stream.indirect_vreg.gather [hbm4b:s14+s5], $0x80, v18, vm0, $0xb8;
	[tilespmem:$0x1EA80] =	vst v63  }
0x8f: {  	s6 =	simm.s32 $0x4B00;
	v56 =	vperm.xlane v17, v6;
	v18 =	vadd.s32 v3, v55  }
0x90: {  	[tilespmem:s6], [sflag:$0x1] =	stream.indirect_vreg.gather [hbm4b:s14+s5], $0x80, v19, vm0, $0xb8;
	[tilespmem:$0x1EA80] =	vst v63  }
0x91: {  	s11 =	simm.s32 $0x4B80;
	v57 =	vperm.xlane v17, v7;
	v19 =	vadd.s32 v3, v56  }
0x92: {  	[tilespmem:s11], [sflag:$0x1] =	stream.indirect_vreg.gather [hbm4b:s14+s5], $0x80, v20, vm0, $0xb8;
	[tilespmem:$0x1EA80] =	vst v63  }
0x93: {  	s13 =	simm.s32 $0x4C00;
	v59 =	vperm.xlane v17, v8;
	v58 =	vadd.s32 v3, v57  }
0x94: {  	[tilespmem:s13], [sflag:$0x1] =	stream.indirect_vreg.gather [hbm4b:s14+s5], $0x80, v18, vm0, $0xb8;
	[tilespmem:$0x1EA80] =	vst v63  }
0x95: {  	s15 =	simm.s32 $0x4C80;
	v60 =	vperm.xlane v17, v0;
	v18 =	vadd.s32 v3, v59  }
0x96: {  	[tilespmem:s15], [sflag:$0x1] =	stream.indirect_vreg.gather [hbm4b:s14+s5], $0x80, v19, vm0, $0xb8;
	[tilespmem:$0x1EA80] =	vst v63  }
0x97: {  	s16 =	simm.s32 $0x4D00;
	v61 =	vperm.xlane v17, v9;
	v19 =	vadd.s32 v3, v60  }
0x98: {  	[tilespmem:s16], [sflag:$0x1] =	stream.indirect_vreg.gather [hbm4b:s14+s5], $0x80, v58, vm0, $0xb8;
	[tilespmem:$0x1EA80] =	vst v63  }
0x99: {  	s17 =	simm.s32 $0x4D80;
	v63 =	vperm.xlane v17, v10;
	v62 =	vadd.s32 v3, v61  }
0x9a: {  	[tilespmem:s17], [sflag:$0x1] =	stream.indirect_vreg.gather [hbm4b:s14+s5], $0x80, v18, vm0, $0xb8;
	[tilespmem:$0x1EA80] =	vst v63  }
0x9b: {  	s20 =	simm.s32 $0x4E00;
	v24 =	vperm.xlane v17, v11;
	v18 =	vadd.s32 v3, v63  }
0x9c: {  	[tilespmem:s20], [sflag:$0x1] =	stream.indirect_vreg.gather [hbm4b:s14+s5], $0x80, v19, vm0, $0xb8;
	[tilespmem:$0x1EA80] =	vst v63  }
0x9d: {  	v25 =	vperm.xlane v17, v12;
	s21 =	simm.s32 $0x4E80;
	v19 =	vadd.s32 v3, v24  }
0x9e: {  	[tilespmem:s21], [sflag:$0x1] =	stream.indirect_vreg.gather [hbm4b:s14+s5], $0x80, v62, vm0, $0xb8;
	[tilespmem:$0x1EA80] =	vst v63  }
0x9f: {  	v27 =	vperm.xlane v17, v13;
	v26 =	vadd.s32 v3, v25;
	s6 =	simm.s32 $0x4F00  }
0xa0: {  	[tilespmem:s6], [sflag:$0x1] =	stream.indirect_vreg.gather [hbm4b:s14+s5], $0x80, v18, vm0, $0xb8;
	[tilespmem:$0x1EA80] =	vst v63  }
0xa1: {  	v28 =	vperm.xlane v17, v14;
	s11 =	simm.s32 $0x4F80;
	v18 =	vadd.s32 v3, v27  }
0xa2: {  	[tilespmem:s11], [sflag:$0x1] =	stream.indirect_vreg.gather [hbm4b:s14+s5], $0x80, v19, vm0, $0xb8;
	[tilespmem:$0x1EA80] =	vst v63  }
0xa3: {  	v29 =	vperm.xlane v17, v15;
	s13 =	simm.s32 $0x5000;
	v19 =	vadd.s32 v3, v28  }
0xa4: {  	[tilespmem:s13], [sflag:$0x1] =	stream.indirect_vreg.gather [hbm4b:s14+s5], $0x80, v26, vm0, $0xb8;
	[tilespmem:$0x1EA80] =	vst v63  }
0xa5: {  	v17 =	vperm.xlane v17, v16;
	v30 =	vadd.s32 v3, v29;
	s15 =	simm.s32 $0x5080  }
0xa6: {  	[tilespmem:s15], [sflag:$0x1] =	stream.indirect_vreg.gather [hbm4b:s14+s5], $0x80, v18, vm0, $0xb8;
	[tilespmem:$0x1EA80] =	vst v63  }
0xa7: {  	v17 =	vadd.s32 v3, v17;
	s16 =	simm.s32 $0x5100  }
0xa8: {  	[tilespmem:s16], [sflag:$0x1] =	stream.indirect_vreg.gather [hbm4b:s14+s5], $0x80, v19, vm0, $0xb8;
	[tilespmem:$0x1EA80] =	vst v63  }
0xa9: {  	s17 =	simm.s32 $0x5180  }
0xaa: {  	[tilespmem:s17], [sflag:$0x1] =	stream.indirect_vreg.gather [hbm4b:s14+s5], $0x80, v30, vm0, $0xb8;
	[tilespmem:$0x1EA80] =	vst v63  }
0xab: {  	s20 =	simm.s32 $0x5200  }
0xac: {  	[tilespmem:s20], [sflag:$0x1] =	stream.indirect_vreg.gather [hbm4b:s14+s5], $0x80, v17, vm0, $0xb8;
	[tilespmem:$0x1EA80] =	vst v63  }
0xad: {  	v17 =	vld.msk [tilespmem:$0x30], $0x3;
	_ =	sdelay $0x4  }
0xae: {  	v18 =	vshll.u32 v17, $0x1  }
0xaf: {  	v17 =	vand.u32 $0x7, v17;
	v18 =	vand.u32 $0xFFFFFFF0, v18  }
0xb0: {  	v17 =	vor.u32 v17, v18  }
0xb1: {  	v18 =	vperm.xlane v17, v2;
	_ =	sdelay $0x1  }
0xb2: {  	v17 =	vperm.xlane v17, v1;
	v18 =	vadd.s32 v3, v18;
	_ =	sdelay $0x1  }
0xb3: {  	v17 =	vadd.s32 v3, v17;
	_ =	sdelay $0x1  }
0xb4: {  	s21 =	simm.s32 $0x5280  }
0xb5: {  	[tilespmem:s21], [sflag:$0x1] =	stream.indirect_vreg.gather [hbm4b:s14+s5], $0x80, v18, vm0, $0xb8;
	[tilespmem:$0x1EA80] =	vst v63  }
0xb6: {  	s6 =	simm.s32 $0x5300  }
0xb7: {  	[tilespmem:s6], [sflag:$0x1] =	stream.indirect_vreg.gather [hbm4b:s14+s5], $0x80, v17, vm0, $0xb8;
	[tilespmem:$0x1EA80] =	vst v63  }
0xb8: {  	v17 =	vld [tilespmem:$0x80];
	_ =	sdelay $0x4  }
0xb9: {  	v18 =	vshll.u32 v17, $0x1  }
0xba: {  	v17 =	vand.u32 $0x7, v17;
	v18 =	vand.u32 $0xFFFFFFF0, v18  }
0xbb: {  	v17 =	vor.u32 v17, v18  }
0xbc: {  	v18 =	vperm.xlane v17, v2;
	_ =	sdelay $0x1  }
0xbd: {  	v19 =	vperm.xlane v17, v1;
	v18 =	vadd.s32 v3, v18;
	_ =	sdelay $0x1  }
0xbe: {  	v31 =	vperm.xlane v17, v4;
	v19 =	vadd.s32 v3, v19;
	_ =	sdelay $0x1  }
0xbf: {  	s11 =	simm.s32 $0x5680;
	v32 =	vperm.xlane v17, v5;
	v20 =	vadd.s32 v3, v31  }
0xc0: {  	[tilespmem:s11], [sflag:$0x1] =	stream.indirect_vreg.gather [hbm4b:s14+s5], $0x80, v18, vm0, $0xb8;
	[tilespmem:$0x1EA80] =	vst v63  }
0xc1: {  	s13 =	simm.s32 $0x5700;
	v33 =	vperm.xlane v17, v6;
	v18 =	vadd.s32 v3, v32  }
0xc2: {  	[tilespmem:s13], [sflag:$0x1] =	stream.indirect_vreg.gather [hbm4b:s14+s5], $0x80, v19, vm0, $0xb8;
	[tilespmem:$0x1EA80] =	vst v63  }
0xc3: {  	s15 =	simm.s32 $0x5780;
	v34 =	vperm.xlane v17, v7;
	v19 =	vadd.s32 v3, v33  }
0xc4: {  	[tilespmem:s15], [sflag:$0x1] =	stream.indirect_vreg.gather [hbm4b:s14+s5], $0x80, v20, vm0, $0xb8;
	[tilespmem:$0x1EA80] =	vst v63  }
0xc5: {  	s16 =	simm.s32 $0x5800;
	v36 =	vperm.xlane v17, v8;
	v35 =	vadd.s32 v3, v34  }
0xc6: {  	[tilespmem:s16], [sflag:$0x1] =	stream.indirect_vreg.gather [hbm4b:s14+s5], $0x80, v18, vm0, $0xb8;
	[tilespmem:$0x1EA80] =	vst v63  }
0xc7: {  	s17 =	simm.s32 $0x5880;
	v37 =	vperm.xlane v17, v0;
	v18 =	vadd.s32 v3, v36  }
0xc8: {  	[tilespmem:s17], [sflag:$0x1] =	stream.indirect_vreg.gather [hbm4b:s14+s5], $0x80, v19, vm0, $0xb8;
	[tilespmem:$0x1EA80] =	vst v63  }
0xc9: {  	s20 =	simm.s32 $0x5900;
	v38 =	vperm.xlane v17, v9;
	v19 =	vadd.s32 v3, v37  }
0xca: {  	[tilespmem:s20], [sflag:$0x1] =	stream.indirect_vreg.gather [hbm4b:s14+s5], $0x80, v35, vm0, $0xb8;
	[tilespmem:$0x1EA80] =	vst v63  }
0xcb: {  	s21 =	simm.s32 $0x5980;
	v40 =	vperm.xlane v17, v10;
	v39 =	vadd.s32 v3, v38  }
0xcc: {  	[tilespmem:s21], [sflag:$0x1] =	stream.indirect_vreg.gather [hbm4b:s14+s5], $0x80, v18, vm0, $0xb8;
	[tilespmem:$0x1EA80] =	vst v63  }
0xcd: {  	s6 =	simm.s32 $0x5A00;
	v41 =	vperm.xlane v17, v11;
	v18 =	vadd.s32 v3, v40  }
0xce: {  	[tilespmem:s6], [sflag:$0x1] =	stream.indirect_vreg.gather [hbm4b:s14+s5], $0x80, v19, vm0, $0xb8;
	[tilespmem:$0x1EA80] =	vst v63  }
0xcf: {  	v42 =	vperm.xlane v17, v12;
	s11 =	simm.s32 $0x5A80;
	v19 =	vadd.s32 v3, v41  }
0xd0: {  	[tilespmem:s11], [sflag:$0x1] =	stream.indirect_vreg.gather [hbm4b:s14+s5], $0x80, v39, vm0, $0xb8;
	[tilespmem:$0x1EA80] =	vst v63  }
0xd1: {  	v44 =	vperm.xlane v17, v13;
	v43 =	vadd.s32 v3, v42;
	s13 =	simm.s32 $0x5B00  }
0xd2: {  	[tilespmem:s13], [sflag:$0x1] =	stream.indirect_vreg.gather [hbm4b:s14+s5], $0x80, v18, vm0, $0xb8;
	[tilespmem:$0x1EA80] =	vst v63  }
0xd3: {  	v45 =	vperm.xlane v17, v14;
	s15 =	simm.s32 $0x5B80;
	v18 =	vadd.s32 v3, v44  }
0xd4: {  	[tilespmem:s15], [sflag:$0x1] =	stream.indirect_vreg.gather [hbm4b:s14+s5], $0x80, v19, vm0, $0xb8;
	[tilespmem:$0x1EA80] =	vst v63  }
0xd5: {  	v46 =	vperm.xlane v17, v15;
	s16 =	simm.s32 $0x5C00;
	v19 =	vadd.s32 v3, v45  }
0xd6: {  	[tilespmem:s16], [sflag:$0x1] =	stream.indirect_vreg.gather [hbm4b:s14+s5], $0x80, v43, vm0, $0xb8;
	[tilespmem:$0x1EA80] =	vst v63  }
0xd7: {  	v17 =	vperm.xlane v17, v16;
	v47 =	vadd.s32 v3, v46;
	s17 =	simm.s32 $0x5C80  }
0xd8: {  	[tilespmem:s17], [sflag:$0x1] =	stream.indirect_vreg.gather [hbm4b:s14+s5], $0x80, v18, vm0, $0xb8;
	[tilespmem:$0x1EA80] =	vst v63  }
0xd9: {  	v17 =	vadd.s32 v3, v17;
	s20 =	simm.s32 $0x5D00  }
0xda: {  	[tilespmem:s20], [sflag:$0x1] =	stream.indirect_vreg.gather [hbm4b:s14+s5], $0x80, v19, vm0, $0xb8;
	[tilespmem:$0x1EA80] =	vst v63  }
0xdb: {  	s21 =	simm.s32 $0x5D80  }
0xdc: {  	[tilespmem:s21], [sflag:$0x1] =	stream.indirect_vreg.gather [hbm4b:s14+s5], $0x80, v47, vm0, $0xb8;
	[tilespmem:$0x1EA80] =	vst v63  }
0xdd: {  	s6 =	simm.s32 $0x5E00  }
0xde: {  	[tilespmem:s6], [sflag:$0x1] =	stream.indirect_vreg.gather [hbm4b:s14+s5], $0x80, v17, vm0, $0xb8;
	[tilespmem:$0x1EA80] =	vst v63  }
0xdf: {  	v17 =	vld [tilespmem:$0x90];
	_ =	sdelay $0x4  }
0xe0: {  	v18 =	vshll.u32 v17, $0x1  }
0xe1: {  	v17 =	vand.u32 $0x7, v17;
	v18 =	vand.u32 $0xFFFFFFF0, v18  }
0xe2: {  	v17 =	vor.u32 v17, v18  }
0xe3: {  	v18 =	vperm.xlane v17, v2;
	_ =	sdelay $0x1  }
0xe4: {  	v19 =	vperm.xlane v17, v1;
	v18 =	vadd.s32 v3, v18;
	_ =	sdelay $0x1  }
0xe5: {  	v48 =	vperm.xlane v17, v4;
	v19 =	vadd.s32 v3, v19;
	_ =	sdelay $0x1  }
0xe6: {  	s11 =	simm.s32 $0x5E80;
	v49 =	vperm.xlane v17, v5;
	v20 =	vadd.s32 v3, v48  }
0xe7: {  	[tilespmem:s11], [sflag:$0x1] =	stream.indirect_vreg.gather [hbm4b:s14+s5], $0x80, v18, vm0, $0xb8;
	[tilespmem:$0x1EA80] =	vst v63  }
0xe8: {  	s13 =	simm.s32 $0x5F00;
	v50 =	vperm.xlane v17, v6;
	v18 =	vadd.s32 v3, v49  }
0xe9: {  	[tilespmem:s13], [sflag:$0x1] =	stream.indirect_vreg.gather [hbm4b:s14+s5], $0x80, v19, vm0, $0xb8;
	[tilespmem:$0x1EA80] =	vst v63  }
0xea: {  	s15 =	simm.s32 $0x5F80;
	v51 =	vperm.xlane v17, v7;
	v19 =	vadd.s32 v3, v50  }
0xeb: {  	[tilespmem:s15], [sflag:$0x1] =	stream.indirect_vreg.gather [hbm4b:s14+s5], $0x80, v20, vm0, $0xb8;
	[tilespmem:$0x1EA80] =	vst v63  }
0xec: {  	s16 =	simm.s32 $0x6000;
	v53 =	vperm.xlane v17, v8;
	v52 =	vadd.s32 v3, v51  }
0xed: {  	[tilespmem:s16], [sflag:$0x1] =	stream.indirect_vreg.gather [hbm4b:s14+s5], $0x80, v18, vm0, $0xb8;
	[tilespmem:$0x1EA80] =	vst v63  }
0xee: {  	s17 =	simm.s32 $0x6080;
	v54 =	vperm.xlane v17, v0;
	v18 =	vadd.s32 v3, v53  }
0xef: {  	[tilespmem:s17], [sflag:$0x1] =	stream.indirect_vreg.gather [hbm4b:s14+s5], $0x80, v19, vm0, $0xb8;
	[tilespmem:$0x1EA80] =	vst v63  }
0xf0: {  	s20 =	simm.s32 $0x6100;
	v55 =	vperm.xlane v17, v9;
	v19 =	vadd.s32 v3, v54  }
0xf1: {  	[tilespmem:s20], [sflag:$0x1] =	stream.indirect_vreg.gather [hbm4b:s14+s5], $0x80, v52, vm0, $0xb8;
	[tilespmem:$0x1EA80] =	vst v63  }
0xf2: {  	s21 =	simm.s32 $0x6180;
	v57 =	vperm.xlane v17, v10;
	v56 =	vadd.s32 v3, v55  }
0xf3: {  	[tilespmem:s21], [sflag:$0x1] =	stream.indirect_vreg.gather [hbm4b:s14+s5], $0x80, v18, vm0, $0xb8;
	[tilespmem:$0x1EA80] =	vst v63  }
0xf4: {  	s6 =	simm.s32 $0x6200;
	v58 =	vperm.xlane v17, v11;
	v18 =	vadd.s32 v3, v57  }
0xf5: {  	[tilespmem:s6], [sflag:$0x1] =	stream.indirect_vreg.gather [hbm4b:s14+s5], $0x80, v19, vm0, $0xb8;
	[tilespmem:$0x1EA80] =	vst v63  }
0xf6: {  	v59 =	vperm.xlane v17, v12;
	s11 =	simm.s32 $0x6280;
	v19 =	vadd.s32 v3, v58  }
0xf7: {  	[tilespmem:s11], [sflag:$0x1] =	stream.indirect_vreg.gather [hbm4b:s14+s5], $0x80, v56, vm0, $0xb8;
	[tilespmem:$0x1EA80] =	vst v63  }
0xf8: {  	v61 =	vperm.xlane v17, v13;
	v60 =	vadd.s32 v3, v59;
	s13 =	simm.s32 $0x6300  }
0xf9: {  	[tilespmem:s13], [sflag:$0x1] =	stream.indirect_vreg.gather [hbm4b:s14+s5], $0x80, v18, vm0, $0xb8;
	[tilespmem:$0x1EA80] =	vst v63  }
0xfa: {  	v62 =	vperm.xlane v17, v14;
	s15 =	simm.s32 $0x6380;
	v18 =	vadd.s32 v3, v61  }
0xfb: {  	[tilespmem:s15], [sflag:$0x1] =	stream.indirect_vreg.gather [hbm4b:s14+s5], $0x80, v19, vm0, $0xb8;
	[tilespmem:$0x1EA80] =	vst v63  }
0xfc: {  	v63 =	vperm.xlane v17, v15;
	s16 =	simm.s32 $0x6400;
	v19 =	vadd.s32 v3, v62  }
0xfd: {  	[tilespmem:s16], [sflag:$0x1] =	stream.indirect_vreg.gather [hbm4b:s14+s5], $0x80, v60, vm0, $0xb8;
	[tilespmem:$0x1EA80] =	vst v63  }
0xfe: {  	v17 =	vperm.xlane v17, v16;
	v24 =	vadd.s32 v3, v63;
	s17 =	simm.s32 $0x6480  }
0xff: {  	[tilespmem:s17], [sflag:$0x1] =	stream.indirect_vreg.gather [hbm4b:s14+s5], $0x80, v18, vm0, $0xb8;
	[tilespmem:$0x1EA80] =	vst v63  }
0x100: {  	v17 =	vadd.s32 v3, v17;
	s20 =	simm.s32 $0x6500  }
0x101: {  	[tilespmem:s20], [sflag:$0x1] =	stream.indirect_vreg.gather [hbm4b:s14+s5], $0x80, v19, vm0, $0xb8;
	[tilespmem:$0x1EA80] =	vst v63  }
0x102: {  	s21 =	simm.s32 $0x6580  }
0x103: {  	[tilespmem:s21], [sflag:$0x1] =	stream.indirect_vreg.gather [hbm4b:s14+s5], $0x80, v24, vm0, $0xb8;
	[tilespmem:$0x1EA80] =	vst v63  }
0x104: {  	s6 =	simm.s32 $0x6600  }
0x105: {  	[tilespmem:s6], [sflag:$0x1] =	stream.indirect_vreg.gather [hbm4b:s14+s5], $0x80, v17, vm0, $0xb8;
	[tilespmem:$0x1EA80] =	vst v63  }
0x106: {  	v17 =	vld [tilespmem:$0xA0];
	_ =	sdelay $0x4  }
0x107: {  	v18 =	vshll.u32 v17, $0x1  }
0x108: {  	v17 =	vand.u32 $0x7, v17;
	v18 =	vand.u32 $0xFFFFFFF0, v18  }
0x109: {  	v17 =	vor.u32 v17, v18  }
0x10a: {  	v18 =	vperm.xlane v17, v2;
	_ =	sdelay $0x1  }
0x10b: {  	v19 =	vperm.xlane v17, v1;
	v18 =	vadd.s32 v3, v18;
	_ =	sdelay $0x1  }
0x10c: {  	v25 =	vperm.xlane v17, v4;
	v19 =	vadd.s32 v3, v19;
	_ =	sdelay $0x1  }
0x10d: {  	s11 =	simm.s32 $0x6680;
	v26 =	vperm.xlane v17, v5;
	v20 =	vadd.s32 v3, v25  }
0x10e: {  	[tilespmem:s11], [sflag:$0x1] =	stream.indirect_vreg.gather [hbm4b:s14+s5], $0x80, v18, vm0, $0xb8;
	[tilespmem:$0x1EA80] =	vst v63  }
0x10f: {  	s13 =	simm.s32 $0x6700;
	v27 =	vperm.xlane v17, v6;
	v18 =	vadd.s32 v3, v26  }
0x110: {  	[tilespmem:s13], [sflag:$0x1] =	stream.indirect_vreg.gather [hbm4b:s14+s5], $0x80, v19, vm0, $0xb8;
	[tilespmem:$0x1EA80] =	vst v63  }
0x111: {  	s15 =	simm.s32 $0x6780;
	v28 =	vperm.xlane v17, v7;
	v19 =	vadd.s32 v3, v27  }
0x112: {  	[tilespmem:s15], [sflag:$0x1] =	stream.indirect_vreg.gather [hbm4b:s14+s5], $0x80, v20, vm0, $0xb8;
	[tilespmem:$0x1EA80] =	vst v63  }
0x113: {  	s16 =	simm.s32 $0x6800;
	v30 =	vperm.xlane v17, v8;
	v29 =	vadd.s32 v3, v28  }
0x114: {  	[tilespmem:s16], [sflag:$0x1] =	stream.indirect_vreg.gather [hbm4b:s14+s5], $0x80, v18, vm0, $0xb8;
	[tilespmem:$0x1EA80] =	vst v63  }
0x115: {  	s17 =	simm.s32 $0x6880;
	v31 =	vperm.xlane v17, v0;
	v18 =	vadd.s32 v3, v30  }
0x116: {  	[tilespmem:s17], [sflag:$0x1] =	stream.indirect_vreg.gather [hbm4b:s14+s5], $0x80, v19, vm0, $0xb8;
	[tilespmem:$0x1EA80] =	vst v63  }
0x117: {  	s20 =	simm.s32 $0x6900;
	v32 =	vperm.xlane v17, v9;
	v19 =	vadd.s32 v3, v31  }
0x118: {  	[tilespmem:s20], [sflag:$0x1] =	stream.indirect_vreg.gather [hbm4b:s14+s5], $0x80, v29, vm0, $0xb8;
	[tilespmem:$0x1EA80] =	vst v63  }
0x119: {  	s21 =	simm.s32 $0x6980;
	v34 =	vperm.xlane v17, v10;
	v33 =	vadd.s32 v3, v32  }
0x11a: {  	[tilespmem:s21], [sflag:$0x1] =	stream.indirect_vreg.gather [hbm4b:s14+s5], $0x80, v18, vm0, $0xb8;
	[tilespmem:$0x1EA80] =	vst v63  }
0x11b: {  	s6 =	simm.s32 $0x6A00;
	v35 =	vperm.xlane v17, v11;
	v18 =	vadd.s32 v3, v34  }
0x11c: {  	[tilespmem:s6], [sflag:$0x1] =	stream.indirect_vreg.gather [hbm4b:s14+s5], $0x80, v19, vm0, $0xb8;
	[tilespmem:$0x1EA80] =	vst v63  }
0x11d: {  	v36 =	vperm.xlane v17, v12;
	s11 =	simm.s32 $0x6A80;
	v19 =	vadd.s32 v3, v35  }
0x11e: {  	[tilespmem:s11], [sflag:$0x1] =	stream.indirect_vreg.gather [hbm4b:s14+s5], $0x80, v33, vm0, $0xb8;
	[tilespmem:$0x1EA80] =	vst v63  }
0x11f: {  	v38 =	vperm.xlane v17, v13;
	v37 =	vadd.s32 v3, v36;
	s13 =	simm.s32 $0x6B00  }
0x120: {  	[tilespmem:s13], [sflag:$0x1] =	stream.indirect_vreg.gather [hbm4b:s14+s5], $0x80, v18, vm0, $0xb8;
	[tilespmem:$0x1EA80] =	vst v63  }
0x121: {  	v39 =	vperm.xlane v17, v14;
	s15 =	simm.s32 $0x6B80;
	v18 =	vadd.s32 v3, v38  }
0x122: {  	[tilespmem:s15], [sflag:$0x1] =	stream.indirect_vreg.gather [hbm4b:s14+s5], $0x80, v19, vm0, $0xb8;
	[tilespmem:$0x1EA80] =	vst v63  }
0x123: {  	v40 =	vperm.xlane v17, v15;
	s16 =	simm.s32 $0x6C00;
	v19 =	vadd.s32 v3, v39  }
0x124: {  	[tilespmem:s16], [sflag:$0x1] =	stream.indirect_vreg.gather [hbm4b:s14+s5], $0x80, v37, vm0, $0xb8;
	[tilespmem:$0x1EA80] =	vst v63  }
0x125: {  	v17 =	vperm.xlane v17, v16;
	v41 =	vadd.s32 v3, v40;
	s17 =	simm.s32 $0x6C80  }
0x126: {  	[tilespmem:s17], [sflag:$0x1] =	stream.indirect_vreg.gather [hbm4b:s14+s5], $0x80, v18, vm0, $0xb8;
	[tilespmem:$0x1EA80] =	vst v63  }
0x127: {  	v17 =	vadd.s32 v3, v17;
	s20 =	simm.s32 $0x6D00  }
0x128: {  	[tilespmem:s20], [sflag:$0x1] =	stream.indirect_vreg.gather [hbm4b:s14+s5], $0x80, v19, vm0, $0xb8;
	[tilespmem:$0x1EA80] =	vst v63  }
0x129: {  	s21 =	simm.s32 $0x6D80  }
0x12a: {  	[tilespmem:s21], [sflag:$0x1] =	stream.indirect_vreg.gather [hbm4b:s14+s5], $0x80, v41, vm0, $0xb8;
	[tilespmem:$0x1EA80] =	vst v63  }
0x12b: {  	s6 =	simm.s32 $0x6E00  }
0x12c: {  	[tilespmem:s6], [sflag:$0x1] =	stream.indirect_vreg.gather [hbm4b:s14+s5], $0x80, v17, vm0, $0xb8;
	[tilespmem:$0x1EA80] =	vst v63  }
0x12d: {  	v17 =	vld.msk [tilespmem:$0xB0], $0x3;
	_ =	sdelay $0x4  }
0x12e: {  	v18 =	vshll.u32 v17, $0x1  }
0x12f: {  	v17 =	vand.u32 $0x7, v17;
	v18 =	vand.u32 $0xFFFFFFF0, v18  }
0x130: {  	v17 =	vor.u32 v17, v18  }
0x131: {  	v18 =	vperm.xlane v17, v2;
	_ =	sdelay $0x1  }
0x132: {  	v17 =	vperm.xlane v17, v1;
	v18 =	vadd.s32 v3, v18;
	_ =	sdelay $0x1  }
0x133: {  	v17 =	vadd.s32 v3, v17;
	_ =	sdelay $0x1  }
0x134: {  	s11 =	simm.s32 $0x6E80  }
0x135: {  	[tilespmem:s11], [sflag:$0x1] =	stream.indirect_vreg.gather [hbm4b:s14+s5], $0x80, v18, vm0, $0xb8;
	[tilespmem:$0x1EA80] =	vst v63  }
0x136: {  	s13 =	simm.s32 $0x6F00  }
0x137: {  	[tilespmem:s13], [sflag:$0x1] =	stream.indirect_vreg.gather [hbm4b:s14+s5], $0x80, v17, vm0, $0xb8;
	[tilespmem:$0x1EA80] =	vst v63  }
0x138: {  	v17 =	vld [tilespmem:$0x100];
	_ =	sdelay $0x4  }
0x139: {  	v18 =	vshll.u32 v17, $0x1  }
0x13a: {  	v17 =	vand.u32 $0x7, v17;
	v18 =	vand.u32 $0xFFFFFFF0, v18  }
0x13b: {  	v17 =	vor.u32 v17, v18  }
0x13c: {  	v18 =	vperm.xlane v17, v2;
	_ =	sdelay $0x1  }
0x13d: {  	v19 =	vperm.xlane v17, v1;
	v18 =	vadd.s32 v3, v18;
	_ =	sdelay $0x1  }
0x13e: {  	v42 =	vperm.xlane v17, v4;
	v19 =	vadd.s32 v3, v19;
	_ =	sdelay $0x1  }
0x13f: {  	s15 =	simm.s32 $0x7280;
	v43 =	vperm.xlane v17, v5;
	v20 =	vadd.s32 v3, v42  }
0x140: {  	[tilespmem:s15], [sflag:$0x3] =	stream.indirect_vreg.gather [hbm4b:s14+s5], $0x80, v18, vm0, $0xb8;
	[tilespmem:$0x1EA80] =	vst v63  }
0x141: {  	v44 =	vperm.xlane v17, v6;
	v18 =	vadd.s32 v3, v43  }
0x142: {  	[tilespmem:s7], [sflag:$0x3] =	stream.indirect_vreg.gather [hbm4b:s14+s5], $0x80, v19, vm0, $0xb8;
	[tilespmem:$0x1EA80] =	vst v63  }
0x143: {  	v45 =	vperm.xlane v17, v7;
	v19 =	vadd.s32 v3, v44  }
0x144: {  	[tilespmem:s10], [sflag:$0x3] =	stream.indirect_vreg.gather [hbm4b:s14+s5], $0x80, v20, vm0, $0xb8;
	[tilespmem:$0x1EA80] =	vst v63  }
0x145: {  	v47 =	vperm.xlane v17, v8;
	v46 =	vadd.s32 v3, v45  }
0x146: {  	[tilespmem:s12], [sflag:$0x3] =	stream.indirect_vreg.gather [hbm4b:s14+s5], $0x80, v18, vm0, $0xb8;
	[tilespmem:$0x1EA80] =	vst v63  }
0x147: {  	v48 =	vperm.xlane v17, v0;
	v18 =	vadd.s32 v3, v47  }
0x148: {  	[tilespmem:s18], [sflag:$0x3] =	stream.indirect_vreg.gather [hbm4b:s14+s5], $0x80, v19, vm0, $0xb8;
	[tilespmem:$0x1EA80] =	vst v63  }
0x149: {  	v49 =	vperm.xlane v17, v9;
	v19 =	vadd.s32 v3, v48  }
0x14a: {  	[tilespmem:s22], [sflag:$0x3] =	stream.indirect_vreg.gather [hbm4b:s14+s5], $0x80, v46, vm0, $0xb8;
	[tilespmem:$0x1EA80] =	vst v63  }
0x14b: {  	v51 =	vperm.xlane v17, v10;
	v50 =	vadd.s32 v3, v49  }
0x14c: {  	[tilespmem:s28], [sflag:$0x3] =	stream.indirect_vreg.gather [hbm4b:s14+s5], $0x80, v18, vm0, $0xb8;
	[tilespmem:$0x1EA80] =	vst v63  }
0x14d: {  	v52 =	vperm.xlane v17, v11;
	v18 =	vadd.s32 v3, v51  }
0x14e: {  	[tilespmem:s0], [sflag:$0x3] =	stream.indirect_vreg.gather [hbm4b:s14+s5], $0x80, v19, vm0, $0xb8;
	[tilespmem:$0x1EA80] =	vst v63  }
0x14f: {  	v53 =	vperm.xlane v17, v12;
	v19 =	vadd.s32 v3, v52  }
0x150: {  	[tilespmem:s26], [sflag:$0x3] =	stream.indirect_vreg.gather [hbm4b:s14+s5], $0x80, v50, vm0, $0xb8;
	[tilespmem:$0x1EA80] =	vst v63  }
0x151: {  	v55 =	vperm.xlane v17, v13;
	v54 =	vadd.s32 v3, v53  }
0x152: {  	[tilespmem:s24], [sflag:$0x3] =	stream.indirect_vreg.gather [hbm4b:s14+s5], $0x80, v18, vm0, $0xb8;
	[tilespmem:$0x1EA80] =	vst v63  }
0x153: {  	v56 =	vperm.xlane v17, v14;
	v18 =	vadd.s32 v3, v55  }
0x154: {  	[tilespmem:s19], [sflag:$0x3] =	stream.indirect_vreg.gather [hbm4b:s14+s5], $0x80, v19, vm0, $0xb8;
	[tilespmem:$0x1EA80] =	vst v63  }
0x155: {  	v57 =	vperm.xlane v17, v15;
	v19 =	vadd.s32 v3, v56  }
0x156: {  	[tilespmem:s30], [sflag:$0x3] =	stream.indirect_vreg.gather [hbm4b:s14+s5], $0x80, v54, vm0, $0xb8;
	[tilespmem:$0x1EA80] =	vst v63  }
0x157: {  	v17 =	vperm.xlane v17, v16;
	v58 =	vadd.s32 v3, v57  }
0x158: {  	[tilespmem:s4], [sflag:$0x3] =	stream.indirect_vreg.gather [hbm4b:s14+s5], $0x80, v18, vm0, $0xb8;
	[tilespmem:$0x1EA80] =	vst v63  }
0x159: {  	v17 =	vadd.s32 v3, v17  }
0x15a: {  	[tilespmem:s3], [sflag:$0x3] =	stream.indirect_vreg.gather [hbm4b:s14+s5], $0x80, v19, vm0, $0xb8;
	[tilespmem:$0x1EA80] =	vst v63  }
0x15b: {  	_ = 	snop  }
0x15c: {  	[tilespmem:s2], [sflag:$0x3] =	stream.indirect_vreg.gather [hbm4b:s14+s5], $0x80, v58, vm0, $0xb8;
	[tilespmem:$0x1EA80] =	vst v63  }
0x15d: {  	_ = 	snop  }
0x15e: {  	[tilespmem:s25], [sflag:$0x3] =	stream.indirect_vreg.gather [hbm4b:s14+s5], $0x80, v17, vm0, $0xb8;
	[tilespmem:$0x1EA80] =	vst v63  }
0x15f: {  	v17 =	vld [tilespmem:$0x110];
	_ =	sdelay $0x4  }
0x160: {  	v18 =	vshll.u32 v17, $0x1  }
0x161: {  	v17 =	vand.u32 $0x7, v17;
	v18 =	vand.u32 $0xFFFFFFF0, v18  }
0x162: {  	v17 =	vor.u32 v17, v18  }
0x163: {  	v18 =	vperm.xlane v17, v2;
	_ =	sdelay $0x1  }
0x164: {  	v19 =	vperm.xlane v17, v1;
	v18 =	vadd.s32 v3, v18;
	_ =	sdelay $0x1  }
0x165: {  	v59 =	vperm.xlane v17, v4;
	v19 =	vadd.s32 v3, v19;
	_ =	sdelay $0x1  }
0x166: {  	v60 =	vperm.xlane v17, v5;
	v20 =	vadd.s32 v3, v59  }
0x167: {  	[tilespmem:s8], [sflag:$0x3] =	stream.indirect_vreg.gather [hbm4b:s14+s5], $0x80, v18, vm0, $0xb8;
	[tilespmem:$0x1EA80] =	vst v63  }
0x168: {  	v61 =	vperm.xlane v17, v6;
	v18 =	vadd.s32 v3, v60  }
0x169: {  	[tilespmem:s31], [sflag:$0x3] =	stream.indirect_vreg.gather [hbm4b:s14+s5], $0x80, v19, vm0, $0xb8;
	[tilespmem:$0x1EA80] =	vst v63  }
0x16a: {  	v62 =	vperm.xlane v17, v7;
	v19 =	vadd.s32 v3, v61  }
0x16b: {  	[tilespmem:s1], [sflag:$0x3] =	stream.indirect_vreg.gather [hbm4b:s14+s5], $0x80, v20, vm0, $0xb8;
	[tilespmem:$0x1EA80] =	vst v63  }
0x16c: {  	s16 =	simm.s32 $0x7C00;
	v24 =	vperm.xlane v17, v8;
	v63 =	vadd.s32 v3, v62  }
0x16d: {  	[tilespmem:s16], [sflag:$0x3] =	stream.indirect_vreg.gather [hbm4b:s14+s5], $0x80, v18, vm0, $0xb8;
	[tilespmem:$0x1EA80] =	vst v63  }
0x16e: {  	s17 =	simm.s32 $0x7C80;
	v25 =	vperm.xlane v17, v0;
	v18 =	vadd.s32 v3, v24  }
0x16f: {  	[tilespmem:s17], [sflag:$0x3] =	stream.indirect_vreg.gather [hbm4b:s14+s5], $0x80, v19, vm0, $0xb8;
	[tilespmem:$0x1EA80] =	vst v63  }
0x170: {  	s18 =	simm.s32 $0x7D00;
	v26 =	vperm.xlane v17, v9;
	v19 =	vadd.s32 v3, v25  }
0x171: {  	[tilespmem:s18], [sflag:$0x3] =	stream.indirect_vreg.gather [hbm4b:s14+s5], $0x80, v63, vm0, $0xb8;
	[tilespmem:$0x1EA80] =	vst v63  }
0x172: {  	s19 =	simm.s32 $0x7D80;
	v28 =	vperm.xlane v17, v10;
	v27 =	vadd.s32 v3, v26  }
0x173: {  	[tilespmem:s19], [sflag:$0x3] =	stream.indirect_vreg.gather [hbm4b:s14+s5], $0x80, v18, vm0, $0xb8;
	[tilespmem:$0x1EA80] =	vst v63  }
0x174: {  	s20 =	simm.s32 $0x7E00;
	v29 =	vperm.xlane v17, v11;
	v18 =	vadd.s32 v3, v28  }
0x175: {  	[tilespmem:s20], [sflag:$0x3] =	stream.indirect_vreg.gather [hbm4b:s14+s5], $0x80, v19, vm0, $0xb8;
	[tilespmem:$0x1EA80] =	vst v63  }
0x176: {  	s21 =	simm.s32 $0x7E80;
	v30 =	vperm.xlane v17, v12;
	v19 =	vadd.s32 v3, v29  }
0x177: {  	[tilespmem:s21], [sflag:$0x3] =	stream.indirect_vreg.gather [hbm4b:s14+s5], $0x80, v27, vm0, $0xb8;
	[tilespmem:$0x1EA80] =	vst v63  }
0x178: {  	s22 =	simm.s32 $0x7F00;
	v32 =	vperm.xlane v17, v13;
	v31 =	vadd.s32 v3, v30  }
0x179: {  	[tilespmem:s22], [sflag:$0x3] =	stream.indirect_vreg.gather [hbm4b:s14+s5], $0x80, v18, vm0, $0xb8;
	[tilespmem:$0x1EA80] =	vst v63  }
0x17a: {  	s24 =	simm.s32 $0x7F80;
	v33 =	vperm.xlane v17, v14;
	v18 =	vadd.s32 v3, v32  }
0x17b: {  	[tilespmem:s24], [sflag:$0x3] =	stream.indirect_vreg.gather [hbm4b:s14+s5], $0x80, v19, vm0, $0xb8;
	[tilespmem:$0x1EA80] =	vst v63  }
0x17c: {  	s25 =	simm.s32 $0x8000;
	v34 =	vperm.xlane v17, v15;
	v19 =	vadd.s32 v3, v33  }
0x17d: {  	[tilespmem:s25], [sflag:$0x3] =	stream.indirect_vreg.gather [hbm4b:s14+s5], $0x80, v31, vm0, $0xb8;
	[tilespmem:$0x1EA80] =	vst v63  }
0x17e: {  	s26 =	simm.s32 $0x8080;
	v17 =	vperm.xlane v17, v16;
	v35 =	vadd.s32 v3, v34  }
0x17f: {  	[tilespmem:s26], [sflag:$0x3] =	stream.indirect_vreg.gather [hbm4b:s14+s5], $0x80, v18, vm0, $0xb8;
	[tilespmem:$0x1EA80] =	vst v63  }
0x180: {  	v17 =	vadd.s32 v3, v17;
	s1 =	simm.s32 $0x8100  }
0x181: {  	[tilespmem:s1], [sflag:$0x3] =	stream.indirect_vreg.gather [hbm4b:s14+s5], $0x80, v19, vm0, $0xb8;
	[tilespmem:$0x1EA80] =	vst v63  }
0x182: {  	s2 =	simm.s32 $0x8180  }
0x183: {  	[tilespmem:s2], [sflag:$0x3] =	stream.indirect_vreg.gather [hbm4b:s14+s5], $0x80, v35, vm0, $0xb8;
	[tilespmem:$0x1EA80] =	vst v63  }
0x184: {  	s3 =	simm.s32 $0x8200  }
0x185: {  	[tilespmem:s3], [sflag:$0x3] =	stream.indirect_vreg.gather [hbm4b:s14+s5], $0x80, v17, vm0, $0xb8;
	[tilespmem:$0x1EA80] =	vst v63  }
0x186: {  	v17 =	vld [tilespmem:$0x120];
	_ =	sdelay $0x4  }
0x187: {  	v18 =	vshll.u32 v17, $0x1  }
0x188: {  	v17 =	vand.u32 $0x7, v17;
	v18 =	vand.u32 $0xFFFFFFF0, v18  }
0x189: {  	v17 =	vor.u32 v17, v18  }
0x18a: {  	v18 =	vperm.xlane v17, v2;
	_ =	sdelay $0x1  }
0x18b: {  	v19 =	vperm.xlane v17, v1;
	v18 =	vadd.s32 v3, v18;
	_ =	sdelay $0x1  }
0x18c: {  	v36 =	vperm.xlane v17, v4;
	v19 =	vadd.s32 v3, v19;
	_ =	sdelay $0x1  }
0x18d: {  	s4 =	simm.s32 $0x8280;
	v37 =	vperm.xlane v17, v5;
	v20 =	vadd.s32 v3, v36  }
0x18e: {  	[tilespmem:s4], [sflag:$0x3] =	stream.indirect_vreg.gather [hbm4b:s14+s5], $0x80, v18, vm0, $0xb8;
	[tilespmem:$0x1EA80] =	vst v63  }
0x18f: {  	s6 =	simm.s32 $0x8300;
	v38 =	vperm.xlane v17, v6;
	v18 =	vadd.s32 v3, v37  }
0x190: {  	[tilespmem:s6], [sflag:$0x3] =	stream.indirect_vreg.gather [hbm4b:s14+s5], $0x80, v19, vm0, $0xb8;
	[tilespmem:$0x1EA80] =	vst v63  }
0x191: {  	s7 =	simm.s32 $0x8380;
	v39 =	vperm.xlane v17, v7;
	v19 =	vadd.s32 v3, v38  }
0x192: {  	[tilespmem:s7], [sflag:$0x3] =	stream.indirect_vreg.gather [hbm4b:s14+s5], $0x80, v20, vm0, $0xb8;
	[tilespmem:$0x1EA80] =	vst v63  }
0x193: {  	s8 =	simm.s32 $0x8400;
	v41 =	vperm.xlane v17, v8;
	v40 =	vadd.s32 v3, v39  }
0x194: {  	[tilespmem:s8], [sflag:$0x3] =	stream.indirect_vreg.gather [hbm4b:s14+s5], $0x80, v18, vm0, $0xb8;
	[tilespmem:$0x1EA80] =	vst v63  }
0x195: {  	s9 =	simm.s32 $0x8480;
	v42 =	vperm.xlane v17, v0;
	v18 =	vadd.s32 v3, v41  }
0x196: {  	[tilespmem:s9], [sflag:$0x3] =	stream.indirect_vreg.gather [hbm4b:s14+s5], $0x80, v19, vm0, $0xb8;
	[tilespmem:$0x1EA80] =	vst v63  }
0x197: {  	s10 =	simm.s32 $0x8500;
	v43 =	vperm.xlane v17, v9;
	v19 =	vadd.s32 v3, v42  }
0x198: {  	[tilespmem:s10], [sflag:$0x3] =	stream.indirect_vreg.gather [hbm4b:s14+s5], $0x80, v40, vm0, $0xb8;
	[tilespmem:$0x1EA80] =	vst v63  }
0x199: {  	s11 =	simm.s32 $0x8580;
	v45 =	vperm.xlane v17, v10;
	v44 =	vadd.s32 v3, v43  }
0x19a: {  	[tilespmem:s11], [sflag:$0x3] =	stream.indirect_vreg.gather [hbm4b:s14+s5], $0x80, v18, vm0, $0xb8;
	[tilespmem:$0x1EA80] =	vst v63  }
0x19b: {  	s12 =	simm.s32 $0x8600;
	v46 =	vperm.xlane v17, v11;
	v18 =	vadd.s32 v3, v45  }
0x19c: {  	[tilespmem:s12], [sflag:$0x3] =	stream.indirect_vreg.gather [hbm4b:s14+s5], $0x80, v19, vm0, $0xb8;
	[tilespmem:$0x1EA80] =	vst v63  }
0x19d: {  	s13 =	simm.s32 $0x8680;
	v47 =	vperm.xlane v17, v12;
	v19 =	vadd.s32 v3, v46  }
0x19e: {  	[tilespmem:s13], [sflag:$0x3] =	stream.indirect_vreg.gather [hbm4b:s14+s5], $0x80, v44, vm0, $0xb8;
	[tilespmem:$0x1EA80] =	vst v63  }
0x19f: {  	s15 =	simm.s32 $0x8700;
	v49 =	vperm.xlane v17, v13;
	v48 =	vadd.s32 v3, v47  }
0x1a0: {  	[tilespmem:s15], [sflag:$0x3] =	stream.indirect_vreg.gather [hbm4b:s14+s5], $0x80, v18, vm0, $0xb8;
	[tilespmem:$0x1EA80] =	vst v63  }
0x1a1: {  	s16 =	simm.s32 $0x8780;
	v50 =	vperm.xlane v17, v14;
	v18 =	vadd.s32 v3, v49  }
0x1a2: {  	[tilespmem:s16], [sflag:$0x3] =	stream.indirect_vreg.gather [hbm4b:s14+s5], $0x80, v19, vm0, $0xb8;
	[tilespmem:$0x1EA80] =	vst v63  }
0x1a3: {  	s17 =	simm.s32 $0x8800;
	v51 =	vperm.xlane v17, v15;
	v19 =	vadd.s32 v3, v50  }
0x1a4: {  	[tilespmem:s17], [sflag:$0x3] =	stream.indirect_vreg.gather [hbm4b:s14+s5], $0x80, v48, vm0, $0xb8;
	[tilespmem:$0x1EA80] =	vst v63  }
0x1a5: {  	s18 =	simm.s32 $0x8880;
	v17 =	vperm.xlane v17, v16;
	v52 =	vadd.s32 v3, v51  }
0x1a6: {  	[tilespmem:s18], [sflag:$0x3] =	stream.indirect_vreg.gather [hbm4b:s14+s5], $0x80, v18, vm0, $0xb8;
	[tilespmem:$0x1EA80] =	vst v63  }
0x1a7: {  	s19 =	simm.s32 $0x8900;
	v17 =	vadd.s32 v3, v17  }
0x1a8: {  	[tilespmem:s19], [sflag:$0x3] =	stream.indirect_vreg.gather [hbm4b:s14+s5], $0x80, v19, vm0, $0xb8;
	[tilespmem:$0x1EA80] =	vst v63  }
0x1a9: {  	s20 =	simm.s32 $0x8980  }
0x1aa: {  	[tilespmem:s20], [sflag:$0x3] =	stream.indirect_vreg.gather [hbm4b:s14+s5], $0x80, v52, vm0, $0xb8;
	[tilespmem:$0x1EA80] =	vst v63  }
0x1ab: {  	s21 =	simm.s32 $0x8A00  }
0x1ac: {  	[tilespmem:s21], [sflag:$0x3] =	stream.indirect_vreg.gather [hbm4b:s14+s5], $0x80, v17, vm0, $0xb8;
	[tilespmem:$0x1EA80] =	vst v63  }
0x1ad: {  	v17 =	vld.msk [tilespmem:$0x130], $0x3;
	_ =	sdelay $0x4  }
0x1ae: {  	v18 =	vshll.u32 v17, $0x1  }
0x1af: {  	v17 =	vand.u32 $0x7, v17;
	v18 =	vand.u32 $0xFFFFFFF0, v18  }
0x1b0: {  	v17 =	vor.u32 v17, v18  }
0x1b1: {  	v18 =	vperm.xlane v17, v2;
	_ =	sdelay $0x1  }
0x1b2: {  	v17 =	vperm.xlane v17, v1;
	v18 =	vadd.s32 v3, v18;
	_ =	sdelay $0x1  }
0x1b3: {  	v17 =	vadd.s32 v3, v17;
	_ =	sdelay $0x1  }
0x1b4: {  	s22 =	simm.s32 $0x8A80  }
0x1b5: {  	[tilespmem:s22], [sflag:$0x3] =	stream.indirect_vreg.gather [hbm4b:s14+s5], $0x80, v18, vm0, $0xb8;
	[tilespmem:$0x1EA80] =	vst v63  }
0x1b6: {  	s24 =	simm.s32 $0x8B00  }
0x1b7: {  	[tilespmem:s24], [sflag:$0x3] =	stream.indirect_vreg.gather [hbm4b:s14+s5], $0x80, v17, vm0, $0xb8;
	[tilespmem:$0x1EA80] =	vst v63  }
0x1b8: {  	v17 =	vld [tilespmem:$0x180];
	_ =	sdelay $0x4  }
0x1b9: {  	v18 =	vshll.u32 v17, $0x1  }
0x1ba: {  	v17 =	vand.u32 $0x7, v17;
	v18 =	vand.u32 $0xFFFFFFF0, v18  }
0x1bb: {  	v17 =	vor.u32 v17, v18  }
0x1bc: {  	v18 =	vperm.xlane v17, v2;
	_ =	sdelay $0x1  }
0x1bd: {  	v19 =	vperm.xlane v17, v1;
	v18 =	vadd.s32 v3, v18;
	_ =	sdelay $0x1  }
0x1be: {  	v53 =	vperm.xlane v17, v4;
	v19 =	vadd.s32 v3, v19;
	_ =	sdelay $0x1  }
0x1bf: {  	s25 =	simm.s32 $0x8E80;
	v54 =	vperm.xlane v17, v5;
	v20 =	vadd.s32 v3, v53  }
0x1c0: {  	[tilespmem:s25], [sflag:$0x3] =	stream.indirect_vreg.gather [hbm4b:s14+s5], $0x80, v18, vm0, $0xb8;
	[tilespmem:$0x1EA80] =	vst v63  }
0x1c1: {  	s26 =	simm.s32 $0x8F00;
	v55 =	vperm.xlane v17, v6;
	v18 =	vadd.s32 v3, v54  }
0x1c2: {  	[tilespmem:s26], [sflag:$0x3] =	stream.indirect_vreg.gather [hbm4b:s14+s5], $0x80, v19, vm0, $0xb8;
	[tilespmem:$0x1EA80] =	vst v63  }
0x1c3: {  	s1 =	simm.s32 $0x8F80;
	v56 =	vperm.xlane v17, v7;
	v19 =	vadd.s32 v3, v55  }
0x1c4: {  	[tilespmem:s1], [sflag:$0x3] =	stream.indirect_vreg.gather [hbm4b:s14+s5], $0x80, v20, vm0, $0xb8;
	[tilespmem:$0x1EA80] =	vst v63  }
0x1c5: {  	s2 =	simm.s32 $0x9000;
	v58 =	vperm.xlane v17, v8;
	v57 =	vadd.s32 v3, v56  }
0x1c6: {  	[tilespmem:s2], [sflag:$0x3] =	stream.indirect_vreg.gather [hbm4b:s14+s5], $0x80, v18, vm0, $0xb8;
	[tilespmem:$0x1EA80] =	vst v63  }
0x1c7: {  	s3 =	simm.s32 $0x9080;
	v59 =	vperm.xlane v17, v0;
	v18 =	vadd.s32 v3, v58  }
0x1c8: {  	[tilespmem:s3], [sflag:$0x3] =	stream.indirect_vreg.gather [hbm4b:s14+s5], $0x80, v19, vm0, $0xb8;
	[tilespmem:$0x1EA80] =	vst v63  }
0x1c9: {  	s4 =	simm.s32 $0x9100;
	v60 =	vperm.xlane v17, v9;
	v19 =	vadd.s32 v3, v59  }
0x1ca: {  	[tilespmem:s4], [sflag:$0x3] =	stream.indirect_vreg.gather [hbm4b:s14+s5], $0x80, v57, vm0, $0xb8;
	[tilespmem:$0x1EA80] =	vst v63  }
0x1cb: {  	s6 =	simm.s32 $0x9180;
	v62 =	vperm.xlane v17, v10;
	v61 =	vadd.s32 v3, v60  }
0x1cc: {  	[tilespmem:s6], [sflag:$0x3] =	stream.indirect_vreg.gather [hbm4b:s14+s5], $0x80, v18, vm0, $0xb8;
	[tilespmem:$0x1EA80] =	vst v63  }
0x1cd: {  	s7 =	simm.s32 $0x9200;
	v63 =	vperm.xlane v17, v11;
	v18 =	vadd.s32 v3, v62  }
0x1ce: {  	[tilespmem:s7], [sflag:$0x3] =	stream.indirect_vreg.gather [hbm4b:s14+s5], $0x80, v19, vm0, $0xb8;
	[tilespmem:$0x1EA80] =	vst v63  }
0x1cf: {  	s8 =	simm.s32 $0x9280;
	v24 =	vperm.xlane v17, v12;
	v19 =	vadd.s32 v3, v63  }
0x1d0: {  	[tilespmem:s8], [sflag:$0x3] =	stream.indirect_vreg.gather [hbm4b:s14+s5], $0x80, v61, vm0, $0xb8;
	[tilespmem:$0x1EA80] =	vst v63  }
0x1d1: {  	s9 =	simm.s32 $0x9300;
	v26 =	vperm.xlane v17, v13;
	v25 =	vadd.s32 v3, v24  }
0x1d2: {  	[tilespmem:s9], [sflag:$0x3] =	stream.indirect_vreg.gather [hbm4b:s14+s5], $0x80, v18, vm0, $0xb8;
	[tilespmem:$0x1EA80] =	vst v63  }
0x1d3: {  	s10 =	simm.s32 $0x9380;
	v27 =	vperm.xlane v17, v14;
	v18 =	vadd.s32 v3, v26  }
0x1d4: {  	[tilespmem:s10], [sflag:$0x3] =	stream.indirect_vreg.gather [hbm4b:s14+s5], $0x80, v19, vm0, $0xb8;
	[tilespmem:$0x1EA80] =	vst v63  }
0x1d5: {  	s11 =	simm.s32 $0x9400;
	v28 =	vperm.xlane v17, v15;
	v19 =	vadd.s32 v3, v27  }
0x1d6: {  	[tilespmem:s11], [sflag:$0x3] =	stream.indirect_vreg.gather [hbm4b:s14+s5], $0x80, v25, vm0, $0xb8;
	[tilespmem:$0x1EA80] =	vst v63  }
0x1d7: {  	s12 =	simm.s32 $0x9480;
	v17 =	vperm.xlane v17, v16;
	v29 =	vadd.s32 v3, v28  }
0x1d8: {  	[tilespmem:s12], [sflag:$0x3] =	stream.indirect_vreg.gather [hbm4b:s14+s5], $0x80, v18, vm0, $0xb8;
	[tilespmem:$0x1EA80] =	vst v63  }
0x1d9: {  	s13 =	simm.s32 $0x9500;
	v17 =	vadd.s32 v3, v17  }
0x1da: {  	[tilespmem:s13], [sflag:$0x3] =	stream.indirect_vreg.gather [hbm4b:s14+s5], $0x80, v19, vm0, $0xb8;
	[tilespmem:$0x1EA80] =	vst v63  }
0x1db: {  	s15 =	simm.s32 $0x9580  }
0x1dc: {  	[tilespmem:s15], [sflag:$0x3] =	stream.indirect_vreg.gather [hbm4b:s14+s5], $0x80, v29, vm0, $0xb8;
	[tilespmem:$0x1EA80] =	vst v63  }
0x1dd: {  	s16 =	simm.s32 $0x9600  }
0x1de: {  	[tilespmem:s16], [sflag:$0x3] =	stream.indirect_vreg.gather [hbm4b:s14+s5], $0x80, v17, vm0, $0xb8;
	[tilespmem:$0x1EA80] =	vst v63  }
0x1df: {  	v17 =	vld [tilespmem:$0x190];
	_ =	sdelay $0x4  }
0x1e0: {  	v18 =	vshll.u32 v17, $0x1  }
0x1e1: {  	v17 =	vand.u32 $0x7, v17;
	v18 =	vand.u32 $0xFFFFFFF0, v18  }
0x1e2: {  	v17 =	vor.u32 v17, v18  }
0x1e3: {  	v18 =	vperm.xlane v17, v2;
	_ =	sdelay $0x1  }
0x1e4: {  	v19 =	vperm.xlane v17, v1;
	v18 =	vadd.s32 v3, v18;
	_ =	sdelay $0x1  }
0x1e5: {  	v30 =	vperm.xlane v17, v4;
	v19 =	vadd.s32 v3, v19;
	_ =	sdelay $0x1  }
0x1e6: {  	s17 =	simm.s32 $0x9680;
	v31 =	vperm.xlane v17, v5;
	v20 =	vadd.s32 v3, v30  }
0x1e7: {  	[tilespmem:s17], [sflag:$0x3] =	stream.indirect_vreg.gather [hbm4b:s14+s5], $0x80, v18, vm0, $0xb8;
	[tilespmem:$0x1EA80] =	vst v63  }
0x1e8: {  	s18 =	simm.s32 $0x9700;
	v32 =	vperm.xlane v17, v6;
	v18 =	vadd.s32 v3, v31  }
0x1e9: {  	[tilespmem:s18], [sflag:$0x3] =	stream.indirect_vreg.gather [hbm4b:s14+s5], $0x80, v19, vm0, $0xb8;
	[tilespmem:$0x1EA80] =	vst v63  }
0x1ea: {  	s19 =	simm.s32 $0x9780;
	v33 =	vperm.xlane v17, v7;
	v19 =	vadd.s32 v3, v32  }
0x1eb: {  	[tilespmem:s19], [sflag:$0x3] =	stream.indirect_vreg.gather [hbm4b:s14+s5], $0x80, v20, vm0, $0xb8;
	[tilespmem:$0x1EA80] =	vst v63  }
0x1ec: {  	s20 =	simm.s32 $0x9800;
	v35 =	vperm.xlane v17, v8;
	v34 =	vadd.s32 v3, v33  }
0x1ed: {  	[tilespmem:s20], [sflag:$0x3] =	stream.indirect_vreg.gather [hbm4b:s14+s5], $0x80, v18, vm0, $0xb8;
	[tilespmem:$0x1EA80] =	vst v63  }
0x1ee: {  	s21 =	simm.s32 $0x9880;
	v36 =	vperm.xlane v17, v0;
	v18 =	vadd.s32 v3, v35  }
0x1ef: {  	[tilespmem:s21], [sflag:$0x3] =	stream.indirect_vreg.gather [hbm4b:s14+s5], $0x80, v19, vm0, $0xb8;
	[tilespmem:$0x1EA80] =	vst v63  }
0x1f0: {  	s22 =	simm.s32 $0x9900;
	v37 =	vperm.xlane v17, v9;
	v19 =	vadd.s32 v3, v36  }
0x1f1: {  	[tilespmem:s22], [sflag:$0x3] =	stream.indirect_vreg.gather [hbm4b:s14+s5], $0x80, v34, vm0, $0xb8;
	[tilespmem:$0x1EA80] =	vst v63  }
0x1f2: {  	s24 =	simm.s32 $0x9980;
	v39 =	vperm.xlane v17, v10;
	v38 =	vadd.s32 v3, v37  }
0x1f3: {  	[tilespmem:s24], [sflag:$0x3] =	stream.indirect_vreg.gather [hbm4b:s14+s5], $0x80, v18, vm0, $0xb8;
	[tilespmem:$0x1EA80] =	vst v63  }
0x1f4: {  	s25 =	simm.s32 $0x9A00;
	v40 =	vperm.xlane v17, v11;
	v18 =	vadd.s32 v3, v39  }
0x1f5: {  	[tilespmem:s25], [sflag:$0x3] =	stream.indirect_vreg.gather [hbm4b:s14+s5], $0x80, v19, vm0, $0xb8;
	[tilespmem:$0x1EA80] =	vst v63  }
0x1f6: {  	s26 =	simm.s32 $0x9A80;
	v41 =	vperm.xlane v17, v12;
	v19 =	vadd.s32 v3, v40  }
0x1f7: {  	[tilespmem:s26], [sflag:$0x3] =	stream.indirect_vreg.gather [hbm4b:s14+s5], $0x80, v38, vm0, $0xb8;
	[tilespmem:$0x1EA80] =	vst v63  }
0x1f8: {  	s1 =	simm.s32 $0x9B00;
	v43 =	vperm.xlane v17, v13;
	v42 =	vadd.s32 v3, v41  }
0x1f9: {  	[tilespmem:s1], [sflag:$0x3] =	stream.indirect_vreg.gather [hbm4b:s14+s5], $0x80, v18, vm0, $0xb8;
	[tilespmem:$0x1EA80] =	vst v63  }
0x1fa: {  	s2 =	simm.s32 $0x9B80;
	v44 =	vperm.xlane v17, v14;
	v18 =	vadd.s32 v3, v43  }
0x1fb: {  	[tilespmem:s2], [sflag:$0x3] =	stream.indirect_vreg.gather [hbm4b:s14+s5], $0x80, v19, vm0, $0xb8;
	[tilespmem:$0x1EA80] =	vst v63  }
0x1fc: {  	s3 =	simm.s32 $0x9C00;
	v45 =	vperm.xlane v17, v15;
	v19 =	vadd.s32 v3, v44  }
0x1fd: {  	[tilespmem:s3], [sflag:$0x3] =	stream.indirect_vreg.gather [hbm4b:s14+s5], $0x80, v42, vm0, $0xb8;
	[tilespmem:$0x1EA80] =	vst v63  }
0x1fe: {  	s4 =	simm.s32 $0x9C80;
	v17 =	vperm.xlane v17, v16;
	v46 =	vadd.s32 v3, v45  }
0x1ff: {  	[tilespmem:s4], [sflag:$0x3] =	stream.indirect_vreg.gather [hbm4b:s14+s5], $0x80, v18, vm0, $0xb8;
	[tilespmem:$0x1EA80] =	vst v63  }
0x200: {  	s6 =	simm.s32 $0x9D00;
	v17 =	vadd.s32 v3, v17  }
0x201: {  	[tilespmem:s6], [sflag:$0x3] =	stream.indirect_vreg.gather [hbm4b:s14+s5], $0x80, v19, vm0, $0xb8;
	[tilespmem:$0x1EA80] =	vst v63  }
0x202: {  	s7 =	simm.s32 $0x9D80  }
0x203: {  	[tilespmem:s7], [sflag:$0x3] =	stream.indirect_vreg.gather [hbm4b:s14+s5], $0x80, v46, vm0, $0xb8;
	[tilespmem:$0x1EA80] =	vst v63  }
0x204: {  	s8 =	simm.s32 $0x9E00  }
0x205: {  	[tilespmem:s8], [sflag:$0x3] =	stream.indirect_vreg.gather [hbm4b:s14+s5], $0x80, v17, vm0, $0xb8;
	[tilespmem:$0x1EA80] =	vst v63  }
0x206: {  	v17 =	vld [tilespmem:$0x1A0];
	_ =	sdelay $0x4  }
0x207: {  	v18 =	vshll.u32 v17, $0x1  }
0x208: {  	v17 =	vand.u32 $0x7, v17;
	v18 =	vand.u32 $0xFFFFFFF0, v18  }
0x209: {  	v17 =	vor.u32 v17, v18  }
0x20a: {  	v18 =	vperm.xlane v17, v2;
	_ =	sdelay $0x1  }
0x20b: {  	v19 =	vperm.xlane v17, v1;
	v18 =	vadd.s32 v3, v18;
	_ =	sdelay $0x1  }
0x20c: {  	v47 =	vperm.xlane v17, v4;
	v19 =	vadd.s32 v3, v19;
	_ =	sdelay $0x1  }
0x20d: {  	s9 =	simm.s32 $0x9E80;
	v48 =	vperm.xlane v17, v5;
	v20 =	vadd.s32 v3, v47  }
0x20e: {  	[tilespmem:s9], [sflag:$0x3] =	stream.indirect_vreg.gather [hbm4b:s14+s5], $0x80, v18, vm0, $0xb8;
	[tilespmem:$0x1EA80] =	vst v63  }
0x20f: {  	s10 =	simm.s32 $0x9F00;
	v49 =	vperm.xlane v17, v6;
	v18 =	vadd.s32 v3, v48  }
0x210: {  	[tilespmem:s10], [sflag:$0x3] =	stream.indirect_vreg.gather [hbm4b:s14+s5], $0x80, v19, vm0, $0xb8;
	[tilespmem:$0x1EA80] =	vst v63  }
0x211: {  	s11 =	simm.s32 $0x9F80;
	v50 =	vperm.xlane v17, v7;
	v19 =	vadd.s32 v3, v49  }
0x212: {  	[tilespmem:s11], [sflag:$0x3] =	stream.indirect_vreg.gather [hbm4b:s14+s5], $0x80, v20, vm0, $0xb8;
	[tilespmem:$0x1EA80] =	vst v63  }
0x213: {  	s12 =	simm.s32 $0xA000;
	v52 =	vperm.xlane v17, v8;
	v51 =	vadd.s32 v3, v50  }
0x214: {  	[tilespmem:s12], [sflag:$0x3] =	stream.indirect_vreg.gather [hbm4b:s14+s5], $0x80, v18, vm0, $0xb8;
	[tilespmem:$0x1EA80] =	vst v63  }
0x215: {  	s13 =	simm.s32 $0xA080;
	v53 =	vperm.xlane v17, v0;
	v18 =	vadd.s32 v3, v52  }
0x216: {  	[tilespmem:s13], [sflag:$0x3] =	stream.indirect_vreg.gather [hbm4b:s14+s5], $0x80, v19, vm0, $0xb8;
	[tilespmem:$0x1EA80] =	vst v63  }
0x217: {  	s15 =	simm.s32 $0xA100;
	v54 =	vperm.xlane v17, v9;
	v19 =	vadd.s32 v3, v53  }
0x218: {  	[tilespmem:s15], [sflag:$0x3] =	stream.indirect_vreg.gather [hbm4b:s14+s5], $0x80, v51, vm0, $0xb8;
	[tilespmem:$0x1EA80] =	vst v63  }
0x219: {  	s16 =	simm.s32 $0xA180;
	v56 =	vperm.xlane v17, v10;
	v55 =	vadd.s32 v3, v54  }
0x21a: {  	[tilespmem:s16], [sflag:$0x3] =	stream.indirect_vreg.gather [hbm4b:s14+s5], $0x80, v18, vm0, $0xb8;
	[tilespmem:$0x1EA80] =	vst v63  }
0x21b: {  	s17 =	simm.s32 $0xA200;
	v57 =	vperm.xlane v17, v11;
	v18 =	vadd.s32 v3, v56  }
0x21c: {  	[tilespmem:s17], [sflag:$0x3] =	stream.indirect_vreg.gather [hbm4b:s14+s5], $0x80, v19, vm0, $0xb8;
	[tilespmem:$0x1EA80] =	vst v63  }
0x21d: {  	s18 =	simm.s32 $0xA280;
	v58 =	vperm.xlane v17, v12;
	v19 =	vadd.s32 v3, v57  }
0x21e: {  	[tilespmem:s18], [sflag:$0x3] =	stream.indirect_vreg.gather [hbm4b:s14+s5], $0x80, v55, vm0, $0xb8;
	[tilespmem:$0x1EA80] =	vst v63  }
0x21f: {  	s19 =	simm.s32 $0xA300;
	v60 =	vperm.xlane v17, v13;
	v59 =	vadd.s32 v3, v58  }
0x220: {  	[tilespmem:s19], [sflag:$0x3] =	stream.indirect_vreg.gather [hbm4b:s14+s5], $0x80, v18, vm0, $0xb8;
	[tilespmem:$0x1EA80] =	vst v63  }
0x221: {  	s20 =	simm.s32 $0xA380;
	v61 =	vperm.xlane v17, v14;
	v18 =	vadd.s32 v3, v60  }
0x222: {  	[tilespmem:s20], [sflag:$0x3] =	stream.indirect_vreg.gather [hbm4b:s14+s5], $0x80, v19, vm0, $0xb8;
	[tilespmem:$0x1EA80] =	vst v63  }
0x223: {  	s21 =	simm.s32 $0xA400;
	v62 =	vperm.xlane v17, v15;
	v19 =	vadd.s32 v3, v61  }
0x224: {  	[tilespmem:s21], [sflag:$0x3] =	stream.indirect_vreg.gather [hbm4b:s14+s5], $0x80, v59, vm0, $0xb8;
	[tilespmem:$0x1EA80] =	vst v63  }
0x225: {  	s22 =	simm.s32 $0xA480;
	v17 =	vperm.xlane v17, v16;
	v63 =	vadd.s32 v3, v62  }
0x226: {  	[tilespmem:s22], [sflag:$0x3] =	stream.indirect_vreg.gather [hbm4b:s14+s5], $0x80, v18, vm0, $0xb8;
	[tilespmem:$0x1EA80] =	vst v63  }
0x227: {  	s24 =	simm.s32 $0xA500;
	v17 =	vadd.s32 v3, v17  }
0x228: {  	[tilespmem:s24], [sflag:$0x3] =	stream.indirect_vreg.gather [hbm4b:s14+s5], $0x80, v19, vm0, $0xb8;
	[tilespmem:$0x1EA80] =	vst v63  }
0x229: {  	s13 =	simm.s32 $0xA580  }
0x22a: {  	[tilespmem:s13], [sflag:$0x3] =	stream.indirect_vreg.gather [hbm4b:s14+s5], $0x80, v63, vm0, $0xb8;
	[tilespmem:$0x1EA80] =	vst v63  }
0x22b: {  	s11 =	simm.s32 $0xA600  }
0x22c: {  	[tilespmem:s11], [sflag:$0x3] =	stream.indirect_vreg.gather [hbm4b:s14+s5], $0x80, v17, vm0, $0xb8;
	[tilespmem:$0x1EA80] =	vst v63  }
0x22d: {  	v17 =	vld.msk [tilespmem:$0x1B0], $0x3;
	_ =	sdelay $0x4  }
0x22e: {  	v18 =	vshll.u32 v17, $0x1  }
0x22f: {  	v17 =	vand.u32 $0x7, v17;
	v18 =	vand.u32 $0xFFFFFFF0, v18  }
0x230: {  	v17 =	vor.u32 v17, v18  }
0x231: {  	v18 =	vperm.xlane v17, v2  }
0x232: {  	s29 =	simm.s32 $0x7500  }
0x233: {  	s28 =	simm.s32 $0x7480;
	s0 =	simm.s32 $0x7600;
	s30 =	simm.s32 $0x7580;
	v17 =	vperm.xlane v17, v1;
	v18 =	vadd.s32 v3, v18  }
0x234: {  	s31 =	simm.s32 $0x7800;
	s25 =	simm.s32 $0xA680;
	s26 =	simm.s32 $0xA700  }
0x235: {  	s2 =	simm.s32 $0x7980;
	s3 =	simm.s32 $0x7900;
	s4 =	simm.s32 $0x7880;
	v17 =	vadd.s32 v3, v17  }
0x236: {  	s7 =	simm.s32 $0x7300;
	s8 =	simm.s32 $0x7A80;
	s10 =	simm.s32 $0x7380  }
0x237: {  	s15 =	simm.s32 $0x0;
	s17 =	simm.s32 $0x7B00;
	s18 =	rddreg [dreg:$0x11]  }
0x238: {  	[tilespmem:s25], [sflag:$0x3] =	stream.indirect_vreg.gather [hbm4b:s14+s5], $0x80, v18, vm0, $0xb8;
	[tilespmem:$0x1EA80] =	vst v63  }
0x239: {  	s19 =	simm.s32 $0x7780;
	s21 =	rddreg [dreg:$0x10];
	s22 =	simm.s32 $0x7400  }
0x23a: {  	[tilespmem:s26], [sflag:$0x3] =	stream.indirect_vreg.gather [hbm4b:s14+s5], $0x80, v17, vm0, $0xb8;
	[tilespmem:$0x1EA80] =	vst v63  }
0x23b: {  	s24 =	simm.s32 $0x7700;
	s25 =	simm.s32 $0x7A00;
	s26 =	simm.s32 $0x7680  }
.LBB2_2:
0x23c: {  	s16 =	sand.u32 $0x8, s15  }
0x23d: {  	p4 =	seq.s32 s15, $0xC0;
	[dreg:$0x17] =	wrdreg s18;
	s1 =	sxor.u32 $0x8, s16  }
0x23e: {  	s9 =	simm.s32 @!p4 $0x5;
	[dreg:$0x19] =	wrdreg s1  }
0x23f: {  	s20 =	sshll.u32 @!p4 s1, $0x7;
	s1 =	smov.u32 s21;
	s21 =	simm.s32 @!p4 $0x0  }
0x240: {  	[tilespmem:s20], [sflag:$0x5] =	stream.linear.gather @!p4 [hbm4b:s18+s21], $0x400, $0x38;
	[tilespmem:$0x1EA80] =	vst v63  }
0x241: {  	_ =	swait.ge @!p4 [sflag:s9], $0x400  }
0x242: {  	[sflag:s9] =	ssyncset.done @!p4 $0x0  }
0x243: {  	s20 =	sor.u32 @!p4 $0x800, s20;
	[dreg:$0x18] =	wrdreg s1;
	[sflag:s9] =	ssyncadd.s32 @!p4 $0xFFFFFC00  }
0x244: {  	[tilespmem:s20], [sflag:$0x5] =	stream.linear.gather @!p4 [hbm4b:s1+s21], $0x400, $0x38;
	[tilespmem:$0x1EA80] =	vst v63  }
0x245: {  	_ =	swait.ge @!p4 [sflag:s9], $0x400  }
0x246: {  	[sflag:s9] =	ssyncset.done @!p4 $0x0  }
0x247: {  	s21 =	simm.s32 $0x1;
	[sflag:s9] =	ssyncadd.s32 @!p4 $0xFFFFFC00  }
0x248: {  	_ =	swait.ge [sflag:s21], $0x1900  }
0x249: {  	[sflag:s21] =	ssyncset.done $0x0  }
0x24a: {  	[sflag:s21] =	ssyncadd.s32 $0xFFFFE700  }
0x24b: {  	_ =	swait.ge [sflag:s21], $0x1900  }
0x24c: {  	[sflag:s21] =	ssyncset.done $0x0  }
0x24d: {  	s12 =	simm.s32 $0x3A80;
	s16 =	sshll.u32 s16, $0x7;
	[sflag:s21] =	ssyncadd.s32 $0xFFFFE700  }
0x24e: {  	s6 =	simm.s32 $0x32;
	s20 =	sor.u32 $0x800, s16;
	s1 =	rddreg [dreg:$0x5]  }
0x24f: {  	[spmem:s1] =	stream.indirect.scatter.add.f32 [tilespmem:s12], [sflag:$0x2], $0x80, s20, s6, $0xb8;
	[tilespmem:$0x1EA80] =	vst v63  }
0x250: {  	s18 =	sadd.s32 $0x880, s16;
	s20 =	simm.s32 $0x5680  }
0x251: {  	[spmem:s1] =	stream.indirect.scatter.add.f32 [tilespmem:s20], [sflag:$0x2], $0x80, s18, s6, $0xb8;
	[tilespmem:$0x1EA80] =	vst v63  }
0x252: {  	s18 =	simm.s32 $0x2  }
0x253: {  	_ =	swait.ge [sflag:s18], $0x1900  }
0x254: {  	[sflag:s18] =	ssyncset.done $0x0  }
0x255: {  	[sflag:s18] =	ssyncadd.s32 $0xFFFFE700  }
0x256: {  	_ =	swait.ge [sflag:s18], $0x1900  }
0x257: {  	[sflag:s18] =	ssyncset.done $0x0  }
0x258: {  	s9 =	sor.u32 $0x200, s16;
	[sflag:s18] =	ssyncadd.s32 $0xFFFFE700  }
0x259: {  	v17 =	vld [tilespmem:s9+$0x0];
	_ =	sdelay $0x4  }
0x25a: {  	v18 =	vshll.u32 v17, $0x1  }
0x25b: {  	v17 =	vand.u32 $0x7, v17;
	v18 =	vand.u32 $0xFFFFFFF0, v18  }
0x25c: {  	v17 =	vor.u32 v17, v18  }
0x25d: {  	v18 =	vperm.xlane v17, v2;
	_ =	sdelay $0x1  }
0x25e: {  	v19 =	vperm.xlane v17, v1;
	v18 =	vadd.s32 v3, v18;
	_ =	sdelay $0x1  }
0x25f: {  	v20 =	vperm.xlane v17, v4;
	v19 =	vadd.s32 v3, v19;
	_ =	sdelay $0x1  }
0x260: {  	s12 =	simm.s32 $0x3A80;
	v21 =	vperm.xlane v17, v5;
	v20 =	vadd.s32 v3, v20  }
0x261: {  	[tilespmem:s12], [sflag:$0x1] =	stream.indirect_vreg.gather [hbm4b:s14+s5], $0x80, v18, vm0, $0xb8;
	[tilespmem:$0x1EA80] =	vst v63  }
0x262: {  	v62 =	vperm.xlane v17, v6;
	v18 =	vadd.s32 v3, v21;
	s12 =	simm.s32 $0x3B00  }
0x263: {  	[tilespmem:s12], [sflag:$0x1] =	stream.indirect_vreg.gather [hbm4b:s14+s5], $0x80, v19, vm0, $0xb8;
	[tilespmem:$0x1EA80] =	vst v63  }
0x264: {  	v63 =	vperm.xlane v17, v7;
	v19 =	vadd.s32 v3, v62;
	s12 =	simm.s32 $0x3B80  }
0x265: {  	[tilespmem:s12], [sflag:$0x1] =	stream.indirect_vreg.gather [hbm4b:s14+s5], $0x80, v20, vm0, $0xb8;
	[tilespmem:$0x1EA80] =	vst v63  }
0x266: {  	v25 =	vperm.xlane v17, v8;
	v24 =	vadd.s32 v3, v63;
	s12 =	simm.s32 $0x3C00  }
0x267: {  	[tilespmem:s12], [sflag:$0x1] =	stream.indirect_vreg.gather [hbm4b:s14+s5], $0x80, v18, vm0, $0xb8;
	[tilespmem:$0x1EA80] =	vst v63  }
0x268: {  	v26 =	vperm.xlane v17, v0;
	v18 =	vadd.s32 v3, v25;
	s12 =	simm.s32 $0x3C80  }
0x269: {  	[tilespmem:s12], [sflag:$0x1] =	stream.indirect_vreg.gather [hbm4b:s14+s5], $0x80, v19, vm0, $0xb8;
	[tilespmem:$0x1EA80] =	vst v63  }
0x26a: {  	v27 =	vperm.xlane v17, v9;
	v19 =	vadd.s32 v3, v26;
	s12 =	simm.s32 $0x3D00  }
0x26b: {  	[tilespmem:s12], [sflag:$0x1] =	stream.indirect_vreg.gather [hbm4b:s14+s5], $0x80, v24, vm0, $0xb8;
	[tilespmem:$0x1EA80] =	vst v63  }
0x26c: {  	v29 =	vperm.xlane v17, v10;
	v28 =	vadd.s32 v3, v27;
	s12 =	simm.s32 $0x3D80  }
0x26d: {  	[tilespmem:s12], [sflag:$0x1] =	stream.indirect_vreg.gather [hbm4b:s14+s5], $0x80, v18, vm0, $0xb8;
	[tilespmem:$0x1EA80] =	vst v63  }
0x26e: {  	v30 =	vperm.xlane v17, v11;
	v18 =	vadd.s32 v3, v29;
	s12 =	simm.s32 $0x3E00  }
0x26f: {  	[tilespmem:s12], [sflag:$0x1] =	stream.indirect_vreg.gather [hbm4b:s14+s5], $0x80, v19, vm0, $0xb8;
	[tilespmem:$0x1EA80] =	vst v63  }
0x270: {  	v31 =	vperm.xlane v17, v12;
	v19 =	vadd.s32 v3, v30;
	s12 =	simm.s32 $0x3E80  }
0x271: {  	[tilespmem:s12], [sflag:$0x1] =	stream.indirect_vreg.gather [hbm4b:s14+s5], $0x80, v28, vm0, $0xb8;
	[tilespmem:$0x1EA80] =	vst v63  }
0x272: {  	v33 =	vperm.xlane v17, v13;
	v32 =	vadd.s32 v3, v31;
	s12 =	simm.s32 $0x3F00  }
0x273: {  	[tilespmem:s12], [sflag:$0x1] =	stream.indirect_vreg.gather [hbm4b:s14+s5], $0x80, v18, vm0, $0xb8;
	[tilespmem:$0x1EA80] =	vst v63  }
0x274: {  	v34 =	vperm.xlane v17, v14;
	v18 =	vadd.s32 v3, v33;
	s12 =	simm.s32 $0x3F80  }
0x275: {  	[tilespmem:s12], [sflag:$0x1] =	stream.indirect_vreg.gather [hbm4b:s14+s5], $0x80, v19, vm0, $0xb8;
	[tilespmem:$0x1EA80] =	vst v63  }
0x276: {  	v35 =	vperm.xlane v17, v15;
	v19 =	vadd.s32 v3, v34;
	s12 =	simm.s32 $0x4000  }
0x277: {  	[tilespmem:s12], [sflag:$0x1] =	stream.indirect_vreg.gather [hbm4b:s14+s5], $0x80, v32, vm0, $0xb8;
	[tilespmem:$0x1EA80] =	vst v63  }
0x278: {  	v17 =	vperm.xlane v17, v16;
	v36 =	vadd.s32 v3, v35;
	s12 =	simm.s32 $0x4080  }
0x279: {  	[tilespmem:s12], [sflag:$0x1] =	stream.indirect_vreg.gather [hbm4b:s14+s5], $0x80, v18, vm0, $0xb8;
	[tilespmem:$0x1EA80] =	vst v63  }
0x27a: {  	v17 =	vadd.s32 v3, v17;
	s12 =	simm.s32 $0x4100  }
0x27b: {  	[tilespmem:s12], [sflag:$0x1] =	stream.indirect_vreg.gather [hbm4b:s14+s5], $0x80, v19, vm0, $0xb8;
	[tilespmem:$0x1EA80] =	vst v63  }
0x27c: {  	s12 =	simm.s32 $0x4180  }
0x27d: {  	[tilespmem:s12], [sflag:$0x1] =	stream.indirect_vreg.gather [hbm4b:s14+s5], $0x80, v36, vm0, $0xb8;
	[tilespmem:$0x1EA80] =	vst v63  }
0x27e: {  	s12 =	simm.s32 $0x4200  }
0x27f: {  	[tilespmem:s12], [sflag:$0x1] =	stream.indirect_vreg.gather [hbm4b:s14+s5], $0x80, v17, vm0, $0xb8;
	[tilespmem:$0x1EA80] =	vst v63  }
0x280: {  	s12 =	sor.u32 $0x210, s16  }
0x281: {  	v17 =	vld [tilespmem:s12+$0x0];
	_ =	sdelay $0x4  }
0x282: {  	v18 =	vshll.u32 v17, $0x1  }
0x283: {  	v17 =	vand.u32 $0x7, v17;
	v18 =	vand.u32 $0xFFFFFFF0, v18  }
0x284: {  	v17 =	vor.u32 v17, v18  }
0x285: {  	v18 =	vperm.xlane v17, v2;
	_ =	sdelay $0x1  }
0x286: {  	v19 =	vperm.xlane v17, v1;
	v18 =	vadd.s32 v3, v18;
	_ =	sdelay $0x1  }
0x287: {  	v37 =	vperm.xlane v17, v4;
	v19 =	vadd.s32 v3, v19;
	_ =	sdelay $0x1  }
0x288: {  	s12 =	simm.s32 $0x4280;
	v38 =	vperm.xlane v17, v5;
	v20 =	vadd.s32 v3, v37  }
0x289: {  	[tilespmem:s12], [sflag:$0x1] =	stream.indirect_vreg.gather [hbm4b:s14+s5], $0x80, v18, vm0, $0xb8;
	[tilespmem:$0x1EA80] =	vst v63  }
0x28a: {  	v39 =	vperm.xlane v17, v6;
	v18 =	vadd.s32 v3, v38;
	s12 =	simm.s32 $0x4300  }
0x28b: {  	[tilespmem:s12], [sflag:$0x1] =	stream.indirect_vreg.gather [hbm4b:s14+s5], $0x80, v19, vm0, $0xb8;
	[tilespmem:$0x1EA80] =	vst v63  }
0x28c: {  	v40 =	vperm.xlane v17, v7;
	v19 =	vadd.s32 v3, v39;
	s12 =	simm.s32 $0x4380  }
0x28d: {  	[tilespmem:s12], [sflag:$0x1] =	stream.indirect_vreg.gather [hbm4b:s14+s5], $0x80, v20, vm0, $0xb8;
	[tilespmem:$0x1EA80] =	vst v63  }
0x28e: {  	v42 =	vperm.xlane v17, v8;
	v41 =	vadd.s32 v3, v40;
	s12 =	simm.s32 $0x4400  }
0x28f: {  	[tilespmem:s12], [sflag:$0x1] =	stream.indirect_vreg.gather [hbm4b:s14+s5], $0x80, v18, vm0, $0xb8;
	[tilespmem:$0x1EA80] =	vst v63  }
0x290: {  	v43 =	vperm.xlane v17, v0;
	v18 =	vadd.s32 v3, v42;
	s12 =	simm.s32 $0x4480  }
0x291: {  	[tilespmem:s12], [sflag:$0x1] =	stream.indirect_vreg.gather [hbm4b:s14+s5], $0x80, v19, vm0, $0xb8;
	[tilespmem:$0x1EA80] =	vst v63  }
0x292: {  	v44 =	vperm.xlane v17, v9;
	v19 =	vadd.s32 v3, v43;
	s12 =	simm.s32 $0x4500  }
0x293: {  	[tilespmem:s12], [sflag:$0x1] =	stream.indirect_vreg.gather [hbm4b:s14+s5], $0x80, v41, vm0, $0xb8;
	[tilespmem:$0x1EA80] =	vst v63  }
0x294: {  	v46 =	vperm.xlane v17, v10;
	v45 =	vadd.s32 v3, v44;
	s12 =	simm.s32 $0x4580  }
0x295: {  	[tilespmem:s12], [sflag:$0x1] =	stream.indirect_vreg.gather [hbm4b:s14+s5], $0x80, v18, vm0, $0xb8;
	[tilespmem:$0x1EA80] =	vst v63  }
0x296: {  	v47 =	vperm.xlane v17, v11;
	v18 =	vadd.s32 v3, v46;
	s12 =	simm.s32 $0x4600  }
0x297: {  	[tilespmem:s12], [sflag:$0x1] =	stream.indirect_vreg.gather [hbm4b:s14+s5], $0x80, v19, vm0, $0xb8;
	[tilespmem:$0x1EA80] =	vst v63  }
0x298: {  	v48 =	vperm.xlane v17, v12;
	v19 =	vadd.s32 v3, v47;
	s12 =	simm.s32 $0x4680  }
0x299: {  	[tilespmem:s12], [sflag:$0x1] =	stream.indirect_vreg.gather [hbm4b:s14+s5], $0x80, v45, vm0, $0xb8;
	[tilespmem:$0x1EA80] =	vst v63  }
0x29a: {  	v50 =	vperm.xlane v17, v13;
	v49 =	vadd.s32 v3, v48;
	s12 =	simm.s32 $0x4700  }
0x29b: {  	[tilespmem:s12], [sflag:$0x1] =	stream.indirect_vreg.gather [hbm4b:s14+s5], $0x80, v18, vm0, $0xb8;
	[tilespmem:$0x1EA80] =	vst v63  }
0x29c: {  	v51 =	vperm.xlane v17, v14;
	v18 =	vadd.s32 v3, v50;
	s12 =	simm.s32 $0x4780  }
0x29d: {  	[tilespmem:s12], [sflag:$0x1] =	stream.indirect_vreg.gather [hbm4b:s14+s5], $0x80, v19, vm0, $0xb8;
	[tilespmem:$0x1EA80] =	vst v63  }
0x29e: {  	v52 =	vperm.xlane v17, v15;
	v19 =	vadd.s32 v3, v51;
	s12 =	simm.s32 $0x4800  }
0x29f: {  	[tilespmem:s12], [sflag:$0x1] =	stream.indirect_vreg.gather [hbm4b:s14+s5], $0x80, v49, vm0, $0xb8;
	[tilespmem:$0x1EA80] =	vst v63  }
0x2a0: {  	v17 =	vperm.xlane v17, v16;
	v53 =	vadd.s32 v3, v52;
	s12 =	simm.s32 $0x4880  }
0x2a1: {  	[tilespmem:s12], [sflag:$0x1] =	stream.indirect_vreg.gather [hbm4b:s14+s5], $0x80, v18, vm0, $0xb8;
	[tilespmem:$0x1EA80] =	vst v63  }
0x2a2: {  	v17 =	vadd.s32 v3, v17;
	s12 =	simm.s32 $0x4900  }
0x2a3: {  	[tilespmem:s12], [sflag:$0x1] =	stream.indirect_vreg.gather [hbm4b:s14+s5], $0x80, v19, vm0, $0xb8;
	[tilespmem:$0x1EA80] =	vst v63  }
0x2a4: {  	s12 =	simm.s32 $0x4980  }
0x2a5: {  	[tilespmem:s12], [sflag:$0x1] =	stream.indirect_vreg.gather [hbm4b:s14+s5], $0x80, v53, vm0, $0xb8;
	[tilespmem:$0x1EA80] =	vst v63  }
0x2a6: {  	s12 =	simm.s32 $0x4A00  }
0x2a7: {  	[tilespmem:s12], [sflag:$0x1] =	stream.indirect_vreg.gather [hbm4b:s14+s5], $0x80, v17, vm0, $0xb8;
	[tilespmem:$0x1EA80] =	vst v63  }
0x2a8: {  	s12 =	sor.u32 $0x220, s16  }
0x2a9: {  	v17 =	vld [tilespmem:s12+$0x0];
	_ =	sdelay $0x4  }
0x2aa: {  	v18 =	vshll.u32 v17, $0x1  }
0x2ab: {  	v17 =	vand.u32 $0x7, v17;
	v18 =	vand.u32 $0xFFFFFFF0, v18  }
0x2ac: {  	v17 =	vor.u32 v17, v18  }
0x2ad: {  	v18 =	vperm.xlane v17, v2;
	_ =	sdelay $0x1  }
0x2ae: {  	v19 =	vperm.xlane v17, v1;
	v18 =	vadd.s32 v3, v18;
	_ =	sdelay $0x1  }
0x2af: {  	v54 =	vperm.xlane v17, v4;
	v19 =	vadd.s32 v3, v19;
	_ =	sdelay $0x1  }
0x2b0: {  	s12 =	simm.s32 $0x4A80;
	v55 =	vperm.xlane v17, v5;
	v20 =	vadd.s32 v3, v54  }
0x2b1: {  	[tilespmem:s12], [sflag:$0x1] =	stream.indirect_vreg.gather [hbm4b:s14+s5], $0x80, v18, vm0, $0xb8;
	[tilespmem:$0x1EA80] =	vst v63  }
0x2b2: {  	v56 =	vperm.xlane v17, v6;
	v18 =	vadd.s32 v3, v55;
	s12 =	simm.s32 $0x4B00  }
0x2b3: {  	[tilespmem:s12], [sflag:$0x1] =	stream.indirect_vreg.gather [hbm4b:s14+s5], $0x80, v19, vm0, $0xb8;
	[tilespmem:$0x1EA80] =	vst v63  }
0x2b4: {  	v57 =	vperm.xlane v17, v7;
	v19 =	vadd.s32 v3, v56;
	s12 =	simm.s32 $0x4B80  }
0x2b5: {  	[tilespmem:s12], [sflag:$0x1] =	stream.indirect_vreg.gather [hbm4b:s14+s5], $0x80, v20, vm0, $0xb8;
	[tilespmem:$0x1EA80] =	vst v63  }
0x2b6: {  	v59 =	vperm.xlane v17, v8;
	v58 =	vadd.s32 v3, v57;
	s12 =	simm.s32 $0x4C00  }
0x2b7: {  	[tilespmem:s12], [sflag:$0x1] =	stream.indirect_vreg.gather [hbm4b:s14+s5], $0x80, v18, vm0, $0xb8;
	[tilespmem:$0x1EA80] =	vst v63  }
0x2b8: {  	v60 =	vperm.xlane v17, v0;
	v18 =	vadd.s32 v3, v59;
	s12 =	simm.s32 $0x4C80  }
0x2b9: {  	[tilespmem:s12], [sflag:$0x1] =	stream.indirect_vreg.gather [hbm4b:s14+s5], $0x80, v19, vm0, $0xb8;
	[tilespmem:$0x1EA80] =	vst v63  }
0x2ba: {  	v61 =	vperm.xlane v17, v9;
	v19 =	vadd.s32 v3, v60;
	s12 =	simm.s32 $0x4D00  }
0x2bb: {  	[tilespmem:s12], [sflag:$0x1] =	stream.indirect_vreg.gather [hbm4b:s14+s5], $0x80, v58, vm0, $0xb8;
	[tilespmem:$0x1EA80] =	vst v63  }
0x2bc: {  	v63 =	vperm.xlane v17, v10;
	v62 =	vadd.s32 v3, v61;
	s12 =	simm.s32 $0x4D80  }
0x2bd: {  	[tilespmem:s12], [sflag:$0x1] =	stream.indirect_vreg.gather [hbm4b:s14+s5], $0x80, v18, vm0, $0xb8;
	[tilespmem:$0x1EA80] =	vst v63  }
0x2be: {  	v24 =	vperm.xlane v17, v11;
	v18 =	vadd.s32 v3, v63;
	s12 =	simm.s32 $0x4E00  }
0x2bf: {  	[tilespmem:s12], [sflag:$0x1] =	stream.indirect_vreg.gather [hbm4b:s14+s5], $0x80, v19, vm0, $0xb8;
	[tilespmem:$0x1EA80] =	vst v63  }
0x2c0: {  	v25 =	vperm.xlane v17, v12;
	v19 =	vadd.s32 v3, v24;
	s12 =	simm.s32 $0x4E80  }
0x2c1: {  	[tilespmem:s12], [sflag:$0x1] =	stream.indirect_vreg.gather [hbm4b:s14+s5], $0x80, v62, vm0, $0xb8;
	[tilespmem:$0x1EA80] =	vst v63  }
0x2c2: {  	v27 =	vperm.xlane v17, v13;
	v26 =	vadd.s32 v3, v25;
	s12 =	simm.s32 $0x4F00  }
0x2c3: {  	[tilespmem:s12], [sflag:$0x1] =	stream.indirect_vreg.gather [hbm4b:s14+s5], $0x80, v18, vm0, $0xb8;
	[tilespmem:$0x1EA80] =	vst v63  }
0x2c4: {  	v28 =	vperm.xlane v17, v14;
	v18 =	vadd.s32 v3, v27;
	s12 =	simm.s32 $0x4F80  }
0x2c5: {  	[tilespmem:s12], [sflag:$0x1] =	stream.indirect_vreg.gather [hbm4b:s14+s5], $0x80, v19, vm0, $0xb8;
	[tilespmem:$0x1EA80] =	vst v63  }
0x2c6: {  	v29 =	vperm.xlane v17, v15;
	v19 =	vadd.s32 v3, v28;
	s12 =	simm.s32 $0x5000  }
0x2c7: {  	[tilespmem:s12], [sflag:$0x1] =	stream.indirect_vreg.gather [hbm4b:s14+s5], $0x80, v26, vm0, $0xb8;
	[tilespmem:$0x1EA80] =	vst v63  }
0x2c8: {  	v17 =	vperm.xlane v17, v16;
	v30 =	vadd.s32 v3, v29;
	s12 =	simm.s32 $0x5080  }
0x2c9: {  	[tilespmem:s12], [sflag:$0x1] =	stream.indirect_vreg.gather [hbm4b:s14+s5], $0x80, v18, vm0, $0xb8;
	[tilespmem:$0x1EA80] =	vst v63  }
0x2ca: {  	v17 =	vadd.s32 v3, v17;
	s12 =	simm.s32 $0x5100  }
0x2cb: {  	[tilespmem:s12], [sflag:$0x1] =	stream.indirect_vreg.gather [hbm4b:s14+s5], $0x80, v19, vm0, $0xb8;
	[tilespmem:$0x1EA80] =	vst v63  }
0x2cc: {  	s12 =	simm.s32 $0x5180  }
0x2cd: {  	[tilespmem:s12], [sflag:$0x1] =	stream.indirect_vreg.gather [hbm4b:s14+s5], $0x80, v30, vm0, $0xb8;
	[tilespmem:$0x1EA80] =	vst v63  }
0x2ce: {  	s12 =	simm.s32 $0x5200  }
0x2cf: {  	[tilespmem:s12], [sflag:$0x1] =	stream.indirect_vreg.gather [hbm4b:s14+s5], $0x80, v17, vm0, $0xb8;
	[tilespmem:$0x1EA80] =	vst v63  }
0x2d0: {  	s12 =	sor.u32 $0x230, s16  }
0x2d1: {  	v17 =	vld.msk [tilespmem:s12+$0x0], $0x3;
	_ =	sdelay $0x4  }
0x2d2: {  	v18 =	vshll.u32 v17, $0x1  }
0x2d3: {  	v17 =	vand.u32 $0x7, v17;
	v18 =	vand.u32 $0xFFFFFFF0, v18  }
0x2d4: {  	v17 =	vor.u32 v17, v18  }
0x2d5: {  	v18 =	vperm.xlane v17, v2;
	_ =	sdelay $0x1  }
0x2d6: {  	v17 =	vperm.xlane v17, v1;
	v18 =	vadd.s32 v3, v18;
	_ =	sdelay $0x1  }
0x2d7: {  	v17 =	vadd.s32 v3, v17;
	_ =	sdelay $0x1  }
0x2d8: {  	s12 =	simm.s32 $0x5280  }
0x2d9: {  	[tilespmem:s12], [sflag:$0x1] =	stream.indirect_vreg.gather [hbm4b:s14+s5], $0x80, v18, vm0, $0xb8;
	[tilespmem:$0x1EA80] =	vst v63  }
0x2da: {  	s12 =	simm.s32 $0x5300  }
0x2db: {  	[tilespmem:s12], [sflag:$0x1] =	stream.indirect_vreg.gather [hbm4b:s14+s5], $0x80, v17, vm0, $0xb8;
	[tilespmem:$0x1EA80] =	vst v63  }
0x2dc: {  	s12 =	sor.u32 $0x280, s16  }
0x2dd: {  	v17 =	vld [tilespmem:s12+$0x0];
	_ =	sdelay $0x4  }
0x2de: {  	v18 =	vshll.u32 v17, $0x1  }
0x2df: {  	v17 =	vand.u32 $0x7, v17;
	v18 =	vand.u32 $0xFFFFFFF0, v18  }
0x2e0: {  	v17 =	vor.u32 v17, v18  }
0x2e1: {  	v18 =	vperm.xlane v17, v2;
	_ =	sdelay $0x1  }
0x2e2: {  	v19 =	vperm.xlane v17, v1;
	v18 =	vadd.s32 v3, v18;
	_ =	sdelay $0x1  }
0x2e3: {  	v31 =	vperm.xlane v17, v4;
	v19 =	vadd.s32 v3, v19;
	_ =	sdelay $0x1  }
0x2e4: {  	s20 =	simm.s32 $0x5680;
	v32 =	vperm.xlane v17, v5;
	v20 =	vadd.s32 v3, v31  }
0x2e5: {  	[tilespmem:s20], [sflag:$0x1] =	stream.indirect_vreg.gather [hbm4b:s14+s5], $0x80, v18, vm0, $0xb8;
	[tilespmem:$0x1EA80] =	vst v63  }
0x2e6: {  	v33 =	vperm.xlane v17, v6;
	v18 =	vadd.s32 v3, v32;
	s20 =	simm.s32 $0x5700  }
0x2e7: {  	[tilespmem:s20], [sflag:$0x1] =	stream.indirect_vreg.gather [hbm4b:s14+s5], $0x80, v19, vm0, $0xb8;
	[tilespmem:$0x1EA80] =	vst v63  }
0x2e8: {  	s12 =	simm.s32 $0x5780;
	v34 =	vperm.xlane v17, v7;
	v19 =	vadd.s32 v3, v33  }
0x2e9: {  	[tilespmem:s12], [sflag:$0x1] =	stream.indirect_vreg.gather [hbm4b:s14+s5], $0x80, v20, vm0, $0xb8;
	[tilespmem:$0x1EA80] =	vst v63  }
0x2ea: {  	v36 =	vperm.xlane v17, v8;
	v35 =	vadd.s32 v3, v34;
	s20 =	simm.s32 $0x5800  }
0x2eb: {  	[tilespmem:s20], [sflag:$0x1] =	stream.indirect_vreg.gather [hbm4b:s14+s5], $0x80, v18, vm0, $0xb8;
	[tilespmem:$0x1EA80] =	vst v63  }
0x2ec: {  	v37 =	vperm.xlane v17, v0;
	s12 =	simm.s32 $0x5880;
	v18 =	vadd.s32 v3, v36  }
0x2ed: {  	[tilespmem:s12], [sflag:$0x1] =	stream.indirect_vreg.gather [hbm4b:s14+s5], $0x80, v19, vm0, $0xb8;
	[tilespmem:$0x1EA80] =	vst v63  }
0x2ee: {  	v38 =	vperm.xlane v17, v9;
	s20 =	simm.s32 $0x5900;
	v19 =	vadd.s32 v3, v37  }
0x2ef: {  	[tilespmem:s20], [sflag:$0x1] =	stream.indirect_vreg.gather [hbm4b:s14+s5], $0x80, v35, vm0, $0xb8;
	[tilespmem:$0x1EA80] =	vst v63  }
0x2f0: {  	v40 =	vperm.xlane v17, v10;
	v39 =	vadd.s32 v3, v38;
	s12 =	simm.s32 $0x5980  }
0x2f1: {  	[tilespmem:s12], [sflag:$0x1] =	stream.indirect_vreg.gather [hbm4b:s14+s5], $0x80, v18, vm0, $0xb8;
	[tilespmem:$0x1EA80] =	vst v63  }
0x2f2: {  	v41 =	vperm.xlane v17, v11;
	s20 =	simm.s32 $0x5A00;
	v18 =	vadd.s32 v3, v40  }
0x2f3: {  	[tilespmem:s20], [sflag:$0x1] =	stream.indirect_vreg.gather [hbm4b:s14+s5], $0x80, v19, vm0, $0xb8;
	[tilespmem:$0x1EA80] =	vst v63  }
0x2f4: {  	v42 =	vperm.xlane v17, v12;
	s12 =	simm.s32 $0x5A80;
	v19 =	vadd.s32 v3, v41  }
0x2f5: {  	[tilespmem:s12], [sflag:$0x1] =	stream.indirect_vreg.gather [hbm4b:s14+s5], $0x80, v39, vm0, $0xb8;
	[tilespmem:$0x1EA80] =	vst v63  }
0x2f6: {  	v44 =	vperm.xlane v17, v13;
	v43 =	vadd.s32 v3, v42;
	s20 =	simm.s32 $0x5B00  }
0x2f7: {  	[tilespmem:s20], [sflag:$0x1] =	stream.indirect_vreg.gather [hbm4b:s14+s5], $0x80, v18, vm0, $0xb8;
	[tilespmem:$0x1EA80] =	vst v63  }
0x2f8: {  	v45 =	vperm.xlane v17, v14;
	s12 =	simm.s32 $0x5B80;
	v18 =	vadd.s32 v3, v44  }
0x2f9: {  	[tilespmem:s12], [sflag:$0x1] =	stream.indirect_vreg.gather [hbm4b:s14+s5], $0x80, v19, vm0, $0xb8;
	[tilespmem:$0x1EA80] =	vst v63  }
0x2fa: {  	v46 =	vperm.xlane v17, v15;
	s20 =	simm.s32 $0x5C00;
	v19 =	vadd.s32 v3, v45  }
0x2fb: {  	[tilespmem:s20], [sflag:$0x1] =	stream.indirect_vreg.gather [hbm4b:s14+s5], $0x80, v43, vm0, $0xb8;
	[tilespmem:$0x1EA80] =	vst v63  }
0x2fc: {  	v17 =	vperm.xlane v17, v16;
	v47 =	vadd.s32 v3, v46;
	s12 =	simm.s32 $0x5C80  }
0x2fd: {  	[tilespmem:s12], [sflag:$0x1] =	stream.indirect_vreg.gather [hbm4b:s14+s5], $0x80, v18, vm0, $0xb8;
	[tilespmem:$0x1EA80] =	vst v63  }
0x2fe: {  	v17 =	vadd.s32 v3, v17;
	s20 =	simm.s32 $0x5D00  }
0x2ff: {  	[tilespmem:s20], [sflag:$0x1] =	stream.indirect_vreg.gather [hbm4b:s14+s5], $0x80, v19, vm0, $0xb8;
	[tilespmem:$0x1EA80] =	vst v63  }
0x300: {  	s12 =	simm.s32 $0x5D80  }
0x301: {  	[tilespmem:s12], [sflag:$0x1] =	stream.indirect_vreg.gather [hbm4b:s14+s5], $0x80, v47, vm0, $0xb8;
	[tilespmem:$0x1EA80] =	vst v63  }
0x302: {  	s20 =	simm.s32 $0x5E00;
	s12 =	sor.u32 $0x290, s16  }
0x303: {  	[tilespmem:s20], [sflag:$0x1] =	stream.indirect_vreg.gather [hbm4b:s14+s5], $0x80, v17, vm0, $0xb8;
	[tilespmem:$0x1EA80] =	vst v63  }
0x304: {  	v17 =	vld [tilespmem:s12+$0x0];
	_ =	sdelay $0x4  }
0x305: {  	v18 =	vshll.u32 v17, $0x1  }
0x306: {  	v17 =	vand.u32 $0x7, v17;
	v18 =	vand.u32 $0xFFFFFFF0, v18  }
0x307: {  	v17 =	vor.u32 v17, v18  }
0x308: {  	v18 =	vperm.xlane v17, v2;
	_ =	sdelay $0x1  }
0x309: {  	v19 =	vperm.xlane v17, v1;
	v18 =	vadd.s32 v3, v18;
	_ =	sdelay $0x1  }
0x30a: {  	v48 =	vperm.xlane v17, v4;
	v19 =	vadd.s32 v3, v19;
	_ =	sdelay $0x1  }
0x30b: {  	s20 =	simm.s32 $0x5E80;
	v49 =	vperm.xlane v17, v5;
	v20 =	vadd.s32 v3, v48  }
0x30c: {  	[tilespmem:s20], [sflag:$0x1] =	stream.indirect_vreg.gather [hbm4b:s14+s5], $0x80, v18, vm0, $0xb8;
	[tilespmem:$0x1EA80] =	vst v63  }
0x30d: {  	s12 =	simm.s32 $0x5F00;
	v50 =	vperm.xlane v17, v6;
	v18 =	vadd.s32 v3, v49  }
0x30e: {  	[tilespmem:s12], [sflag:$0x1] =	stream.indirect_vreg.gather [hbm4b:s14+s5], $0x80, v19, vm0, $0xb8;
	[tilespmem:$0x1EA80] =	vst v63  }
0x30f: {  	v51 =	vperm.xlane v17, v7;
	s20 =	simm.s32 $0x5F80;
	v19 =	vadd.s32 v3, v50  }
0x310: {  	[tilespmem:s20], [sflag:$0x1] =	stream.indirect_vreg.gather [hbm4b:s14+s5], $0x80, v20, vm0, $0xb8;
	[tilespmem:$0x1EA80] =	vst v63  }
0x311: {  	v53 =	vperm.xlane v17, v8;
	v52 =	vadd.s32 v3, v51;
	s12 =	simm.s32 $0x6000  }
0x312: {  	[tilespmem:s12], [sflag:$0x1] =	stream.indirect_vreg.gather [hbm4b:s14+s5], $0x80, v18, vm0, $0xb8;
	[tilespmem:$0x1EA80] =	vst v63  }
0x313: {  	v54 =	vperm.xlane v17, v0;
	s20 =	simm.s32 $0x6080;
	v18 =	vadd.s32 v3, v53  }
0x314: {  	[tilespmem:s20], [sflag:$0x1] =	stream.indirect_vreg.gather [hbm4b:s14+s5], $0x80, v19, vm0, $0xb8;
	[tilespmem:$0x1EA80] =	vst v63  }
0x315: {  	v55 =	vperm.xlane v17, v9;
	s12 =	simm.s32 $0x6100;
	v19 =	vadd.s32 v3, v54  }
0x316: {  	[tilespmem:s12], [sflag:$0x1] =	stream.indirect_vreg.gather [hbm4b:s14+s5], $0x80, v52, vm0, $0xb8;
	[tilespmem:$0x1EA80] =	vst v63  }
0x317: {  	v57 =	vperm.xlane v17, v10;
	v56 =	vadd.s32 v3, v55;
	s20 =	simm.s32 $0x6180  }
0x318: {  	[tilespmem:s20], [sflag:$0x1] =	stream.indirect_vreg.gather [hbm4b:s14+s5], $0x80, v18, vm0, $0xb8;
	[tilespmem:$0x1EA80] =	vst v63  }
0x319: {  	v58 =	vperm.xlane v17, v11;
	s12 =	simm.s32 $0x6200;
	v18 =	vadd.s32 v3, v57  }
0x31a: {  	[tilespmem:s12], [sflag:$0x1] =	stream.indirect_vreg.gather [hbm4b:s14+s5], $0x80, v19, vm0, $0xb8;
	[tilespmem:$0x1EA80] =	vst v63  }
0x31b: {  	v59 =	vperm.xlane v17, v12;
	s20 =	simm.s32 $0x6280;
	v19 =	vadd.s32 v3, v58  }
0x31c: {  	[tilespmem:s20], [sflag:$0x1] =	stream.indirect_vreg.gather [hbm4b:s14+s5], $0x80, v56, vm0, $0xb8;
	[tilespmem:$0x1EA80] =	vst v63  }
0x31d: {  	v61 =	vperm.xlane v17, v13;
	v60 =	vadd.s32 v3, v59;
	s12 =	simm.s32 $0x6300  }
0x31e: {  	[tilespmem:s12], [sflag:$0x1] =	stream.indirect_vreg.gather [hbm4b:s14+s5], $0x80, v18, vm0, $0xb8;
	[tilespmem:$0x1EA80] =	vst v63  }
0x31f: {  	v62 =	vperm.xlane v17, v14;
	s20 =	simm.s32 $0x6380;
	v18 =	vadd.s32 v3, v61  }
0x320: {  	[tilespmem:s20], [sflag:$0x1] =	stream.indirect_vreg.gather [hbm4b:s14+s5], $0x80, v19, vm0, $0xb8;
	[tilespmem:$0x1EA80] =	vst v63  }
0x321: {  	v63 =	vperm.xlane v17, v15;
	s12 =	simm.s32 $0x6400;
	v19 =	vadd.s32 v3, v62  }
0x322: {  	[tilespmem:s12], [sflag:$0x1] =	stream.indirect_vreg.gather [hbm4b:s14+s5], $0x80, v60, vm0, $0xb8;
	[tilespmem:$0x1EA80] =	vst v63  }
0x323: {  	v17 =	vperm.xlane v17, v16;
	v24 =	vadd.s32 v3, v63;
	s20 =	simm.s32 $0x6480  }
0x324: {  	[tilespmem:s20], [sflag:$0x1] =	stream.indirect_vreg.gather [hbm4b:s14+s5], $0x80, v18, vm0, $0xb8;
	[tilespmem:$0x1EA80] =	vst v63  }
0x325: {  	v17 =	vadd.s32 v3, v17;
	s12 =	simm.s32 $0x6500  }
0x326: {  	[tilespmem:s12], [sflag:$0x1] =	stream.indirect_vreg.gather [hbm4b:s14+s5], $0x80, v19, vm0, $0xb8;
	[tilespmem:$0x1EA80] =	vst v63  }
0x327: {  	s20 =	simm.s32 $0x6580  }
0x328: {  	[tilespmem:s20], [sflag:$0x1] =	stream.indirect_vreg.gather [hbm4b:s14+s5], $0x80, v24, vm0, $0xb8;
	[tilespmem:$0x1EA80] =	vst v63  }
0x329: {  	s12 =	simm.s32 $0x6600;
	s20 =	sor.u32 $0x2A0, s16  }
0x32a: {  	[tilespmem:s12], [sflag:$0x1] =	stream.indirect_vreg.gather [hbm4b:s14+s5], $0x80, v17, vm0, $0xb8;
	[tilespmem:$0x1EA80] =	vst v63  }
0x32b: {  	v17 =	vld [tilespmem:s20+$0x0];
	_ =	sdelay $0x4  }
0x32c: {  	v18 =	vshll.u32 v17, $0x1  }
0x32d: {  	v17 =	vand.u32 $0x7, v17;
	v18 =	vand.u32 $0xFFFFFFF0, v18  }
0x32e: {  	v17 =	vor.u32 v17, v18  }
0x32f: {  	v18 =	vperm.xlane v17, v2;
	_ =	sdelay $0x1  }
0x330: {  	v19 =	vperm.xlane v17, v1;
	v18 =	vadd.s32 v3, v18;
	_ =	sdelay $0x1  }
0x331: {  	v25 =	vperm.xlane v17, v4;
	v19 =	vadd.s32 v3, v19;
	_ =	sdelay $0x1  }
0x332: {  	s12 =	simm.s32 $0x6680;
	v26 =	vperm.xlane v17, v5;
	v20 =	vadd.s32 v3, v25  }
0x333: {  	[tilespmem:s12], [sflag:$0x1] =	stream.indirect_vreg.gather [hbm4b:s14+s5], $0x80, v18, vm0, $0xb8;
	[tilespmem:$0x1EA80] =	vst v63  }
0x334: {  	s20 =	simm.s32 $0x6700;
	v27 =	vperm.xlane v17, v6;
	v18 =	vadd.s32 v3, v26  }
0x335: {  	[tilespmem:s20], [sflag:$0x1] =	stream.indirect_vreg.gather [hbm4b:s14+s5], $0x80, v19, vm0, $0xb8;
	[tilespmem:$0x1EA80] =	vst v63  }
0x336: {  	v28 =	vperm.xlane v17, v7;
	s12 =	simm.s32 $0x6780;
	v19 =	vadd.s32 v3, v27  }
0x337: {  	[tilespmem:s12], [sflag:$0x1] =	stream.indirect_vreg.gather [hbm4b:s14+s5], $0x80, v20, vm0, $0xb8;
	[tilespmem:$0x1EA80] =	vst v63  }
0x338: {  	v30 =	vperm.xlane v17, v8;
	v29 =	vadd.s32 v3, v28;
	s20 =	simm.s32 $0x6800  }
0x339: {  	[tilespmem:s20], [sflag:$0x1] =	stream.indirect_vreg.gather [hbm4b:s14+s5], $0x80, v18, vm0, $0xb8;
	[tilespmem:$0x1EA80] =	vst v63  }
0x33a: {  	v31 =	vperm.xlane v17, v0;
	s12 =	simm.s32 $0x6880;
	v18 =	vadd.s32 v3, v30  }
0x33b: {  	[tilespmem:s12], [sflag:$0x1] =	stream.indirect_vreg.gather [hbm4b:s14+s5], $0x80, v19, vm0, $0xb8;
	[tilespmem:$0x1EA80] =	vst v63  }
0x33c: {  	v32 =	vperm.xlane v17, v9;
	s20 =	simm.s32 $0x6900;
	v19 =	vadd.s32 v3, v31  }
0x33d: {  	[tilespmem:s20], [sflag:$0x1] =	stream.indirect_vreg.gather [hbm4b:s14+s5], $0x80, v29, vm0, $0xb8;
	[tilespmem:$0x1EA80] =	vst v63  }
0x33e: {  	v34 =	vperm.xlane v17, v10;
	v33 =	vadd.s32 v3, v32;
	s12 =	simm.s32 $0x6980  }
0x33f: {  	[tilespmem:s12], [sflag:$0x1] =	stream.indirect_vreg.gather [hbm4b:s14+s5], $0x80, v18, vm0, $0xb8;
	[tilespmem:$0x1EA80] =	vst v63  }
0x340: {  	v35 =	vperm.xlane v17, v11;
	s20 =	simm.s32 $0x6A00;
	v18 =	vadd.s32 v3, v34  }
0x341: {  	[tilespmem:s20], [sflag:$0x1] =	stream.indirect_vreg.gather [hbm4b:s14+s5], $0x80, v19, vm0, $0xb8;
	[tilespmem:$0x1EA80] =	vst v63  }
0x342: {  	v36 =	vperm.xlane v17, v12;
	s12 =	simm.s32 $0x6A80;
	v19 =	vadd.s32 v3, v35  }
0x343: {  	[tilespmem:s12], [sflag:$0x1] =	stream.indirect_vreg.gather [hbm4b:s14+s5], $0x80, v33, vm0, $0xb8;
	[tilespmem:$0x1EA80] =	vst v63  }
0x344: {  	v38 =	vperm.xlane v17, v13;
	v37 =	vadd.s32 v3, v36;
	s20 =	simm.s32 $0x6B00  }
0x345: {  	[tilespmem:s20], [sflag:$0x1] =	stream.indirect_vreg.gather [hbm4b:s14+s5], $0x80, v18, vm0, $0xb8;
	[tilespmem:$0x1EA80] =	vst v63  }
0x346: {  	v39 =	vperm.xlane v17, v14;
	s12 =	simm.s32 $0x6B80;
	v18 =	vadd.s32 v3, v38  }
0x347: {  	[tilespmem:s12], [sflag:$0x1] =	stream.indirect_vreg.gather [hbm4b:s14+s5], $0x80, v19, vm0, $0xb8;
	[tilespmem:$0x1EA80] =	vst v63  }
0x348: {  	v40 =	vperm.xlane v17, v15;
	s20 =	simm.s32 $0x6C00;
	v19 =	vadd.s32 v3, v39  }
0x349: {  	[tilespmem:s20], [sflag:$0x1] =	stream.indirect_vreg.gather [hbm4b:s14+s5], $0x80, v37, vm0, $0xb8;
	[tilespmem:$0x1EA80] =	vst v63  }
0x34a: {  	v17 =	vperm.xlane v17, v16;
	v41 =	vadd.s32 v3, v40;
	s12 =	simm.s32 $0x6C80  }
0x34b: {  	[tilespmem:s12], [sflag:$0x1] =	stream.indirect_vreg.gather [hbm4b:s14+s5], $0x80, v18, vm0, $0xb8;
	[tilespmem:$0x1EA80] =	vst v63  }
0x34c: {  	v17 =	vadd.s32 v3, v17;
	s20 =	simm.s32 $0x6D00  }
0x34d: {  	[tilespmem:s20], [sflag:$0x1] =	stream.indirect_vreg.gather [hbm4b:s14+s5], $0x80, v19, vm0, $0xb8;
	[tilespmem:$0x1EA80] =	vst v63  }
0x34e: {  	s12 =	simm.s32 $0x6D80  }
0x34f: {  	[tilespmem:s12], [sflag:$0x1] =	stream.indirect_vreg.gather [hbm4b:s14+s5], $0x80, v41, vm0, $0xb8;
	[tilespmem:$0x1EA80] =	vst v63  }
0x350: {  	s20 =	simm.s32 $0x6E00;
	s12 =	sor.u32 $0x2B0, s16  }
0x351: {  	[tilespmem:s20], [sflag:$0x1] =	stream.indirect_vreg.gather [hbm4b:s14+s5], $0x80, v17, vm0, $0xb8;
	[tilespmem:$0x1EA80] =	vst v63  }
0x352: {  	v17 =	vld.msk [tilespmem:s12+$0x0], $0x3;
	_ =	sdelay $0x4  }
0x353: {  	v18 =	vshll.u32 v17, $0x1  }
0x354: {  	v17 =	vand.u32 $0x7, v17;
	v18 =	vand.u32 $0xFFFFFFF0, v18  }
0x355: {  	v17 =	vor.u32 v17, v18  }
0x356: {  	v18 =	vperm.xlane v17, v2;
	_ =	sdelay $0x1  }
0x357: {  	v17 =	vperm.xlane v17, v1;
	v18 =	vadd.s32 v3, v18;
	_ =	sdelay $0x1  }
0x358: {  	v17 =	vadd.s32 v3, v17;
	_ =	sdelay $0x1  }
0x359: {  	s20 =	simm.s32 $0x6E80  }
0x35a: {  	[tilespmem:s20], [sflag:$0x1] =	stream.indirect_vreg.gather [hbm4b:s14+s5], $0x80, v18, vm0, $0xb8;
	[tilespmem:$0x1EA80] =	vst v63  }
0x35b: {  	s12 =	simm.s32 $0x6F00;
	s20 =	simm.s32 $0x3  }
0x35c: {  	[tilespmem:s12], [sflag:$0x1] =	stream.indirect_vreg.gather [hbm4b:s14+s5], $0x80, v17, vm0, $0xb8;
	[tilespmem:$0x1EA80] =	vst v63  }
0x35d: {  	_ =	swait.ge [sflag:s20], $0x1900  }
0x35e: {  	[sflag:s20] =	ssyncset.done $0x0  }
0x35f: {  	[sflag:s20] =	ssyncadd.s32 $0xFFFFE700  }
0x360: {  	_ =	swait.ge [sflag:s20], $0x1900  }
0x361: {  	[sflag:s20] =	ssyncset.done $0x0  }
0x362: {  	s12 =	sadd.s32 $0x900, s16;
	[sflag:s20] =	ssyncadd.s32 $0xFFFFE700;
	s20 =	simm.s32 $0x7280  }
0x363: {  	[spmem:s1] =	stream.indirect.scatter.add.f32 [tilespmem:s20], [sflag:$0x4], $0x80, s12, s6, $0xb8;
	[tilespmem:$0x1EA80] =	vst v63  }
0x364: {  	s9 =	sadd.s32 $0x980, s16;
	s12 =	simm.s32 $0x8E80  }
0x365: {  	[spmem:s1] =	stream.indirect.scatter.add.f32 [tilespmem:s12], [sflag:$0x4], $0x80, s9, s6, $0xb8;
	[tilespmem:$0x1EA80] =	vst v63  }
0x366: {  	s9 =	simm.s32 $0x4  }
0x367: {  	_ =	swait.ge [sflag:s9], $0x1900  }
0x368: {  	[sflag:s9] =	ssyncset.done $0x0  }
0x369: {  	[sflag:s9] =	ssyncadd.s32 $0xFFFFE700  }
0x36a: {  	_ =	swait.ge [sflag:s9], $0x1900  }
0x36b: {  	[sflag:s9] =	ssyncset.done $0x0  }
0x36c: {  	[sflag:s9] =	ssyncadd.s32 $0xFFFFE700;
	s9 =	sor.u32 $0x300, s16  }
0x36d: {  	v17 =	vld [tilespmem:s9+$0x0];
	_ =	sdelay $0x4  }
0x36e: {  	v18 =	vshll.u32 v17, $0x1  }
0x36f: {  	v17 =	vand.u32 $0x7, v17;
	v18 =	vand.u32 $0xFFFFFFF0, v18  }
0x370: {  	v17 =	vor.u32 v17, v18  }
0x371: {  	v18 =	vperm.xlane v17, v2;
	_ =	sdelay $0x1  }
0x372: {  	v19 =	vperm.xlane v17, v1;
	v18 =	vadd.s32 v3, v18;
	_ =	sdelay $0x1  }
0x373: {  	v42 =	vperm.xlane v17, v4;
	v19 =	vadd.s32 v3, v19;
	_ =	sdelay $0x1  }
0x374: {  	v43 =	vperm.xlane v17, v5;
	v20 =	vadd.s32 v3, v42  }
0x375: {  	[tilespmem:s20], [sflag:$0x3] =	stream.indirect_vreg.gather [hbm4b:s14+s5], $0x80, v18, vm0, $0xb8;
	[tilespmem:$0x1EA80] =	vst v63  }
0x376: {  	v44 =	vperm.xlane v17, v6;
	v18 =	vadd.s32 v3, v43  }
0x377: {  	[tilespmem:s7], [sflag:$0x3] =	stream.indirect_vreg.gather [hbm4b:s14+s5], $0x80, v19, vm0, $0xb8;
	[tilespmem:$0x1EA80] =	vst v63  }
0x378: {  	v45 =	vperm.xlane v17, v7;
	v19 =	vadd.s32 v3, v44  }
0x379: {  	[tilespmem:s10], [sflag:$0x3] =	stream.indirect_vreg.gather [hbm4b:s14+s5], $0x80, v20, vm0, $0xb8;
	[tilespmem:$0x1EA80] =	vst v63  }
0x37a: {  	v47 =	vperm.xlane v17, v8;
	v46 =	vadd.s32 v3, v45  }
0x37b: {  	[tilespmem:s22], [sflag:$0x3] =	stream.indirect_vreg.gather [hbm4b:s14+s5], $0x80, v18, vm0, $0xb8;
	[tilespmem:$0x1EA80] =	vst v63  }
0x37c: {  	v48 =	vperm.xlane v17, v0;
	v18 =	vadd.s32 v3, v47  }
0x37d: {  	[tilespmem:s28], [sflag:$0x3] =	stream.indirect_vreg.gather [hbm4b:s14+s5], $0x80, v19, vm0, $0xb8;
	[tilespmem:$0x1EA80] =	vst v63  }
0x37e: {  	v49 =	vperm.xlane v17, v9;
	v19 =	vadd.s32 v3, v48  }
0x37f: {  	[tilespmem:s29], [sflag:$0x3] =	stream.indirect_vreg.gather [hbm4b:s14+s5], $0x80, v46, vm0, $0xb8;
	[tilespmem:$0x1EA80] =	vst v63  }
0x380: {  	v51 =	vperm.xlane v17, v10;
	v50 =	vadd.s32 v3, v49  }
0x381: {  	[tilespmem:s30], [sflag:$0x3] =	stream.indirect_vreg.gather [hbm4b:s14+s5], $0x80, v18, vm0, $0xb8;
	[tilespmem:$0x1EA80] =	vst v63  }
0x382: {  	v52 =	vperm.xlane v17, v11;
	v18 =	vadd.s32 v3, v51  }
0x383: {  	[tilespmem:s0], [sflag:$0x3] =	stream.indirect_vreg.gather [hbm4b:s14+s5], $0x80, v19, vm0, $0xb8;
	[tilespmem:$0x1EA80] =	vst v63  }
0x384: {  	v53 =	vperm.xlane v17, v12;
	v19 =	vadd.s32 v3, v52  }
0x385: {  	[tilespmem:s26], [sflag:$0x3] =	stream.indirect_vreg.gather [hbm4b:s14+s5], $0x80, v50, vm0, $0xb8;
	[tilespmem:$0x1EA80] =	vst v63  }
0x386: {  	v55 =	vperm.xlane v17, v13;
	v54 =	vadd.s32 v3, v53  }
0x387: {  	[tilespmem:s24], [sflag:$0x3] =	stream.indirect_vreg.gather [hbm4b:s14+s5], $0x80, v18, vm0, $0xb8;
	[tilespmem:$0x1EA80] =	vst v63  }
0x388: {  	v56 =	vperm.xlane v17, v14;
	v18 =	vadd.s32 v3, v55  }
0x389: {  	[tilespmem:s19], [sflag:$0x3] =	stream.indirect_vreg.gather [hbm4b:s14+s5], $0x80, v19, vm0, $0xb8;
	[tilespmem:$0x1EA80] =	vst v63  }
0x38a: {  	v57 =	vperm.xlane v17, v15;
	v19 =	vadd.s32 v3, v56  }
0x38b: {  	[tilespmem:s31], [sflag:$0x3] =	stream.indirect_vreg.gather [hbm4b:s14+s5], $0x80, v54, vm0, $0xb8;
	[tilespmem:$0x1EA80] =	vst v63  }
0x38c: {  	v17 =	vperm.xlane v17, v16;
	v58 =	vadd.s32 v3, v57  }
0x38d: {  	[tilespmem:s4], [sflag:$0x3] =	stream.indirect_vreg.gather [hbm4b:s14+s5], $0x80, v18, vm0, $0xb8;
	[tilespmem:$0x1EA80] =	vst v63  }
0x38e: {  	v17 =	vadd.s32 v3, v17  }
0x38f: {  	[tilespmem:s3], [sflag:$0x3] =	stream.indirect_vreg.gather [hbm4b:s14+s5], $0x80, v19, vm0, $0xb8;
	[tilespmem:$0x1EA80] =	vst v63  }
0x390: {  	_ = 	snop  }
0x391: {  	[tilespmem:s2], [sflag:$0x3] =	stream.indirect_vreg.gather [hbm4b:s14+s5], $0x80, v58, vm0, $0xb8;
	[tilespmem:$0x1EA80] =	vst v63  }
0x392: {  	s3 =	sor.u32 $0x310, s16  }
0x393: {  	[tilespmem:s25], [sflag:$0x3] =	stream.indirect_vreg.gather [hbm4b:s14+s5], $0x80, v17, vm0, $0xb8;
	[tilespmem:$0x1EA80] =	vst v63  }
0x394: {  	v17 =	vld [tilespmem:s3+$0x0];
	_ =	sdelay $0x4  }
0x395: {  	v18 =	vshll.u32 v17, $0x1  }
0x396: {  	v17 =	vand.u32 $0x7, v17;
	v18 =	vand.u32 $0xFFFFFFF0, v18  }
0x397: {  	v17 =	vor.u32 v17, v18  }
0x398: {  	v18 =	vperm.xlane v17, v2;
	_ =	sdelay $0x1  }
0x399: {  	v19 =	vperm.xlane v17, v1;
	v18 =	vadd.s32 v3, v18;
	_ =	sdelay $0x1  }
0x39a: {  	v59 =	vperm.xlane v17, v4;
	v19 =	vadd.s32 v3, v19;
	_ =	sdelay $0x1  }
0x39b: {  	v60 =	vperm.xlane v17, v5;
	v20 =	vadd.s32 v3, v59  }
0x39c: {  	[tilespmem:s8], [sflag:$0x3] =	stream.indirect_vreg.gather [hbm4b:s14+s5], $0x80, v18, vm0, $0xb8;
	[tilespmem:$0x1EA80] =	vst v63  }
0x39d: {  	v61 =	vperm.xlane v17, v6;
	v18 =	vadd.s32 v3, v60  }
0x39e: {  	[tilespmem:s17], [sflag:$0x3] =	stream.indirect_vreg.gather [hbm4b:s14+s5], $0x80, v19, vm0, $0xb8;
	[tilespmem:$0x1EA80] =	vst v63  }
0x39f: {  	s4 =	simm.s32 $0x7B80;
	v62 =	vperm.xlane v17, v7;
	v19 =	vadd.s32 v3, v61  }
0x3a0: {  	[tilespmem:s4], [sflag:$0x3] =	stream.indirect_vreg.gather [hbm4b:s14+s5], $0x80, v20, vm0, $0xb8;
	[tilespmem:$0x1EA80] =	vst v63  }
0x3a1: {  	s7 =	simm.s32 $0x7C00;
	v24 =	vperm.xlane v17, v8;
	v63 =	vadd.s32 v3, v62  }
0x3a2: {  	[tilespmem:s7], [sflag:$0x3] =	stream.indirect_vreg.gather [hbm4b:s14+s5], $0x80, v18, vm0, $0xb8;
	[tilespmem:$0x1EA80] =	vst v63  }
0x3a3: {  	v25 =	vperm.xlane v17, v0;
	s8 =	simm.s32 $0x7C80;
	v18 =	vadd.s32 v3, v24  }
0x3a4: {  	[tilespmem:s8], [sflag:$0x3] =	stream.indirect_vreg.gather [hbm4b:s14+s5], $0x80, v19, vm0, $0xb8;
	[tilespmem:$0x1EA80] =	vst v63  }
0x3a5: {  	[dreg:$0x1a] =	wrdreg s9;
	s9 =	simm.s32 $0x7D00;
	v26 =	vperm.xlane v17, v9;
	v19 =	vadd.s32 v3, v25  }
0x3a6: {  	[tilespmem:s9], [sflag:$0x3] =	stream.indirect_vreg.gather [hbm4b:s14+s5], $0x80, v63, vm0, $0xb8;
	[tilespmem:$0x1EA80] =	vst v63  }
0x3a7: {  	s10 =	simm.s32 $0x7D80;
	v28 =	vperm.xlane v17, v10;
	v27 =	vadd.s32 v3, v26  }
0x3a8: {  	[tilespmem:s10], [sflag:$0x3] =	stream.indirect_vreg.gather [hbm4b:s14+s5], $0x80, v18, vm0, $0xb8;
	[tilespmem:$0x1EA80] =	vst v63  }
0x3a9: {  	v29 =	vperm.xlane v17, v11;
	s17 =	simm.s32 $0x7E00;
	v18 =	vadd.s32 v3, v28  }
0x3aa: {  	[tilespmem:s17], [sflag:$0x3] =	stream.indirect_vreg.gather [hbm4b:s14+s5], $0x80, v19, vm0, $0xb8;
	[tilespmem:$0x1EA80] =	vst v63  }
0x3ab: {  	s19 =	simm.s32 $0x7E80;
	v30 =	vperm.xlane v17, v12;
	v19 =	vadd.s32 v3, v29  }
0x3ac: {  	[tilespmem:s19], [sflag:$0x3] =	stream.indirect_vreg.gather [hbm4b:s14+s5], $0x80, v27, vm0, $0xb8;
	[tilespmem:$0x1EA80] =	vst v63  }
0x3ad: {  	s20 =	simm.s32 $0x7F00;
	v32 =	vperm.xlane v17, v13;
	v31 =	vadd.s32 v3, v30  }
0x3ae: {  	[tilespmem:s20], [sflag:$0x3] =	stream.indirect_vreg.gather [hbm4b:s14+s5], $0x80, v18, vm0, $0xb8;
	[tilespmem:$0x1EA80] =	vst v63  }
0x3af: {  	s22 =	simm.s32 $0x7F80;
	v33 =	vperm.xlane v17, v14;
	v18 =	vadd.s32 v3, v32  }
0x3b0: {  	[tilespmem:s22], [sflag:$0x3] =	stream.indirect_vreg.gather [hbm4b:s14+s5], $0x80, v19, vm0, $0xb8;
	[tilespmem:$0x1EA80] =	vst v63  }
0x3b1: {  	s24 =	simm.s32 $0x8000;
	v34 =	vperm.xlane v17, v15;
	v19 =	vadd.s32 v3, v33  }
0x3b2: {  	[tilespmem:s24], [sflag:$0x3] =	stream.indirect_vreg.gather [hbm4b:s14+s5], $0x80, v31, vm0, $0xb8;
	[tilespmem:$0x1EA80] =	vst v63  }
0x3b3: {  	s25 =	simm.s32 $0x8080;
	v17 =	vperm.xlane v17, v16;
	v35 =	vadd.s32 v3, v34  }
0x3b4: {  	[tilespmem:s25], [sflag:$0x3] =	stream.indirect_vreg.gather [hbm4b:s14+s5], $0x80, v18, vm0, $0xb8;
	[tilespmem:$0x1EA80] =	vst v63  }
0x3b5: {  	s26 =	simm.s32 $0x8100;
	v17 =	vadd.s32 v3, v17  }
0x3b6: {  	[tilespmem:s26], [sflag:$0x3] =	stream.indirect_vreg.gather [hbm4b:s14+s5], $0x80, v19, vm0, $0xb8;
	[tilespmem:$0x1EA80] =	vst v63  }
0x3b7: {  	s28 =	simm.s32 $0x8180  }
0x3b8: {  	[tilespmem:s28], [sflag:$0x3] =	stream.indirect_vreg.gather [hbm4b:s14+s5], $0x80, v35, vm0, $0xb8;
	[tilespmem:$0x1EA80] =	vst v63  }
0x3b9: {  	s29 =	simm.s32 $0x8200;
	s30 =	sor.u32 $0x320, s16  }
0x3ba: {  	[tilespmem:s29], [sflag:$0x3] =	stream.indirect_vreg.gather [hbm4b:s14+s5], $0x80, v17, vm0, $0xb8;
	[tilespmem:$0x1EA80] =	vst v63  }
0x3bb: {  	v17 =	vld [tilespmem:s30+$0x0];
	_ =	sdelay $0x4  }
0x3bc: {  	v18 =	vshll.u32 v17, $0x1  }
0x3bd: {  	v17 =	vand.u32 $0x7, v17;
	v18 =	vand.u32 $0xFFFFFFF0, v18  }
0x3be: {  	v17 =	vor.u32 v17, v18  }
0x3bf: {  	v18 =	vperm.xlane v17, v2;
	_ =	sdelay $0x1  }
0x3c0: {  	v19 =	vperm.xlane v17, v1;
	v18 =	vadd.s32 v3, v18;
	_ =	sdelay $0x1  }
0x3c1: {  	v36 =	vperm.xlane v17, v4;
	v19 =	vadd.s32 v3, v19;
	_ =	sdelay $0x1  }
0x3c2: {  	s31 =	simm.s32 $0x8280;
	v37 =	vperm.xlane v17, v5;
	v20 =	vadd.s32 v3, v36  }
0x3c3: {  	[tilespmem:s31], [sflag:$0x3] =	stream.indirect_vreg.gather [hbm4b:s14+s5], $0x80, v18, vm0, $0xb8;
	[tilespmem:$0x1EA80] =	vst v63  }
0x3c4: {  	s2 =	simm.s32 $0x8300;
	v38 =	vperm.xlane v17, v6;
	v18 =	vadd.s32 v3, v37  }
0x3c5: {  	[tilespmem:s2], [sflag:$0x3] =	stream.indirect_vreg.gather [hbm4b:s14+s5], $0x80, v19, vm0, $0xb8;
	[tilespmem:$0x1EA80] =	vst v63  }
0x3c6: {  	s3 =	simm.s32 $0x8380;
	v39 =	vperm.xlane v17, v7;
	v19 =	vadd.s32 v3, v38  }
0x3c7: {  	[tilespmem:s3], [sflag:$0x3] =	stream.indirect_vreg.gather [hbm4b:s14+s5], $0x80, v20, vm0, $0xb8;
	[tilespmem:$0x1EA80] =	vst v63  }
0x3c8: {  	s4 =	simm.s32 $0x8400;
	v41 =	vperm.xlane v17, v8;
	v40 =	vadd.s32 v3, v39  }
0x3c9: {  	[tilespmem:s4], [sflag:$0x3] =	stream.indirect_vreg.gather [hbm4b:s14+s5], $0x80, v18, vm0, $0xb8;
	[tilespmem:$0x1EA80] =	vst v63  }
0x3ca: {  	s7 =	simm.s32 $0x8480;
	v42 =	vperm.xlane v17, v0;
	v18 =	vadd.s32 v3, v41  }
0x3cb: {  	[tilespmem:s7], [sflag:$0x3] =	stream.indirect_vreg.gather [hbm4b:s14+s5], $0x80, v19, vm0, $0xb8;
	[tilespmem:$0x1EA80] =	vst v63  }
0x3cc: {  	s8 =	simm.s32 $0x8500;
	v43 =	vperm.xlane v17, v9;
	v19 =	vadd.s32 v3, v42  }
0x3cd: {  	[tilespmem:s8], [sflag:$0x3] =	stream.indirect_vreg.gather [hbm4b:s14+s5], $0x80, v40, vm0, $0xb8;
	[tilespmem:$0x1EA80] =	vst v63  }
0x3ce: {  	s9 =	simm.s32 $0x8580;
	v45 =	vperm.xlane v17, v10;
	v44 =	vadd.s32 v3, v43  }
0x3cf: {  	[tilespmem:s9], [sflag:$0x3] =	stream.indirect_vreg.gather [hbm4b:s14+s5], $0x80, v18, vm0, $0xb8;
	[tilespmem:$0x1EA80] =	vst v63  }
0x3d0: {  	s10 =	simm.s32 $0x8600;
	v46 =	vperm.xlane v17, v11;
	v18 =	vadd.s32 v3, v45  }
0x3d1: {  	[tilespmem:s10], [sflag:$0x3] =	stream.indirect_vreg.gather [hbm4b:s14+s5], $0x80, v19, vm0, $0xb8;
	[tilespmem:$0x1EA80] =	vst v63  }
0x3d2: {  	s17 =	simm.s32 $0x8680;
	v47 =	vperm.xlane v17, v12;
	v19 =	vadd.s32 v3, v46  }
0x3d3: {  	[tilespmem:s17], [sflag:$0x3] =	stream.indirect_vreg.gather [hbm4b:s14+s5], $0x80, v44, vm0, $0xb8;
	[tilespmem:$0x1EA80] =	vst v63  }
0x3d4: {  	s19 =	simm.s32 $0x8700;
	v49 =	vperm.xlane v17, v13;
	v48 =	vadd.s32 v3, v47  }
0x3d5: {  	[tilespmem:s19], [sflag:$0x3] =	stream.indirect_vreg.gather [hbm4b:s14+s5], $0x80, v18, vm0, $0xb8;
	[tilespmem:$0x1EA80] =	vst v63  }
0x3d6: {  	s20 =	simm.s32 $0x8780;
	v50 =	vperm.xlane v17, v14;
	v18 =	vadd.s32 v3, v49  }
0x3d7: {  	[tilespmem:s20], [sflag:$0x3] =	stream.indirect_vreg.gather [hbm4b:s14+s5], $0x80, v19, vm0, $0xb8;
	[tilespmem:$0x1EA80] =	vst v63  }
0x3d8: {  	s22 =	simm.s32 $0x8800;
	v51 =	vperm.xlane v17, v15;
	v19 =	vadd.s32 v3, v50  }
0x3d9: {  	[tilespmem:s22], [sflag:$0x3] =	stream.indirect_vreg.gather [hbm4b:s14+s5], $0x80, v48, vm0, $0xb8;
	[tilespmem:$0x1EA80] =	vst v63  }
0x3da: {  	s24 =	simm.s32 $0x8880;
	v17 =	vperm.xlane v17, v16;
	v52 =	vadd.s32 v3, v51  }
0x3db: {  	[tilespmem:s24], [sflag:$0x3] =	stream.indirect_vreg.gather [hbm4b:s14+s5], $0x80, v18, vm0, $0xb8;
	[tilespmem:$0x1EA80] =	vst v63  }
0x3dc: {  	s25 =	simm.s32 $0x8900;
	v17 =	vadd.s32 v3, v17  }
0x3dd: {  	[tilespmem:s25], [sflag:$0x3] =	stream.indirect_vreg.gather [hbm4b:s14+s5], $0x80, v19, vm0, $0xb8;
	[tilespmem:$0x1EA80] =	vst v63  }
0x3de: {  	s26 =	simm.s32 $0x8980  }
0x3df: {  	[tilespmem:s26], [sflag:$0x3] =	stream.indirect_vreg.gather [hbm4b:s14+s5], $0x80, v52, vm0, $0xb8;
	[tilespmem:$0x1EA80] =	vst v63  }
0x3e0: {  	s28 =	simm.s32 $0x8A00;
	s29 =	sor.u32 $0x330, s16  }
0x3e1: {  	[tilespmem:s28], [sflag:$0x3] =	stream.indirect_vreg.gather [hbm4b:s14+s5], $0x80, v17, vm0, $0xb8;
	[tilespmem:$0x1EA80] =	vst v63  }
0x3e2: {  	v17 =	vld.msk [tilespmem:s29+$0x0], $0x3;
	_ =	sdelay $0x4  }
0x3e3: {  	v18 =	vshll.u32 v17, $0x1  }
0x3e4: {  	v17 =	vand.u32 $0x7, v17;
	v18 =	vand.u32 $0xFFFFFFF0, v18  }
0x3e5: {  	v17 =	vor.u32 v17, v18  }
0x3e6: {  	v18 =	vperm.xlane v17, v2;
	_ =	sdelay $0x1  }
0x3e7: {  	v17 =	vperm.xlane v17, v1;
	v18 =	vadd.s32 v3, v18;
	_ =	sdelay $0x1  }
0x3e8: {  	v17 =	vadd.s32 v3, v17;
	_ =	sdelay $0x1  }
0x3e9: {  	s30 =	simm.s32 $0x8A80  }
0x3ea: {  	[tilespmem:s30], [sflag:$0x3] =	stream.indirect_vreg.gather [hbm4b:s14+s5], $0x80, v18, vm0, $0xb8;
	[tilespmem:$0x1EA80] =	vst v63  }
0x3eb: {  	s31 =	simm.s32 $0x8B00;
	s20 =	sor.u32 $0x380, s16  }
0x3ec: {  	[tilespmem:s31], [sflag:$0x3] =	stream.indirect_vreg.gather [hbm4b:s14+s5], $0x80, v17, vm0, $0xb8;
	[tilespmem:$0x1EA80] =	vst v63  }
0x3ed: {  	v17 =	vld [tilespmem:s20+$0x0];
	_ =	sdelay $0x4  }
0x3ee: {  	v18 =	vshll.u32 v17, $0x1  }
0x3ef: {  	v17 =	vand.u32 $0x7, v17;
	v18 =	vand.u32 $0xFFFFFFF0, v18  }
0x3f0: {  	v17 =	vor.u32 v17, v18  }
0x3f1: {  	v18 =	vperm.xlane v17, v2;
	_ =	sdelay $0x1  }
0x3f2: {  	v19 =	vperm.xlane v17, v1;
	v18 =	vadd.s32 v3, v18;
	_ =	sdelay $0x1  }
0x3f3: {  	v53 =	vperm.xlane v17, v4;
	v19 =	vadd.s32 v3, v19;
	_ =	sdelay $0x1  }
0x3f4: {  	v54 =	vperm.xlane v17, v5;
	v20 =	vadd.s32 v3, v53  }
0x3f5: {  	[tilespmem:s12], [sflag:$0x3] =	stream.indirect_vreg.gather [hbm4b:s14+s5], $0x80, v18, vm0, $0xb8;
	[tilespmem:$0x1EA80] =	vst v63  }
0x3f6: {  	s2 =	simm.s32 $0x8F00;
	v55 =	vperm.xlane v17, v6;
	v18 =	vadd.s32 v3, v54  }
0x3f7: {  	[tilespmem:s2], [sflag:$0x3] =	stream.indirect_vreg.gather [hbm4b:s14+s5], $0x80, v19, vm0, $0xb8;
	[tilespmem:$0x1EA80] =	vst v63  }
0x3f8: {  	s3 =	simm.s32 $0x8F80;
	v56 =	vperm.xlane v17, v7;
	v19 =	vadd.s32 v3, v55  }
0x3f9: {  	[tilespmem:s3], [sflag:$0x3] =	stream.indirect_vreg.gather [hbm4b:s14+s5], $0x80, v20, vm0, $0xb8;
	[tilespmem:$0x1EA80] =	vst v63  }
0x3fa: {  	s4 =	simm.s32 $0x9000;
	v58 =	vperm.xlane v17, v8;
	v57 =	vadd.s32 v3, v56  }
0x3fb: {  	[tilespmem:s4], [sflag:$0x3] =	stream.indirect_vreg.gather [hbm4b:s14+s5], $0x80, v18, vm0, $0xb8;
	[tilespmem:$0x1EA80] =	vst v63  }
0x3fc: {  	s7 =	simm.s32 $0x9080;
	v59 =	vperm.xlane v17, v0;
	v18 =	vadd.s32 v3, v58  }
0x3fd: {  	[tilespmem:s7], [sflag:$0x3] =	stream.indirect_vreg.gather [hbm4b:s14+s5], $0x80, v19, vm0, $0xb8;
	[tilespmem:$0x1EA80] =	vst v63  }
0x3fe: {  	s8 =	simm.s32 $0x9100;
	v60 =	vperm.xlane v17, v9;
	v19 =	vadd.s32 v3, v59  }
0x3ff: {  	[tilespmem:s8], [sflag:$0x3] =	stream.indirect_vreg.gather [hbm4b:s14+s5], $0x80, v57, vm0, $0xb8;
	[tilespmem:$0x1EA80] =	vst v63  }
0x400: {  	s9 =	simm.s32 $0x9180;
	v62 =	vperm.xlane v17, v10;
	v61 =	vadd.s32 v3, v60  }
0x401: {  	[tilespmem:s9], [sflag:$0x3] =	stream.indirect_vreg.gather [hbm4b:s14+s5], $0x80, v18, vm0, $0xb8;
	[tilespmem:$0x1EA80] =	vst v63  }
0x402: {  	s10 =	simm.s32 $0x9200;
	v63 =	vperm.xlane v17, v11;
	v18 =	vadd.s32 v3, v62  }
0x403: {  	[tilespmem:s10], [sflag:$0x3] =	stream.indirect_vreg.gather [hbm4b:s14+s5], $0x80, v19, vm0, $0xb8;
	[tilespmem:$0x1EA80] =	vst v63  }
0x404: {  	v24 =	vperm.xlane v17, v12;
	s12 =	simm.s32 $0x9280;
	v19 =	vadd.s32 v3, v63  }
0x405: {  	[tilespmem:s12], [sflag:$0x3] =	stream.indirect_vreg.gather [hbm4b:s14+s5], $0x80, v61, vm0, $0xb8;
	[tilespmem:$0x1EA80] =	vst v63  }
0x406: {  	s17 =	simm.s32 $0x9300;
	v26 =	vperm.xlane v17, v13;
	v25 =	vadd.s32 v3, v24  }
0x407: {  	[tilespmem:s17], [sflag:$0x3] =	stream.indirect_vreg.gather [hbm4b:s14+s5], $0x80, v18, vm0, $0xb8;
	[tilespmem:$0x1EA80] =	vst v63  }
0x408: {  	s19 =	simm.s32 $0x9380;
	v27 =	vperm.xlane v17, v14;
	v18 =	vadd.s32 v3, v26  }
0x409: {  	[tilespmem:s19], [sflag:$0x3] =	stream.indirect_vreg.gather [hbm4b:s14+s5], $0x80, v19, vm0, $0xb8;
	[tilespmem:$0x1EA80] =	vst v63  }
0x40a: {  	s22 =	simm.s32 $0x9400;
	v28 =	vperm.xlane v17, v15;
	v19 =	vadd.s32 v3, v27  }
0x40b: {  	[tilespmem:s22], [sflag:$0x3] =	stream.indirect_vreg.gather [hbm4b:s14+s5], $0x80, v25, vm0, $0xb8;
	[tilespmem:$0x1EA80] =	vst v63  }
0x40c: {  	s24 =	simm.s32 $0x9480;
	v17 =	vperm.xlane v17, v16;
	v29 =	vadd.s32 v3, v28  }
0x40d: {  	[tilespmem:s24], [sflag:$0x3] =	stream.indirect_vreg.gather [hbm4b:s14+s5], $0x80, v18, vm0, $0xb8;
	[tilespmem:$0x1EA80] =	vst v63  }
0x40e: {  	s25 =	simm.s32 $0x9500;
	v17 =	vadd.s32 v3, v17  }
0x40f: {  	[tilespmem:s25], [sflag:$0x3] =	stream.indirect_vreg.gather [hbm4b:s14+s5], $0x80, v19, vm0, $0xb8;
	[tilespmem:$0x1EA80] =	vst v63  }
0x410: {  	s26 =	simm.s32 $0x9580  }
0x411: {  	[tilespmem:s26], [sflag:$0x3] =	stream.indirect_vreg.gather [hbm4b:s14+s5], $0x80, v29, vm0, $0xb8;
	[tilespmem:$0x1EA80] =	vst v63  }
0x412: {  	s28 =	simm.s32 $0x9600;
	s29 =	sor.u32 $0x390, s16  }
0x413: {  	[tilespmem:s28], [sflag:$0x3] =	stream.indirect_vreg.gather [hbm4b:s14+s5], $0x80, v17, vm0, $0xb8;
	[tilespmem:$0x1EA80] =	vst v63  }
0x414: {  	v17 =	vld [tilespmem:s29+$0x0];
	_ =	sdelay $0x4  }
0x415: {  	v18 =	vshll.u32 v17, $0x1  }
0x416: {  	v17 =	vand.u32 $0x7, v17;
	v18 =	vand.u32 $0xFFFFFFF0, v18  }
0x417: {  	v17 =	vor.u32 v17, v18  }
0x418: {  	v18 =	vperm.xlane v17, v2;
	_ =	sdelay $0x1  }
0x419: {  	v19 =	vperm.xlane v17, v1;
	v18 =	vadd.s32 v3, v18;
	_ =	sdelay $0x1  }
0x41a: {  	v30 =	vperm.xlane v17, v4;
	v19 =	vadd.s32 v3, v19;
	_ =	sdelay $0x1  }
0x41b: {  	s30 =	simm.s32 $0x9680;
	v31 =	vperm.xlane v17, v5;
	v20 =	vadd.s32 v3, v30  }
0x41c: {  	[tilespmem:s30], [sflag:$0x3] =	stream.indirect_vreg.gather [hbm4b:s14+s5], $0x80, v18, vm0, $0xb8;
	[tilespmem:$0x1EA80] =	vst v63  }
0x41d: {  	s31 =	simm.s32 $0x9700;
	v32 =	vperm.xlane v17, v6;
	v18 =	vadd.s32 v3, v31  }
0x41e: {  	[tilespmem:s31], [sflag:$0x3] =	stream.indirect_vreg.gather [hbm4b:s14+s5], $0x80, v19, vm0, $0xb8;
	[tilespmem:$0x1EA80] =	vst v63  }
0x41f: {  	s2 =	simm.s32 $0x9780;
	v33 =	vperm.xlane v17, v7;
	v19 =	vadd.s32 v3, v32  }
0x420: {  	[tilespmem:s2], [sflag:$0x3] =	stream.indirect_vreg.gather [hbm4b:s14+s5], $0x80, v20, vm0, $0xb8;
	[tilespmem:$0x1EA80] =	vst v63  }
0x421: {  	s3 =	simm.s32 $0x9800;
	v35 =	vperm.xlane v17, v8;
	v34 =	vadd.s32 v3, v33  }
0x422: {  	[tilespmem:s3], [sflag:$0x3] =	stream.indirect_vreg.gather [hbm4b:s14+s5], $0x80, v18, vm0, $0xb8;
	[tilespmem:$0x1EA80] =	vst v63  }
0x423: {  	s4 =	simm.s32 $0x9880;
	v36 =	vperm.xlane v17, v0;
	v18 =	vadd.s32 v3, v35  }
0x424: {  	[tilespmem:s4], [sflag:$0x3] =	stream.indirect_vreg.gather [hbm4b:s14+s5], $0x80, v19, vm0, $0xb8;
	[tilespmem:$0x1EA80] =	vst v63  }
0x425: {  	s7 =	simm.s32 $0x9900;
	v37 =	vperm.xlane v17, v9;
	v19 =	vadd.s32 v3, v36  }
0x426: {  	[tilespmem:s7], [sflag:$0x3] =	stream.indirect_vreg.gather [hbm4b:s14+s5], $0x80, v34, vm0, $0xb8;
	[tilespmem:$0x1EA80] =	vst v63  }
0x427: {  	s8 =	simm.s32 $0x9980;
	v39 =	vperm.xlane v17, v10;
	v38 =	vadd.s32 v3, v37  }
0x428: {  	[tilespmem:s8], [sflag:$0x3] =	stream.indirect_vreg.gather [hbm4b:s14+s5], $0x80, v18, vm0, $0xb8;
	[tilespmem:$0x1EA80] =	vst v63  }
0x429: {  	s9 =	simm.s32 $0x9A00;
	v40 =	vperm.xlane v17, v11;
	v18 =	vadd.s32 v3, v39  }
0x42a: {  	[tilespmem:s9], [sflag:$0x3] =	stream.indirect_vreg.gather [hbm4b:s14+s5], $0x80, v19, vm0, $0xb8;
	[tilespmem:$0x1EA80] =	vst v63  }
0x42b: {  	s10 =	simm.s32 $0x9A80;
	v41 =	vperm.xlane v17, v12;
	v19 =	vadd.s32 v3, v40  }
0x42c: {  	[tilespmem:s10], [sflag:$0x3] =	stream.indirect_vreg.gather [hbm4b:s14+s5], $0x80, v38, vm0, $0xb8;
	[tilespmem:$0x1EA80] =	vst v63  }
0x42d: {  	s12 =	simm.s32 $0x9B00;
	v43 =	vperm.xlane v17, v13;
	v42 =	vadd.s32 v3, v41  }
0x42e: {  	[tilespmem:s12], [sflag:$0x3] =	stream.indirect_vreg.gather [hbm4b:s14+s5], $0x80, v18, vm0, $0xb8;
	[tilespmem:$0x1EA80] =	vst v63  }
0x42f: {  	s17 =	simm.s32 $0x9B80;
	v44 =	vperm.xlane v17, v14;
	v18 =	vadd.s32 v3, v43  }
0x430: {  	[tilespmem:s17], [sflag:$0x3] =	stream.indirect_vreg.gather [hbm4b:s14+s5], $0x80, v19, vm0, $0xb8;
	[tilespmem:$0x1EA80] =	vst v63  }
0x431: {  	s19 =	simm.s32 $0x9C00;
	v45 =	vperm.xlane v17, v15;
	v19 =	vadd.s32 v3, v44  }
0x432: {  	[tilespmem:s19], [sflag:$0x3] =	stream.indirect_vreg.gather [hbm4b:s14+s5], $0x80, v42, vm0, $0xb8;
	[tilespmem:$0x1EA80] =	vst v63  }
0x433: {  	s22 =	simm.s32 $0x9C80;
	v17 =	vperm.xlane v17, v16;
	v46 =	vadd.s32 v3, v45  }
0x434: {  	[tilespmem:s22], [sflag:$0x3] =	stream.indirect_vreg.gather [hbm4b:s14+s5], $0x80, v18, vm0, $0xb8;
	[tilespmem:$0x1EA80] =	vst v63  }
0x435: {  	s24 =	simm.s32 $0x9D00;
	v17 =	vadd.s32 v3, v17  }
0x436: {  	[tilespmem:s24], [sflag:$0x3] =	stream.indirect_vreg.gather [hbm4b:s14+s5], $0x80, v19, vm0, $0xb8;
	[tilespmem:$0x1EA80] =	vst v63  }
0x437: {  	s25 =	simm.s32 $0x9D80  }
0x438: {  	[tilespmem:s25], [sflag:$0x3] =	stream.indirect_vreg.gather [hbm4b:s14+s5], $0x80, v46, vm0, $0xb8;
	[tilespmem:$0x1EA80] =	vst v63  }
0x439: {  	s26 =	simm.s32 $0x9E00;
	s28 =	sor.u32 $0x3A0, s16  }
0x43a: {  	[tilespmem:s26], [sflag:$0x3] =	stream.indirect_vreg.gather [hbm4b:s14+s5], $0x80, v17, vm0, $0xb8;
	[tilespmem:$0x1EA80] =	vst v63  }
0x43b: {  	v17 =	vld [tilespmem:s28+$0x0];
	_ =	sdelay $0x4  }
0x43c: {  	v18 =	vshll.u32 v17, $0x1  }
0x43d: {  	v17 =	vand.u32 $0x7, v17;
	v18 =	vand.u32 $0xFFFFFFF0, v18  }
0x43e: {  	v17 =	vor.u32 v17, v18  }
0x43f: {  	v18 =	vperm.xlane v17, v2;
	_ =	sdelay $0x1  }
0x440: {  	v19 =	vperm.xlane v17, v1;
	v18 =	vadd.s32 v3, v18;
	_ =	sdelay $0x1  }
0x441: {  	v47 =	vperm.xlane v17, v4;
	v19 =	vadd.s32 v3, v19;
	_ =	sdelay $0x1  }
0x442: {  	s29 =	simm.s32 $0x9E80;
	v48 =	vperm.xlane v17, v5;
	v20 =	vadd.s32 v3, v47  }
0x443: {  	[tilespmem:s29], [sflag:$0x3] =	stream.indirect_vreg.gather [hbm4b:s14+s5], $0x80, v18, vm0, $0xb8;
	[tilespmem:$0x1EA80] =	vst v63  }
0x444: {  	s30 =	simm.s32 $0x9F00;
	v49 =	vperm.xlane v17, v6;
	v18 =	vadd.s32 v3, v48  }
0x445: {  	[tilespmem:s30], [sflag:$0x3] =	stream.indirect_vreg.gather [hbm4b:s14+s5], $0x80, v19, vm0, $0xb8;
	[tilespmem:$0x1EA80] =	vst v63  }
0x446: {  	s31 =	simm.s32 $0x9F80;
	v50 =	vperm.xlane v17, v7;
	v19 =	vadd.s32 v3, v49  }
0x447: {  	[tilespmem:s31], [sflag:$0x3] =	stream.indirect_vreg.gather [hbm4b:s14+s5], $0x80, v20, vm0, $0xb8;
	[tilespmem:$0x1EA80] =	vst v63  }
0x448: {  	s2 =	simm.s32 $0xA000;
	v52 =	vperm.xlane v17, v8;
	v51 =	vadd.s32 v3, v50  }
0x449: {  	[tilespmem:s2], [sflag:$0x3] =	stream.indirect_vreg.gather [hbm4b:s14+s5], $0x80, v18, vm0, $0xb8;
	[tilespmem:$0x1EA80] =	vst v63  }
0x44a: {  	s3 =	simm.s32 $0xA080;
	v53 =	vperm.xlane v17, v0;
	v18 =	vadd.s32 v3, v52  }
0x44b: {  	[tilespmem:s3], [sflag:$0x3] =	stream.indirect_vreg.gather [hbm4b:s14+s5], $0x80, v19, vm0, $0xb8;
	[tilespmem:$0x1EA80] =	vst v63  }
0x44c: {  	s4 =	simm.s32 $0xA100;
	v54 =	vperm.xlane v17, v9;
	v19 =	vadd.s32 v3, v53  }
0x44d: {  	[tilespmem:s4], [sflag:$0x3] =	stream.indirect_vreg.gather [hbm4b:s14+s5], $0x80, v51, vm0, $0xb8;
	[tilespmem:$0x1EA80] =	vst v63  }
0x44e: {  	s7 =	simm.s32 $0xA180;
	v56 =	vperm.xlane v17, v10;
	v55 =	vadd.s32 v3, v54  }
0x44f: {  	[tilespmem:s7], [sflag:$0x3] =	stream.indirect_vreg.gather [hbm4b:s14+s5], $0x80, v18, vm0, $0xb8;
	[tilespmem:$0x1EA80] =	vst v63  }
0x450: {  	s8 =	simm.s32 $0xA200;
	v57 =	vperm.xlane v17, v11;
	v18 =	vadd.s32 v3, v56  }
0x451: {  	[tilespmem:s8], [sflag:$0x3] =	stream.indirect_vreg.gather [hbm4b:s14+s5], $0x80, v19, vm0, $0xb8;
	[tilespmem:$0x1EA80] =	vst v63  }
0x452: {  	s9 =	simm.s32 $0xA280;
	v58 =	vperm.xlane v17, v12;
	v19 =	vadd.s32 v3, v57  }
0x453: {  	[tilespmem:s9], [sflag:$0x3] =	stream.indirect_vreg.gather [hbm4b:s14+s5], $0x80, v55, vm0, $0xb8;
	[tilespmem:$0x1EA80] =	vst v63  }
0x454: {  	s10 =	simm.s32 $0xA300;
	v60 =	vperm.xlane v17, v13;
	v59 =	vadd.s32 v3, v58  }
0x455: {  	[tilespmem:s10], [sflag:$0x3] =	stream.indirect_vreg.gather [hbm4b:s14+s5], $0x80, v18, vm0, $0xb8;
	[tilespmem:$0x1EA80] =	vst v63  }
0x456: {  	s12 =	simm.s32 $0xA380;
	v61 =	vperm.xlane v17, v14;
	v18 =	vadd.s32 v3, v60  }
0x457: {  	[tilespmem:s12], [sflag:$0x3] =	stream.indirect_vreg.gather [hbm4b:s14+s5], $0x80, v19, vm0, $0xb8;
	[tilespmem:$0x1EA80] =	vst v63  }
0x458: {  	s17 =	simm.s32 $0xA400;
	v62 =	vperm.xlane v17, v15;
	v19 =	vadd.s32 v3, v61  }
0x459: {  	[tilespmem:s17], [sflag:$0x3] =	stream.indirect_vreg.gather [hbm4b:s14+s5], $0x80, v59, vm0, $0xb8;
	[tilespmem:$0x1EA80] =	vst v63  }
0x45a: {  	s19 =	simm.s32 $0xA480;
	v17 =	vperm.xlane v17, v16;
	v63 =	vadd.s32 v3, v62  }
0x45b: {  	[tilespmem:s19], [sflag:$0x3] =	stream.indirect_vreg.gather [hbm4b:s14+s5], $0x80, v18, vm0, $0xb8;
	[tilespmem:$0x1EA80] =	vst v63  }
0x45c: {  	s22 =	simm.s32 $0xA500;
	v17 =	vadd.s32 v3, v17  }
0x45d: {  	[tilespmem:s22], [sflag:$0x3] =	stream.indirect_vreg.gather [hbm4b:s14+s5], $0x80, v19, vm0, $0xb8;
	[tilespmem:$0x1EA80] =	vst v63  }
0x45e: {  	_ = 	snop  }
0x45f: {  	[tilespmem:s13], [sflag:$0x3] =	stream.indirect_vreg.gather [hbm4b:s14+s5], $0x80, v63, vm0, $0xb8;
	[tilespmem:$0x1EA80] =	vst v63  }
0x460: {  	s24 =	sor.u32 $0x3B0, s16  }
0x461: {  	[tilespmem:s11], [sflag:$0x3] =	stream.indirect_vreg.gather [hbm4b:s14+s5], $0x80, v17, vm0, $0xb8;
	[tilespmem:$0x1EA80] =	vst v63  }
0x462: {  	v17 =	vld.msk [tilespmem:s24+$0x0], $0x3;
	_ =	sdelay $0x4  }
0x463: {  	v18 =	vshll.u32 v17, $0x1  }
0x464: {  	v17 =	vand.u32 $0x7, v17;
	v18 =	vand.u32 $0xFFFFFFF0, v18  }
0x465: {  	v17 =	vor.u32 v17, v18  }
0x466: {  	v18 =	vperm.xlane v17, v2;
	_ =	sdelay $0x1  }
0x467: {  	v17 =	vperm.xlane v17, v1;
	v18 =	vadd.s32 v3, v18;
	_ =	sdelay $0x1  }
0x468: {  	v17 =	vadd.s32 v3, v17;
	_ =	sdelay $0x1  }
0x469: {  	s25 =	simm.s32 $0xA680  }
0x46a: {  	[tilespmem:s25], [sflag:$0x3] =	stream.indirect_vreg.gather [hbm4b:s14+s5], $0x80, v18, vm0, $0xb8;
	[tilespmem:$0x1EA80] =	vst v63  }
0x46b: {  	s26 =	simm.s32 $0xA700  }
0x46c: {  	[tilespmem:s26], [sflag:$0x3] =	stream.indirect_vreg.gather [hbm4b:s14+s5], $0x80, v17, vm0, $0xb8;
	[tilespmem:$0x1EA80] =	vst v63  }
0x46d: {  	_ =	swait.ge [sflag:s21], $0x1900  }
0x46e: {  	[sflag:s21] =	ssyncset.done $0x0  }
0x46f: {  	[sflag:s21] =	ssyncadd.s32 $0xFFFFE700  }
0x470: {  	_ =	swait.ge [sflag:s21], $0x1900  }
0x471: {  	[sflag:s21] =	ssyncset.done $0x0  }
0x472: {  	s28 =	sor.u32 $0xA00, s16;
	s29 =	simm.s32 $0x3A80;
	[sflag:s21] =	ssyncadd.s32 $0xFFFFE700  }
0x473: {  	[spmem:s1] =	stream.indirect.scatter.add.f32 [tilespmem:s29], [sflag:$0x2], $0x80, s28, s6, $0xb8;
	[tilespmem:$0x1EA80] =	vst v63  }
0x474: {  	s30 =	sor.u32 $0xA80, s16;
	s31 =	simm.s32 $0x5680  }
0x475: {  	[spmem:s1] =	stream.indirect.scatter.add.f32 [tilespmem:s31], [sflag:$0x2], $0x80, s30, s6, $0xb8;
	[tilespmem:$0x1EA80] =	vst v63  }
0x476: {  	_ =	swait.ge [sflag:s18], $0x1900  }
.Ltmp0:
0x477: {  	[sflag:s18] =	ssyncset.done $0x0;
	(pc) =	sbr.rel @p4 .LBB2_4-.Ltmp0, $4  }
0x478: {  	[sflag:s18] =	ssyncadd.s32 $0xFFFFE700  }
0x479: {  	_ =	swait.ge [sflag:s18], $0x1900  }
0x47a: {  	[sflag:s18] =	ssyncset.done $0x0  }
0x47b: {  	[sflag:s18] =	ssyncadd.s32 $0xFFFFE700  }
0x47c: {  	s0 =	rddreg [dreg:$0x19]  }
0x47d: {  	s18 =	sshll.u32 s0, $0x7  }
0x47e: {  	v17 =	vld [tilespmem:s18+$0x0];
	_ =	sdelay $0x4  }
0x47f: {  	v18 =	vshll.u32 v17, $0x1  }
0x480: {  	v17 =	vand.u32 $0x7, v17;
	v18 =	vand.u32 $0xFFFFFFF0, v18  }
0x481: {  	v17 =	vor.u32 v17, v18  }
0x482: {  	v18 =	vperm.xlane v17, v2;
	_ =	sdelay $0x1  }
0x483: {  	v19 =	vperm.xlane v17, v1;
	v18 =	vadd.s32 v3, v18;
	_ =	sdelay $0x1  }
0x484: {  	v20 =	vperm.xlane v17, v4;
	v19 =	vadd.s32 v3, v19;
	_ =	sdelay $0x1  }
0x485: {  	s19 =	simm.s32 $0x3A80;
	v21 =	vperm.xlane v17, v5;
	v20 =	vadd.s32 v3, v20  }
0x486: {  	[tilespmem:s19], [sflag:$0x1] =	stream.indirect_vreg.gather [hbm4b:s14+s5], $0x80, v18, vm0, $0xb8;
	[tilespmem:$0x1EA80] =	vst v63  }
0x487: {  	s9 =	simm.s32 $0x3B00;
	v44 =	vperm.xlane v17, v6;
	v18 =	vadd.s32 v3, v21  }
0x488: {  	[tilespmem:s9], [sflag:$0x1] =	stream.indirect_vreg.gather [hbm4b:s14+s5], $0x80, v19, vm0, $0xb8;
	[tilespmem:$0x1EA80] =	vst v63  }
0x489: {  	s21 =	simm.s32 $0x3B80;
	v45 =	vperm.xlane v17, v7;
	v19 =	vadd.s32 v3, v44  }
0x48a: {  	[tilespmem:s21], [sflag:$0x1] =	stream.indirect_vreg.gather [hbm4b:s14+s5], $0x80, v20, vm0, $0xb8;
	[tilespmem:$0x1EA80] =	vst v63  }
0x48b: {  	s22 =	simm.s32 $0x3C00;
	v47 =	vperm.xlane v17, v8;
	v46 =	vadd.s32 v3, v45  }
0x48c: {  	[tilespmem:s22], [sflag:$0x1] =	stream.indirect_vreg.gather [hbm4b:s14+s5], $0x80, v18, vm0, $0xb8;
	[tilespmem:$0x1EA80] =	vst v63  }
0x48d: {  	s24 =	simm.s32 $0x3C80;
	v48 =	vperm.xlane v17, v0;
	v18 =	vadd.s32 v3, v47  }
0x48e: {  	[tilespmem:s24], [sflag:$0x1] =	stream.indirect_vreg.gather [hbm4b:s14+s5], $0x80, v19, vm0, $0xb8;
	[tilespmem:$0x1EA80] =	vst v63  }
0x48f: {  	s25 =	simm.s32 $0x3D00;
	v49 =	vperm.xlane v17, v9;
	v19 =	vadd.s32 v3, v48  }
0x490: {  	[tilespmem:s25], [sflag:$0x1] =	stream.indirect_vreg.gather [hbm4b:s14+s5], $0x80, v46, vm0, $0xb8;
	[tilespmem:$0x1EA80] =	vst v63  }
0x491: {  	s26 =	simm.s32 $0x3D80;
	v51 =	vperm.xlane v17, v10;
	v50 =	vadd.s32 v3, v49  }
0x492: {  	[tilespmem:s26], [sflag:$0x1] =	stream.indirect_vreg.gather [hbm4b:s14+s5], $0x80, v18, vm0, $0xb8;
	[tilespmem:$0x1EA80] =	vst v63  }
0x493: {  	s28 =	simm.s32 $0x3E00;
	v52 =	vperm.xlane v17, v11;
	v18 =	vadd.s32 v3, v51  }
0x494: {  	[tilespmem:s28], [sflag:$0x1] =	stream.indirect_vreg.gather [hbm4b:s14+s5], $0x80, v19, vm0, $0xb8;
	[tilespmem:$0x1EA80] =	vst v63  }
0x495: {  	s29 =	simm.s32 $0x3E80;
	v53 =	vperm.xlane v17, v12;
	v19 =	vadd.s32 v3, v52  }
0x496: {  	[tilespmem:s29], [sflag:$0x1] =	stream.indirect_vreg.gather [hbm4b:s14+s5], $0x80, v50, vm0, $0xb8;
	[tilespmem:$0x1EA80] =	vst v63  }
0x497: {  	s30 =	simm.s32 $0x3F00;
	v55 =	vperm.xlane v17, v13;
	v54 =	vadd.s32 v3, v53  }
0x498: {  	[tilespmem:s30], [sflag:$0x1] =	stream.indirect_vreg.gather [hbm4b:s14+s5], $0x80, v18, vm0, $0xb8;
	[tilespmem:$0x1EA80] =	vst v63  }
0x499: {  	s31 =	simm.s32 $0x3F80;
	v56 =	vperm.xlane v17, v14;
	v18 =	vadd.s32 v3, v55  }
0x49a: {  	[tilespmem:s31], [sflag:$0x1] =	stream.indirect_vreg.gather [hbm4b:s14+s5], $0x80, v19, vm0, $0xb8;
	[tilespmem:$0x1EA80] =	vst v63  }
0x49b: {  	s0 =	simm.s32 $0x4000;
	v57 =	vperm.xlane v17, v15;
	v19 =	vadd.s32 v3, v56  }
0x49c: {  	[tilespmem:s0], [sflag:$0x1] =	stream.indirect_vreg.gather [hbm4b:s14+s5], $0x80, v54, vm0, $0xb8;
	[tilespmem:$0x1EA80] =	vst v63  }
0x49d: {  	s1 =	simm.s32 $0x4080;
	v17 =	vperm.xlane v17, v16;
	v58 =	vadd.s32 v3, v57  }
0x49e: {  	[tilespmem:s1], [sflag:$0x1] =	stream.indirect_vreg.gather [hbm4b:s14+s5], $0x80, v18, vm0, $0xb8;
	[tilespmem:$0x1EA80] =	vst v63  }
0x49f: {  	s2 =	simm.s32 $0x4100;
	v17 =	vadd.s32 v3, v17  }
0x4a0: {  	[tilespmem:s2], [sflag:$0x1] =	stream.indirect_vreg.gather [hbm4b:s14+s5], $0x80, v19, vm0, $0xb8;
	[tilespmem:$0x1EA80] =	vst v63  }
0x4a1: {  	s3 =	simm.s32 $0x4180  }
0x4a2: {  	[tilespmem:s3], [sflag:$0x1] =	stream.indirect_vreg.gather [hbm4b:s14+s5], $0x80, v58, vm0, $0xb8;
	[tilespmem:$0x1EA80] =	vst v63  }
0x4a3: {  	s4 =	simm.s32 $0x4200  }
0x4a4: {  	[tilespmem:s4], [sflag:$0x1] =	stream.indirect_vreg.gather [hbm4b:s14+s5], $0x80, v17, vm0, $0xb8;
	[tilespmem:$0x1EA80] =	vst v63  }
0x4a5: {  	v17 =	vld [tilespmem:s18+$0x10];
	_ =	sdelay $0x4  }
0x4a6: {  	v18 =	vshll.u32 v17, $0x1  }
0x4a7: {  	v17 =	vand.u32 $0x7, v17;
	v18 =	vand.u32 $0xFFFFFFF0, v18  }
0x4a8: {  	v17 =	vor.u32 v17, v18  }
0x4a9: {  	v18 =	vperm.xlane v17, v2;
	_ =	sdelay $0x1  }
0x4aa: {  	v19 =	vperm.xlane v17, v1;
	v18 =	vadd.s32 v3, v18;
	_ =	sdelay $0x1  }
0x4ab: {  	v59 =	vperm.xlane v17, v4;
	v19 =	vadd.s32 v3, v19;
	_ =	sdelay $0x1  }
0x4ac: {  	s6 =	simm.s32 $0x4280;
	v60 =	vperm.xlane v17, v5;
	v20 =	vadd.s32 v3, v59  }
0x4ad: {  	[tilespmem:s6], [sflag:$0x1] =	stream.indirect_vreg.gather [hbm4b:s14+s5], $0x80, v18, vm0, $0xb8;
	[tilespmem:$0x1EA80] =	vst v63  }
0x4ae: {  	s7 =	simm.s32 $0x4300;
	v61 =	vperm.xlane v17, v6;
	v18 =	vadd.s32 v3, v60  }
0x4af: {  	[tilespmem:s7], [sflag:$0x1] =	stream.indirect_vreg.gather [hbm4b:s14+s5], $0x80, v19, vm0, $0xb8;
	[tilespmem:$0x1EA80] =	vst v63  }
0x4b0: {  	s8 =	simm.s32 $0x4380;
	v62 =	vperm.xlane v17, v7;
	v19 =	vadd.s32 v3, v61  }
0x4b1: {  	[tilespmem:s8], [sflag:$0x1] =	stream.indirect_vreg.gather [hbm4b:s14+s5], $0x80, v20, vm0, $0xb8;
	[tilespmem:$0x1EA80] =	vst v63  }
0x4b2: {  	s10 =	simm.s32 $0x4400;
	v24 =	vperm.xlane v17, v8;
	v63 =	vadd.s32 v3, v62  }
0x4b3: {  	[tilespmem:s10], [sflag:$0x1] =	stream.indirect_vreg.gather [hbm4b:s14+s5], $0x80, v18, vm0, $0xb8;
	[tilespmem:$0x1EA80] =	vst v63  }
0x4b4: {  	s11 =	simm.s32 $0x4480;
	v25 =	vperm.xlane v17, v0;
	v18 =	vadd.s32 v3, v24  }
0x4b5: {  	[tilespmem:s11], [sflag:$0x1] =	stream.indirect_vreg.gather [hbm4b:s14+s5], $0x80, v19, vm0, $0xb8;
	[tilespmem:$0x1EA80] =	vst v63  }
0x4b6: {  	s12 =	simm.s32 $0x4500;
	v26 =	vperm.xlane v17, v9;
	v19 =	vadd.s32 v3, v25  }
0x4b7: {  	[tilespmem:s12], [sflag:$0x1] =	stream.indirect_vreg.gather [hbm4b:s14+s5], $0x80, v63, vm0, $0xb8;
	[tilespmem:$0x1EA80] =	vst v63  }
0x4b8: {  	s13 =	simm.s32 $0x4580;
	v28 =	vperm.xlane v17, v10;
	v27 =	vadd.s32 v3, v26  }
0x4b9: {  	[tilespmem:s13], [sflag:$0x1] =	stream.indirect_vreg.gather [hbm4b:s14+s5], $0x80, v18, vm0, $0xb8;
	[tilespmem:$0x1EA80] =	vst v63  }
0x4ba: {  	s17 =	simm.s32 $0x4600;
	v29 =	vperm.xlane v17, v11;
	v18 =	vadd.s32 v3, v28  }
0x4bb: {  	[tilespmem:s17], [sflag:$0x1] =	stream.indirect_vreg.gather [hbm4b:s14+s5], $0x80, v19, vm0, $0xb8;
	[tilespmem:$0x1EA80] =	vst v63  }
0x4bc: {  	s19 =	simm.s32 $0x4680;
	v30 =	vperm.xlane v17, v12;
	v19 =	vadd.s32 v3, v29  }
0x4bd: {  	[tilespmem:s19], [sflag:$0x1] =	stream.indirect_vreg.gather [hbm4b:s14+s5], $0x80, v27, vm0, $0xb8;
	[tilespmem:$0x1EA80] =	vst v63  }
0x4be: {  	s21 =	simm.s32 $0x4700;
	v32 =	vperm.xlane v17, v13;
	v31 =	vadd.s32 v3, v30  }
0x4bf: {  	[tilespmem:s21], [sflag:$0x1] =	stream.indirect_vreg.gather [hbm4b:s14+s5], $0x80, v18, vm0, $0xb8;
	[tilespmem:$0x1EA80] =	vst v63  }
0x4c0: {  	s22 =	simm.s32 $0x4780;
	v33 =	vperm.xlane v17, v14;
	v18 =	vadd.s32 v3, v32  }
0x4c1: {  	[tilespmem:s22], [sflag:$0x1] =	stream.indirect_vreg.gather [hbm4b:s14+s5], $0x80, v19, vm0, $0xb8;
	[tilespmem:$0x1EA80] =	vst v63  }
0x4c2: {  	s24 =	simm.s32 $0x4800;
	v34 =	vperm.xlane v17, v15;
	v19 =	vadd.s32 v3, v33  }
0x4c3: {  	[tilespmem:s24], [sflag:$0x1] =	stream.indirect_vreg.gather [hbm4b:s14+s5], $0x80, v31, vm0, $0xb8;
	[tilespmem:$0x1EA80] =	vst v63  }
0x4c4: {  	s25 =	simm.s32 $0x4880;
	v17 =	vperm.xlane v17, v16;
	v35 =	vadd.s32 v3, v34  }
0x4c5: {  	[tilespmem:s25], [sflag:$0x1] =	stream.indirect_vreg.gather [hbm4b:s14+s5], $0x80, v18, vm0, $0xb8;
	[tilespmem:$0x1EA80] =	vst v63  }
0x4c6: {  	s26 =	simm.s32 $0x4900;
	v17 =	vadd.s32 v3, v17  }
0x4c7: {  	[tilespmem:s26], [sflag:$0x1] =	stream.indirect_vreg.gather [hbm4b:s14+s5], $0x80, v19, vm0, $0xb8;
	[tilespmem:$0x1EA80] =	vst v63  }
0x4c8: {  	s28 =	simm.s32 $0x4980  }
0x4c9: {  	[tilespmem:s28], [sflag:$0x1] =	stream.indirect_vreg.gather [hbm4b:s14+s5], $0x80, v35, vm0, $0xb8;
	[tilespmem:$0x1EA80] =	vst v63  }
0x4ca: {  	s29 =	simm.s32 $0x4A00  }
0x4cb: {  	[tilespmem:s29], [sflag:$0x1] =	stream.indirect_vreg.gather [hbm4b:s14+s5], $0x80, v17, vm0, $0xb8;
	[tilespmem:$0x1EA80] =	vst v63  }
0x4cc: {  	v17 =	vld [tilespmem:s18+$0x20];
	_ =	sdelay $0x4  }
0x4cd: {  	v18 =	vshll.u32 v17, $0x1  }
0x4ce: {  	v17 =	vand.u32 $0x7, v17;
	v18 =	vand.u32 $0xFFFFFFF0, v18  }
0x4cf: {  	v17 =	vor.u32 v17, v18  }
0x4d0: {  	v18 =	vperm.xlane v17, v2;
	_ =	sdelay $0x1  }
0x4d1: {  	v19 =	vperm.xlane v17, v1;
	v18 =	vadd.s32 v3, v18;
	_ =	sdelay $0x1  }
0x4d2: {  	v36 =	vperm.xlane v17, v4;
	v19 =	vadd.s32 v3, v19;
	_ =	sdelay $0x1  }
0x4d3: {  	s30 =	simm.s32 $0x4A80;
	v37 =	vperm.xlane v17, v5;
	v20 =	vadd.s32 v3, v36  }
0x4d4: {  	[tilespmem:s30], [sflag:$0x1] =	stream.indirect_vreg.gather [hbm4b:s14+s5], $0x80, v18, vm0, $0xb8;
	[tilespmem:$0x1EA80] =	vst v63  }
0x4d5: {  	s31 =	simm.s32 $0x4B00;
	v38 =	vperm.xlane v17, v6;
	v18 =	vadd.s32 v3, v37  }
0x4d6: {  	[tilespmem:s31], [sflag:$0x1] =	stream.indirect_vreg.gather [hbm4b:s14+s5], $0x80, v19, vm0, $0xb8;
	[tilespmem:$0x1EA80] =	vst v63  }
0x4d7: {  	s0 =	simm.s32 $0x4B80;
	v39 =	vperm.xlane v17, v7;
	v19 =	vadd.s32 v3, v38  }
0x4d8: {  	[tilespmem:s0], [sflag:$0x1] =	stream.indirect_vreg.gather [hbm4b:s14+s5], $0x80, v20, vm0, $0xb8;
	[tilespmem:$0x1EA80] =	vst v63  }
0x4d9: {  	s1 =	simm.s32 $0x4C00;
	v41 =	vperm.xlane v17, v8;
	v40 =	vadd.s32 v3, v39  }
0x4da: {  	[tilespmem:s1], [sflag:$0x1] =	stream.indirect_vreg.gather [hbm4b:s14+s5], $0x80, v18, vm0, $0xb8;
	[tilespmem:$0x1EA80] =	vst v63  }
0x4db: {  	s2 =	simm.s32 $0x4C80;
	v42 =	vperm.xlane v17, v0;
	v18 =	vadd.s32 v3, v41  }
0x4dc: {  	[tilespmem:s2], [sflag:$0x1] =	stream.indirect_vreg.gather [hbm4b:s14+s5], $0x80, v19, vm0, $0xb8;
	[tilespmem:$0x1EA80] =	vst v63  }
0x4dd: {  	s3 =	simm.s32 $0x4D00;
	v43 =	vperm.xlane v17, v9;
	v19 =	vadd.s32 v3, v42  }
0x4de: {  	[tilespmem:s3], [sflag:$0x1] =	stream.indirect_vreg.gather [hbm4b:s14+s5], $0x80, v40, vm0, $0xb8;
	[tilespmem:$0x1EA80] =	vst v63  }
0x4df: {  	s4 =	simm.s32 $0x4D80;
	v45 =	vperm.xlane v17, v10;
	v44 =	vadd.s32 v3, v43  }
0x4e0: {  	[tilespmem:s4], [sflag:$0x1] =	stream.indirect_vreg.gather [hbm4b:s14+s5], $0x80, v18, vm0, $0xb8;
	[tilespmem:$0x1EA80] =	vst v63  }
0x4e1: {  	s6 =	simm.s32 $0x4E00;
	v46 =	vperm.xlane v17, v11;
	v18 =	vadd.s32 v3, v45  }
0x4e2: {  	[tilespmem:s6], [sflag:$0x1] =	stream.indirect_vreg.gather [hbm4b:s14+s5], $0x80, v19, vm0, $0xb8;
	[tilespmem:$0x1EA80] =	vst v63  }
0x4e3: {  	s7 =	simm.s32 $0x4E80;
	v47 =	vperm.xlane v17, v12;
	v19 =	vadd.s32 v3, v46  }
0x4e4: {  	[tilespmem:s7], [sflag:$0x1] =	stream.indirect_vreg.gather [hbm4b:s14+s5], $0x80, v44, vm0, $0xb8;
	[tilespmem:$0x1EA80] =	vst v63  }
0x4e5: {  	s8 =	simm.s32 $0x4F00;
	v49 =	vperm.xlane v17, v13;
	v48 =	vadd.s32 v3, v47  }
0x4e6: {  	[tilespmem:s8], [sflag:$0x1] =	stream.indirect_vreg.gather [hbm4b:s14+s5], $0x80, v18, vm0, $0xb8;
	[tilespmem:$0x1EA80] =	vst v63  }
0x4e7: {  	s10 =	simm.s32 $0x4F80;
	v50 =	vperm.xlane v17, v14;
	v18 =	vadd.s32 v3, v49  }
0x4e8: {  	[tilespmem:s10], [sflag:$0x1] =	stream.indirect_vreg.gather [hbm4b:s14+s5], $0x80, v19, vm0, $0xb8;
	[tilespmem:$0x1EA80] =	vst v63  }
0x4e9: {  	s11 =	simm.s32 $0x5000;
	v51 =	vperm.xlane v17, v15;
	v19 =	vadd.s32 v3, v50  }
0x4ea: {  	[tilespmem:s11], [sflag:$0x1] =	stream.indirect_vreg.gather [hbm4b:s14+s5], $0x80, v48, vm0, $0xb8;
	[tilespmem:$0x1EA80] =	vst v63  }
0x4eb: {  	s12 =	simm.s32 $0x5080;
	v17 =	vperm.xlane v17, v16;
	v52 =	vadd.s32 v3, v51  }
0x4ec: {  	[tilespmem:s12], [sflag:$0x1] =	stream.indirect_vreg.gather [hbm4b:s14+s5], $0x80, v18, vm0, $0xb8;
	[tilespmem:$0x1EA80] =	vst v63  }
0x4ed: {  	s13 =	simm.s32 $0x5100;
	v17 =	vadd.s32 v3, v17  }
0x4ee: {  	[tilespmem:s13], [sflag:$0x1] =	stream.indirect_vreg.gather [hbm4b:s14+s5], $0x80, v19, vm0, $0xb8;
	[tilespmem:$0x1EA80] =	vst v63  }
0x4ef: {  	s17 =	simm.s32 $0x5180  }
0x4f0: {  	[tilespmem:s17], [sflag:$0x1] =	stream.indirect_vreg.gather [hbm4b:s14+s5], $0x80, v52, vm0, $0xb8;
	[tilespmem:$0x1EA80] =	vst v63  }
0x4f1: {  	s19 =	simm.s32 $0x5200;
	s21 =	sor.u32 $0x30, s18  }
0x4f2: {  	[tilespmem:s19], [sflag:$0x1] =	stream.indirect_vreg.gather [hbm4b:s14+s5], $0x80, v17, vm0, $0xb8;
	[tilespmem:$0x1EA80] =	vst v63  }
0x4f3: {  	v17 =	vld.msk [tilespmem:s21+$0x0], $0x3;
	_ =	sdelay $0x4  }
0x4f4: {  	v18 =	vshll.u32 v17, $0x1  }
0x4f5: {  	v17 =	vand.u32 $0x7, v17;
	v18 =	vand.u32 $0xFFFFFFF0, v18  }
0x4f6: {  	v17 =	vor.u32 v17, v18  }
0x4f7: {  	v18 =	vperm.xlane v17, v2;
	_ =	sdelay $0x1  }
0x4f8: {  	v17 =	vperm.xlane v17, v1;
	v18 =	vadd.s32 v3, v18;
	_ =	sdelay $0x1  }
0x4f9: {  	v17 =	vadd.s32 v3, v17;
	_ =	sdelay $0x1  }
0x4fa: {  	s22 =	simm.s32 $0x5280  }
0x4fb: {  	[tilespmem:s22], [sflag:$0x1] =	stream.indirect_vreg.gather [hbm4b:s14+s5], $0x80, v18, vm0, $0xb8;
	[tilespmem:$0x1EA80] =	vst v63  }
0x4fc: {  	s24 =	simm.s32 $0x5300;
	s25 =	ssub.s32 $0x480, s16  }
0x4fd: {  	[tilespmem:s24], [sflag:$0x1] =	stream.indirect_vreg.gather [hbm4b:s14+s5], $0x80, v17, vm0, $0xb8;
	[tilespmem:$0x1EA80] =	vst v63  }
0x4fe: {  	v17 =	vld [tilespmem:s25+$0x0];
	_ =	sdelay $0x4  }
0x4ff: {  	v18 =	vshll.u32 v17, $0x1  }
0x500: {  	v17 =	vand.u32 $0x7, v17;
	v18 =	vand.u32 $0xFFFFFFF0, v18  }
0x501: {  	v17 =	vor.u32 v17, v18  }
0x502: {  	v18 =	vperm.xlane v17, v2;
	_ =	sdelay $0x1  }
0x503: {  	v19 =	vperm.xlane v17, v1;
	v18 =	vadd.s32 v3, v18;
	_ =	sdelay $0x1  }
0x504: {  	v53 =	vperm.xlane v17, v4;
	v19 =	vadd.s32 v3, v19;
	_ =	sdelay $0x1  }
0x505: {  	s26 =	simm.s32 $0x5680;
	v54 =	vperm.xlane v17, v5;
	v20 =	vadd.s32 v3, v53  }
0x506: {  	[tilespmem:s26], [sflag:$0x1] =	stream.indirect_vreg.gather [hbm4b:s14+s5], $0x80, v18, vm0, $0xb8;
	[tilespmem:$0x1EA80] =	vst v63  }
0x507: {  	s28 =	simm.s32 $0x5700;
	v55 =	vperm.xlane v17, v6;
	v18 =	vadd.s32 v3, v54  }
0x508: {  	[tilespmem:s28], [sflag:$0x1] =	stream.indirect_vreg.gather [hbm4b:s14+s5], $0x80, v19, vm0, $0xb8;
	[tilespmem:$0x1EA80] =	vst v63  }
0x509: {  	s29 =	simm.s32 $0x5780;
	v56 =	vperm.xlane v17, v7;
	v19 =	vadd.s32 v3, v55  }
0x50a: {  	[tilespmem:s29], [sflag:$0x1] =	stream.indirect_vreg.gather [hbm4b:s14+s5], $0x80, v20, vm0, $0xb8;
	[tilespmem:$0x1EA80] =	vst v63  }
0x50b: {  	s30 =	simm.s32 $0x5800;
	v58 =	vperm.xlane v17, v8;
	v57 =	vadd.s32 v3, v56  }
0x50c: {  	[tilespmem:s30], [sflag:$0x1] =	stream.indirect_vreg.gather [hbm4b:s14+s5], $0x80, v18, vm0, $0xb8;
	[tilespmem:$0x1EA80] =	vst v63  }
0x50d: {  	s31 =	simm.s32 $0x5880;
	v59 =	vperm.xlane v17, v0;
	v18 =	vadd.s32 v3, v58  }
0x50e: {  	[tilespmem:s31], [sflag:$0x1] =	stream.indirect_vreg.gather [hbm4b:s14+s5], $0x80, v19, vm0, $0xb8;
	[tilespmem:$0x1EA80] =	vst v63  }
0x50f: {  	s0 =	simm.s32 $0x5900;
	v60 =	vperm.xlane v17, v9;
	v19 =	vadd.s32 v3, v59  }
0x510: {  	[tilespmem:s0], [sflag:$0x1] =	stream.indirect_vreg.gather [hbm4b:s14+s5], $0x80, v57, vm0, $0xb8;
	[tilespmem:$0x1EA80] =	vst v63  }
0x511: {  	s1 =	simm.s32 $0x5980;
	v62 =	vperm.xlane v17, v10;
	v61 =	vadd.s32 v3, v60  }
0x512: {  	[tilespmem:s1], [sflag:$0x1] =	stream.indirect_vreg.gather [hbm4b:s14+s5], $0x80, v18, vm0, $0xb8;
	[tilespmem:$0x1EA80] =	vst v63  }
0x513: {  	s2 =	simm.s32 $0x5A00;
	v63 =	vperm.xlane v17, v11;
	v18 =	vadd.s32 v3, v62  }
0x514: {  	[tilespmem:s2], [sflag:$0x1] =	stream.indirect_vreg.gather [hbm4b:s14+s5], $0x80, v19, vm0, $0xb8;
	[tilespmem:$0x1EA80] =	vst v63  }
0x515: {  	s3 =	simm.s32 $0x5A80;
	v24 =	vperm.xlane v17, v12;
	v19 =	vadd.s32 v3, v63  }
0x516: {  	[tilespmem:s3], [sflag:$0x1] =	stream.indirect_vreg.gather [hbm4b:s14+s5], $0x80, v61, vm0, $0xb8;
	[tilespmem:$0x1EA80] =	vst v63  }
0x517: {  	s4 =	simm.s32 $0x5B00;
	v26 =	vperm.xlane v17, v13;
	v25 =	vadd.s32 v3, v24  }
0x518: {  	[tilespmem:s4], [sflag:$0x1] =	stream.indirect_vreg.gather [hbm4b:s14+s5], $0x80, v18, vm0, $0xb8;
	[tilespmem:$0x1EA80] =	vst v63  }
0x519: {  	s6 =	simm.s32 $0x5B80;
	v27 =	vperm.xlane v17, v14;
	v18 =	vadd.s32 v3, v26  }
0x51a: {  	[tilespmem:s6], [sflag:$0x1] =	stream.indirect_vreg.gather [hbm4b:s14+s5], $0x80, v19, vm0, $0xb8;
	[tilespmem:$0x1EA80] =	vst v63  }
0x51b: {  	s7 =	simm.s32 $0x5C00;
	v28 =	vperm.xlane v17, v15;
	v19 =	vadd.s32 v3, v27  }
0x51c: {  	[tilespmem:s7], [sflag:$0x1] =	stream.indirect_vreg.gather [hbm4b:s14+s5], $0x80, v25, vm0, $0xb8;
	[tilespmem:$0x1EA80] =	vst v63  }
0x51d: {  	s8 =	simm.s32 $0x5C80;
	v17 =	vperm.xlane v17, v16;
	v29 =	vadd.s32 v3, v28  }
0x51e: {  	[tilespmem:s8], [sflag:$0x1] =	stream.indirect_vreg.gather [hbm4b:s14+s5], $0x80, v18, vm0, $0xb8;
	[tilespmem:$0x1EA80] =	vst v63  }
0x51f: {  	s10 =	simm.s32 $0x5D00;
	v17 =	vadd.s32 v3, v17  }
0x520: {  	[tilespmem:s10], [sflag:$0x1] =	stream.indirect_vreg.gather [hbm4b:s14+s5], $0x80, v19, vm0, $0xb8;
	[tilespmem:$0x1EA80] =	vst v63  }
0x521: {  	s11 =	simm.s32 $0x5D80  }
0x522: {  	[tilespmem:s11], [sflag:$0x1] =	stream.indirect_vreg.gather [hbm4b:s14+s5], $0x80, v29, vm0, $0xb8;
	[tilespmem:$0x1EA80] =	vst v63  }
0x523: {  	s12 =	simm.s32 $0x5E00;
	s13 =	ssub.s32 $0x490, s16  }
0x524: {  	[tilespmem:s12], [sflag:$0x1] =	stream.indirect_vreg.gather [hbm4b:s14+s5], $0x80, v17, vm0, $0xb8;
	[tilespmem:$0x1EA80] =	vst v63  }
0x525: {  	v17 =	vld [tilespmem:s13+$0x0];
	_ =	sdelay $0x4  }
0x526: {  	v18 =	vshll.u32 v17, $0x1  }
0x527: {  	v17 =	vand.u32 $0x7, v17;
	v18 =	vand.u32 $0xFFFFFFF0, v18  }
0x528: {  	v17 =	vor.u32 v17, v18  }
0x529: {  	v18 =	vperm.xlane v17, v2;
	_ =	sdelay $0x1  }
0x52a: {  	v19 =	vperm.xlane v17, v1;
	v18 =	vadd.s32 v3, v18;
	_ =	sdelay $0x1  }
0x52b: {  	v30 =	vperm.xlane v17, v4;
	v19 =	vadd.s32 v3, v19;
	_ =	sdelay $0x1  }
0x52c: {  	s17 =	simm.s32 $0x5E80;
	v31 =	vperm.xlane v17, v5;
	v20 =	vadd.s32 v3, v30  }
0x52d: {  	[tilespmem:s17], [sflag:$0x1] =	stream.indirect_vreg.gather [hbm4b:s14+s5], $0x80, v18, vm0, $0xb8;
	[tilespmem:$0x1EA80] =	vst v63  }
0x52e: {  	s18 =	simm.s32 $0x5F00;
	v32 =	vperm.xlane v17, v6;
	v18 =	vadd.s32 v3, v31  }
0x52f: {  	[tilespmem:s18], [sflag:$0x1] =	stream.indirect_vreg.gather [hbm4b:s14+s5], $0x80, v19, vm0, $0xb8;
	[tilespmem:$0x1EA80] =	vst v63  }
0x530: {  	s19 =	simm.s32 $0x5F80;
	v33 =	vperm.xlane v17, v7;
	v19 =	vadd.s32 v3, v32  }
0x531: {  	[tilespmem:s19], [sflag:$0x1] =	stream.indirect_vreg.gather [hbm4b:s14+s5], $0x80, v20, vm0, $0xb8;
	[tilespmem:$0x1EA80] =	vst v63  }
0x532: {  	s21 =	simm.s32 $0x6000;
	v35 =	vperm.xlane v17, v8;
	v34 =	vadd.s32 v3, v33  }
0x533: {  	[tilespmem:s21], [sflag:$0x1] =	stream.indirect_vreg.gather [hbm4b:s14+s5], $0x80, v18, vm0, $0xb8;
	[tilespmem:$0x1EA80] =	vst v63  }
0x534: {  	s22 =	simm.s32 $0x6080;
	v36 =	vperm.xlane v17, v0;
	v18 =	vadd.s32 v3, v35  }
0x535: {  	[tilespmem:s22], [sflag:$0x1] =	stream.indirect_vreg.gather [hbm4b:s14+s5], $0x80, v19, vm0, $0xb8;
	[tilespmem:$0x1EA80] =	vst v63  }
0x536: {  	s24 =	simm.s32 $0x6100;
	v37 =	vperm.xlane v17, v9;
	v19 =	vadd.s32 v3, v36  }
0x537: {  	[tilespmem:s24], [sflag:$0x1] =	stream.indirect_vreg.gather [hbm4b:s14+s5], $0x80, v34, vm0, $0xb8;
	[tilespmem:$0x1EA80] =	vst v63  }
0x538: {  	s25 =	simm.s32 $0x6180;
	v39 =	vperm.xlane v17, v10;
	v38 =	vadd.s32 v3, v37  }
0x539: {  	[tilespmem:s25], [sflag:$0x1] =	stream.indirect_vreg.gather [hbm4b:s14+s5], $0x80, v18, vm0, $0xb8;
	[tilespmem:$0x1EA80] =	vst v63  }
0x53a: {  	s26 =	simm.s32 $0x6200;
	v40 =	vperm.xlane v17, v11;
	v18 =	vadd.s32 v3, v39  }
0x53b: {  	[tilespmem:s26], [sflag:$0x1] =	stream.indirect_vreg.gather [hbm4b:s14+s5], $0x80, v19, vm0, $0xb8;
	[tilespmem:$0x1EA80] =	vst v63  }
0x53c: {  	s28 =	simm.s32 $0x6280;
	v41 =	vperm.xlane v17, v12;
	v19 =	vadd.s32 v3, v40  }
0x53d: {  	[tilespmem:s28], [sflag:$0x1] =	stream.indirect_vreg.gather [hbm4b:s14+s5], $0x80, v38, vm0, $0xb8;
	[tilespmem:$0x1EA80] =	vst v63  }
0x53e: {  	s29 =	simm.s32 $0x6300;
	v43 =	vperm.xlane v17, v13;
	v42 =	vadd.s32 v3, v41  }
0x53f: {  	[tilespmem:s29], [sflag:$0x1] =	stream.indirect_vreg.gather [hbm4b:s14+s5], $0x80, v18, vm0, $0xb8;
	[tilespmem:$0x1EA80] =	vst v63  }
0x540: {  	s30 =	simm.s32 $0x6380;
	v44 =	vperm.xlane v17, v14;
	v18 =	vadd.s32 v3, v43  }
0x541: {  	[tilespmem:s30], [sflag:$0x1] =	stream.indirect_vreg.gather [hbm4b:s14+s5], $0x80, v19, vm0, $0xb8;
	[tilespmem:$0x1EA80] =	vst v63  }
0x542: {  	s31 =	simm.s32 $0x6400;
	v45 =	vperm.xlane v17, v15;
	v19 =	vadd.s32 v3, v44  }
0x543: {  	[tilespmem:s31], [sflag:$0x1] =	stream.indirect_vreg.gather [hbm4b:s14+s5], $0x80, v42, vm0, $0xb8;
	[tilespmem:$0x1EA80] =	vst v63  }
0x544: {  	s0 =	simm.s32 $0x6480;
	v17 =	vperm.xlane v17, v16;
	v46 =	vadd.s32 v3, v45  }
0x545: {  	[tilespmem:s0], [sflag:$0x1] =	stream.indirect_vreg.gather [hbm4b:s14+s5], $0x80, v18, vm0, $0xb8;
	[tilespmem:$0x1EA80] =	vst v63  }
0x546: {  	s1 =	simm.s32 $0x6500;
	v17 =	vadd.s32 v3, v17  }
0x547: {  	[tilespmem:s1], [sflag:$0x1] =	stream.indirect_vreg.gather [hbm4b:s14+s5], $0x80, v19, vm0, $0xb8;
	[tilespmem:$0x1EA80] =	vst v63  }
0x548: {  	s2 =	simm.s32 $0x6580  }
0x549: {  	[tilespmem:s2], [sflag:$0x1] =	stream.indirect_vreg.gather [hbm4b:s14+s5], $0x80, v46, vm0, $0xb8;
	[tilespmem:$0x1EA80] =	vst v63  }
0x54a: {  	s3 =	simm.s32 $0x6600;
	s4 =	ssub.s32 $0x4A0, s16  }
0x54b: {  	[tilespmem:s3], [sflag:$0x1] =	stream.indirect_vreg.gather [hbm4b:s14+s5], $0x80, v17, vm0, $0xb8;
	[tilespmem:$0x1EA80] =	vst v63  }
0x54c: {  	v17 =	vld [tilespmem:s4+$0x0];
	_ =	sdelay $0x4  }
0x54d: {  	v18 =	vshll.u32 v17, $0x1  }
0x54e: {  	v17 =	vand.u32 $0x7, v17;
	v18 =	vand.u32 $0xFFFFFFF0, v18  }
0x54f: {  	v17 =	vor.u32 v17, v18  }
0x550: {  	v18 =	vperm.xlane v17, v2;
	_ =	sdelay $0x1  }
0x551: {  	v19 =	vperm.xlane v17, v1;
	v18 =	vadd.s32 v3, v18;
	_ =	sdelay $0x1  }
0x552: {  	v47 =	vperm.xlane v17, v4;
	v19 =	vadd.s32 v3, v19;
	_ =	sdelay $0x1  }
0x553: {  	s6 =	simm.s32 $0x6680;
	v48 =	vperm.xlane v17, v5;
	v20 =	vadd.s32 v3, v47  }
0x554: {  	[tilespmem:s6], [sflag:$0x1] =	stream.indirect_vreg.gather [hbm4b:s14+s5], $0x80, v18, vm0, $0xb8;
	[tilespmem:$0x1EA80] =	vst v63  }
0x555: {  	s7 =	simm.s32 $0x6700;
	v49 =	vperm.xlane v17, v6;
	v18 =	vadd.s32 v3, v48  }
0x556: {  	[tilespmem:s7], [sflag:$0x1] =	stream.indirect_vreg.gather [hbm4b:s14+s5], $0x80, v19, vm0, $0xb8;
	[tilespmem:$0x1EA80] =	vst v63  }
0x557: {  	s8 =	simm.s32 $0x6780;
	v50 =	vperm.xlane v17, v7;
	v19 =	vadd.s32 v3, v49  }
0x558: {  	[tilespmem:s8], [sflag:$0x1] =	stream.indirect_vreg.gather [hbm4b:s14+s5], $0x80, v20, vm0, $0xb8;
	[tilespmem:$0x1EA80] =	vst v63  }
0x559: {  	s10 =	simm.s32 $0x6800;
	v52 =	vperm.xlane v17, v8;
	v51 =	vadd.s32 v3, v50  }
0x55a: {  	[tilespmem:s10], [sflag:$0x1] =	stream.indirect_vreg.gather [hbm4b:s14+s5], $0x80, v18, vm0, $0xb8;
	[tilespmem:$0x1EA80] =	vst v63  }
0x55b: {  	s11 =	simm.s32 $0x6880;
	v53 =	vperm.xlane v17, v0;
	v18 =	vadd.s32 v3, v52  }
0x55c: {  	[tilespmem:s11], [sflag:$0x1] =	stream.indirect_vreg.gather [hbm4b:s14+s5], $0x80, v19, vm0, $0xb8;
	[tilespmem:$0x1EA80] =	vst v63  }
0x55d: {  	s12 =	simm.s32 $0x6900;
	v54 =	vperm.xlane v17, v9;
	v19 =	vadd.s32 v3, v53  }
0x55e: {  	[tilespmem:s12], [sflag:$0x1] =	stream.indirect_vreg.gather [hbm4b:s14+s5], $0x80, v51, vm0, $0xb8;
	[tilespmem:$0x1EA80] =	vst v63  }
0x55f: {  	s13 =	simm.s32 $0x6980;
	v56 =	vperm.xlane v17, v10;
	v55 =	vadd.s32 v3, v54  }
0x560: {  	[tilespmem:s13], [sflag:$0x1] =	stream.indirect_vreg.gather [hbm4b:s14+s5], $0x80, v18, vm0, $0xb8;
	[tilespmem:$0x1EA80] =	vst v63  }
0x561: {  	s17 =	simm.s32 $0x6A00;
	v57 =	vperm.xlane v17, v11;
	v18 =	vadd.s32 v3, v56  }
0x562: {  	[tilespmem:s17], [sflag:$0x1] =	stream.indirect_vreg.gather [hbm4b:s14+s5], $0x80, v19, vm0, $0xb8;
	[tilespmem:$0x1EA80] =	vst v63  }
0x563: {  	s18 =	simm.s32 $0x6A80;
	v58 =	vperm.xlane v17, v12;
	v19 =	vadd.s32 v3, v57  }
0x564: {  	[tilespmem:s18], [sflag:$0x1] =	stream.indirect_vreg.gather [hbm4b:s14+s5], $0x80, v55, vm0, $0xb8;
	[tilespmem:$0x1EA80] =	vst v63  }
0x565: {  	s19 =	simm.s32 $0x6B00;
	v60 =	vperm.xlane v17, v13;
	v59 =	vadd.s32 v3, v58  }
0x566: {  	[tilespmem:s19], [sflag:$0x1] =	stream.indirect_vreg.gather [hbm4b:s14+s5], $0x80, v18, vm0, $0xb8;
	[tilespmem:$0x1EA80] =	vst v63  }
0x567: {  	s21 =	simm.s32 $0x6B80;
	v61 =	vperm.xlane v17, v14;
	v18 =	vadd.s32 v3, v60  }
0x568: {  	[tilespmem:s21], [sflag:$0x1] =	stream.indirect_vreg.gather [hbm4b:s14+s5], $0x80, v19, vm0, $0xb8;
	[tilespmem:$0x1EA80] =	vst v63  }
0x569: {  	s22 =	simm.s32 $0x6C00;
	v62 =	vperm.xlane v17, v15;
	v19 =	vadd.s32 v3, v61  }
0x56a: {  	[tilespmem:s22], [sflag:$0x1] =	stream.indirect_vreg.gather [hbm4b:s14+s5], $0x80, v59, vm0, $0xb8;
	[tilespmem:$0x1EA80] =	vst v63  }
0x56b: {  	s24 =	simm.s32 $0x6C80;
	v17 =	vperm.xlane v17, v16;
	v63 =	vadd.s32 v3, v62  }
0x56c: {  	[tilespmem:s24], [sflag:$0x1] =	stream.indirect_vreg.gather [hbm4b:s14+s5], $0x80, v18, vm0, $0xb8;
	[tilespmem:$0x1EA80] =	vst v63  }
0x56d: {  	s25 =	simm.s32 $0x6D00;
	v17 =	vadd.s32 v3, v17  }
0x56e: {  	[tilespmem:s25], [sflag:$0x1] =	stream.indirect_vreg.gather [hbm4b:s14+s5], $0x80, v19, vm0, $0xb8;
	[tilespmem:$0x1EA80] =	vst v63  }
0x56f: {  	s26 =	simm.s32 $0x6D80  }
0x570: {  	[tilespmem:s26], [sflag:$0x1] =	stream.indirect_vreg.gather [hbm4b:s14+s5], $0x80, v63, vm0, $0xb8;
	[tilespmem:$0x1EA80] =	vst v63  }
0x571: {  	s28 =	simm.s32 $0x6E00;
	s29 =	ssub.s32 $0x4B0, s16  }
0x572: {  	[tilespmem:s28], [sflag:$0x1] =	stream.indirect_vreg.gather [hbm4b:s14+s5], $0x80, v17, vm0, $0xb8;
	[tilespmem:$0x1EA80] =	vst v63  }
0x573: {  	v17 =	vld.msk [tilespmem:s29+$0x0], $0x3;
	_ =	sdelay $0x4  }
0x574: {  	v18 =	vshll.u32 v17, $0x1  }
0x575: {  	v17 =	vand.u32 $0x7, v17;
	v18 =	vand.u32 $0xFFFFFFF0, v18  }
0x576: {  	v17 =	vor.u32 v17, v18  }
0x577: {  	v18 =	vperm.xlane v17, v2;
	_ =	sdelay $0x1  }
0x578: {  	v17 =	vperm.xlane v17, v1;
	v18 =	vadd.s32 v3, v18;
	_ =	sdelay $0x1  }
0x579: {  	v17 =	vadd.s32 v3, v17;
	_ =	sdelay $0x1  }
0x57a: {  	s30 =	simm.s32 $0x6E80  }
0x57b: {  	[tilespmem:s30], [sflag:$0x1] =	stream.indirect_vreg.gather [hbm4b:s14+s5], $0x80, v18, vm0, $0xb8;
	[tilespmem:$0x1EA80] =	vst v63  }
0x57c: {  	s31 =	simm.s32 $0x6F00  }
0x57d: {  	[tilespmem:s31], [sflag:$0x1] =	stream.indirect_vreg.gather [hbm4b:s14+s5], $0x80, v17, vm0, $0xb8;
	[tilespmem:$0x1EA80] =	vst v63  }
.LBB2_4:
0x57e: {  	s0 =	simm.s32 $0x3;
	s6 =	simm.s32 $0x7280;
	s1 =	simm.s32 $0x32  }
0x57f: {  	s25 =	sor.u32 $0x800, s20;
	s20 =	simm.s32 $0x8E80;
	_ =	swait.ge [sflag:s0], $0x1900  }
0x580: {  	s26 =	simm.s32 $0x4;
	s7 =	simm.s32 $0x7300;
	[sflag:s0] =	ssyncset.done $0x0  }
0x581: {  	s10 =	simm.s32 $0x7380;
	s28 =	simm.s32 $0x7480;
	[sflag:s0] =	ssyncadd.s32 $0xFFFFE700  }
0x582: {  	s29 =	simm.s32 $0x7500;
	s30 =	simm.s32 $0x7580;
	_ =	swait.ge [sflag:s0], $0x1900  }
0x583: {  	s19 =	simm.s32 $0x7780;
	s31 =	simm.s32 $0x7800;
	[sflag:s0] =	ssyncset.done $0x0  }
0x584: {  	s4 =	simm.s32 $0x7880;
	s22 =	rddreg [dreg:$0x1a];
	[sflag:s0] =	ssyncadd.s32 $0xFFFFE700  }
0x585: {  	s3 =	simm.s32 $0x7900;
	s9 =	sor.u32 $0x800, s22;
	s24 =	rddreg [dreg:$0x5]  }
0x586: {  	[spmem:s24] =	stream.indirect.scatter.add.f32 [tilespmem:s6], [sflag:$0x4], $0x80, s9, s1, $0xb8;
	[tilespmem:$0x1EA80] =	vst v63  }
0x587: {  	s2 =	simm.s32 $0x7980;
	s8 =	simm.s32 $0x7A80;
	s17 =	simm.s32 $0x7B00  }
0x588: {  	[spmem:s24] =	stream.indirect.scatter.add.f32 [tilespmem:s20], [sflag:$0x4], $0x80, s25, s1, $0xb8;
	[tilespmem:$0x1EA80] =	vst v63  }
0x589: {  	s13 =	simm.s32 $0xA580;
	s11 =	simm.s32 $0xA600;
	_ =	swait.ge [sflag:s26], $0x1900  }
.Ltmp1:
0x58a: {  	s12 =	simm.s32 $0xA700;
	[sflag:s26] =	ssyncset.done $0x0;
	(pc) =	sbr.rel @p4 .LBB2_6-.Ltmp1, $4  }
0x58b: {  	s22 =	simm.s32 $0x7400;
	s0 =	simm.s32 $0x7600;
	[sflag:s26] =	ssyncadd.s32 $0xFFFFE700  }
0x58c: {  	s24 =	simm.s32 $0x7700;
	s25 =	simm.s32 $0x7A00;
	_ =	swait.ge [sflag:s26], $0x1900  }
0x58d: {  	s1 =	simm.s32 $0x7B80;
	[sflag:s26] =	ssyncset.done $0x0;
	s18 =	rddreg [dreg:$0x17]  }
0x58e: {  	s21 =	rddreg [dreg:$0x18];
	[sflag:s26] =	ssyncadd.s32 $0xFFFFE700;
	s26 =	simm.s32 $0x7680  }
0x58f: {  	s9 =	ssub.s32 $0x500, s16  }
0x590: {  	v17 =	vld [tilespmem:s9+$0x0];
	_ =	sdelay $0x4  }
0x591: {  	v18 =	vshll.u32 v17, $0x1  }
0x592: {  	v17 =	vand.u32 $0x7, v17;
	v18 =	vand.u32 $0xFFFFFFF0, v18  }
0x593: {  	v17 =	vor.u32 v17, v18  }
0x594: {  	v18 =	vperm.xlane v17, v2;
	_ =	sdelay $0x1  }
0x595: {  	v19 =	vperm.xlane v17, v1;
	v18 =	vadd.s32 v3, v18;
	_ =	sdelay $0x1  }
0x596: {  	v20 =	vperm.xlane v17, v4;
	v19 =	vadd.s32 v3, v19;
	_ =	sdelay $0x1  }
0x597: {  	v21 =	vperm.xlane v17, v5;
	v20 =	vadd.s32 v3, v20  }
0x598: {  	[tilespmem:s6], [sflag:$0x3] =	stream.indirect_vreg.gather [hbm4b:s14+s5], $0x80, v18, vm0, $0xb8;
	[tilespmem:$0x1EA80] =	vst v63  }
0x599: {  	v44 =	vperm.xlane v17, v6;
	v18 =	vadd.s32 v3, v21  }
0x59a: {  	[tilespmem:s7], [sflag:$0x3] =	stream.indirect_vreg.gather [hbm4b:s14+s5], $0x80, v19, vm0, $0xb8;
	[tilespmem:$0x1EA80] =	vst v63  }
0x59b: {  	v45 =	vperm.xlane v17, v7;
	v19 =	vadd.s32 v3, v44  }
0x59c: {  	[tilespmem:s10], [sflag:$0x3] =	stream.indirect_vreg.gather [hbm4b:s14+s5], $0x80, v20, vm0, $0xb8;
	[tilespmem:$0x1EA80] =	vst v63  }
0x59d: {  	v47 =	vperm.xlane v17, v8;
	v46 =	vadd.s32 v3, v45  }
0x59e: {  	[tilespmem:s22], [sflag:$0x3] =	stream.indirect_vreg.gather [hbm4b:s14+s5], $0x80, v18, vm0, $0xb8;
	[tilespmem:$0x1EA80] =	vst v63  }
0x59f: {  	v48 =	vperm.xlane v17, v0;
	v18 =	vadd.s32 v3, v47  }
0x5a0: {  	[tilespmem:s28], [sflag:$0x3] =	stream.indirect_vreg.gather [hbm4b:s14+s5], $0x80, v19, vm0, $0xb8;
	[tilespmem:$0x1EA80] =	vst v63  }
0x5a1: {  	v49 =	vperm.xlane v17, v9;
	v19 =	vadd.s32 v3, v48  }
0x5a2: {  	[tilespmem:s29], [sflag:$0x3] =	stream.indirect_vreg.gather [hbm4b:s14+s5], $0x80, v46, vm0, $0xb8;
	[tilespmem:$0x1EA80] =	vst v63  }
0x5a3: {  	v51 =	vperm.xlane v17, v10;
	v50 =	vadd.s32 v3, v49  }
0x5a4: {  	[tilespmem:s30], [sflag:$0x3] =	stream.indirect_vreg.gather [hbm4b:s14+s5], $0x80, v18, vm0, $0xb8;
	[tilespmem:$0x1EA80] =	vst v63  }
0x5a5: {  	v52 =	vperm.xlane v17, v11;
	v18 =	vadd.s32 v3, v51  }
0x5a6: {  	[tilespmem:s0], [sflag:$0x3] =	stream.indirect_vreg.gather [hbm4b:s14+s5], $0x80, v19, vm0, $0xb8;
	[tilespmem:$0x1EA80] =	vst v63  }
0x5a7: {  	v53 =	vperm.xlane v17, v12;
	v19 =	vadd.s32 v3, v52  }
0x5a8: {  	[tilespmem:s26], [sflag:$0x3] =	stream.indirect_vreg.gather [hbm4b:s14+s5], $0x80, v50, vm0, $0xb8;
	[tilespmem:$0x1EA80] =	vst v63  }
0x5a9: {  	v55 =	vperm.xlane v17, v13;
	v54 =	vadd.s32 v3, v53  }
0x5aa: {  	[tilespmem:s24], [sflag:$0x3] =	stream.indirect_vreg.gather [hbm4b:s14+s5], $0x80, v18, vm0, $0xb8;
	[tilespmem:$0x1EA80] =	vst v63  }
0x5ab: {  	v56 =	vperm.xlane v17, v14;
	v18 =	vadd.s32 v3, v55  }
0x5ac: {  	[tilespmem:s19], [sflag:$0x3] =	stream.indirect_vreg.gather [hbm4b:s14+s5], $0x80, v19, vm0, $0xb8;
	[tilespmem:$0x1EA80] =	vst v63  }
0x5ad: {  	v57 =	vperm.xlane v17, v15;
	v19 =	vadd.s32 v3, v56  }
0x5ae: {  	[tilespmem:s31], [sflag:$0x3] =	stream.indirect_vreg.gather [hbm4b:s14+s5], $0x80, v54, vm0, $0xb8;
	[tilespmem:$0x1EA80] =	vst v63  }
0x5af: {  	v17 =	vperm.xlane v17, v16;
	v58 =	vadd.s32 v3, v57  }
0x5b0: {  	[tilespmem:s4], [sflag:$0x3] =	stream.indirect_vreg.gather [hbm4b:s14+s5], $0x80, v18, vm0, $0xb8;
	[tilespmem:$0x1EA80] =	vst v63  }
0x5b1: {  	v17 =	vadd.s32 v3, v17  }
0x5b2: {  	[tilespmem:s3], [sflag:$0x3] =	stream.indirect_vreg.gather [hbm4b:s14+s5], $0x80, v19, vm0, $0xb8;
	[tilespmem:$0x1EA80] =	vst v63  }
0x5b3: {  	_ = 	snop  }
0x5b4: {  	[tilespmem:s2], [sflag:$0x3] =	stream.indirect_vreg.gather [hbm4b:s14+s5], $0x80, v58, vm0, $0xb8;
	[tilespmem:$0x1EA80] =	vst v63  }
0x5b5: {  	s6 =	ssub.s32 $0x510, s16  }
0x5b6: {  	[tilespmem:s25], [sflag:$0x3] =	stream.indirect_vreg.gather [hbm4b:s14+s5], $0x80, v17, vm0, $0xb8;
	[tilespmem:$0x1EA80] =	vst v63  }
0x5b7: {  	v17 =	vld [tilespmem:s6+$0x0];
	_ =	sdelay $0x4  }
0x5b8: {  	v18 =	vshll.u32 v17, $0x1  }
0x5b9: {  	v17 =	vand.u32 $0x7, v17;
	v18 =	vand.u32 $0xFFFFFFF0, v18  }
0x5ba: {  	v17 =	vor.u32 v17, v18  }
0x5bb: {  	v18 =	vperm.xlane v17, v2;
	_ =	sdelay $0x1  }
0x5bc: {  	v19 =	vperm.xlane v17, v1;
	v18 =	vadd.s32 v3, v18;
	_ =	sdelay $0x1  }
0x5bd: {  	v59 =	vperm.xlane v17, v4;
	v19 =	vadd.s32 v3, v19;
	_ =	sdelay $0x1  }
0x5be: {  	v60 =	vperm.xlane v17, v5;
	v20 =	vadd.s32 v3, v59  }
0x5bf: {  	[tilespmem:s8], [sflag:$0x3] =	stream.indirect_vreg.gather [hbm4b:s14+s5], $0x80, v18, vm0, $0xb8;
	[tilespmem:$0x1EA80] =	vst v63  }
0x5c0: {  	v61 =	vperm.xlane v17, v6;
	v18 =	vadd.s32 v3, v60  }
0x5c1: {  	[tilespmem:s17], [sflag:$0x3] =	stream.indirect_vreg.gather [hbm4b:s14+s5], $0x80, v19, vm0, $0xb8;
	[tilespmem:$0x1EA80] =	vst v63  }
0x5c2: {  	v62 =	vperm.xlane v17, v7;
	v19 =	vadd.s32 v3, v61  }
0x5c3: {  	[tilespmem:s1], [sflag:$0x3] =	stream.indirect_vreg.gather [hbm4b:s14+s5], $0x80, v20, vm0, $0xb8;
	[tilespmem:$0x1EA80] =	vst v63  }
0x5c4: {  	s9 =	simm.s32 $0x7C00;
	v24 =	vperm.xlane v17, v8;
	v63 =	vadd.s32 v3, v62  }
0x5c5: {  	[tilespmem:s9], [sflag:$0x3] =	stream.indirect_vreg.gather [hbm4b:s14+s5], $0x80, v18, vm0, $0xb8;
	[tilespmem:$0x1EA80] =	vst v63  }
0x5c6: {  	s6 =	simm.s32 $0x7C80;
	v25 =	vperm.xlane v17, v0;
	v18 =	vadd.s32 v3, v24  }
0x5c7: {  	[tilespmem:s6], [sflag:$0x3] =	stream.indirect_vreg.gather [hbm4b:s14+s5], $0x80, v19, vm0, $0xb8;
	[tilespmem:$0x1EA80] =	vst v63  }
0x5c8: {  	v26 =	vperm.xlane v17, v9;
	s9 =	simm.s32 $0x7D00;
	v19 =	vadd.s32 v3, v25  }
0x5c9: {  	[tilespmem:s9], [sflag:$0x3] =	stream.indirect_vreg.gather [hbm4b:s14+s5], $0x80, v63, vm0, $0xb8;
	[tilespmem:$0x1EA80] =	vst v63  }
0x5ca: {  	v28 =	vperm.xlane v17, v10;
	v27 =	vadd.s32 v3, v26;
	s6 =	simm.s32 $0x7D80  }
0x5cb: {  	[tilespmem:s6], [sflag:$0x3] =	stream.indirect_vreg.gather [hbm4b:s14+s5], $0x80, v18, vm0, $0xb8;
	[tilespmem:$0x1EA80] =	vst v63  }
0x5cc: {  	v29 =	vperm.xlane v17, v11;
	s9 =	simm.s32 $0x7E00;
	v18 =	vadd.s32 v3, v28  }
0x5cd: {  	[tilespmem:s9], [sflag:$0x3] =	stream.indirect_vreg.gather [hbm4b:s14+s5], $0x80, v19, vm0, $0xb8;
	[tilespmem:$0x1EA80] =	vst v63  }
0x5ce: {  	v30 =	vperm.xlane v17, v12;
	s6 =	simm.s32 $0x7E80;
	v19 =	vadd.s32 v3, v29  }
0x5cf: {  	[tilespmem:s6], [sflag:$0x3] =	stream.indirect_vreg.gather [hbm4b:s14+s5], $0x80, v27, vm0, $0xb8;
	[tilespmem:$0x1EA80] =	vst v63  }
0x5d0: {  	v32 =	vperm.xlane v17, v13;
	v31 =	vadd.s32 v3, v30;
	s9 =	simm.s32 $0x7F00  }
0x5d1: {  	[tilespmem:s9], [sflag:$0x3] =	stream.indirect_vreg.gather [hbm4b:s14+s5], $0x80, v18, vm0, $0xb8;
	[tilespmem:$0x1EA80] =	vst v63  }
0x5d2: {  	v33 =	vperm.xlane v17, v14;
	s6 =	simm.s32 $0x7F80;
	v18 =	vadd.s32 v3, v32  }
0x5d3: {  	[tilespmem:s6], [sflag:$0x3] =	stream.indirect_vreg.gather [hbm4b:s14+s5], $0x80, v19, vm0, $0xb8;
	[tilespmem:$0x1EA80] =	vst v63  }
0x5d4: {  	v34 =	vperm.xlane v17, v15;
	s9 =	simm.s32 $0x8000;
	v19 =	vadd.s32 v3, v33  }
0x5d5: {  	[tilespmem:s9], [sflag:$0x3] =	stream.indirect_vreg.gather [hbm4b:s14+s5], $0x80, v31, vm0, $0xb8;
	[tilespmem:$0x1EA80] =	vst v63  }
0x5d6: {  	v17 =	vperm.xlane v17, v16;
	v35 =	vadd.s32 v3, v34;
	s6 =	simm.s32 $0x8080  }
0x5d7: {  	[tilespmem:s6], [sflag:$0x3] =	stream.indirect_vreg.gather [hbm4b:s14+s5], $0x80, v18, vm0, $0xb8;
	[tilespmem:$0x1EA80] =	vst v63  }
0x5d8: {  	v17 =	vadd.s32 v3, v17;
	s9 =	simm.s32 $0x8100  }
0x5d9: {  	[tilespmem:s9], [sflag:$0x3] =	stream.indirect_vreg.gather [hbm4b:s14+s5], $0x80, v19, vm0, $0xb8;
	[tilespmem:$0x1EA80] =	vst v63  }
0x5da: {  	s6 =	simm.s32 $0x8180  }
0x5db: {  	[tilespmem:s6], [sflag:$0x3] =	stream.indirect_vreg.gather [hbm4b:s14+s5], $0x80, v35, vm0, $0xb8;
	[tilespmem:$0x1EA80] =	vst v63  }
0x5dc: {  	s1 =	ssub.s32 $0x520, s16;
	s9 =	simm.s32 $0x8200  }
0x5dd: {  	[tilespmem:s9], [sflag:$0x3] =	stream.indirect_vreg.gather [hbm4b:s14+s5], $0x80, v17, vm0, $0xb8;
	[tilespmem:$0x1EA80] =	vst v63  }
0x5de: {  	v17 =	vld [tilespmem:s1+$0x0];
	_ =	sdelay $0x4  }
0x5df: {  	v18 =	vshll.u32 v17, $0x1  }
0x5e0: {  	v17 =	vand.u32 $0x7, v17;
	v18 =	vand.u32 $0xFFFFFFF0, v18  }
0x5e1: {  	v17 =	vor.u32 v17, v18  }
0x5e2: {  	v18 =	vperm.xlane v17, v2;
	_ =	sdelay $0x1  }
0x5e3: {  	v19 =	vperm.xlane v17, v1;
	v18 =	vadd.s32 v3, v18;
	_ =	sdelay $0x1  }
0x5e4: {  	v36 =	vperm.xlane v17, v4;
	v19 =	vadd.s32 v3, v19;
	_ =	sdelay $0x1  }
0x5e5: {  	s6 =	simm.s32 $0x8280;
	v37 =	vperm.xlane v17, v5;
	v20 =	vadd.s32 v3, v36  }
0x5e6: {  	[tilespmem:s6], [sflag:$0x3] =	stream.indirect_vreg.gather [hbm4b:s14+s5], $0x80, v18, vm0, $0xb8;
	[tilespmem:$0x1EA80] =	vst v63  }
0x5e7: {  	s9 =	simm.s32 $0x8300;
	v38 =	vperm.xlane v17, v6;
	v18 =	vadd.s32 v3, v37  }
0x5e8: {  	[tilespmem:s9], [sflag:$0x3] =	stream.indirect_vreg.gather [hbm4b:s14+s5], $0x80, v19, vm0, $0xb8;
	[tilespmem:$0x1EA80] =	vst v63  }
0x5e9: {  	v39 =	vperm.xlane v17, v7;
	s6 =	simm.s32 $0x8380;
	v19 =	vadd.s32 v3, v38  }
0x5ea: {  	[tilespmem:s6], [sflag:$0x3] =	stream.indirect_vreg.gather [hbm4b:s14+s5], $0x80, v20, vm0, $0xb8;
	[tilespmem:$0x1EA80] =	vst v63  }
0x5eb: {  	v41 =	vperm.xlane v17, v8;
	v40 =	vadd.s32 v3, v39;
	s9 =	simm.s32 $0x8400  }
0x5ec: {  	[tilespmem:s9], [sflag:$0x3] =	stream.indirect_vreg.gather [hbm4b:s14+s5], $0x80, v18, vm0, $0xb8;
	[tilespmem:$0x1EA80] =	vst v63  }
0x5ed: {  	v42 =	vperm.xlane v17, v0;
	s6 =	simm.s32 $0x8480;
	v18 =	vadd.s32 v3, v41  }
0x5ee: {  	[tilespmem:s6], [sflag:$0x3] =	stream.indirect_vreg.gather [hbm4b:s14+s5], $0x80, v19, vm0, $0xb8;
	[tilespmem:$0x1EA80] =	vst v63  }
0x5ef: {  	v43 =	vperm.xlane v17, v9;
	s9 =	simm.s32 $0x8500;
	v19 =	vadd.s32 v3, v42  }
0x5f0: {  	[tilespmem:s9], [sflag:$0x3] =	stream.indirect_vreg.gather [hbm4b:s14+s5], $0x80, v40, vm0, $0xb8;
	[tilespmem:$0x1EA80] =	vst v63  }
0x5f1: {  	v45 =	vperm.xlane v17, v10;
	v44 =	vadd.s32 v3, v43;
	s6 =	simm.s32 $0x8580  }
0x5f2: {  	[tilespmem:s6], [sflag:$0x3] =	stream.indirect_vreg.gather [hbm4b:s14+s5], $0x80, v18, vm0, $0xb8;
	[tilespmem:$0x1EA80] =	vst v63  }
0x5f3: {  	v46 =	vperm.xlane v17, v11;
	s9 =	simm.s32 $0x8600;
	v18 =	vadd.s32 v3, v45  }
0x5f4: {  	[tilespmem:s9], [sflag:$0x3] =	stream.indirect_vreg.gather [hbm4b:s14+s5], $0x80, v19, vm0, $0xb8;
	[tilespmem:$0x1EA80] =	vst v63  }
0x5f5: {  	v47 =	vperm.xlane v17, v12;
	s6 =	simm.s32 $0x8680;
	v19 =	vadd.s32 v3, v46  }
0x5f6: {  	[tilespmem:s6], [sflag:$0x3] =	stream.indirect_vreg.gather [hbm4b:s14+s5], $0x80, v44, vm0, $0xb8;
	[tilespmem:$0x1EA80] =	vst v63  }
0x5f7: {  	v49 =	vperm.xlane v17, v13;
	v48 =	vadd.s32 v3, v47;
	s9 =	simm.s32 $0x8700  }
0x5f8: {  	[tilespmem:s9], [sflag:$0x3] =	stream.indirect_vreg.gather [hbm4b:s14+s5], $0x80, v18, vm0, $0xb8;
	[tilespmem:$0x1EA80] =	vst v63  }
0x5f9: {  	v50 =	vperm.xlane v17, v14;
	s6 =	simm.s32 $0x8780;
	v18 =	vadd.s32 v3, v49  }
0x5fa: {  	[tilespmem:s6], [sflag:$0x3] =	stream.indirect_vreg.gather [hbm4b:s14+s5], $0x80, v19, vm0, $0xb8;
	[tilespmem:$0x1EA80] =	vst v63  }
0x5fb: {  	v51 =	vperm.xlane v17, v15;
	s9 =	simm.s32 $0x8800;
	v19 =	vadd.s32 v3, v50  }
0x5fc: {  	[tilespmem:s9], [sflag:$0x3] =	stream.indirect_vreg.gather [hbm4b:s14+s5], $0x80, v48, vm0, $0xb8;
	[tilespmem:$0x1EA80] =	vst v63  }
0x5fd: {  	v17 =	vperm.xlane v17, v16;
	v52 =	vadd.s32 v3, v51;
	s6 =	simm.s32 $0x8880  }
0x5fe: {  	[tilespmem:s6], [sflag:$0x3] =	stream.indirect_vreg.gather [hbm4b:s14+s5], $0x80, v18, vm0, $0xb8;
	[tilespmem:$0x1EA80] =	vst v63  }
0x5ff: {  	v17 =	vadd.s32 v3, v17;
	s9 =	simm.s32 $0x8900  }
0x600: {  	[tilespmem:s9], [sflag:$0x3] =	stream.indirect_vreg.gather [hbm4b:s14+s5], $0x80, v19, vm0, $0xb8;
	[tilespmem:$0x1EA80] =	vst v63  }
0x601: {  	s6 =	simm.s32 $0x8980  }
0x602: {  	[tilespmem:s6], [sflag:$0x3] =	stream.indirect_vreg.gather [hbm4b:s14+s5], $0x80, v52, vm0, $0xb8;
	[tilespmem:$0x1EA80] =	vst v63  }
0x603: {  	s1 =	ssub.s32 $0x530, s16;
	s9 =	simm.s32 $0x8A00  }
0x604: {  	[tilespmem:s9], [sflag:$0x3] =	stream.indirect_vreg.gather [hbm4b:s14+s5], $0x80, v17, vm0, $0xb8;
	[tilespmem:$0x1EA80] =	vst v63  }
0x605: {  	v17 =	vld.msk [tilespmem:s1+$0x0], $0x3;
	_ =	sdelay $0x4  }
0x606: {  	v18 =	vshll.u32 v17, $0x1  }
0x607: {  	v17 =	vand.u32 $0x7, v17;
	v18 =	vand.u32 $0xFFFFFFF0, v18  }
0x608: {  	v17 =	vor.u32 v17, v18  }
0x609: {  	v18 =	vperm.xlane v17, v2;
	_ =	sdelay $0x1  }
0x60a: {  	v17 =	vperm.xlane v17, v1;
	v18 =	vadd.s32 v3, v18;
	_ =	sdelay $0x1  }
0x60b: {  	v17 =	vadd.s32 v3, v17;
	_ =	sdelay $0x1  }
0x60c: {  	s6 =	simm.s32 $0x8A80  }
0x60d: {  	[tilespmem:s6], [sflag:$0x3] =	stream.indirect_vreg.gather [hbm4b:s14+s5], $0x80, v18, vm0, $0xb8;
	[tilespmem:$0x1EA80] =	vst v63  }
0x60e: {  	s9 =	simm.s32 $0x8B00;
	s1 =	ssub.s32 $0x580, s16  }
0x60f: {  	[tilespmem:s9], [sflag:$0x3] =	stream.indirect_vreg.gather [hbm4b:s14+s5], $0x80, v17, vm0, $0xb8;
	[tilespmem:$0x1EA80] =	vst v63  }
0x610: {  	v17 =	vld [tilespmem:s1+$0x0];
	_ =	sdelay $0x4  }
0x611: {  	v18 =	vshll.u32 v17, $0x1  }
0x612: {  	v17 =	vand.u32 $0x7, v17;
	v18 =	vand.u32 $0xFFFFFFF0, v18  }
0x613: {  	v17 =	vor.u32 v17, v18  }
0x614: {  	v18 =	vperm.xlane v17, v2;
	_ =	sdelay $0x1  }
0x615: {  	v19 =	vperm.xlane v17, v1;
	v18 =	vadd.s32 v3, v18;
	_ =	sdelay $0x1  }
0x616: {  	v53 =	vperm.xlane v17, v4;
	v19 =	vadd.s32 v3, v19;
	_ =	sdelay $0x1  }
0x617: {  	v54 =	vperm.xlane v17, v5;
	v20 =	vadd.s32 v3, v53  }
0x618: {  	[tilespmem:s20], [sflag:$0x3] =	stream.indirect_vreg.gather [hbm4b:s14+s5], $0x80, v18, vm0, $0xb8;
	[tilespmem:$0x1EA80] =	vst v63  }
0x619: {  	s6 =	simm.s32 $0x8F00;
	v55 =	vperm.xlane v17, v6;
	v18 =	vadd.s32 v3, v54  }
0x61a: {  	[tilespmem:s6], [sflag:$0x3] =	stream.indirect_vreg.gather [hbm4b:s14+s5], $0x80, v19, vm0, $0xb8;
	[tilespmem:$0x1EA80] =	vst v63  }
0x61b: {  	s9 =	simm.s32 $0x8F80;
	v56 =	vperm.xlane v17, v7;
	v19 =	vadd.s32 v3, v55  }
0x61c: {  	[tilespmem:s9], [sflag:$0x3] =	stream.indirect_vreg.gather [hbm4b:s14+s5], $0x80, v20, vm0, $0xb8;
	[tilespmem:$0x1EA80] =	vst v63  }
0x61d: {  	v58 =	vperm.xlane v17, v8;
	v57 =	vadd.s32 v3, v56;
	s20 =	simm.s32 $0x9000  }
0x61e: {  	[tilespmem:s20], [sflag:$0x3] =	stream.indirect_vreg.gather [hbm4b:s14+s5], $0x80, v18, vm0, $0xb8;
	[tilespmem:$0x1EA80] =	vst v63  }
0x61f: {  	v59 =	vperm.xlane v17, v0;
	s6 =	simm.s32 $0x9080;
	v18 =	vadd.s32 v3, v58  }
0x620: {  	[tilespmem:s6], [sflag:$0x3] =	stream.indirect_vreg.gather [hbm4b:s14+s5], $0x80, v19, vm0, $0xb8;
	[tilespmem:$0x1EA80] =	vst v63  }
0x621: {  	v60 =	vperm.xlane v17, v9;
	s9 =	simm.s32 $0x9100;
	v19 =	vadd.s32 v3, v59  }
0x622: {  	[tilespmem:s9], [sflag:$0x3] =	stream.indirect_vreg.gather [hbm4b:s14+s5], $0x80, v57, vm0, $0xb8;
	[tilespmem:$0x1EA80] =	vst v63  }
0x623: {  	v62 =	vperm.xlane v17, v10;
	v61 =	vadd.s32 v3, v60;
	s20 =	simm.s32 $0x9180  }
0x624: {  	[tilespmem:s20], [sflag:$0x3] =	stream.indirect_vreg.gather [hbm4b:s14+s5], $0x80, v18, vm0, $0xb8;
	[tilespmem:$0x1EA80] =	vst v63  }
0x625: {  	v63 =	vperm.xlane v17, v11;
	s6 =	simm.s32 $0x9200;
	v18 =	vadd.s32 v3, v62  }
0x626: {  	[tilespmem:s6], [sflag:$0x3] =	stream.indirect_vreg.gather [hbm4b:s14+s5], $0x80, v19, vm0, $0xb8;
	[tilespmem:$0x1EA80] =	vst v63  }
0x627: {  	v24 =	vperm.xlane v17, v12;
	s9 =	simm.s32 $0x9280;
	v19 =	vadd.s32 v3, v63  }
0x628: {  	[tilespmem:s9], [sflag:$0x3] =	stream.indirect_vreg.gather [hbm4b:s14+s5], $0x80, v61, vm0, $0xb8;
	[tilespmem:$0x1EA80] =	vst v63  }
0x629: {  	v26 =	vperm.xlane v17, v13;
	v25 =	vadd.s32 v3, v24;
	s20 =	simm.s32 $0x9300  }
0x62a: {  	[tilespmem:s20], [sflag:$0x3] =	stream.indirect_vreg.gather [hbm4b:s14+s5], $0x80, v18, vm0, $0xb8;
	[tilespmem:$0x1EA80] =	vst v63  }
0x62b: {  	v27 =	vperm.xlane v17, v14;
	s6 =	simm.s32 $0x9380;
	v18 =	vadd.s32 v3, v26  }
0x62c: {  	[tilespmem:s6], [sflag:$0x3] =	stream.indirect_vreg.gather [hbm4b:s14+s5], $0x80, v19, vm0, $0xb8;
	[tilespmem:$0x1EA80] =	vst v63  }
0x62d: {  	v28 =	vperm.xlane v17, v15;
	s9 =	simm.s32 $0x9400;
	v19 =	vadd.s32 v3, v27  }
0x62e: {  	[tilespmem:s9], [sflag:$0x3] =	stream.indirect_vreg.gather [hbm4b:s14+s5], $0x80, v25, vm0, $0xb8;
	[tilespmem:$0x1EA80] =	vst v63  }
0x62f: {  	v17 =	vperm.xlane v17, v16;
	v29 =	vadd.s32 v3, v28;
	s20 =	simm.s32 $0x9480  }
0x630: {  	[tilespmem:s20], [sflag:$0x3] =	stream.indirect_vreg.gather [hbm4b:s14+s5], $0x80, v18, vm0, $0xb8;
	[tilespmem:$0x1EA80] =	vst v63  }
0x631: {  	v17 =	vadd.s32 v3, v17;
	s6 =	simm.s32 $0x9500  }
0x632: {  	[tilespmem:s6], [sflag:$0x3] =	stream.indirect_vreg.gather [hbm4b:s14+s5], $0x80, v19, vm0, $0xb8;
	[tilespmem:$0x1EA80] =	vst v63  }
0x633: {  	s9 =	simm.s32 $0x9580  }
0x634: {  	[tilespmem:s9], [sflag:$0x3] =	stream.indirect_vreg.gather [hbm4b:s14+s5], $0x80, v29, vm0, $0xb8;
	[tilespmem:$0x1EA80] =	vst v63  }
0x635: {  	s20 =	simm.s32 $0x9600;
	s6 =	ssub.s32 $0x590, s16  }
0x636: {  	[tilespmem:s20], [sflag:$0x3] =	stream.indirect_vreg.gather [hbm4b:s14+s5], $0x80, v17, vm0, $0xb8;
	[tilespmem:$0x1EA80] =	vst v63  }
0x637: {  	v17 =	vld [tilespmem:s6+$0x0];
	_ =	sdelay $0x4  }
0x638: {  	v18 =	vshll.u32 v17, $0x1  }
0x639: {  	v17 =	vand.u32 $0x7, v17;
	v18 =	vand.u32 $0xFFFFFFF0, v18  }
0x63a: {  	v17 =	vor.u32 v17, v18  }
0x63b: {  	v18 =	vperm.xlane v17, v2;
	_ =	sdelay $0x1  }
0x63c: {  	v19 =	vperm.xlane v17, v1;
	v18 =	vadd.s32 v3, v18;
	_ =	sdelay $0x1  }
0x63d: {  	v30 =	vperm.xlane v17, v4;
	v19 =	vadd.s32 v3, v19;
	_ =	sdelay $0x1  }
0x63e: {  	s20 =	simm.s32 $0x9680;
	v31 =	vperm.xlane v17, v5;
	v20 =	vadd.s32 v3, v30  }
0x63f: {  	[tilespmem:s20], [sflag:$0x3] =	stream.indirect_vreg.gather [hbm4b:s14+s5], $0x80, v18, vm0, $0xb8;
	[tilespmem:$0x1EA80] =	vst v63  }
0x640: {  	s6 =	simm.s32 $0x9700;
	v32 =	vperm.xlane v17, v6;
	v18 =	vadd.s32 v3, v31  }
0x641: {  	[tilespmem:s6], [sflag:$0x3] =	stream.indirect_vreg.gather [hbm4b:s14+s5], $0x80, v19, vm0, $0xb8;
	[tilespmem:$0x1EA80] =	vst v63  }
0x642: {  	s9 =	simm.s32 $0x9780;
	v33 =	vperm.xlane v17, v7;
	v19 =	vadd.s32 v3, v32  }
0x643: {  	[tilespmem:s9], [sflag:$0x3] =	stream.indirect_vreg.gather [hbm4b:s14+s5], $0x80, v20, vm0, $0xb8;
	[tilespmem:$0x1EA80] =	vst v63  }
0x644: {  	v35 =	vperm.xlane v17, v8;
	v34 =	vadd.s32 v3, v33;
	s20 =	simm.s32 $0x9800  }
0x645: {  	[tilespmem:s20], [sflag:$0x3] =	stream.indirect_vreg.gather [hbm4b:s14+s5], $0x80, v18, vm0, $0xb8;
	[tilespmem:$0x1EA80] =	vst v63  }
0x646: {  	v36 =	vperm.xlane v17, v0;
	s6 =	simm.s32 $0x9880;
	v18 =	vadd.s32 v3, v35  }
0x647: {  	[tilespmem:s6], [sflag:$0x3] =	stream.indirect_vreg.gather [hbm4b:s14+s5], $0x80, v19, vm0, $0xb8;
	[tilespmem:$0x1EA80] =	vst v63  }
0x648: {  	v37 =	vperm.xlane v17, v9;
	s9 =	simm.s32 $0x9900;
	v19 =	vadd.s32 v3, v36  }
0x649: {  	[tilespmem:s9], [sflag:$0x3] =	stream.indirect_vreg.gather [hbm4b:s14+s5], $0x80, v34, vm0, $0xb8;
	[tilespmem:$0x1EA80] =	vst v63  }
0x64a: {  	v39 =	vperm.xlane v17, v10;
	v38 =	vadd.s32 v3, v37;
	s20 =	simm.s32 $0x9980  }
0x64b: {  	[tilespmem:s20], [sflag:$0x3] =	stream.indirect_vreg.gather [hbm4b:s14+s5], $0x80, v18, vm0, $0xb8;
	[tilespmem:$0x1EA80] =	vst v63  }
0x64c: {  	v40 =	vperm.xlane v17, v11;
	s6 =	simm.s32 $0x9A00;
	v18 =	vadd.s32 v3, v39  }
0x64d: {  	[tilespmem:s6], [sflag:$0x3] =	stream.indirect_vreg.gather [hbm4b:s14+s5], $0x80, v19, vm0, $0xb8;
	[tilespmem:$0x1EA80] =	vst v63  }
0x64e: {  	v41 =	vperm.xlane v17, v12;
	s9 =	simm.s32 $0x9A80;
	v19 =	vadd.s32 v3, v40  }
0x64f: {  	[tilespmem:s9], [sflag:$0x3] =	stream.indirect_vreg.gather [hbm4b:s14+s5], $0x80, v38, vm0, $0xb8;
	[tilespmem:$0x1EA80] =	vst v63  }
0x650: {  	v43 =	vperm.xlane v17, v13;
	v42 =	vadd.s32 v3, v41;
	s20 =	simm.s32 $0x9B00  }
0x651: {  	[tilespmem:s20], [sflag:$0x3] =	stream.indirect_vreg.gather [hbm4b:s14+s5], $0x80, v18, vm0, $0xb8;
	[tilespmem:$0x1EA80] =	vst v63  }
0x652: {  	v44 =	vperm.xlane v17, v14;
	s6 =	simm.s32 $0x9B80;
	v18 =	vadd.s32 v3, v43  }
0x653: {  	[tilespmem:s6], [sflag:$0x3] =	stream.indirect_vreg.gather [hbm4b:s14+s5], $0x80, v19, vm0, $0xb8;
	[tilespmem:$0x1EA80] =	vst v63  }
0x654: {  	v45 =	vperm.xlane v17, v15;
	s9 =	simm.s32 $0x9C00;
	v19 =	vadd.s32 v3, v44  }
0x655: {  	[tilespmem:s9], [sflag:$0x3] =	stream.indirect_vreg.gather [hbm4b:s14+s5], $0x80, v42, vm0, $0xb8;
	[tilespmem:$0x1EA80] =	vst v63  }
0x656: {  	v17 =	vperm.xlane v17, v16;
	v46 =	vadd.s32 v3, v45;
	s20 =	simm.s32 $0x9C80  }
0x657: {  	[tilespmem:s20], [sflag:$0x3] =	stream.indirect_vreg.gather [hbm4b:s14+s5], $0x80, v18, vm0, $0xb8;
	[tilespmem:$0x1EA80] =	vst v63  }
0x658: {  	v17 =	vadd.s32 v3, v17;
	s6 =	simm.s32 $0x9D00  }
0x659: {  	[tilespmem:s6], [sflag:$0x3] =	stream.indirect_vreg.gather [hbm4b:s14+s5], $0x80, v19, vm0, $0xb8;
	[tilespmem:$0x1EA80] =	vst v63  }
0x65a: {  	s9 =	simm.s32 $0x9D80  }
0x65b: {  	[tilespmem:s9], [sflag:$0x3] =	stream.indirect_vreg.gather [hbm4b:s14+s5], $0x80, v46, vm0, $0xb8;
	[tilespmem:$0x1EA80] =	vst v63  }
0x65c: {  	s1 =	ssub.s32 $0x5A0, s16;
	s20 =	simm.s32 $0x9E00  }
0x65d: {  	[tilespmem:s20], [sflag:$0x3] =	stream.indirect_vreg.gather [hbm4b:s14+s5], $0x80, v17, vm0, $0xb8;
	[tilespmem:$0x1EA80] =	vst v63  }
0x65e: {  	v17 =	vld [tilespmem:s1+$0x0];
	_ =	sdelay $0x4  }
0x65f: {  	v18 =	vshll.u32 v17, $0x1  }
0x660: {  	v17 =	vand.u32 $0x7, v17;
	v18 =	vand.u32 $0xFFFFFFF0, v18  }
0x661: {  	v17 =	vor.u32 v17, v18  }
0x662: {  	v18 =	vperm.xlane v17, v2;
	_ =	sdelay $0x1  }
0x663: {  	v19 =	vperm.xlane v17, v1;
	v18 =	vadd.s32 v3, v18;
	_ =	sdelay $0x1  }
0x664: {  	v47 =	vperm.xlane v17, v4;
	v19 =	vadd.s32 v3, v19;
	_ =	sdelay $0x1  }
0x665: {  	s6 =	simm.s32 $0x9E80;
	v48 =	vperm.xlane v17, v5;
	v20 =	vadd.s32 v3, v47  }
0x666: {  	[tilespmem:s6], [sflag:$0x3] =	stream.indirect_vreg.gather [hbm4b:s14+s5], $0x80, v18, vm0, $0xb8;
	[tilespmem:$0x1EA80] =	vst v63  }
0x667: {  	s9 =	simm.s32 $0x9F00;
	v49 =	vperm.xlane v17, v6;
	v18 =	vadd.s32 v3, v48  }
0x668: {  	[tilespmem:s9], [sflag:$0x3] =	stream.indirect_vreg.gather [hbm4b:s14+s5], $0x80, v19, vm0, $0xb8;
	[tilespmem:$0x1EA80] =	vst v63  }
0x669: {  	s20 =	simm.s32 $0x9F80;
	v50 =	vperm.xlane v17, v7;
	v19 =	vadd.s32 v3, v49  }
0x66a: {  	[tilespmem:s20], [sflag:$0x3] =	stream.indirect_vreg.gather [hbm4b:s14+s5], $0x80, v20, vm0, $0xb8;
	[tilespmem:$0x1EA80] =	vst v63  }
0x66b: {  	v52 =	vperm.xlane v17, v8;
	v51 =	vadd.s32 v3, v50;
	s6 =	simm.s32 $0xA000  }
0x66c: {  	[tilespmem:s6], [sflag:$0x3] =	stream.indirect_vreg.gather [hbm4b:s14+s5], $0x80, v18, vm0, $0xb8;
	[tilespmem:$0x1EA80] =	vst v63  }
0x66d: {  	v53 =	vperm.xlane v17, v0;
	s9 =	simm.s32 $0xA080;
	v18 =	vadd.s32 v3, v52  }
0x66e: {  	[tilespmem:s9], [sflag:$0x3] =	stream.indirect_vreg.gather [hbm4b:s14+s5], $0x80, v19, vm0, $0xb8;
	[tilespmem:$0x1EA80] =	vst v63  }
0x66f: {  	v54 =	vperm.xlane v17, v9;
	s20 =	simm.s32 $0xA100;
	v19 =	vadd.s32 v3, v53  }
0x670: {  	[tilespmem:s20], [sflag:$0x3] =	stream.indirect_vreg.gather [hbm4b:s14+s5], $0x80, v51, vm0, $0xb8;
	[tilespmem:$0x1EA80] =	vst v63  }
0x671: {  	v56 =	vperm.xlane v17, v10;
	v55 =	vadd.s32 v3, v54;
	s6 =	simm.s32 $0xA180  }
0x672: {  	[tilespmem:s6], [sflag:$0x3] =	stream.indirect_vreg.gather [hbm4b:s14+s5], $0x80, v18, vm0, $0xb8;
	[tilespmem:$0x1EA80] =	vst v63  }
0x673: {  	v57 =	vperm.xlane v17, v11;
	s9 =	simm.s32 $0xA200;
	v18 =	vadd.s32 v3, v56  }
0x674: {  	[tilespmem:s9], [sflag:$0x3] =	stream.indirect_vreg.gather [hbm4b:s14+s5], $0x80, v19, vm0, $0xb8;
	[tilespmem:$0x1EA80] =	vst v63  }
0x675: {  	v58 =	vperm.xlane v17, v12;
	s20 =	simm.s32 $0xA280;
	v19 =	vadd.s32 v3, v57  }
0x676: {  	[tilespmem:s20], [sflag:$0x3] =	stream.indirect_vreg.gather [hbm4b:s14+s5], $0x80, v55, vm0, $0xb8;
	[tilespmem:$0x1EA80] =	vst v63  }
0x677: {  	v60 =	vperm.xlane v17, v13;
	v59 =	vadd.s32 v3, v58;
	s6 =	simm.s32 $0xA300  }
0x678: {  	[tilespmem:s6], [sflag:$0x3] =	stream.indirect_vreg.gather [hbm4b:s14+s5], $0x80, v18, vm0, $0xb8;
	[tilespmem:$0x1EA80] =	vst v63  }
0x679: {  	v61 =	vperm.xlane v17, v14;
	s9 =	simm.s32 $0xA380;
	v18 =	vadd.s32 v3, v60  }
0x67a: {  	[tilespmem:s9], [sflag:$0x3] =	stream.indirect_vreg.gather [hbm4b:s14+s5], $0x80, v19, vm0, $0xb8;
	[tilespmem:$0x1EA80] =	vst v63  }
0x67b: {  	v62 =	vperm.xlane v17, v15;
	s20 =	simm.s32 $0xA400;
	v19 =	vadd.s32 v3, v61  }
0x67c: {  	[tilespmem:s20], [sflag:$0x3] =	stream.indirect_vreg.gather [hbm4b:s14+s5], $0x80, v59, vm0, $0xb8;
	[tilespmem:$0x1EA80] =	vst v63  }
0x67d: {  	v17 =	vperm.xlane v17, v16;
	v63 =	vadd.s32 v3, v62;
	s6 =	simm.s32 $0xA480  }
0x67e: {  	[tilespmem:s6], [sflag:$0x3] =	stream.indirect_vreg.gather [hbm4b:s14+s5], $0x80, v18, vm0, $0xb8;
	[tilespmem:$0x1EA80] =	vst v63  }
0x67f: {  	v17 =	vadd.s32 v3, v17;
	s9 =	simm.s32 $0xA500  }
0x680: {  	[tilespmem:s9], [sflag:$0x3] =	stream.indirect_vreg.gather [hbm4b:s14+s5], $0x80, v19, vm0, $0xb8;
	[tilespmem:$0x1EA80] =	vst v63  }
0x681: {  	_ = 	snop  }
0x682: {  	[tilespmem:s13], [sflag:$0x3] =	stream.indirect_vreg.gather [hbm4b:s14+s5], $0x80, v63, vm0, $0xb8;
	[tilespmem:$0x1EA80] =	vst v63  }
0x683: {  	s16 =	ssub.s32 $0x5B0, s16  }
0x684: {  	[tilespmem:s11], [sflag:$0x3] =	stream.indirect_vreg.gather [hbm4b:s14+s5], $0x80, v17, vm0, $0xb8;
	[tilespmem:$0x1EA80] =	vst v63  }
0x685: {  	v17 =	vld.msk [tilespmem:s16+$0x0], $0x3;
	_ =	sdelay $0x4  }
0x686: {  	v18 =	vshll.u32 v17, $0x1  }
0x687: {  	v17 =	vand.u32 $0x7, v17;
	v18 =	vand.u32 $0xFFFFFFF0, v18  }
0x688: {  	v17 =	vor.u32 v17, v18  }
0x689: {  	v18 =	vperm.xlane v17, v2;
	_ =	sdelay $0x1  }
0x68a: {  	v17 =	vperm.xlane v17, v1;
	v18 =	vadd.s32 v3, v18  }
0x68b: {  	s15 =	sadd.s32 $0x8, s15  }
0x68c: {  	p4 =	sne.s32 s15, $0xC8;
	v17 =	vadd.s32 v3, v17  }
.Ltmp2:
0x68d: {  	_ = 	snop;
	(pc) =	sbr.rel @p4 .LBB2_2-.Ltmp2, $4  }
0x68e: {  	s20 =	simm.s32 $0xA680  }
0x68f: {  	[tilespmem:s20], [sflag:$0x3] =	stream.indirect_vreg.gather [hbm4b:s14+s5], $0x80, v18, vm0, $0xb8;
	[tilespmem:$0x1EA80] =	vst v63  }
0x690: {  	s21 =	sadd.s32 $0x80, s21;
	s18 =	sadd.s32 $0x80, s18  }
0x691: {  	[tilespmem:s12], [sflag:$0x3] =	stream.indirect_vreg.gather [hbm4b:s14+s5], $0x80, v17, vm0, $0xb8;
	[tilespmem:$0x1EA80] =	vst v63  }
.LBB2_6:
0x692: {  	[bflag:$0x0] =	sbarrier.arrive $0xFFFF  }
0x693: {  	s11 =	rddreg [dreg:$0x9]  }
0x694: {  	s21 =	rddreg [dreg:$0xa]  }
0x695: {  	s12 =	rddreg [dreg:$0xd];
	s9 =	sshrl.u32 @!p3 s11, $0x3  }
0x696: {  	[hbm:s12], [sflag:s21] =	dma.local @!p3 [spmem:s9], $0x2800  }
0x697: {  	s9 =	simm.s32 @!p3 $0x5  }
0x698: {  	_ =	swait.ge @!p3 [sflag:s9], $0x2800  }
0x699: {  	[sflag:s9] =	ssyncset.done @!p3 $0x0  }
0x69a: {  	[sflag:s9] =	ssyncadd.s32 @!p3 $0xFFFFD800;
	s9 =	sshrl.u32 @p0 s11, $0x3;
	s11 =	rddreg [dreg:$0xe]  }
0x69b: {  	[hbm:s11], [sflag:s21] =	dma.local @p0 [spmem:s9], $0x2800  }
0x69c: {  	s9 =	simm.s32 @p0 $0x5  }
0x69d: {  	_ =	swait.ge @p0 [sflag:s9], $0x2800  }
0x69e: {  	[sflag:s9] =	ssyncset.done @p0 $0x0  }
0x69f: {  	[sflag:s9] =	ssyncadd.s32 @p0 $0xFFFFD800  }
0x6a0: {  	s15 =	simm.s32 $0x0;
	s22 =	simm.s32 $0x7500;
	s0 =	rddreg [dreg:$0x5]  }
0x6a1: {  	s20 =	rddreg [dreg:$0x7];
	s9 =	simm.s32 @p1 $0x5;
	s11 =	sshrl.u32 @p1 s0, $0x3  }
0x6a2: {  	[spmem:s11], [sflag:s21] =	dma.local @p1 [hbm:s20], $0x500  }
0x6a3: {  	s28 =	simm.s32 $0x7580;
	s26 =	simm.s32 $0x7680;
	_ =	swait.ge @p1 [sflag:s9], $0x500  }
0x6a4: {  	s24 =	simm.s32 $0x7700;
	s19 =	simm.s32 $0x7780;
	[sflag:s9] =	ssyncset.done @p1 $0x0  }
0x6a5: {  	s12 =	sshrl.u32 @p2 s0, $0x3;
	[sflag:s9] =	ssyncadd.s32 @p1 $0xFFFFFB00;
	s9 =	simm.s32 @p2 $0x5  }
0x6a6: {  	[spmem:s12], [sflag:s21] =	dma.local @p2 [hbm:s20], $0x500  }
0x6a7: {  	s30 =	simm.s32 $0x7800;
	s4 =	simm.s32 $0x7880;
	_ =	swait.ge @p2 [sflag:s9], $0x500  }
0x6a8: {  	s3 =	simm.s32 $0x7900;
	s2 =	simm.s32 $0x7980;
	s6 =	rddreg [dreg:$0x13]  }
0x6a9: {  	s25 =	simm.s32 $0x7A00;
	s8 =	simm.s32 $0x7A80;
	s17 =	rddreg [dreg:$0x14]  }
0x6aa: {  	s31 =	simm.s32 $0x7B00;
	[sflag:s9] =	ssyncset.done @p2 $0x0;
	s29 =	rddreg [dreg:$0x15]  }
0x6ab: {  	s0 =	simm.s32 $0x7600;
	s13 =	rddreg [dreg:$0x16];
	[sflag:s9] =	ssyncadd.s32 @p2 $0xFFFFFB00  }
.LBB2_7:
0x6ac: {  	p4 =	seq.s32 s15, $0x9  }
0x6ad: {  	s9 =	simm.s32 @p4 $0x0;
	s16 =	simm.s32 @p4 $0x1000  }
0x6ae: {  	[tilespmem:s16], [sflag:$0x5] =	stream.linear.gather @p4 [hbm4b:s29+s9], $0x188, $0x38;
	[tilespmem:$0x1EA80] =	vst v63  }
0x6af: {  	s9 =	simm.s32 @p4 $0x5  }
0x6b0: {  	_ =	swait.ge @p4 [sflag:s9], $0x188  }
0x6b1: {  	[sflag:s9] =	ssyncset.done @p4 $0x0  }
0x6b2: {  	[sflag:s9] =	ssyncadd.s32 @p4 $0xFFFFFE78  }
0x6b3: {  	v17 =	vld @p4 [tilespmem:$0x1180];
	_ =	sdelay $0x2  }
0x6b4: {  	s9 =	sshll.u32 @!p4 s15, $0x9  }
0x6b5: {  	vm1 =	vmmov @p4 $0xff;
	s9 =	sadd.s32 @!p4 s17, s9  }
0x6b6: {  	s9 =	sshrl.u32 @!p4 s9, $0x3;
	v17 =	vnsel @p4 vm1, $0x27FF, v17  }
0x6b7: {  	s18 =	simm.s32 @!p4 $0x1000;
	s16 =	simm.s32 @!p4 $0x0;
	s9 =	sadd.s32 @!p4 s6, s9;
	[tilespmem:$0x1180] =	vst @p4 v17  }
0x6b8: {  	[tilespmem:s18], [sflag:$0x5] =	stream.linear.gather @!p4 [hbm4b:s9+s16], $0x200, $0x38;
	[tilespmem:$0x1EA80] =	vst v63  }
0x6b9: {  	s9 =	simm.s32 @!p4 $0x5  }
0x6ba: {  	s18 =	simm.s32 @!p4 $0x20;
	_ =	swait.ge @!p4 [sflag:s9], $0x200  }
0x6bb: {  	s18 =	simm.s32 @p4 $0x19;
	[sflag:s9] =	ssyncset.done @!p4 $0x0  }
0x6bc: {  	[sflag:s9] =	ssyncadd.s32 @!p4 $0xFFFFFE00;
	p4 =	sne.s32 s18, $0x1  }
.Ltmp3:
0x6bd: {  	_ = 	snop;
	(pc) =	sbr.rel @!p4 .LBB2_9-.Ltmp3, $3  }
0x6be: {  	_ =	sdelay $0x1  }
0x6bf: {  	s16 =	simm.s32 $0x1000  }
0x6c0: {  	s18 =	sadd.s32 $0xFFFFFFFF, s18;
	v17 =	vld [tilespmem:s16+$0x0]  }
.LBB2_8:
0x6c1: {  	p4 =	sne.s32 s18, $0x1;
	_ =	sdelay $0x3  }
0x6c2: {  	(xrf1) =	vunique.msk.u32 $0xffff, v17;
	_ =	sdelay $0x4  }
0x6c3: {  	v18 =	vshra.s32 v17, $0x1F  }
0x6c4: {  	v18 =	vshrl.u32 v18, $0x19  }
0x6c5: {  	v18 =	vadd.s32 v18, v17  }
0x6c6: {  	v18 =	vshra.s32 v18, $0x7  }
0x6c7: {  	v19 =	vshll.u32 v18, $0x7  }
0x6c8: {  	vm1 =	vlt.s32 v17, $0x1;
	vm2 =	vne.s32 v17, v19  }
0x6c9: {  	vm1 =	vmand vm1, vm2  }
0x6ca: {  	v20 =	vsel vm1, $0xFFFFFFFF, v2  }
0x6cb: {  	v18 =	vadd.s32 v20, v18  }
0x6cc: {  	v17 =	vand.u32 $0x7F, v17;
	v18 =	vshll.u32 v18, $0x7;
	_, v19, vm1 =	vpop (xrf1)  }
0x6cd: {  	v17 =	vor.u32 v17, v18;
	_ =	sdelay $0x1  }
.Ltmp4:
0x6ce: {  	(pc) =	sbr.rel @p4 .LBB2_8-.Ltmp4, $3  }
0x6cf: {  	v18 =	vcvt.s32.f32 v19;
	_ =	sdelay $0x1  }
0x6d0: {  	s16 =	sadd.s32 $0x10, s16;
	[tilespmem:v17+s23+$0x0] =	vst.idx.add.f32.msk vm1, v18  }
0x6d1: {  	s18 =	sadd.s32 $0xFFFFFFFF, s18;
	v17 =	vld [tilespmem:s16+$0x0]  }
.LBB2_9:
0x6d2: {  	_ =	sdelay $0x3  }
0x6d3: {  	(xrf1) =	vunique.msk.u32 $0xffff, v17;
	_ =	sdelay $0x2  }
0x6d4: {  	v18 =	vshra.s32 v17, $0x1F  }
0x6d5: {  	v18 =	vshrl.u32 v18, $0x19  }
0x6d6: {  	v18 =	vadd.s32 v18, v17  }
0x6d7: {  	v18 =	vshra.s32 v18, $0x7  }
0x6d8: {  	v19 =	vshll.u32 v18, $0x7  }
0x6d9: {  	vm1 =	vlt.s32 v17, $0x1;
	vm2 =	vne.s32 v17, v19  }
0x6da: {  	vm1 =	vmand vm1, vm2  }
0x6db: {  	v19 =	vsel vm1, $0xFFFFFFFF, v2;
	_ =	sdelay $0x2  }
0x6dc: {  	v18 =	vadd.s32 v19, v18  }
0x6dd: {  	s15 =	sadd.s32 $0x1, s15;
	v17 =	vand.u32 $0x7F, v17;
	v18 =	vshll.u32 v18, $0x7;
	_, v19, vm1 =	vpop (xrf1)  }
0x6de: {  	p4 =	sne.s32 s15, $0xA;
	v17 =	vor.u32 v17, v18  }
.Ltmp5:
0x6df: {  	_ = 	snop;
	(pc) =	sbr.rel @p4 .LBB2_7-.Ltmp5, $3  }
0x6e0: {  	_ = 	snop  }
0x6e1: {  	v18 =	vcvt.s32.f32 v19;
	_ =	sdelay $0x1  }
0x6e2: {  	[tilespmem:v17+s23+$0x0] =	vst.idx.add.f32.msk vm1, v18  }
0x6e3: {  	[bflag:$0x0] =	sbarrier.arrive $0xFFFF;
	s16 =	simm.s32 $0x3A00  }
0x6e4: {  	s7 =	simm.s32 $0x50;
	s15 =	simm.s32 $0x5;
	s1 =	rddreg [dreg:$0x5]  }
0x6e5: {  	[spmem:s1] =	stream.indirect.scatter.add.f32 [tilespmem:s23], [sflag:$0x5], $0x80, s16, s7, $0xb8;
	[tilespmem:$0x1EA80] =	vst v63  }
0x6e6: {  	_ =	swait.ge [sflag:s15], $0x2800  }
0x6e7: {  	[sflag:s15] =	ssyncset.done $0x0  }
0x6e8: {  	[sflag:s15] =	ssyncadd.s32 $0xFFFFD800  }
0x6e9: {  	[bflag:$0x0] =	sbarrier.arrive $0xFFFF  }
0x6ea: {  	s9 =	rddreg [dreg:$0x4]  }
0x6eb: {  	[hbm:s9], [sflag:s21] =	dma.local @p1 [spmem:s11], $0x500  }
0x6ec: {  	s9 =	simm.s32 @p1 $0x5  }
0x6ed: {  	_ =	swait.ge @p1 [sflag:s9], $0x500  }
0x6ee: {  	[sflag:s9] =	ssyncset.done @p1 $0x0  }
0x6ef: {  	[sflag:s9] =	ssyncadd.s32 @p1 $0xFFFFFB00;
	s9 =	rddreg [dreg:$0x8]  }
0x6f0: {  	[hbm:s9], [sflag:s21] =	dma.local @p2 [spmem:s12], $0x500  }
0x6f1: {  	s9 =	simm.s32 @p2 $0x5  }
0x6f2: {  	_ =	swait.ge @p2 [sflag:s9], $0x500  }
0x6f3: {  	s13 =	sadd.s32 $0x1, s13;
	s29 =	rddreg [dreg:$0xf]  }
0x6f4: {  	p4 =	sne.s32 s13, s29  }
.Ltmp6:
0x6f5: {  	_ = 	snop;
	(pc) =	sbr.rel @p4 .LBB2_1-.Ltmp6, $4  }
0x6f6: {  	_ = 	snop  }
0x6f7: {  	s10 =	simm.s32 $0x7380  }
0x6f8: {  	s18 =	simm.s32 $0x7480;
	s7 =	simm.s32 $0x7300;
	[sflag:s9] =	ssyncset.done @p2 $0x0  }
0x6f9: {  	s1 =	simm.s32 $0x7B80;
	s12 =	simm.s32 $0x7400;
	[sflag:s9] =	ssyncadd.s32 @p2 $0xFFFFFB00  }
0x6fa: {  	_ =	sfence.sel $0x180000  }
0x6fb: {  	[bflag:$0x0] =	sbarrier.arrive $0xFFFF  }
0x6fc: {  	_ =	strace $0x90000047  }
0x6fd: {  	s0 =	stileid.u32;
	[bflag:$0x2] =	sbarrier.arrive $0xFFFF  }
0x6fe: {  	p0 =	sne.s32 s0, $0x0;
	s0 =	rddreg [dreg:$0x6]  }
0x6ff: {  	s0 =	sadd.s32 @!p0 $0x100000, s0  }
0x700: {  	[sflag:s0] =	ssyncadd.tile.s32 @!p0 $0x1;
	_ =	shalt  }
.Lfunc_end2:
_tile_overlayer_lowered:
.L_overlay_start_2:
0x701: {  	(tag) =	ssettag $0x2  }
0x702: {  	s0 =	rddreg [dreg:$0x0];
	s2 =	stileid.u32  }
0x703: {  	s1 =	rddreg [dreg:$0x1];
	p0 =	sne.s32 s2, $0x0  }
0x704: {  	s3 =	rddreg [dreg:$0x2];
	[bflag:$0x3] =	sbarrier.arrive $0xFFFF;
	s2 =	simm.s32 @!p0 $0x1C05  }
0x705: {  	[timem:s3], [sflag:s2] =	dma.local @!p0 [hbm:s0], s1  }
0x706: {  	s0 =	simm.s32 @!p0 $0x5  }
0x707: {  	_ =	swait.ge @!p0 [sflag:s0], s1  }
0x708: {  	s1 =	ssub.s32 @!p0 $0x0, s1;
	[sflag:s0] =	ssyncset.done @!p0 $0x0  }
0x709: {  	[sflag:s0] =	ssyncadd.s32 @!p0 s1  }
0x70a: {  	[bflag:$0x3] =	sbarrier.arrive $0xFFFF  }
0x70b: {  	_ =	shalt  }

</sc_bundles>
